<compile_context>
chip_gen: v7x
topology: tpu7x:2x2x1
jax: 0.10.2.dev20260603
libtpu: 0.0.44.dev20260713+nightly
codegen_flags: <defaults>
</compile_context>

<pallas_src>
import functools

import jax
import jax.numpy as jnp
from jax import lax
from jax.experimental import pallas as pl
from jax.experimental.pallas import tpu as pltpu
from jax.experimental.pallas import tpu_sc as plsc

N_NODES = 10000
N_EDGES = 320000
CH = 128
B = 128
NCHUNK = N_EDGES // B
NC, NS = 2, 16
NW = NC * NS
RPT = N_NODES // NS


NBUF = 2


def _sc_agg(split_channels: bool, with_counts: bool):
    NWK = NW if not split_channels else NS
    base_nk, extra = NCHUNK // NWK, NCHUNK % NWK
    nk_max = base_nk + (1 if extra else 0)

    NR = 2 if with_counts else 3
    NSLOT = 2 * NR

    mesh = plsc.VectorSubcoreMesh(core_axis_name="c", subcore_axis_name="s")
    out_type = [jax.ShapeDtypeStruct((NC, N_NODES, CH), jnp.float32)]
    if with_counts:
        out_type.append(jax.ShapeDtypeStruct((NC, N_NODES, 16), jnp.float32))
    scratch = [
        pltpu.VMEM_SHARED((N_NODES, CH), jnp.float32),
        pltpu.VMEM_SHARED((N_NODES, 16), jnp.float32),
        pltpu.VMEM((NSLOT, B), jnp.int32),
        pltpu.VMEM((NSLOT, B), jnp.int32),
        [pltpu.VMEM((B, CH), jnp.float32) for _ in range(NR)],
        pltpu.VMEM((B, 16), jnp.float32),
        [pltpu.SemaphoreType.DMA for _ in range(NR)],
        [pltpu.SemaphoreType.DMA for _ in range(NR)],
        [pltpu.SemaphoreType.DMA for _ in range(2)],
    ]

    def body(x_hbm, src_hbm, dst_hbm, zrow_hbm, zcnt_hbm, ones_hbm,
             *rest):
        if with_counts:
            out_hbm, cnt_hbm = rest[0], rest[1]
            acc, cacc, sidx, didx, rows, obuf, gsem, ssem, isem = rest[2:]
        else:
            out_hbm = rest[0]
            acc, cacc, sidx, didx, rows, obuf, gsem, ssem, isem = rest[1:]
        c = lax.axis_index("c")
        s = lax.axis_index("s")
        w = s * NC + c if not split_channels else s
        start = w * base_nk + jnp.minimum(w, extra)
        nk = base_nk + jnp.where(w < extra, 1, 0) if extra else base_nk
        xsrc = x_hbm.at[c] if split_channels else x_hbm

        pltpu.sync_copy(zrow_hbm, acc.at[pl.ds(s * RPT, RPT)])
        if with_counts:
            pltpu.sync_copy(zcnt_hbm, cacc.at[pl.ds(s * RPT, RPT)])
            pltpu.sync_copy(ones_hbm, obuf)
        pltpu.sync_copy(src_hbm.at[pl.ds(start, NR)], sidx.at[pl.ds(0, NR)])
        pltpu.sync_copy(dst_hbm.at[pl.ds(start, NR)], didx.at[pl.ds(0, NR)])
        for m in range(NR - 1):
            pltpu.async_copy(xsrc.at[sidx.at[m]], rows[m], gsem[m])
        plsc.subcore_barrier()

        def scatter_wait(p, q):
            pltpu.make_async_copy(rows[q], acc.at[didx.at[p]],
                                  ssem[q]).wait()
            if with_counts:
                pltpu.make_async_copy(obuf, cacc.at[didx.at[p]],
                                      ssem[q]).wait()

        def step(j, t):
            q = t % NR

            @pl.when(j < nk)
            def _():
                @pl.when(jnp.logical_and(j >= 1, j + NR - 1 < nk))
                def _():
                    cb = start + j + NR - 1
                    sl = (t + NR - 1) % NSLOT
                    pltpu.make_async_copy(src_hbm.at[cb], sidx.at[sl],
                                          isem[(t - 1) % 2]).wait()
                    pltpu.make_async_copy(dst_hbm.at[cb], didx.at[sl],
                                          isem[(t - 1) % 2]).wait()

                pltpu.make_async_copy(xsrc.at[sidx.at[t]], rows[q],
                                      gsem[q]).wait()
                pltpu.async_copy(rows[q], acc.at[didx.at[t]], ssem[q],
                                 add=True)
                if with_counts:
                    pltpu.async_copy(obuf, cacc.at[didx.at[t]], ssem[q],
                                     add=True)

                @pl.when(j >= 1)
                def _():
                    scatter_wait((t - 1) % NSLOT, (q - 1) % NR)

                @pl.when(j + NR < nk)
                def _():
                    cb = start + j + NR
                    sl = (t + NR) % NSLOT
                    pltpu.async_copy(src_hbm.at[cb], sidx.at[sl],
                                     isem[t % 2])
                    pltpu.async_copy(dst_hbm.at[cb], didx.at[sl],
                                     isem[t % 2])

                @pl.when(j + NR - 1 < nk)
                def _():
                    pltpu.async_copy(
                        xsrc.at[sidx.at[(t + NR - 1) % NSLOT]],
                        rows[(q + NR - 1) % NR], gsem[(q + NR - 1) % NR])

        def unrolled(u, carry):
            for t in range(NSLOT):
                step(u * NSLOT + t, t)
            return carry

        lax.fori_loop(0, (nk_max + NSLOT - 1) // NSLOT, unrolled, 0)

        for q in range(NR):
            @pl.when(((nk - 1) % NR) == q)
            def _(q=q):
                scatter_wait((nk - 1) % NSLOT, q)

        plsc.subcore_barrier()
        pltpu.sync_copy(acc.at[pl.ds(s * RPT, RPT)],
                        out_hbm.at[c].at[pl.ds(s * RPT, RPT)])
        if with_counts:
            pltpu.sync_copy(cacc.at[pl.ds(s * RPT, RPT)],
                            cnt_hbm.at[c].at[pl.ds(s * RPT, RPT)])

    return pl.kernel(body, out_type=out_type, mesh=mesh,
                     scratch_types=scratch,
                     compiler_params=pltpu.CompilerParams(
                         use_tc_tiling_on_sc=False))


_sc_agg_edges_counts = _sc_agg(split_channels=False, with_counts=True)
_sc_agg_edges = _sc_agg(split_channels=False, with_counts=False)
_sc_agg_split = _sc_agg(split_channels=True, with_counts=False)


def _inv_deg(cnt_ref):
    deg = cnt_ref[0] + cnt_ref[1]
    return 1.0 / jnp.clip(deg[:, 0:1], 1.0, None)


BM = 1000
NB = N_NODES // BM


def _layer0_body(agg_ref, cnt_ref, x_ref, wl_ref, bl_ref, wr_ref, out_ref):
    inv = _inv_deg(cnt_ref)
    aggm = (agg_ref[0] + agg_ref[1]) * inv
    res = jnp.dot(aggm, wl_ref[...], preferred_element_type=jnp.float32)
    res = res + jnp.dot(x_ref[...], wr_ref[...],
                        preferred_element_type=jnp.float32)
    res = jnp.maximum(res + bl_ref[...], 0.0)
    out_ref[0] = res[:, :CH]
    out_ref[1] = res[:, CH:]


def _layer0_tc(agg, cnt, x, WlT, bl, WrT):
    return pl.pallas_call(
        _layer0_body,
        grid=(NB,),
        in_specs=[
            pl.BlockSpec((NC, BM, CH), lambda i: (0, i, 0)),
            pl.BlockSpec((NC, BM, 16), lambda i: (0, i, 0)),
            pl.BlockSpec((BM, CH), lambda i: (i, 0)),
            pl.BlockSpec((CH, 2 * CH), lambda i: (0, 0)),
            pl.BlockSpec((1, 2 * CH), lambda i: (0, 0)),
            pl.BlockSpec((CH, 2 * CH), lambda i: (0, 0)),
        ],
        out_specs=pl.BlockSpec((NC, BM, CH), lambda i: (0, i, 0)),
        out_shape=jax.ShapeDtypeStruct((NC, N_NODES, CH), jnp.float32),
    )(agg, cnt, x, WlT, bl, WrT)


def _layer1_body(agg_ref, cnt_ref, x1_ref, wl1_ref, bl1_ref, wr1_ref,
                 wl2_ref, wr2_ref, bl2_ref, h_ref, r2_ref):
    inv = _inv_deg(cnt_ref)
    x2 = jnp.dot(agg_ref[0] * inv, wl1_ref[:CH, :],
                 preferred_element_type=jnp.float32)
    x2 = x2 + jnp.dot(agg_ref[1] * inv, wl1_ref[CH:, :],
                      preferred_element_type=jnp.float32)
    x2 = x2 + jnp.dot(x1_ref[0], wr1_ref[:CH, :],
                      preferred_element_type=jnp.float32)
    x2 = x2 + jnp.dot(x1_ref[1], wr1_ref[CH:, :],
                      preferred_element_type=jnp.float32)
    x2 = jnp.maximum(x2 + bl1_ref[...], 0.0)
    h_ref[...] = jnp.dot(x2, wl2_ref[...], preferred_element_type=jnp.float32)
    r2_ref[...] = jnp.dot(x2, wr2_ref[...],
                          preferred_element_type=jnp.float32) + bl2_ref[...]


def _layer1_tc(agg, cnt, x1s, Wl1T, bl1, Wr1T, Wl2T, Wr2T, bl2):
    return pl.pallas_call(
        _layer1_body,
        grid=(NB,),
        in_specs=[
            pl.BlockSpec((NC, BM, CH), lambda i: (0, i, 0)),
            pl.BlockSpec((NC, BM, 16), lambda i: (0, i, 0)),
            pl.BlockSpec((NC, BM, CH), lambda i: (0, i, 0)),
            pl.BlockSpec((2 * CH, 2 * CH), lambda i: (0, 0)),
            pl.BlockSpec((1, 2 * CH), lambda i: (0, 0)),
            pl.BlockSpec((2 * CH, 2 * CH), lambda i: (0, 0)),
            pl.BlockSpec((2 * CH, CH), lambda i: (0, 0)),
            pl.BlockSpec((2 * CH, CH), lambda i: (0, 0)),
            pl.BlockSpec((1, CH), lambda i: (0, 0)),
        ],
        out_specs=[
            pl.BlockSpec((BM, CH), lambda i: (i, 0)),
            pl.BlockSpec((BM, CH), lambda i: (i, 0)),
        ],
        out_shape=[
            jax.ShapeDtypeStruct((N_NODES, CH), jnp.float32),
            jax.ShapeDtypeStruct((N_NODES, CH), jnp.float32),
        ],
    )(agg, cnt, x1s, Wl1T, bl1, Wr1T, Wl2T, Wr2T, bl2)


def _final_body(p_ref, cnt_ref, r2_ref, out_ref):
    inv = _inv_deg(cnt_ref)
    out_ref[...] = jnp.maximum((p_ref[0] + p_ref[1]) * inv + r2_ref[...], 0.0)


def _final_tc(p, cnt, r2):
    return pl.pallas_call(
        _final_body,
        grid=(NB,),
        in_specs=[
            pl.BlockSpec((NC, BM, CH), lambda i: (0, i, 0)),
            pl.BlockSpec((NC, BM, 16), lambda i: (0, i, 0)),
            pl.BlockSpec((BM, CH), lambda i: (i, 0)),
        ],
        out_specs=pl.BlockSpec((BM, CH), lambda i: (i, 0)),
        out_shape=jax.ShapeDtypeStruct((N_NODES, CH), jnp.float32),
    )(p, cnt, r2)


def kernel(x, edge, num_sampled_nodes, num_sampled_edges,
           Wl0, bl0, Wr0, Wl1, bl1, Wr1, Wl2, bl2, Wr2):
    src = edge[0].reshape(NCHUNK, B)
    dst = edge[1].reshape(NCHUNK, B)
    zrow = jnp.zeros((RPT, CH), jnp.float32)
    zcnt = jnp.zeros((RPT, 16), jnp.float32)
    ones = jnp.ones((B, 16), jnp.float32)

    p0, cnt = _sc_agg_edges_counts(x, src, dst, zrow, zcnt, ones)
    x1s = _layer0_tc(p0, cnt, x, Wl0.T, bl0.reshape(1, -1), Wr0.T)

    (a1,) = _sc_agg_split(x1s, src, dst, zrow, zcnt, ones)
    h, r2 = _layer1_tc(a1, cnt, x1s, Wl1.T, bl1.reshape(1, -1), Wr1.T,
                       Wl2.T, Wr2.T, bl2.reshape(1, -1))

    (p2,) = _sc_agg_edges(h, src, dst, zrow, zcnt, ones)
    return _final_tc(p2, cnt, r2)

# --- scband reference (transcript-rebuilt; emitter-appended) ---
"""Pipeline reference for scband-graph-sage-41497974014384 (READ-ONLY COPY).

The authoritative reference and input builder live on the scoring server;
editing this copy changes nothing except your own understanding.
"""

import jax, jax.numpy as jnp
import numpy as np

IN_C, HID_C, OUT_C, NUM_LAYERS = 128, 256, 128, 3
N_NODES, N_EDGES = 10000, 320000


def _init_linear(key, out_c, in_c):
    lim = 1.0 / np.sqrt(in_c)
    return jax.random.uniform(key, (out_c, in_c), dtype=jnp.float32, minval=-lim, maxval=lim)


def setup_inputs(seed: int = 0):
    key = jax.random.key(seed)
    ks = jax.random.split(key, 16)
    x = jax.random.normal(ks[0], (N_NODES, IN_C), dtype=jnp.float32)
    edge = jax.random.randint(ks[1], (2, N_EDGES), 0, N_NODES, dtype=jnp.int32)
    # Hierarchical sampling metadata (zeros -> trim is a structural no-op, shapes stay static)
    num_sampled_nodes = jnp.zeros((NUM_LAYERS + 1,), dtype=jnp.int32)
    num_sampled_edges = jnp.zeros((NUM_LAYERS,), dtype=jnp.int32)
    dims = [(IN_C, HID_C), (HID_C, HID_C), (HID_C, OUT_C)]
    params = {}
    for i, (din, dout) in enumerate(dims):
        params[f'Wl{i}'] = _init_linear(ks[2 + 3 * i], dout, din)   # lin_l weight (neighbors), has bias
        params[f'bl{i}'] = jnp.zeros((dout,), dtype=jnp.float32)
        params[f'Wr{i}'] = _init_linear(ks[3 + 3 * i], dout, din)   # lin_r weight (root), no bias
    out = {'x': x, 'edge': edge,
           'num_sampled_nodes': num_sampled_nodes,
           'num_sampled_edges': num_sampled_edges}
    out.update(params)
    return out


def _sage_conv(x, edge, Wl, bl, Wr, s):
    src = edge[0]
    dst = edge[1]
    msg = jnp.take(x, src, axis=0)                                   # gather per edge
    agg = jax.ops.segment_sum(msg, dst, num_segments=s)              # scatter-add
    cnt = jax.ops.segment_sum(jnp.ones((edge.shape[1],), x.dtype), dst, num_segments=s)
    agg = agg / jnp.clip(cnt, 1.0, None)[:, None]                    # mean aggregation
    return agg @ Wl.T + bl + x @ Wr.T                                # lin_l(agg) + lin_r(root)


def reference(x, edge, num_sampled_nodes, num_sampled_edges,
              Wl0, bl0, Wr0, Wl1, bl1, Wr1, Wl2, bl2, Wr2):
    params = [(Wl0, bl0, Wr0), (Wl1, bl1, Wr1), (Wl2, bl2, Wr2)]
    for i in range(NUM_LAYERS):
        if i > 0:  # trim_to_layer: drop nodes/edges belonging to the outermost remaining hop
            x = x + num_sampled_nodes[-i].astype(x.dtype)
            edge = edge + num_sampled_edges[-i]
        s = x.shape[0]
        Wl, bl, Wr = params[i]
        x = _sage_conv(x, edge, Wl, bl, Wr, s)
        x = jax.nn.relu(x)
        # dropout(p=0.5) is identity at inference
    return x

if __name__ == "__main__":
    import jax
    _d = setup_inputs()
    print(jax.jit(kernel)(*tuple(_d.values())))

</pallas_src>

<mosaic_0001>
#map = affine_map<(d0, d1) -> (0, 0)>
#map1 = affine_map<(d0, d1) -> (0, 0, 0)>
module attributes {stable_mosaic.version = 14 : i64} {
  func.func @body(%arg0: i32, %arg1: i32, %arg2: memref<10000x128xf32, #tpu.memory_space<hbm>>, %arg3: memref<2500x128xi32, #tpu.memory_space<hbm>>, %arg4: memref<2500x128xi32, #tpu.memory_space<hbm>>, %arg5: memref<625x128xf32, #tpu.memory_space<hbm>>, %arg6: memref<625x16xf32, #tpu.memory_space<hbm>>, %arg7: memref<128x16xf32, #tpu.memory_space<hbm>>, %arg8: memref<2x10000x128xf32, #tpu.memory_space<hbm>>, %arg9: memref<2x10000x16xf32, #tpu.memory_space<hbm>>, %arg10: memref<10000x128xf32, #tpu.memory_space<vmem_shared>>, %arg11: memref<10000x16xf32, #tpu.memory_space<vmem_shared>>, %arg12: memref<4x128xi32, #tpu.memory_space<vmem>>, %arg13: memref<4x128xi32, #tpu.memory_space<vmem>>, %arg14: memref<128x128xf32, #tpu.memory_space<vmem>>, %arg15: memref<128x128xf32, #tpu.memory_space<vmem>>, %arg16: memref<128x16xf32, #tpu.memory_space<vmem>>, %arg17: memref<!tpu.dma_semaphore, #tpu.memory_space<semaphore_mem>>, %arg18: memref<!tpu.dma_semaphore, #tpu.memory_space<semaphore_mem>>, %arg19: memref<!tpu.dma_semaphore, #tpu.memory_space<semaphore_mem>>, %arg20: memref<!tpu.dma_semaphore, #tpu.memory_space<semaphore_mem>>, %arg21: memref<!tpu.dma_semaphore, #tpu.memory_space<semaphore_mem>>, %arg22: memref<!tpu.dma_semaphore, #tpu.memory_space<semaphore_mem>>) attributes {dimension_semantics = [#tpu.dimension_semantics<core_parallel>, #tpu.dimension_semantics<subcore_parallel>], iteration_bounds = array<i64: 2, 16>, scalar_prefetch = 0 : i64, scratch_operands = 13 : i64, tpu.core_type = #tpu.core_type<sc_vector_subcore>, window_params = [{transform_indices = #map}, {transform_indices = #map}, {transform_indices = #map}, {transform_indices = #map}, {transform_indices = #map}, {transform_indices = #map}, {transform_indices = #map1}, {transform_indices = #map1}]} {
    %mul3A = arith.constant 2 : i32
    %mul3A_0 = arith.muli %arg1, %mul3A : i32
    %add3A = arith.addi %mul3A_0, %arg0 : i32
    %mul3A_1 = arith.constant 78 : i32
    %mul3A_2 = arith.muli %add3A, %mul3A_1 : i32
    %min3A = arith.constant 4 : i32
    %min3A_3 = arith.minsi %add3A, %min3A : i32
    %add3A_4 = arith.addi %mul3A_2, %min3A_3 : i32
    %lt3A = arith.constant 4 : i32
    %lt3A_5 = arith.cmpi slt, %add3A, %lt3A : i32
    %jit3A = arith.constant 1 : i32
    %jit3A_6 = arith.constant 0 : i32
    %select_n3A = arith.select %lt3A_5, %jit3A, %jit3A_6 : i32
    %add3A_7 = arith.constant 78 : i32
    %add3A_8 = arith.addi %add3A_7, %select_n3A : i32
    %mul3A_9 = arith.constant 625 : i32
    %mul3A_10 = arith.muli %arg1, %mul3A_9 : i32
    "tpu.region"() ({
      %run_scoped3A = tpu.sem_alloc : memref<!tpu.dma_semaphore, #tpu.memory_space<semaphore_mem>>
      %dma_start3A_72 = arith.constant 0 : i32
      %dma_start3A_73 = tpu.memref_slice %arg10[%mul3A_10, %dma_start3A_72] : memref<10000x128xf32, #tpu.memory_space<vmem_shared>> -> memref<625x128xf32, #tpu.memory_space<vmem_shared>>
      tpu.enqueue_dma source(%arg5 : memref<625x128xf32, #tpu.memory_space<hbm>>) target(%dma_start3A_73 : memref<625x128xf32, #tpu.memory_space<vmem_shared>>) target_semaphore(%run_scoped3A : memref<!tpu.dma_semaphore, #tpu.memory_space<semaphore_mem>>)
      %dma_wait3A = arith.constant 0 : i32
      %dma_wait3A_74 = tpu.memref_slice %arg10[%mul3A_10, %dma_wait3A] : memref<10000x128xf32, #tpu.memory_space<vmem_shared>> -> memref<625x128xf32, #tpu.memory_space<vmem_shared>>
      tpu.wait_dma2 semaphore(%run_scoped3A : memref<!tpu.dma_semaphore, #tpu.memory_space<semaphore_mem>>) src(%arg5 : memref<625x128xf32, #tpu.memory_space<hbm>>) dst(%dma_wait3A_74 : memref<625x128xf32, #tpu.memory_space<vmem_shared>>)
      tpu.yield
    }) : () -> ()
    %mul3A_11 = arith.constant 625 : i32
    %mul3A_12 = arith.muli %arg1, %mul3A_11 : i32
    "tpu.region"() ({
      %run_scoped3A = tpu.sem_alloc : memref<!tpu.dma_semaphore, #tpu.memory_space<semaphore_mem>>
      %dma_start3A_72 = arith.constant 0 : i32
      %dma_start3A_73 = tpu.memref_slice %arg11[%mul3A_12, %dma_start3A_72] : memref<10000x16xf32, #tpu.memory_space<vmem_shared>> -> memref<625x16xf32, #tpu.memory_space<vmem_shared>>
      tpu.enqueue_dma source(%arg6 : memref<625x16xf32, #tpu.memory_space<hbm>>) target(%dma_start3A_73 : memref<625x16xf32, #tpu.memory_space<vmem_shared>>) target_semaphore(%run_scoped3A : memref<!tpu.dma_semaphore, #tpu.memory_space<semaphore_mem>>)
      %dma_wait3A = arith.constant 0 : i32
      %dma_wait3A_74 = tpu.memref_slice %arg11[%mul3A_12, %dma_wait3A] : memref<10000x16xf32, #tpu.memory_space<vmem_shared>> -> memref<625x16xf32, #tpu.memory_space<vmem_shared>>
      tpu.wait_dma2 semaphore(%run_scoped3A : memref<!tpu.dma_semaphore, #tpu.memory_space<semaphore_mem>>) src(%arg6 : memref<625x16xf32, #tpu.memory_space<hbm>>) dst(%dma_wait3A_74 : memref<625x16xf32, #tpu.memory_space<vmem_shared>>)
      tpu.yield
    }) : () -> ()
    "tpu.region"() ({
      %run_scoped3A = tpu.sem_alloc : memref<!tpu.dma_semaphore, #tpu.memory_space<semaphore_mem>>
      tpu.enqueue_dma source(%arg7 : memref<128x16xf32, #tpu.memory_space<hbm>>) target(%arg16 : memref<128x16xf32, #tpu.memory_space<vmem>>) target_semaphore(%run_scoped3A : memref<!tpu.dma_semaphore, #tpu.memory_space<semaphore_mem>>)
      tpu.wait_dma2 semaphore(%run_scoped3A : memref<!tpu.dma_semaphore, #tpu.memory_space<semaphore_mem>>) src(%arg7 : memref<128x16xf32, #tpu.memory_space<hbm>>) dst(%arg16 : memref<128x16xf32, #tpu.memory_space<vmem>>)
      tpu.yield
    }) : () -> ()
    "tpu.region"() ({
      %run_scoped3A = tpu.sem_alloc : memref<!tpu.dma_semaphore, #tpu.memory_space<semaphore_mem>>
      %dma_start3A_72 = arith.constant 0 : i32
      %dma_start3A_73 = arith.constant 0 : i32
      %dma_start3A_74 = tpu.memref_slice %arg12[%dma_start3A_72, %dma_start3A_73] : memref<4x128xi32, #tpu.memory_space<vmem>> -> memref<2x128xi32, #tpu.memory_space<vmem>>
      %dma_start3A_75 = arith.constant 0 : i32
      %dma_start3A_76 = tpu.memref_slice %arg3[%add3A_4, %dma_start3A_75] : memref<2500x128xi32, #tpu.memory_space<hbm>> -> memref<2x128xi32, #tpu.memory_space<hbm>>
      %dma_start3A_77 = arith.constant 0 : i32
      %dma_start3A_78 = arith.constant 0 : i32
      %dma_start3A_79 = tpu.memref_slice %arg12[%dma_start3A_77, %dma_start3A_78] : memref<4x128xi32, #tpu.memory_space<vmem>> -> memref<2x128xi32, #tpu.memory_space<vmem>>
      %dma_start3A_80 = arith.constant 0 : i32
      %dma_start3A_81 = tpu.memref_slice %arg3[%add3A_4, %dma_start3A_80] : memref<2500x128xi32, #tpu.memory_space<hbm>> -> memref<2x128xi32, #tpu.memory_space<hbm>>
      tpu.enqueue_dma source(%dma_start3A_81 : memref<2x128xi32, #tpu.memory_space<hbm>>) target(%dma_start3A_79 : memref<2x128xi32, #tpu.memory_space<vmem>>) target_semaphore(%run_scoped3A : memref<!tpu.dma_semaphore, #tpu.memory_space<semaphore_mem>>)
      %dma_wait3A = arith.constant 0 : i32
      %dma_wait3A_82 = arith.constant 0 : i32
      %dma_wait3A_83 = tpu.memref_slice %arg12[%dma_wait3A, %dma_wait3A_82] : memref<4x128xi32, #tpu.memory_space<vmem>> -> memref<2x128xi32, #tpu.memory_space<vmem>>
      %dma_wait3A_84 = arith.constant 0 : i32
      %dma_wait3A_85 = tpu.memref_slice %arg3[%add3A_4, %dma_wait3A_84] : memref<2500x128xi32, #tpu.memory_space<hbm>> -> memref<2x128xi32, #tpu.memory_space<hbm>>
      %dma_wait3A_86 = arith.constant 0 : i32
      %dma_wait3A_87 = arith.constant 0 : i32
      %dma_wait3A_88 = tpu.memref_slice %arg12[%dma_wait3A_86, %dma_wait3A_87] : memref<4x128xi32, #tpu.memory_space<vmem>> -> memref<2x128xi32, #tpu.memory_space<vmem>>
      %dma_wait3A_89 = arith.constant 0 : i32
      %dma_wait3A_90 = tpu.memref_slice %arg3[%add3A_4, %dma_wait3A_89] : memref<2500x128xi32, #tpu.memory_space<hbm>> -> memref<2x128xi32, #tpu.memory_space<hbm>>
      tpu.wait_dma2 semaphore(%run_scoped3A : memref<!tpu.dma_semaphore, #tpu.memory_space<semaphore_mem>>) src(%dma_wait3A_90 : memref<2x128xi32, #tpu.memory_space<hbm>>) dst(%dma_wait3A_88 : memref<2x128xi32, #tpu.memory_space<vmem>>)
      tpu.yield
    }) : () -> ()
    "tpu.region"() ({
      %run_scoped3A = tpu.sem_alloc : memref<!tpu.dma_semaphore, #tpu.memory_space<semaphore_mem>>
      %dma_start3A_72 = arith.constant 0 : i32
      %dma_start3A_73 = arith.constant 0 : i32
      %dma_start3A_74 = tpu.memref_slice %arg13[%dma_start3A_72, %dma_start3A_73] : memref<4x128xi32, #tpu.memory_space<vmem>> -> memref<2x128xi32, #tpu.memory_space<vmem>>
      %dma_start3A_75 = arith.constant 0 : i32
      %dma_start3A_76 = tpu.memref_slice %arg4[%add3A_4, %dma_start3A_75] : memref<2500x128xi32, #tpu.memory_space<hbm>> -> memref<2x128xi32, #tpu.memory_space<hbm>>
      %dma_start3A_77 = arith.constant 0 : i32
      %dma_start3A_78 = arith.constant 0 : i32
      %dma_start3A_79 = tpu.memref_slice %arg13[%dma_start3A_77, %dma_start3A_78] : memref<4x128xi32, #tpu.memory_space<vmem>> -> memref<2x128xi32, #tpu.memory_space<vmem>>
      %dma_start3A_80 = arith.constant 0 : i32
      %dma_start3A_81 = tpu.memref_slice %arg4[%add3A_4, %dma_start3A_80] : memref<2500x128xi32, #tpu.memory_space<hbm>> -> memref<2x128xi32, #tpu.memory_space<hbm>>
      tpu.enqueue_dma source(%dma_start3A_81 : memref<2x128xi32, #tpu.memory_space<hbm>>) target(%dma_start3A_79 : memref<2x128xi32, #tpu.memory_space<vmem>>) target_semaphore(%run_scoped3A : memref<!tpu.dma_semaphore, #tpu.memory_space<semaphore_mem>>)
      %dma_wait3A = arith.constant 0 : i32
      %dma_wait3A_82 = arith.constant 0 : i32
      %dma_wait3A_83 = tpu.memref_slice %arg13[%dma_wait3A, %dma_wait3A_82] : memref<4x128xi32, #tpu.memory_space<vmem>> -> memref<2x128xi32, #tpu.memory_space<vmem>>
      %dma_wait3A_84 = arith.constant 0 : i32
      %dma_wait3A_85 = tpu.memref_slice %arg4[%add3A_4, %dma_wait3A_84] : memref<2500x128xi32, #tpu.memory_space<hbm>> -> memref<2x128xi32, #tpu.memory_space<hbm>>
      %dma_wait3A_86 = arith.constant 0 : i32
      %dma_wait3A_87 = arith.constant 0 : i32
      %dma_wait3A_88 = tpu.memref_slice %arg13[%dma_wait3A_86, %dma_wait3A_87] : memref<4x128xi32, #tpu.memory_space<vmem>> -> memref<2x128xi32, #tpu.memory_space<vmem>>
      %dma_wait3A_89 = arith.constant 0 : i32
      %dma_wait3A_90 = tpu.memref_slice %arg4[%add3A_4, %dma_wait3A_89] : memref<2500x128xi32, #tpu.memory_space<hbm>> -> memref<2x128xi32, #tpu.memory_space<hbm>>
      tpu.wait_dma2 semaphore(%run_scoped3A : memref<!tpu.dma_semaphore, #tpu.memory_space<semaphore_mem>>) src(%dma_wait3A_90 : memref<2x128xi32, #tpu.memory_space<hbm>>) dst(%dma_wait3A_88 : memref<2x128xi32, #tpu.memory_space<vmem>>)
      tpu.yield
    }) : () -> ()
    %dma_start3A = arith.constant 0 : i32
    %dma_start3A_13 = arith.constant 0 : i32
    %dma_start3A_14 = tpu.memref_slice %arg12[%dma_start3A, %dma_start3A_13] : memref<4x128xi32, #tpu.memory_space<vmem>> -> memref<1x128xi32, #tpu.memory_space<vmem>>
    %dma_start3A_15 = tpu.memref_squeeze %dma_start3A_14 : memref<1x128xi32, #tpu.memory_space<vmem>> -> memref<128xi32, #tpu.memory_space<vmem>>
    %dma_start3A_16 = arith.constant 0 : i32
    %dma_start3A_17 = arith.constant 0 : i32
    %dma_start3A_18 = tpu.memref_slice %arg2[%dma_start3A_16, %dma_start3A_17] : memref<10000x128xf32, #tpu.memory_space<hbm>> -> memref<10000x128xf32, #tpu.memory_space<hbm>>
    tpu.enqueue_indirect_dma source(%dma_start3A_18 : memref<10000x128xf32, #tpu.memory_space<hbm>>) target(%arg14 : memref<128x128xf32, #tpu.memory_space<vmem>>) offsets(%dma_start3A_15 : memref<128xi32, #tpu.memory_space<vmem>>) semaphore(%arg17 : memref<!tpu.dma_semaphore, #tpu.memory_space<semaphore_mem>>)
    %barrier3A = arith.constant 0 : index
    tpu.barrier barrier_id(%barrier3A)
    %scan3A = arith.constant 0 : i32
    %scan3A_19 = arith.constant 0 : i32
    %scan3A_20 = arith.constant 20 : i32
    %scan3A_21 = arith.addi %scan3A_19, %scan3A_20 : i32
    %scan3A_22 = arith.constant 1 : i32
    scf.for %scan3A_72 = %scan3A_19 to %scan3A_21 step %scan3A_22  : i32 {
      %mul3A_73 = arith.constant 4 : i32
      %mul3A_74 = arith.muli %scan3A_72, %mul3A_73 : i32
      %add3A_75 = arith.constant 0 : i32
      %add3A_76 = arith.addi %mul3A_74, %add3A_75 : i32
      %lt3A_77 = arith.cmpi slt, %add3A_76, %add3A_8 : i32
      %convert_element_type3A_78 = arith.extui %lt3A_77 : i1 to i32
      %cond3A_79 = arith.constant 0 : i32
      %cond3A_80 = arith.cmpi ne, %convert_element_type3A_78, %cond3A_79 : i32
      scf.if %cond3A_80 {
        %ge3A = arith.constant 1 : i32
        %ge3A_105 = arith.cmpi sge, %add3A_76, %ge3A : i32
        %add3A_106 = arith.constant 2 : i32
        %add3A_107 = arith.addi %add3A_76, %add3A_106 : i32
        %sub3A_108 = arith.constant 1 : i32
        %sub3A_109 = arith.subi %add3A_107, %sub3A_108 : i32
        %lt3A_110 = arith.cmpi slt, %sub3A_109, %add3A_8 : i32
        %and3A_111 = arith.andi %ge3A_105, %lt3A_110 : i1
        %convert_element_type3A_112 = arith.extui %and3A_111 : i1 to i32
        %cond3A_113 = arith.constant 0 : i32
        %cond3A_114 = arith.cmpi ne, %convert_element_type3A_112, %cond3A_113 : i32
        scf.if %cond3A_114 {
          %add3A_154 = arith.addi %add3A_4, %add3A_76 : i32
          %add3A_155 = arith.constant 2 : i32
          %add3A_156 = arith.addi %add3A_154, %add3A_155 : i32
          %sub3A_157 = arith.constant 1 : i32
          %sub3A_158 = arith.subi %add3A_156, %sub3A_157 : i32
          %dma_wait3A_159 = arith.constant 1 : i32
          %dma_wait3A_160 = arith.constant 0 : i32
          %dma_wait3A_161 = tpu.memref_slice %arg12[%dma_wait3A_159, %dma_wait3A_160] : memref<4x128xi32, #tpu.memory_space<vmem>> -> memref<1x128xi32, #tpu.memory_space<vmem>>
          %dma_wait3A_162 = tpu.memref_squeeze %dma_wait3A_161 : memref<1x128xi32, #tpu.memory_space<vmem>> -> memref<128xi32, #tpu.memory_space<vmem>>
          %dma_wait3A_163 = arith.constant 0 : i32
          %dma_wait3A_164 = tpu.memref_slice %arg3[%sub3A_158, %dma_wait3A_163] : memref<2500x128xi32, #tpu.memory_space<hbm>> -> memref<1x128xi32, #tpu.memory_space<hbm>>
          %dma_wait3A_165 = tpu.memref_squeeze %dma_wait3A_164 : memref<1x128xi32, #tpu.memory_space<hbm>> -> memref<128xi32, #tpu.memory_space<hbm>>
          %dma_wait3A_166 = arith.constant 0 : i32
          %dma_wait3A_167 = tpu.memref_slice %arg12[%dma_wait3A_159, %dma_wait3A_166] : memref<4x128xi32, #tpu.memory_space<vmem>> -> memref<1x128xi32, #tpu.memory_space<vmem>>
          %dma_wait3A_168 = tpu.memref_squeeze %dma_wait3A_167 : memref<1x128xi32, #tpu.memory_space<vmem>> -> memref<128xi32, #tpu.memory_space<vmem>>
          %dma_wait3A_169 = arith.constant 0 : i32
          %dma_wait3A_170 = tpu.memref_slice %arg3[%sub3A_158, %dma_wait3A_169] : memref<2500x128xi32, #tpu.memory_space<hbm>> -> memref<1x128xi32, #tpu.memory_space<hbm>>
          %dma_wait3A_171 = tpu.memref_squeeze %dma_wait3A_170 : memref<1x128xi32, #tpu.memory_space<hbm>> -> memref<128xi32, #tpu.memory_space<hbm>>
          tpu.wait_dma2 semaphore(%arg22 : memref<!tpu.dma_semaphore, #tpu.memory_space<semaphore_mem>>) src(%dma_wait3A_171 : memref<128xi32, #tpu.memory_space<hbm>>) dst(%dma_wait3A_168 : memref<128xi32, #tpu.memory_space<vmem>>)
          %dma_wait3A_172 = arith.constant 1 : i32
          %dma_wait3A_173 = arith.constant 0 : i32
          %dma_wait3A_174 = tpu.memref_slice %arg13[%dma_wait3A_172, %dma_wait3A_173] : memref<4x128xi32, #tpu.memory_space<vmem>> -> memref<1x128xi32, #tpu.memory_space<vmem>>
          %dma_wait3A_175 = tpu.memref_squeeze %dma_wait3A_174 : memref<1x128xi32, #tpu.memory_space<vmem>> -> memref<128xi32, #tpu.memory_space<vmem>>
          %dma_wait3A_176 = arith.constant 0 : i32
          %dma_wait3A_177 = tpu.memref_slice %arg4[%sub3A_158, %dma_wait3A_176] : memref<2500x128xi32, #tpu.memory_space<hbm>> -> memref<1x128xi32, #tpu.memory_space<hbm>>
          %dma_wait3A_178 = tpu.memref_squeeze %dma_wait3A_177 : memref<1x128xi32, #tpu.memory_space<hbm>> -> memref<128xi32, #tpu.memory_space<hbm>>
          %dma_wait3A_179 = arith.constant 0 : i32
          %dma_wait3A_180 = tpu.memref_slice %arg13[%dma_wait3A_172, %dma_wait3A_179] : memref<4x128xi32, #tpu.memory_space<vmem>> -> memref<1x128xi32, #tpu.memory_space<vmem>>
          %dma_wait3A_181 = tpu.memref_squeeze %dma_wait3A_180 : memref<1x128xi32, #tpu.memory_space<vmem>> -> memref<128xi32, #tpu.memory_space<vmem>>
          %dma_wait3A_182 = arith.constant 0 : i32
          %dma_wait3A_183 = tpu.memref_slice %arg4[%sub3A_158, %dma_wait3A_182] : memref<2500x128xi32, #tpu.memory_space<hbm>> -> memref<1x128xi32, #tpu.memory_space<hbm>>
          %dma_wait3A_184 = tpu.memref_squeeze %dma_wait3A_183 : memref<1x128xi32, #tpu.memory_space<hbm>> -> memref<128xi32, #tpu.memory_space<hbm>>
          tpu.wait_dma2 semaphore(%arg22 : memref<!tpu.dma_semaphore, #tpu.memory_space<semaphore_mem>>) src(%dma_wait3A_184 : memref<128xi32, #tpu.memory_space<hbm>>) dst(%dma_wait3A_181 : memref<128xi32, #tpu.memory_space<vmem>>)
        } else {
        }
        %dma_wait3A = arith.constant 0 : i32
        %dma_wait3A_115 = arith.constant 0 : i32
        %dma_wait3A_116 = tpu.memref_slice %arg12[%dma_wait3A, %dma_wait3A_115] : memref<4x128xi32, #tpu.memory_space<vmem>> -> memref<1x128xi32, #tpu.memory_space<vmem>>
        %dma_wait3A_117 = tpu.memref_squeeze %dma_wait3A_116 : memref<1x128xi32, #tpu.memory_space<vmem>> -> memref<128xi32, #tpu.memory_space<vmem>>
        %dma_wait3A_118 = arith.constant 0 : i32
        %dma_wait3A_119 = arith.constant 0 : i32
        %dma_wait3A_120 = tpu.memref_slice %arg2[%dma_wait3A_118, %dma_wait3A_119] : memref<10000x128xf32, #tpu.memory_space<hbm>> -> memref<10000x128xf32, #tpu.memory_space<hbm>>
        tpu.wait_indirect_dma semaphore(%arg17 : memref<!tpu.dma_semaphore, #tpu.memory_space<semaphore_mem>>) src(%dma_wait3A_120 : memref<10000x128xf32, #tpu.memory_space<hbm>>) dst(%arg14 : memref<128x128xf32, #tpu.memory_space<vmem>>)
        %dma_start3A_121 = arith.constant 0 : i32
        %dma_start3A_122 = arith.constant 0 : i32
        %dma_start3A_123 = tpu.memref_slice %arg13[%dma_start3A_121, %dma_start3A_122] : memref<4x128xi32, #tpu.memory_space<vmem>> -> memref<1x128xi32, #tpu.memory_space<vmem>>
        %dma_start3A_124 = tpu.memref_squeeze %dma_start3A_123 : memref<1x128xi32, #tpu.memory_space<vmem>> -> memref<128xi32, #tpu.memory_space<vmem>>
        %dma_start3A_125 = arith.constant 0 : i32
        %dma_start3A_126 = arith.constant 0 : i32
        %dma_start3A_127 = tpu.memref_slice %arg10[%dma_start3A_125, %dma_start3A_126] : memref<10000x128xf32, #tpu.memory_space<vmem_shared>> -> memref<10000x128xf32, #tpu.memory_space<vmem_shared>>
        tpu.enqueue_indirect_dma source(%arg14 : memref<128x128xf32, #tpu.memory_space<vmem>>) target(%dma_start3A_127 : memref<10000x128xf32, #tpu.memory_space<vmem_shared>>) offsets(%dma_start3A_124 : memref<128xi32, #tpu.memory_space<vmem>>) semaphore(%arg19 : memref<!tpu.dma_semaphore, #tpu.memory_space<semaphore_mem>>) {add = true}
        %dma_start3A_128 = arith.constant 0 : i32
        %dma_start3A_129 = arith.constant 0 : i32
        %dma_start3A_130 = tpu.memref_slice %arg13[%dma_start3A_128, %dma_start3A_129] : memref<4x128xi32, #tpu.memory_space<vmem>> -> memref<1x128xi32, #tpu.memory_space<vmem>>
        %dma_start3A_131 = tpu.memref_squeeze %dma_start3A_130 : memref<1x128xi32, #tpu.memory_space<vmem>> -> memref<128xi32, #tpu.memory_space<vmem>>
        %dma_start3A_132 = arith.constant 0 : i32
        %dma_start3A_133 = arith.constant 0 : i32
        %dma_start3A_134 = tpu.memref_slice %arg11[%dma_start3A_132, %dma_start3A_133] : memref<10000x16xf32, #tpu.memory_space<vmem_shared>> -> memref<10000x16xf32, #tpu.memory_space<vmem_shared>>
        tpu.enqueue_indirect_dma source(%arg16 : memref<128x16xf32, #tpu.memory_space<vmem>>) target(%dma_start3A_134 : memref<10000x16xf32, #tpu.memory_space<vmem_shared>>) offsets(%dma_start3A_131 : memref<128xi32, #tpu.memory_space<vmem>>) semaphore(%arg19 : memref<!tpu.dma_semaphore, #tpu.memory_space<semaphore_mem>>) {add = true}
        %ge3A_135 = arith.constant 1 : i32
        %ge3A_136 = arith.cmpi sge, %add3A_76, %ge3A_135 : i32
        %convert_element_type3A_137 = arith.extui %ge3A_136 : i1 to i32
        %cond3A_138 = arith.constant 0 : i32
        %cond3A_139 = arith.cmpi ne, %convert_element_type3A_137, %cond3A_138 : i32
        scf.if %cond3A_139 {
          %dma_wait3A_154 = arith.constant 3 : i32
          %dma_wait3A_155 = arith.constant 0 : i32
          %dma_wait3A_156 = tpu.memref_slice %arg13[%dma_wait3A_154, %dma_wait3A_155] : memref<4x128xi32, #tpu.memory_space<vmem>> -> memref<1x128xi32, #tpu.memory_space<vmem>>
          %dma_wait3A_157 = tpu.memref_squeeze %dma_wait3A_156 : memref<1x128xi32, #tpu.memory_space<vmem>> -> memref<128xi32, #tpu.memory_space<vmem>>
          %dma_wait3A_158 = arith.constant 0 : i32
          %dma_wait3A_159 = arith.constant 0 : i32
          %dma_wait3A_160 = tpu.memref_slice %arg10[%dma_wait3A_158, %dma_wait3A_159] : memref<10000x128xf32, #tpu.memory_space<vmem_shared>> -> memref<10000x128xf32, #tpu.memory_space<vmem_shared>>
          tpu.wait_indirect_dma semaphore(%arg20 : memref<!tpu.dma_semaphore, #tpu.memory_space<semaphore_mem>>) src(%arg15 : memref<128x128xf32, #tpu.memory_space<vmem>>) dst(%dma_wait3A_160 : memref<10000x128xf32, #tpu.memory_space<vmem_shared>>)
          %dma_wait3A_161 = arith.constant 3 : i32
          %dma_wait3A_162 = arith.constant 0 : i32
          %dma_wait3A_163 = tpu.memref_slice %arg13[%dma_wait3A_161, %dma_wait3A_162] : memref<4x128xi32, #tpu.memory_space<vmem>> -> memref<1x128xi32, #tpu.memory_space<vmem>>
          %dma_wait3A_164 = tpu.memref_squeeze %dma_wait3A_163 : memref<1x128xi32, #tpu.memory_space<vmem>> -> memref<128xi32, #tpu.memory_space<vmem>>
          %dma_wait3A_165 = arith.constant 0 : i32
          %dma_wait3A_166 = arith.constant 0 : i32
          %dma_wait3A_167 = tpu.memref_slice %arg11[%dma_wait3A_165, %dma_wait3A_166] : memref<10000x16xf32, #tpu.memory_space<vmem_shared>> -> memref<10000x16xf32, #tpu.memory_space<vmem_shared>>
          tpu.wait_indirect_dma semaphore(%arg20 : memref<!tpu.dma_semaphore, #tpu.memory_space<semaphore_mem>>) src(%arg16 : memref<128x16xf32, #tpu.memory_space<vmem>>) dst(%dma_wait3A_167 : memref<10000x16xf32, #tpu.memory_space<vmem_shared>>)
        } else {
        }
        %add3A_140 = arith.constant 2 : i32
        %add3A_141 = arith.addi %add3A_76, %add3A_140 : i32
        %lt3A_142 = arith.cmpi slt, %add3A_141, %add3A_8 : i32
        %convert_element_type3A_143 = arith.extui %lt3A_142 : i1 to i32
        %cond3A_144 = arith.constant 0 : i32
        %cond3A_145 = arith.cmpi ne, %convert_element_type3A_143, %cond3A_144 : i32
        scf.if %cond3A_145 {
          %add3A_154 = arith.addi %add3A_4, %add3A_76 : i32
          %add3A_155 = arith.constant 2 : i32
          %add3A_156 = arith.addi %add3A_154, %add3A_155 : i32
          %dma_start3A_157 = arith.constant 2 : i32
          %dma_start3A_158 = arith.constant 0 : i32
          %dma_start3A_159 = tpu.memref_slice %arg12[%dma_start3A_157, %dma_start3A_158] : memref<4x128xi32, #tpu.memory_space<vmem>> -> memref<1x128xi32, #tpu.memory_space<vmem>>
          %dma_start3A_160 = tpu.memref_squeeze %dma_start3A_159 : memref<1x128xi32, #tpu.memory_space<vmem>> -> memref<128xi32, #tpu.memory_space<vmem>>
          %dma_start3A_161 = arith.constant 0 : i32
          %dma_start3A_162 = tpu.memref_slice %arg3[%add3A_156, %dma_start3A_161] : memref<2500x128xi32, #tpu.memory_space<hbm>> -> memref<1x128xi32, #tpu.memory_space<hbm>>
          %dma_start3A_163 = tpu.memref_squeeze %dma_start3A_162 : memref<1x128xi32, #tpu.memory_space<hbm>> -> memref<128xi32, #tpu.memory_space<hbm>>
          %dma_start3A_164 = arith.constant 0 : i32
          %dma_start3A_165 = tpu.memref_slice %arg12[%dma_start3A_157, %dma_start3A_164] : memref<4x128xi32, #tpu.memory_space<vmem>> -> memref<1x128xi32, #tpu.memory_space<vmem>>
          %dma_start3A_166 = tpu.memref_squeeze %dma_start3A_165 : memref<1x128xi32, #tpu.memory_space<vmem>> -> memref<128xi32, #tpu.memory_space<vmem>>
          %dma_start3A_167 = arith.constant 0 : i32
          %dma_start3A_168 = tpu.memref_slice %arg3[%add3A_156, %dma_start3A_167] : memref<2500x128xi32, #tpu.memory_space<hbm>> -> memref<1x128xi32, #tpu.memory_space<hbm>>
          %dma_start3A_169 = tpu.memref_squeeze %dma_start3A_168 : memref<1x128xi32, #tpu.memory_space<hbm>> -> memref<128xi32, #tpu.memory_space<hbm>>
          tpu.enqueue_dma source(%dma_start3A_169 : memref<128xi32, #tpu.memory_space<hbm>>) target(%dma_start3A_166 : memref<128xi32, #tpu.memory_space<vmem>>) target_semaphore(%arg21 : memref<!tpu.dma_semaphore, #tpu.memory_space<semaphore_mem>>)
          %dma_start3A_170 = arith.constant 2 : i32
          %dma_start3A_171 = arith.constant 0 : i32
          %dma_start3A_172 = tpu.memref_slice %arg13[%dma_start3A_170, %dma_start3A_171] : memref<4x128xi32, #tpu.memory_space<vmem>> -> memref<1x128xi32, #tpu.memory_space<vmem>>
          %dma_start3A_173 = tpu.memref_squeeze %dma_start3A_172 : memref<1x128xi32, #tpu.memory_space<vmem>> -> memref<128xi32, #tpu.memory_space<vmem>>
          %dma_start3A_174 = arith.constant 0 : i32
          %dma_start3A_175 = tpu.memref_slice %arg4[%add3A_156, %dma_start3A_174] : memref<2500x128xi32, #tpu.memory_space<hbm>> -> memref<1x128xi32, #tpu.memory_space<hbm>>
          %dma_start3A_176 = tpu.memref_squeeze %dma_start3A_175 : memref<1x128xi32, #tpu.memory_space<hbm>> -> memref<128xi32, #tpu.memory_space<hbm>>
          %dma_start3A_177 = arith.constant 0 : i32
          %dma_start3A_178 = tpu.memref_slice %arg13[%dma_start3A_170, %dma_start3A_177] : memref<4x128xi32, #tpu.memory_space<vmem>> -> memref<1x128xi32, #tpu.memory_space<vmem>>
          %dma_start3A_179 = tpu.memref_squeeze %dma_start3A_178 : memref<1x128xi32, #tpu.memory_space<vmem>> -> memref<128xi32, #tpu.memory_space<vmem>>
          %dma_start3A_180 = arith.constant 0 : i32
          %dma_start3A_181 = tpu.memref_slice %arg4[%add3A_156, %dma_start3A_180] : memref<2500x128xi32, #tpu.memory_space<hbm>> -> memref<1x128xi32, #tpu.memory_space<hbm>>
          %dma_start3A_182 = tpu.memref_squeeze %dma_start3A_181 : memref<1x128xi32, #tpu.memory_space<hbm>> -> memref<128xi32, #tpu.memory_space<hbm>>
          tpu.enqueue_dma source(%dma_start3A_182 : memref<128xi32, #tpu.memory_space<hbm>>) target(%dma_start3A_179 : memref<128xi32, #tpu.memory_space<vmem>>) target_semaphore(%arg21 : memref<!tpu.dma_semaphore, #tpu.memory_space<semaphore_mem>>)
        } else {
        }
        %add3A_146 = arith.constant 2 : i32
        %add3A_147 = arith.addi %add3A_76, %add3A_146 : i32
        %sub3A_148 = arith.constant 1 : i32
        %sub3A_149 = arith.subi %add3A_147, %sub3A_148 : i32
        %lt3A_150 = arith.cmpi slt, %sub3A_149, %add3A_8 : i32
        %convert_element_type3A_151 = arith.extui %lt3A_150 : i1 to i32
        %cond3A_152 = arith.constant 0 : i32
        %cond3A_153 = arith.cmpi ne, %convert_element_type3A_151, %cond3A_152 : i32
        scf.if %cond3A_153 {
          %dma_start3A_154 = arith.constant 1 : i32
          %dma_start3A_155 = arith.constant 0 : i32
          %dma_start3A_156 = tpu.memref_slice %arg12[%dma_start3A_154, %dma_start3A_155] : memref<4x128xi32, #tpu.memory_space<vmem>> -> memref<1x128xi32, #tpu.memory_space<vmem>>
          %dma_start3A_157 = tpu.memref_squeeze %dma_start3A_156 : memref<1x128xi32, #tpu.memory_space<vmem>> -> memref<128xi32, #tpu.memory_space<vmem>>
          %dma_start3A_158 = arith.constant 0 : i32
          %dma_start3A_159 = arith.constant 0 : i32
          %dma_start3A_160 = tpu.memref_slice %arg2[%dma_start3A_158, %dma_start3A_159] : memref<10000x128xf32, #tpu.memory_space<hbm>> -> memref<10000x128xf32, #tpu.memory_space<hbm>>
          tpu.enqueue_indirect_dma source(%dma_start3A_160 : memref<10000x128xf32, #tpu.memory_space<hbm>>) target(%arg15 : memref<128x128xf32, #tpu.memory_space<vmem>>) offsets(%dma_start3A_157 : memref<128xi32, #tpu.memory_space<vmem>>) semaphore(%arg18 : memref<!tpu.dma_semaphore, #tpu.memory_space<semaphore_mem>>)
        } else {
        }
      } else {
      }
      %mul3A_81 = arith.constant 4 : i32
      %mul3A_82 = arith.muli %scan3A_72, %mul3A_81 : i32
      %add3A_83 = arith.constant 1 : i32
      %add3A_84 = arith.addi %mul3A_82, %add3A_83 : i32
      %lt3A_85 = arith.cmpi slt, %add3A_84, %add3A_8 : i32
      %convert_element_type3A_86 = arith.extui %lt3A_85 : i1 to i32
      %cond3A_87 = arith.constant 0 : i32
      %cond3A_88 = arith.cmpi ne, %convert_element_type3A_86, %cond3A_87 : i32
      scf.if %cond3A_88 {
        %ge3A = arith.constant 1 : i32
        %ge3A_105 = arith.cmpi sge, %add3A_84, %ge3A : i32
        %add3A_106 = arith.constant 2 : i32
        %add3A_107 = arith.addi %add3A_84, %add3A_106 : i32
        %sub3A_108 = arith.constant 1 : i32
        %sub3A_109 = arith.subi %add3A_107, %sub3A_108 : i32
        %lt3A_110 = arith.cmpi slt, %sub3A_109, %add3A_8 : i32
        %and3A_111 = arith.andi %ge3A_105, %lt3A_110 : i1
        %convert_element_type3A_112 = arith.extui %and3A_111 : i1 to i32
        %cond3A_113 = arith.constant 0 : i32
        %cond3A_114 = arith.cmpi ne, %convert_element_type3A_112, %cond3A_113 : i32
        scf.if %cond3A_114 {
          %add3A_154 = arith.addi %add3A_4, %add3A_84 : i32
          %add3A_155 = arith.constant 2 : i32
          %add3A_156 = arith.addi %add3A_154, %add3A_155 : i32
          %sub3A_157 = arith.constant 1 : i32
          %sub3A_158 = arith.subi %add3A_156, %sub3A_157 : i32
          %dma_wait3A_159 = arith.constant 2 : i32
          %dma_wait3A_160 = arith.constant 0 : i32
          %dma_wait3A_161 = tpu.memref_slice %arg12[%dma_wait3A_159, %dma_wait3A_160] : memref<4x128xi32, #tpu.memory_space<vmem>> -> memref<1x128xi32, #tpu.memory_space<vmem>>
          %dma_wait3A_162 = tpu.memref_squeeze %dma_wait3A_161 : memref<1x128xi32, #tpu.memory_space<vmem>> -> memref<128xi32, #tpu.memory_space<vmem>>
          %dma_wait3A_163 = arith.constant 0 : i32
          %dma_wait3A_164 = tpu.memref_slice %arg3[%sub3A_158, %dma_wait3A_163] : memref<2500x128xi32, #tpu.memory_space<hbm>> -> memref<1x128xi32, #tpu.memory_space<hbm>>
          %dma_wait3A_165 = tpu.memref_squeeze %dma_wait3A_164 : memref<1x128xi32, #tpu.memory_space<hbm>> -> memref<128xi32, #tpu.memory_space<hbm>>
          %dma_wait3A_166 = arith.constant 0 : i32
          %dma_wait3A_167 = tpu.memref_slice %arg12[%dma_wait3A_159, %dma_wait3A_166] : memref<4x128xi32, #tpu.memory_space<vmem>> -> memref<1x128xi32, #tpu.memory_space<vmem>>
          %dma_wait3A_168 = tpu.memref_squeeze %dma_wait3A_167 : memref<1x128xi32, #tpu.memory_space<vmem>> -> memref<128xi32, #tpu.memory_space<vmem>>
          %dma_wait3A_169 = arith.constant 0 : i32
          %dma_wait3A_170 = tpu.memref_slice %arg3[%sub3A_158, %dma_wait3A_169] : memref<2500x128xi32, #tpu.memory_space<hbm>> -> memref<1x128xi32, #tpu.memory_space<hbm>>
          %dma_wait3A_171 = tpu.memref_squeeze %dma_wait3A_170 : memref<1x128xi32, #tpu.memory_space<hbm>> -> memref<128xi32, #tpu.memory_space<hbm>>
          tpu.wait_dma2 semaphore(%arg21 : memref<!tpu.dma_semaphore, #tpu.memory_space<semaphore_mem>>) src(%dma_wait3A_171 : memref<128xi32, #tpu.memory_space<hbm>>) dst(%dma_wait3A_168 : memref<128xi32, #tpu.memory_space<vmem>>)
          %dma_wait3A_172 = arith.constant 2 : i32
          %dma_wait3A_173 = arith.constant 0 : i32
          %dma_wait3A_174 = tpu.memref_slice %arg13[%dma_wait3A_172, %dma_wait3A_173] : memref<4x128xi32, #tpu.memory_space<vmem>> -> memref<1x128xi32, #tpu.memory_space<vmem>>
          %dma_wait3A_175 = tpu.memref_squeeze %dma_wait3A_174 : memref<1x128xi32, #tpu.memory_space<vmem>> -> memref<128xi32, #tpu.memory_space<vmem>>
          %dma_wait3A_176 = arith.constant 0 : i32
          %dma_wait3A_177 = tpu.memref_slice %arg4[%sub3A_158, %dma_wait3A_176] : memref<2500x128xi32, #tpu.memory_space<hbm>> -> memref<1x128xi32, #tpu.memory_space<hbm>>
          %dma_wait3A_178 = tpu.memref_squeeze %dma_wait3A_177 : memref<1x128xi32, #tpu.memory_space<hbm>> -> memref<128xi32, #tpu.memory_space<hbm>>
          %dma_wait3A_179 = arith.constant 0 : i32
          %dma_wait3A_180 = tpu.memref_slice %arg13[%dma_wait3A_172, %dma_wait3A_179] : memref<4x128xi32, #tpu.memory_space<vmem>> -> memref<1x128xi32, #tpu.memory_space<vmem>>
          %dma_wait3A_181 = tpu.memref_squeeze %dma_wait3A_180 : memref<1x128xi32, #tpu.memory_space<vmem>> -> memref<128xi32, #tpu.memory_space<vmem>>
          %dma_wait3A_182 = arith.constant 0 : i32
          %dma_wait3A_183 = tpu.memref_slice %arg4[%sub3A_158, %dma_wait3A_182] : memref<2500x128xi32, #tpu.memory_space<hbm>> -> memref<1x128xi32, #tpu.memory_space<hbm>>
          %dma_wait3A_184 = tpu.memref_squeeze %dma_wait3A_183 : memref<1x128xi32, #tpu.memory_space<hbm>> -> memref<128xi32, #tpu.memory_space<hbm>>
          tpu.wait_dma2 semaphore(%arg21 : memref<!tpu.dma_semaphore, #tpu.memory_space<semaphore_mem>>) src(%dma_wait3A_184 : memref<128xi32, #tpu.memory_space<hbm>>) dst(%dma_wait3A_181 : memref<128xi32, #tpu.memory_space<vmem>>)
        } else {
        }
        %dma_wait3A = arith.constant 1 : i32
        %dma_wait3A_115 = arith.constant 0 : i32
        %dma_wait3A_116 = tpu.memref_slice %arg12[%dma_wait3A, %dma_wait3A_115] : memref<4x128xi32, #tpu.memory_space<vmem>> -> memref<1x128xi32, #tpu.memory_space<vmem>>
        %dma_wait3A_117 = tpu.memref_squeeze %dma_wait3A_116 : memref<1x128xi32, #tpu.memory_space<vmem>> -> memref<128xi32, #tpu.memory_space<vmem>>
        %dma_wait3A_118 = arith.constant 0 : i32
        %dma_wait3A_119 = arith.constant 0 : i32
        %dma_wait3A_120 = tpu.memref_slice %arg2[%dma_wait3A_118, %dma_wait3A_119] : memref<10000x128xf32, #tpu.memory_space<hbm>> -> memref<10000x128xf32, #tpu.memory_space<hbm>>
        tpu.wait_indirect_dma semaphore(%arg18 : memref<!tpu.dma_semaphore, #tpu.memory_space<semaphore_mem>>) src(%dma_wait3A_120 : memref<10000x128xf32, #tpu.memory_space<hbm>>) dst(%arg15 : memref<128x128xf32, #tpu.memory_space<vmem>>)
        %dma_start3A_121 = arith.constant 1 : i32
        %dma_start3A_122 = arith.constant 0 : i32
        %dma_start3A_123 = tpu.memref_slice %arg13[%dma_start3A_121, %dma_start3A_122] : memref<4x128xi32, #tpu.memory_space<vmem>> -> memref<1x128xi32, #tpu.memory_space<vmem>>
        %dma_start3A_124 = tpu.memref_squeeze %dma_start3A_123 : memref<1x128xi32, #tpu.memory_space<vmem>> -> memref<128xi32, #tpu.memory_space<vmem>>
        %dma_start3A_125 = arith.constant 0 : i32
        %dma_start3A_126 = arith.constant 0 : i32
        %dma_start3A_127 = tpu.memref_slice %arg10[%dma_start3A_125, %dma_start3A_126] : memref<10000x128xf32, #tpu.memory_space<vmem_shared>> -> memref<10000x128xf32, #tpu.memory_space<vmem_shared>>
        tpu.enqueue_indirect_dma source(%arg15 : memref<128x128xf32, #tpu.memory_space<vmem>>) target(%dma_start3A_127 : memref<10000x128xf32, #tpu.memory_space<vmem_shared>>) offsets(%dma_start3A_124 : memref<128xi32, #tpu.memory_space<vmem>>) semaphore(%arg20 : memref<!tpu.dma_semaphore, #tpu.memory_space<semaphore_mem>>) {add = true}
        %dma_start3A_128 = arith.constant 1 : i32
        %dma_start3A_129 = arith.constant 0 : i32
        %dma_start3A_130 = tpu.memref_slice %arg13[%dma_start3A_128, %dma_start3A_129] : memref<4x128xi32, #tpu.memory_space<vmem>> -> memref<1x128xi32, #tpu.memory_space<vmem>>
        %dma_start3A_131 = tpu.memref_squeeze %dma_start3A_130 : memref<1x128xi32, #tpu.memory_space<vmem>> -> memref<128xi32, #tpu.memory_space<vmem>>
        %dma_start3A_132 = arith.constant 0 : i32
        %dma_start3A_133 = arith.constant 0 : i32
        %dma_start3A_134 = tpu.memref_slice %arg11[%dma_start3A_132, %dma_start3A_133] : memref<10000x16xf32, #tpu.memory_space<vmem_shared>> -> memref<10000x16xf32, #tpu.memory_space<vmem_shared>>
        tpu.enqueue_indirect_dma source(%arg16 : memref<128x16xf32, #tpu.memory_space<vmem>>) target(%dma_start3A_134 : memref<10000x16xf32, #tpu.memory_space<vmem_shared>>) offsets(%dma_start3A_131 : memref<128xi32, #tpu.memory_space<vmem>>) semaphore(%arg20 : memref<!tpu.dma_semaphore, #tpu.memory_space<semaphore_mem>>) {add = true}
        %ge3A_135 = arith.constant 1 : i32
        %ge3A_136 = arith.cmpi sge, %add3A_84, %ge3A_135 : i32
        %convert_element_type3A_137 = arith.extui %ge3A_136 : i1 to i32
        %cond3A_138 = arith.constant 0 : i32
        %cond3A_139 = arith.cmpi ne, %convert_element_type3A_137, %cond3A_138 : i32
        scf.if %cond3A_139 {
          %dma_wait3A_154 = arith.constant 0 : i32
          %dma_wait3A_155 = arith.constant 0 : i32
          %dma_wait3A_156 = tpu.memref_slice %arg13[%dma_wait3A_154, %dma_wait3A_155] : memref<4x128xi32, #tpu.memory_space<vmem>> -> memref<1x128xi32, #tpu.memory_space<vmem>>
          %dma_wait3A_157 = tpu.memref_squeeze %dma_wait3A_156 : memref<1x128xi32, #tpu.memory_space<vmem>> -> memref<128xi32, #tpu.memory_space<vmem>>
          %dma_wait3A_158 = arith.constant 0 : i32
          %dma_wait3A_159 = arith.constant 0 : i32
          %dma_wait3A_160 = tpu.memref_slice %arg10[%dma_wait3A_158, %dma_wait3A_159] : memref<10000x128xf32, #tpu.memory_space<vmem_shared>> -> memref<10000x128xf32, #tpu.memory_space<vmem_shared>>
          tpu.wait_indirect_dma semaphore(%arg19 : memref<!tpu.dma_semaphore, #tpu.memory_space<semaphore_mem>>) src(%arg14 : memref<128x128xf32, #tpu.memory_space<vmem>>) dst(%dma_wait3A_160 : memref<10000x128xf32, #tpu.memory_space<vmem_shared>>)
          %dma_wait3A_161 = arith.constant 0 : i32
          %dma_wait3A_162 = arith.constant 0 : i32
          %dma_wait3A_163 = tpu.memref_slice %arg13[%dma_wait3A_161, %dma_wait3A_162] : memref<4x128xi32, #tpu.memory_space<vmem>> -> memref<1x128xi32, #tpu.memory_space<vmem>>
          %dma_wait3A_164 = tpu.memref_squeeze %dma_wait3A_163 : memref<1x128xi32, #tpu.memory_space<vmem>> -> memref<128xi32, #tpu.memory_space<vmem>>
          %dma_wait3A_165 = arith.constant 0 : i32
          %dma_wait3A_166 = arith.constant 0 : i32
          %dma_wait3A_167 = tpu.memref_slice %arg11[%dma_wait3A_165, %dma_wait3A_166] : memref<10000x16xf32, #tpu.memory_space<vmem_shared>> -> memref<10000x16xf32, #tpu.memory_space<vmem_shared>>
          tpu.wait_indirect_dma semaphore(%arg19 : memref<!tpu.dma_semaphore, #tpu.memory_space<semaphore_mem>>) src(%arg16 : memref<128x16xf32, #tpu.memory_space<vmem>>) dst(%dma_wait3A_167 : memref<10000x16xf32, #tpu.memory_space<vmem_shared>>)
        } else {
        }
        %add3A_140 = arith.constant 2 : i32
        %add3A_141 = arith.addi %add3A_84, %add3A_140 : i32
        %lt3A_142 = arith.cmpi slt, %add3A_141, %add3A_8 : i32
        %convert_element_type3A_143 = arith.extui %lt3A_142 : i1 to i32
        %cond3A_144 = arith.constant 0 : i32
        %cond3A_145 = arith.cmpi ne, %convert_element_type3A_143, %cond3A_144 : i32
        scf.if %cond3A_145 {
          %add3A_154 = arith.addi %add3A_4, %add3A_84 : i32
          %add3A_155 = arith.constant 2 : i32
          %add3A_156 = arith.addi %add3A_154, %add3A_155 : i32
          %dma_start3A_157 = arith.constant 3 : i32
          %dma_start3A_158 = arith.constant 0 : i32
          %dma_start3A_159 = tpu.memref_slice %arg12[%dma_start3A_157, %dma_start3A_158] : memref<4x128xi32, #tpu.memory_space<vmem>> -> memref<1x128xi32, #tpu.memory_space<vmem>>
          %dma_start3A_160 = tpu.memref_squeeze %dma_start3A_159 : memref<1x128xi32, #tpu.memory_space<vmem>> -> memref<128xi32, #tpu.memory_space<vmem>>
          %dma_start3A_161 = arith.constant 0 : i32
          %dma_start3A_162 = tpu.memref_slice %arg3[%add3A_156, %dma_start3A_161] : memref<2500x128xi32, #tpu.memory_space<hbm>> -> memref<1x128xi32, #tpu.memory_space<hbm>>
          %dma_start3A_163 = tpu.memref_squeeze %dma_start3A_162 : memref<1x128xi32, #tpu.memory_space<hbm>> -> memref<128xi32, #tpu.memory_space<hbm>>
          %dma_start3A_164 = arith.constant 0 : i32
          %dma_start3A_165 = tpu.memref_slice %arg12[%dma_start3A_157, %dma_start3A_164] : memref<4x128xi32, #tpu.memory_space<vmem>> -> memref<1x128xi32, #tpu.memory_space<vmem>>
          %dma_start3A_166 = tpu.memref_squeeze %dma_start3A_165 : memref<1x128xi32, #tpu.memory_space<vmem>> -> memref<128xi32, #tpu.memory_space<vmem>>
          %dma_start3A_167 = arith.constant 0 : i32
          %dma_start3A_168 = tpu.memref_slice %arg3[%add3A_156, %dma_start3A_167] : memref<2500x128xi32, #tpu.memory_space<hbm>> -> memref<1x128xi32, #tpu.memory_space<hbm>>
          %dma_start3A_169 = tpu.memref_squeeze %dma_start3A_168 : memref<1x128xi32, #tpu.memory_space<hbm>> -> memref<128xi32, #tpu.memory_space<hbm>>
          tpu.enqueue_dma source(%dma_start3A_169 : memref<128xi32, #tpu.memory_space<hbm>>) target(%dma_start3A_166 : memref<128xi32, #tpu.memory_space<vmem>>) target_semaphore(%arg22 : memref<!tpu.dma_semaphore, #tpu.memory_space<semaphore_mem>>)
          %dma_start3A_170 = arith.constant 3 : i32
          %dma_start3A_171 = arith.constant 0 : i32
          %dma_start3A_172 = tpu.memref_slice %arg13[%dma_start3A_170, %dma_start3A_171] : memref<4x128xi32, #tpu.memory_space<vmem>> -> memref<1x128xi32, #tpu.memory_space<vmem>>
          %dma_start3A_173 = tpu.memref_squeeze %dma_start3A_172 : memref<1x128xi32, #tpu.memory_space<vmem>> -> memref<128xi32, #tpu.memory_space<vmem>>
          %dma_start3A_174 = arith.constant 0 : i32
          %dma_start3A_175 = tpu.memref_slice %arg4[%add3A_156, %dma_start3A_174] : memref<2500x128xi32, #tpu.memory_space<hbm>> -> memref<1x128xi32, #tpu.memory_space<hbm>>
          %dma_start3A_176 = tpu.memref_squeeze %dma_start3A_175 : memref<1x128xi32, #tpu.memory_space<hbm>> -> memref<128xi32, #tpu.memory_space<hbm>>
          %dma_start3A_177 = arith.constant 0 : i32
          %dma_start3A_178 = tpu.memref_slice %arg13[%dma_start3A_170, %dma_start3A_177] : memref<4x128xi32, #tpu.memory_space<vmem>> -> memref<1x128xi32, #tpu.memory_space<vmem>>
          %dma_start3A_179 = tpu.memref_squeeze %dma_start3A_178 : memref<1x128xi32, #tpu.memory_space<vmem>> -> memref<128xi32, #tpu.memory_space<vmem>>
          %dma_start3A_180 = arith.constant 0 : i32
          %dma_start3A_181 = tpu.memref_slice %arg4[%add3A_156, %dma_start3A_180] : memref<2500x128xi32, #tpu.memory_space<hbm>> -> memref<1x128xi32, #tpu.memory_space<hbm>>
          %dma_start3A_182 = tpu.memref_squeeze %dma_start3A_181 : memref<1x128xi32, #tpu.memory_space<hbm>> -> memref<128xi32, #tpu.memory_space<hbm>>
          tpu.enqueue_dma source(%dma_start3A_182 : memref<128xi32, #tpu.memory_space<hbm>>) target(%dma_start3A_179 : memref<128xi32, #tpu.memory_space<vmem>>) target_semaphore(%arg22 : memref<!tpu.dma_semaphore, #tpu.memory_space<semaphore_mem>>)
        } else {
        }
        %add3A_146 = arith.constant 2 : i32
        %add3A_147 = arith.addi %add3A_84, %add3A_146 : i32
        %sub3A_148 = arith.constant 1 : i32
        %sub3A_149 = arith.subi %add3A_147, %sub3A_148 : i32
        %lt3A_150 = arith.cmpi slt, %sub3A_149, %add3A_8 : i32
        %convert_element_type3A_151 = arith.extui %lt3A_150 : i1 to i32
        %cond3A_152 = arith.constant 0 : i32
        %cond3A_153 = arith.cmpi ne, %convert_element_type3A_151, %cond3A_152 : i32
        scf.if %cond3A_153 {
          %dma_start3A_154 = arith.constant 2 : i32
          %dma_start3A_155 = arith.constant 0 : i32
          %dma_start3A_156 = tpu.memref_slice %arg12[%dma_start3A_154, %dma_start3A_155] : memref<4x128xi32, #tpu.memory_space<vmem>> -> memref<1x128xi32, #tpu.memory_space<vmem>>
          %dma_start3A_157 = tpu.memref_squeeze %dma_start3A_156 : memref<1x128xi32, #tpu.memory_space<vmem>> -> memref<128xi32, #tpu.memory_space<vmem>>
          %dma_start3A_158 = arith.constant 0 : i32
          %dma_start3A_159 = arith.constant 0 : i32
          %dma_start3A_160 = tpu.memref_slice %arg2[%dma_start3A_158, %dma_start3A_159] : memref<10000x128xf32, #tpu.memory_space<hbm>> -> memref<10000x128xf32, #tpu.memory_space<hbm>>
          tpu.enqueue_indirect_dma source(%dma_start3A_160 : memref<10000x128xf32, #tpu.memory_space<hbm>>) target(%arg14 : memref<128x128xf32, #tpu.memory_space<vmem>>) offsets(%dma_start3A_157 : memref<128xi32, #tpu.memory_space<vmem>>) semaphore(%arg17 : memref<!tpu.dma_semaphore, #tpu.memory_space<semaphore_mem>>)
        } else {
        }
      } else {
      }
      %mul3A_89 = arith.constant 4 : i32
      %mul3A_90 = arith.muli %scan3A_72, %mul3A_89 : i32
      %add3A_91 = arith.constant 2 : i32
      %add3A_92 = arith.addi %mul3A_90, %add3A_91 : i32
      %lt3A_93 = arith.cmpi slt, %add3A_92, %add3A_8 : i32
      %convert_element_type3A_94 = arith.extui %lt3A_93 : i1 to i32
      %cond3A_95 = arith.constant 0 : i32
      %cond3A_96 = arith.cmpi ne, %convert_element_type3A_94, %cond3A_95 : i32
      scf.if %cond3A_96 {
        %ge3A = arith.constant 1 : i32
        %ge3A_105 = arith.cmpi sge, %add3A_92, %ge3A : i32
        %add3A_106 = arith.constant 2 : i32
        %add3A_107 = arith.addi %add3A_92, %add3A_106 : i32
        %sub3A_108 = arith.constant 1 : i32
        %sub3A_109 = arith.subi %add3A_107, %sub3A_108 : i32
        %lt3A_110 = arith.cmpi slt, %sub3A_109, %add3A_8 : i32
        %and3A_111 = arith.andi %ge3A_105, %lt3A_110 : i1
        %convert_element_type3A_112 = arith.extui %and3A_111 : i1 to i32
        %cond3A_113 = arith.constant 0 : i32
        %cond3A_114 = arith.cmpi ne, %convert_element_type3A_112, %cond3A_113 : i32
        scf.if %cond3A_114 {
          %add3A_154 = arith.addi %add3A_4, %add3A_92 : i32
          %add3A_155 = arith.constant 2 : i32
          %add3A_156 = arith.addi %add3A_154, %add3A_155 : i32
          %sub3A_157 = arith.constant 1 : i32
          %sub3A_158 = arith.subi %add3A_156, %sub3A_157 : i32
          %dma_wait3A_159 = arith.constant 3 : i32
          %dma_wait3A_160 = arith.constant 0 : i32
          %dma_wait3A_161 = tpu.memref_slice %arg12[%dma_wait3A_159, %dma_wait3A_160] : memref<4x128xi32, #tpu.memory_space<vmem>> -> memref<1x128xi32, #tpu.memory_space<vmem>>
          %dma_wait3A_162 = tpu.memref_squeeze %dma_wait3A_161 : memref<1x128xi32, #tpu.memory_space<vmem>> -> memref<128xi32, #tpu.memory_space<vmem>>
          %dma_wait3A_163 = arith.constant 0 : i32
          %dma_wait3A_164 = tpu.memref_slice %arg3[%sub3A_158, %dma_wait3A_163] : memref<2500x128xi32, #tpu.memory_space<hbm>> -> memref<1x128xi32, #tpu.memory_space<hbm>>
          %dma_wait3A_165 = tpu.memref_squeeze %dma_wait3A_164 : memref<1x128xi32, #tpu.memory_space<hbm>> -> memref<128xi32, #tpu.memory_space<hbm>>
          %dma_wait3A_166 = arith.constant 0 : i32
          %dma_wait3A_167 = tpu.memref_slice %arg12[%dma_wait3A_159, %dma_wait3A_166] : memref<4x128xi32, #tpu.memory_space<vmem>> -> memref<1x128xi32, #tpu.memory_space<vmem>>
          %dma_wait3A_168 = tpu.memref_squeeze %dma_wait3A_167 : memref<1x128xi32, #tpu.memory_space<vmem>> -> memref<128xi32, #tpu.memory_space<vmem>>
          %dma_wait3A_169 = arith.constant 0 : i32
          %dma_wait3A_170 = tpu.memref_slice %arg3[%sub3A_158, %dma_wait3A_169] : memref<2500x128xi32, #tpu.memory_space<hbm>> -> memref<1x128xi32, #tpu.memory_space<hbm>>
          %dma_wait3A_171 = tpu.memref_squeeze %dma_wait3A_170 : memref<1x128xi32, #tpu.memory_space<hbm>> -> memref<128xi32, #tpu.memory_space<hbm>>
          tpu.wait_dma2 semaphore(%arg22 : memref<!tpu.dma_semaphore, #tpu.memory_space<semaphore_mem>>) src(%dma_wait3A_171 : memref<128xi32, #tpu.memory_space<hbm>>) dst(%dma_wait3A_168 : memref<128xi32, #tpu.memory_space<vmem>>)
          %dma_wait3A_172 = arith.constant 3 : i32
          %dma_wait3A_173 = arith.constant 0 : i32
          %dma_wait3A_174 = tpu.memref_slice %arg13[%dma_wait3A_172, %dma_wait3A_173] : memref<4x128xi32, #tpu.memory_space<vmem>> -> memref<1x128xi32, #tpu.memory_space<vmem>>
          %dma_wait3A_175 = tpu.memref_squeeze %dma_wait3A_174 : memref<1x128xi32, #tpu.memory_space<vmem>> -> memref<128xi32, #tpu.memory_space<vmem>>
          %dma_wait3A_176 = arith.constant 0 : i32
          %dma_wait3A_177 = tpu.memref_slice %arg4[%sub3A_158, %dma_wait3A_176] : memref<2500x128xi32, #tpu.memory_space<hbm>> -> memref<1x128xi32, #tpu.memory_space<hbm>>
          %dma_wait3A_178 = tpu.memref_squeeze %dma_wait3A_177 : memref<1x128xi32, #tpu.memory_space<hbm>> -> memref<128xi32, #tpu.memory_space<hbm>>
          %dma_wait3A_179 = arith.constant 0 : i32
          %dma_wait3A_180 = tpu.memref_slice %arg13[%dma_wait3A_172, %dma_wait3A_179] : memref<4x128xi32, #tpu.memory_space<vmem>> -> memref<1x128xi32, #tpu.memory_space<vmem>>
          %dma_wait3A_181 = tpu.memref_squeeze %dma_wait3A_180 : memref<1x128xi32, #tpu.memory_space<vmem>> -> memref<128xi32, #tpu.memory_space<vmem>>
          %dma_wait3A_182 = arith.constant 0 : i32
          %dma_wait3A_183 = tpu.memref_slice %arg4[%sub3A_158, %dma_wait3A_182] : memref<2500x128xi32, #tpu.memory_space<hbm>> -> memref<1x128xi32, #tpu.memory_space<hbm>>
          %dma_wait3A_184 = tpu.memref_squeeze %dma_wait3A_183 : memref<1x128xi32, #tpu.memory_space<hbm>> -> memref<128xi32, #tpu.memory_space<hbm>>
          tpu.wait_dma2 semaphore(%arg22 : memref<!tpu.dma_semaphore, #tpu.memory_space<semaphore_mem>>) src(%dma_wait3A_184 : memref<128xi32, #tpu.memory_space<hbm>>) dst(%dma_wait3A_181 : memref<128xi32, #tpu.memory_space<vmem>>)
        } else {
        }
        %dma_wait3A = arith.constant 2 : i32
        %dma_wait3A_115 = arith.constant 0 : i32
        %dma_wait3A_116 = tpu.memref_slice %arg12[%dma_wait3A, %dma_wait3A_115] : memref<4x128xi32, #tpu.memory_space<vmem>> -> memref<1x128xi32, #tpu.memory_space<vmem>>
        %dma_wait3A_117 = tpu.memref_squeeze %dma_wait3A_116 : memref<1x128xi32, #tpu.memory_space<vmem>> -> memref<128xi32, #tpu.memory_space<vmem>>
        %dma_wait3A_118 = arith.constant 0 : i32
        %dma_wait3A_119 = arith.constant 0 : i32
        %dma_wait3A_120 = tpu.memref_slice %arg2[%dma_wait3A_118, %dma_wait3A_119] : memref<10000x128xf32, #tpu.memory_space<hbm>> -> memref<10000x128xf32, #tpu.memory_space<hbm>>
        tpu.wait_indirect_dma semaphore(%arg17 : memref<!tpu.dma_semaphore, #tpu.memory_space<semaphore_mem>>) src(%dma_wait3A_120 : memref<10000x128xf32, #tpu.memory_space<hbm>>) dst(%arg14 : memref<128x128xf32, #tpu.memory_space<vmem>>)
        %dma_start3A_121 = arith.constant 2 : i32
        %dma_start3A_122 = arith.constant 0 : i32
        %dma_start3A_123 = tpu.memref_slice %arg13[%dma_start3A_121, %dma_start3A_122] : memref<4x128xi32, #tpu.memory_space<vmem>> -> memref<1x128xi32, #tpu.memory_space<vmem>>
        %dma_start3A_124 = tpu.memref_squeeze %dma_start3A_123 : memref<1x128xi32, #tpu.memory_space<vmem>> -> memref<128xi32, #tpu.memory_space<vmem>>
        %dma_start3A_125 = arith.constant 0 : i32
        %dma_start3A_126 = arith.constant 0 : i32
        %dma_start3A_127 = tpu.memref_slice %arg10[%dma_start3A_125, %dma_start3A_126] : memref<10000x128xf32, #tpu.memory_space<vmem_shared>> -> memref<10000x128xf32, #tpu.memory_space<vmem_shared>>
        tpu.enqueue_indirect_dma source(%arg14 : memref<128x128xf32, #tpu.memory_space<vmem>>) target(%dma_start3A_127 : memref<10000x128xf32, #tpu.memory_space<vmem_shared>>) offsets(%dma_start3A_124 : memref<128xi32, #tpu.memory_space<vmem>>) semaphore(%arg19 : memref<!tpu.dma_semaphore, #tpu.memory_space<semaphore_mem>>) {add = true}
        %dma_start3A_128 = arith.constant 2 : i32
        %dma_start3A_129 = arith.constant 0 : i32
        %dma_start3A_130 = tpu.memref_slice %arg13[%dma_start3A_128, %dma_start3A_129] : memref<4x128xi32, #tpu.memory_space<vmem>> -> memref<1x128xi32, #tpu.memory_space<vmem>>
        %dma_start3A_131 = tpu.memref_squeeze %dma_start3A_130 : memref<1x128xi32, #tpu.memory_space<vmem>> -> memref<128xi32, #tpu.memory_space<vmem>>
        %dma_start3A_132 = arith.constant 0 : i32
        %dma_start3A_133 = arith.constant 0 : i32
        %dma_start3A_134 = tpu.memref_slice %arg11[%dma_start3A_132, %dma_start3A_133] : memref<10000x16xf32, #tpu.memory_space<vmem_shared>> -> memref<10000x16xf32, #tpu.memory_space<vmem_shared>>
        tpu.enqueue_indirect_dma source(%arg16 : memref<128x16xf32, #tpu.memory_space<vmem>>) target(%dma_start3A_134 : memref<10000x16xf32, #tpu.memory_space<vmem_shared>>) offsets(%dma_start3A_131 : memref<128xi32, #tpu.memory_space<vmem>>) semaphore(%arg19 : memref<!tpu.dma_semaphore, #tpu.memory_space<semaphore_mem>>) {add = true}
        %ge3A_135 = arith.constant 1 : i32
        %ge3A_136 = arith.cmpi sge, %add3A_92, %ge3A_135 : i32
        %convert_element_type3A_137 = arith.extui %ge3A_136 : i1 to i32
        %cond3A_138 = arith.constant 0 : i32
        %cond3A_139 = arith.cmpi ne, %convert_element_type3A_137, %cond3A_138 : i32
        scf.if %cond3A_139 {
          %dma_wait3A_154 = arith.constant 1 : i32
          %dma_wait3A_155 = arith.constant 0 : i32
          %dma_wait3A_156 = tpu.memref_slice %arg13[%dma_wait3A_154, %dma_wait3A_155] : memref<4x128xi32, #tpu.memory_space<vmem>> -> memref<1x128xi32, #tpu.memory_space<vmem>>
          %dma_wait3A_157 = tpu.memref_squeeze %dma_wait3A_156 : memref<1x128xi32, #tpu.memory_space<vmem>> -> memref<128xi32, #tpu.memory_space<vmem>>
          %dma_wait3A_158 = arith.constant 0 : i32
          %dma_wait3A_159 = arith.constant 0 : i32
          %dma_wait3A_160 = tpu.memref_slice %arg10[%dma_wait3A_158, %dma_wait3A_159] : memref<10000x128xf32, #tpu.memory_space<vmem_shared>> -> memref<10000x128xf32, #tpu.memory_space<vmem_shared>>
          tpu.wait_indirect_dma semaphore(%arg20 : memref<!tpu.dma_semaphore, #tpu.memory_space<semaphore_mem>>) src(%arg15 : memref<128x128xf32, #tpu.memory_space<vmem>>) dst(%dma_wait3A_160 : memref<10000x128xf32, #tpu.memory_space<vmem_shared>>)
          %dma_wait3A_161 = arith.constant 1 : i32
          %dma_wait3A_162 = arith.constant 0 : i32
          %dma_wait3A_163 = tpu.memref_slice %arg13[%dma_wait3A_161, %dma_wait3A_162] : memref<4x128xi32, #tpu.memory_space<vmem>> -> memref<1x128xi32, #tpu.memory_space<vmem>>
          %dma_wait3A_164 = tpu.memref_squeeze %dma_wait3A_163 : memref<1x128xi32, #tpu.memory_space<vmem>> -> memref<128xi32, #tpu.memory_space<vmem>>
          %dma_wait3A_165 = arith.constant 0 : i32
          %dma_wait3A_166 = arith.constant 0 : i32
          %dma_wait3A_167 = tpu.memref_slice %arg11[%dma_wait3A_165, %dma_wait3A_166] : memref<10000x16xf32, #tpu.memory_space<vmem_shared>> -> memref<10000x16xf32, #tpu.memory_space<vmem_shared>>
          tpu.wait_indirect_dma semaphore(%arg20 : memref<!tpu.dma_semaphore, #tpu.memory_space<semaphore_mem>>) src(%arg16 : memref<128x16xf32, #tpu.memory_space<vmem>>) dst(%dma_wait3A_167 : memref<10000x16xf32, #tpu.memory_space<vmem_shared>>)
        } else {
        }
        %add3A_140 = arith.constant 2 : i32
        %add3A_141 = arith.addi %add3A_92, %add3A_140 : i32
        %lt3A_142 = arith.cmpi slt, %add3A_141, %add3A_8 : i32
        %convert_element_type3A_143 = arith.extui %lt3A_142 : i1 to i32
        %cond3A_144 = arith.constant 0 : i32
        %cond3A_145 = arith.cmpi ne, %convert_element_type3A_143, %cond3A_144 : i32
        scf.if %cond3A_145 {
          %add3A_154 = arith.addi %add3A_4, %add3A_92 : i32
          %add3A_155 = arith.constant 2 : i32
          %add3A_156 = arith.addi %add3A_154, %add3A_155 : i32
          %dma_start3A_157 = arith.constant 0 : i32
          %dma_start3A_158 = arith.constant 0 : i32
          %dma_start3A_159 = tpu.memref_slice %arg12[%dma_start3A_157, %dma_start3A_158] : memref<4x128xi32, #tpu.memory_space<vmem>> -> memref<1x128xi32, #tpu.memory_space<vmem>>
          %dma_start3A_160 = tpu.memref_squeeze %dma_start3A_159 : memref<1x128xi32, #tpu.memory_space<vmem>> -> memref<128xi32, #tpu.memory_space<vmem>>
          %dma_start3A_161 = arith.constant 0 : i32
          %dma_start3A_162 = tpu.memref_slice %arg3[%add3A_156, %dma_start3A_161] : memref<2500x128xi32, #tpu.memory_space<hbm>> -> memref<1x128xi32, #tpu.memory_space<hbm>>
          %dma_start3A_163 = tpu.memref_squeeze %dma_start3A_162 : memref<1x128xi32, #tpu.memory_space<hbm>> -> memref<128xi32, #tpu.memory_space<hbm>>
          %dma_start3A_164 = arith.constant 0 : i32
          %dma_start3A_165 = tpu.memref_slice %arg12[%dma_start3A_157, %dma_start3A_164] : memref<4x128xi32, #tpu.memory_space<vmem>> -> memref<1x128xi32, #tpu.memory_space<vmem>>
          %dma_start3A_166 = tpu.memref_squeeze %dma_start3A_165 : memref<1x128xi32, #tpu.memory_space<vmem>> -> memref<128xi32, #tpu.memory_space<vmem>>
          %dma_start3A_167 = arith.constant 0 : i32
          %dma_start3A_168 = tpu.memref_slice %arg3[%add3A_156, %dma_start3A_167] : memref<2500x128xi32, #tpu.memory_space<hbm>> -> memref<1x128xi32, #tpu.memory_space<hbm>>
          %dma_start3A_169 = tpu.memref_squeeze %dma_start3A_168 : memref<1x128xi32, #tpu.memory_space<hbm>> -> memref<128xi32, #tpu.memory_space<hbm>>
          tpu.enqueue_dma source(%dma_start3A_169 : memref<128xi32, #tpu.memory_space<hbm>>) target(%dma_start3A_166 : memref<128xi32, #tpu.memory_space<vmem>>) target_semaphore(%arg21 : memref<!tpu.dma_semaphore, #tpu.memory_space<semaphore_mem>>)
          %dma_start3A_170 = arith.constant 0 : i32
          %dma_start3A_171 = arith.constant 0 : i32
          %dma_start3A_172 = tpu.memref_slice %arg13[%dma_start3A_170, %dma_start3A_171] : memref<4x128xi32, #tpu.memory_space<vmem>> -> memref<1x128xi32, #tpu.memory_space<vmem>>
          %dma_start3A_173 = tpu.memref_squeeze %dma_start3A_172 : memref<1x128xi32, #tpu.memory_space<vmem>> -> memref<128xi32, #tpu.memory_space<vmem>>
          %dma_start3A_174 = arith.constant 0 : i32
          %dma_start3A_175 = tpu.memref_slice %arg4[%add3A_156, %dma_start3A_174] : memref<2500x128xi32, #tpu.memory_space<hbm>> -> memref<1x128xi32, #tpu.memory_space<hbm>>
          %dma_start3A_176 = tpu.memref_squeeze %dma_start3A_175 : memref<1x128xi32, #tpu.memory_space<hbm>> -> memref<128xi32, #tpu.memory_space<hbm>>
          %dma_start3A_177 = arith.constant 0 : i32
          %dma_start3A_178 = tpu.memref_slice %arg13[%dma_start3A_170, %dma_start3A_177] : memref<4x128xi32, #tpu.memory_space<vmem>> -> memref<1x128xi32, #tpu.memory_space<vmem>>
          %dma_start3A_179 = tpu.memref_squeeze %dma_start3A_178 : memref<1x128xi32, #tpu.memory_space<vmem>> -> memref<128xi32, #tpu.memory_space<vmem>>
          %dma_start3A_180 = arith.constant 0 : i32
          %dma_start3A_181 = tpu.memref_slice %arg4[%add3A_156, %dma_start3A_180] : memref<2500x128xi32, #tpu.memory_space<hbm>> -> memref<1x128xi32, #tpu.memory_space<hbm>>
          %dma_start3A_182 = tpu.memref_squeeze %dma_start3A_181 : memref<1x128xi32, #tpu.memory_space<hbm>> -> memref<128xi32, #tpu.memory_space<hbm>>
          tpu.enqueue_dma source(%dma_start3A_182 : memref<128xi32, #tpu.memory_space<hbm>>) target(%dma_start3A_179 : memref<128xi32, #tpu.memory_space<vmem>>) target_semaphore(%arg21 : memref<!tpu.dma_semaphore, #tpu.memory_space<semaphore_mem>>)
        } else {
        }
        %add3A_146 = arith.constant 2 : i32
        %add3A_147 = arith.addi %add3A_92, %add3A_146 : i32
        %sub3A_148 = arith.constant 1 : i32
        %sub3A_149 = arith.subi %add3A_147, %sub3A_148 : i32
        %lt3A_150 = arith.cmpi slt, %sub3A_149, %add3A_8 : i32
        %convert_element_type3A_151 = arith.extui %lt3A_150 : i1 to i32
        %cond3A_152 = arith.constant 0 : i32
        %cond3A_153 = arith.cmpi ne, %convert_element_type3A_151, %cond3A_152 : i32
        scf.if %cond3A_153 {
          %dma_start3A_154 = arith.constant 3 : i32
          %dma_start3A_155 = arith.constant 0 : i32
          %dma_start3A_156 = tpu.memref_slice %arg12[%dma_start3A_154, %dma_start3A_155] : memref<4x128xi32, #tpu.memory_space<vmem>> -> memref<1x128xi32, #tpu.memory_space<vmem>>
          %dma_start3A_157 = tpu.memref_squeeze %dma_start3A_156 : memref<1x128xi32, #tpu.memory_space<vmem>> -> memref<128xi32, #tpu.memory_space<vmem>>
          %dma_start3A_158 = arith.constant 0 : i32
          %dma_start3A_159 = arith.constant 0 : i32
          %dma_start3A_160 = tpu.memref_slice %arg2[%dma_start3A_158, %dma_start3A_159] : memref<10000x128xf32, #tpu.memory_space<hbm>> -> memref<10000x128xf32, #tpu.memory_space<hbm>>
          tpu.enqueue_indirect_dma source(%dma_start3A_160 : memref<10000x128xf32, #tpu.memory_space<hbm>>) target(%arg15 : memref<128x128xf32, #tpu.memory_space<vmem>>) offsets(%dma_start3A_157 : memref<128xi32, #tpu.memory_space<vmem>>) semaphore(%arg18 : memref<!tpu.dma_semaphore, #tpu.memory_space<semaphore_mem>>)
        } else {
        }
      } else {
      }
      %mul3A_97 = arith.constant 4 : i32
      %mul3A_98 = arith.muli %scan3A_72, %mul3A_97 : i32
      %add3A_99 = arith.constant 3 : i32
      %add3A_100 = arith.addi %mul3A_98, %add3A_99 : i32
      %lt3A_101 = arith.cmpi slt, %add3A_100, %add3A_8 : i32
      %convert_element_type3A_102 = arith.extui %lt3A_101 : i1 to i32
      %cond3A_103 = arith.constant 0 : i32
      %cond3A_104 = arith.cmpi ne, %convert_element_type3A_102, %cond3A_103 : i32
      scf.if %cond3A_104 {
        %ge3A = arith.constant 1 : i32
        %ge3A_105 = arith.cmpi sge, %add3A_100, %ge3A : i32
        %add3A_106 = arith.constant 2 : i32
        %add3A_107 = arith.addi %add3A_100, %add3A_106 : i32
        %sub3A_108 = arith.constant 1 : i32
        %sub3A_109 = arith.subi %add3A_107, %sub3A_108 : i32
        %lt3A_110 = arith.cmpi slt, %sub3A_109, %add3A_8 : i32
        %and3A_111 = arith.andi %ge3A_105, %lt3A_110 : i1
        %convert_element_type3A_112 = arith.extui %and3A_111 : i1 to i32
        %cond3A_113 = arith.constant 0 : i32
        %cond3A_114 = arith.cmpi ne, %convert_element_type3A_112, %cond3A_113 : i32
        scf.if %cond3A_114 {
          %add3A_154 = arith.addi %add3A_4, %add3A_100 : i32
          %add3A_155 = arith.constant 2 : i32
          %add3A_156 = arith.addi %add3A_154, %add3A_155 : i32
          %sub3A_157 = arith.constant 1 : i32
          %sub3A_158 = arith.subi %add3A_156, %sub3A_157 : i32
          %dma_wait3A_159 = arith.constant 0 : i32
          %dma_wait3A_160 = arith.constant 0 : i32
          %dma_wait3A_161 = tpu.memref_slice %arg12[%dma_wait3A_159, %dma_wait3A_160] : memref<4x128xi32, #tpu.memory_space<vmem>> -> memref<1x128xi32, #tpu.memory_space<vmem>>
          %dma_wait3A_162 = tpu.memref_squeeze %dma_wait3A_161 : memref<1x128xi32, #tpu.memory_space<vmem>> -> memref<128xi32, #tpu.memory_space<vmem>>
          %dma_wait3A_163 = arith.constant 0 : i32
          %dma_wait3A_164 = tpu.memref_slice %arg3[%sub3A_158, %dma_wait3A_163] : memref<2500x128xi32, #tpu.memory_space<hbm>> -> memref<1x128xi32, #tpu.memory_space<hbm>>
          %dma_wait3A_165 = tpu.memref_squeeze %dma_wait3A_164 : memref<1x128xi32, #tpu.memory_space<hbm>> -> memref<128xi32, #tpu.memory_space<hbm>>
          %dma_wait3A_166 = arith.constant 0 : i32
          %dma_wait3A_167 = tpu.memref_slice %arg12[%dma_wait3A_159, %dma_wait3A_166] : memref<4x128xi32, #tpu.memory_space<vmem>> -> memref<1x128xi32, #tpu.memory_space<vmem>>
          %dma_wait3A_168 = tpu.memref_squeeze %dma_wait3A_167 : memref<1x128xi32, #tpu.memory_space<vmem>> -> memref<128xi32, #tpu.memory_space<vmem>>
          %dma_wait3A_169 = arith.constant 0 : i32
          %dma_wait3A_170 = tpu.memref_slice %arg3[%sub3A_158, %dma_wait3A_169] : memref<2500x128xi32, #tpu.memory_space<hbm>> -> memref<1x128xi32, #tpu.memory_space<hbm>>
          %dma_wait3A_171 = tpu.memref_squeeze %dma_wait3A_170 : memref<1x128xi32, #tpu.memory_space<hbm>> -> memref<128xi32, #tpu.memory_space<hbm>>
          tpu.wait_dma2 semaphore(%arg21 : memref<!tpu.dma_semaphore, #tpu.memory_space<semaphore_mem>>) src(%dma_wait3A_171 : memref<128xi32, #tpu.memory_space<hbm>>) dst(%dma_wait3A_168 : memref<128xi32, #tpu.memory_space<vmem>>)
          %dma_wait3A_172 = arith.constant 0 : i32
          %dma_wait3A_173 = arith.constant 0 : i32
          %dma_wait3A_174 = tpu.memref_slice %arg13[%dma_wait3A_172, %dma_wait3A_173] : memref<4x128xi32, #tpu.memory_space<vmem>> -> memref<1x128xi32, #tpu.memory_space<vmem>>
          %dma_wait3A_175 = tpu.memref_squeeze %dma_wait3A_174 : memref<1x128xi32, #tpu.memory_space<vmem>> -> memref<128xi32, #tpu.memory_space<vmem>>
          %dma_wait3A_176 = arith.constant 0 : i32
          %dma_wait3A_177 = tpu.memref_slice %arg4[%sub3A_158, %dma_wait3A_176] : memref<2500x128xi32, #tpu.memory_space<hbm>> -> memref<1x128xi32, #tpu.memory_space<hbm>>
          %dma_wait3A_178 = tpu.memref_squeeze %dma_wait3A_177 : memref<1x128xi32, #tpu.memory_space<hbm>> -> memref<128xi32, #tpu.memory_space<hbm>>
          %dma_wait3A_179 = arith.constant 0 : i32
          %dma_wait3A_180 = tpu.memref_slice %arg13[%dma_wait3A_172, %dma_wait3A_179] : memref<4x128xi32, #tpu.memory_space<vmem>> -> memref<1x128xi32, #tpu.memory_space<vmem>>
          %dma_wait3A_181 = tpu.memref_squeeze %dma_wait3A_180 : memref<1x128xi32, #tpu.memory_space<vmem>> -> memref<128xi32, #tpu.memory_space<vmem>>
          %dma_wait3A_182 = arith.constant 0 : i32
          %dma_wait3A_183 = tpu.memref_slice %arg4[%sub3A_158, %dma_wait3A_182] : memref<2500x128xi32, #tpu.memory_space<hbm>> -> memref<1x128xi32, #tpu.memory_space<hbm>>
          %dma_wait3A_184 = tpu.memref_squeeze %dma_wait3A_183 : memref<1x128xi32, #tpu.memory_space<hbm>> -> memref<128xi32, #tpu.memory_space<hbm>>
          tpu.wait_dma2 semaphore(%arg21 : memref<!tpu.dma_semaphore, #tpu.memory_space<semaphore_mem>>) src(%dma_wait3A_184 : memref<128xi32, #tpu.memory_space<hbm>>) dst(%dma_wait3A_181 : memref<128xi32, #tpu.memory_space<vmem>>)
        } else {
        }
        %dma_wait3A = arith.constant 3 : i32
        %dma_wait3A_115 = arith.constant 0 : i32
        %dma_wait3A_116 = tpu.memref_slice %arg12[%dma_wait3A, %dma_wait3A_115] : memref<4x128xi32, #tpu.memory_space<vmem>> -> memref<1x128xi32, #tpu.memory_space<vmem>>
        %dma_wait3A_117 = tpu.memref_squeeze %dma_wait3A_116 : memref<1x128xi32, #tpu.memory_space<vmem>> -> memref<128xi32, #tpu.memory_space<vmem>>
        %dma_wait3A_118 = arith.constant 0 : i32
        %dma_wait3A_119 = arith.constant 0 : i32
        %dma_wait3A_120 = tpu.memref_slice %arg2[%dma_wait3A_118, %dma_wait3A_119] : memref<10000x128xf32, #tpu.memory_space<hbm>> -> memref<10000x128xf32, #tpu.memory_space<hbm>>
        tpu.wait_indirect_dma semaphore(%arg18 : memref<!tpu.dma_semaphore, #tpu.memory_space<semaphore_mem>>) src(%dma_wait3A_120 : memref<10000x128xf32, #tpu.memory_space<hbm>>) dst(%arg15 : memref<128x128xf32, #tpu.memory_space<vmem>>)
        %dma_start3A_121 = arith.constant 3 : i32
        %dma_start3A_122 = arith.constant 0 : i32
        %dma_start3A_123 = tpu.memref_slice %arg13[%dma_start3A_121, %dma_start3A_122] : memref<4x128xi32, #tpu.memory_space<vmem>> -> memref<1x128xi32, #tpu.memory_space<vmem>>
        %dma_start3A_124 = tpu.memref_squeeze %dma_start3A_123 : memref<1x128xi32, #tpu.memory_space<vmem>> -> memref<128xi32, #tpu.memory_space<vmem>>
        %dma_start3A_125 = arith.constant 0 : i32
        %dma_start3A_126 = arith.constant 0 : i32
        %dma_start3A_127 = tpu.memref_slice %arg10[%dma_start3A_125, %dma_start3A_126] : memref<10000x128xf32, #tpu.memory_space<vmem_shared>> -> memref<10000x128xf32, #tpu.memory_space<vmem_shared>>
        tpu.enqueue_indirect_dma source(%arg15 : memref<128x128xf32, #tpu.memory_space<vmem>>) target(%dma_start3A_127 : memref<10000x128xf32, #tpu.memory_space<vmem_shared>>) offsets(%dma_start3A_124 : memref<128xi32, #tpu.memory_space<vmem>>) semaphore(%arg20 : memref<!tpu.dma_semaphore, #tpu.memory_space<semaphore_mem>>) {add = true}
        %dma_start3A_128 = arith.constant 3 : i32
        %dma_start3A_129 = arith.constant 0 : i32
        %dma_start3A_130 = tpu.memref_slice %arg13[%dma_start3A_128, %dma_start3A_129] : memref<4x128xi32, #tpu.memory_space<vmem>> -> memref<1x128xi32, #tpu.memory_space<vmem>>
        %dma_start3A_131 = tpu.memref_squeeze %dma_start3A_130 : memref<1x128xi32, #tpu.memory_space<vmem>> -> memref<128xi32, #tpu.memory_space<vmem>>
        %dma_start3A_132 = arith.constant 0 : i32
        %dma_start3A_133 = arith.constant 0 : i32
        %dma_start3A_134 = tpu.memref_slice %arg11[%dma_start3A_132, %dma_start3A_133] : memref<10000x16xf32, #tpu.memory_space<vmem_shared>> -> memref<10000x16xf32, #tpu.memory_space<vmem_shared>>
        tpu.enqueue_indirect_dma source(%arg16 : memref<128x16xf32, #tpu.memory_space<vmem>>) target(%dma_start3A_134 : memref<10000x16xf32, #tpu.memory_space<vmem_shared>>) offsets(%dma_start3A_131 : memref<128xi32, #tpu.memory_space<vmem>>) semaphore(%arg20 : memref<!tpu.dma_semaphore, #tpu.memory_space<semaphore_mem>>) {add = true}
        %ge3A_135 = arith.constant 1 : i32
        %ge3A_136 = arith.cmpi sge, %add3A_100, %ge3A_135 : i32
        %convert_element_type3A_137 = arith.extui %ge3A_136 : i1 to i32
        %cond3A_138 = arith.constant 0 : i32
        %cond3A_139 = arith.cmpi ne, %convert_element_type3A_137, %cond3A_138 : i32
        scf.if %cond3A_139 {
          %dma_wait3A_154 = arith.constant 2 : i32
          %dma_wait3A_155 = arith.constant 0 : i32
          %dma_wait3A_156 = tpu.memref_slice %arg13[%dma_wait3A_154, %dma_wait3A_155] : memref<4x128xi32, #tpu.memory_space<vmem>> -> memref<1x128xi32, #tpu.memory_space<vmem>>
          %dma_wait3A_157 = tpu.memref_squeeze %dma_wait3A_156 : memref<1x128xi32, #tpu.memory_space<vmem>> -> memref<128xi32, #tpu.memory_space<vmem>>
          %dma_wait3A_158 = arith.constant 0 : i32
          %dma_wait3A_159 = arith.constant 0 : i32
          %dma_wait3A_160 = tpu.memref_slice %arg10[%dma_wait3A_158, %dma_wait3A_159] : memref<10000x128xf32, #tpu.memory_space<vmem_shared>> -> memref<10000x128xf32, #tpu.memory_space<vmem_shared>>
          tpu.wait_indirect_dma semaphore(%arg19 : memref<!tpu.dma_semaphore, #tpu.memory_space<semaphore_mem>>) src(%arg14 : memref<128x128xf32, #tpu.memory_space<vmem>>) dst(%dma_wait3A_160 : memref<10000x128xf32, #tpu.memory_space<vmem_shared>>)
          %dma_wait3A_161 = arith.constant 2 : i32
          %dma_wait3A_162 = arith.constant 0 : i32
          %dma_wait3A_163 = tpu.memref_slice %arg13[%dma_wait3A_161, %dma_wait3A_162] : memref<4x128xi32, #tpu.memory_space<vmem>> -> memref<1x128xi32, #tpu.memory_space<vmem>>
          %dma_wait3A_164 = tpu.memref_squeeze %dma_wait3A_163 : memref<1x128xi32, #tpu.memory_space<vmem>> -> memref<128xi32, #tpu.memory_space<vmem>>
          %dma_wait3A_165 = arith.constant 0 : i32
          %dma_wait3A_166 = arith.constant 0 : i32
          %dma_wait3A_167 = tpu.memref_slice %arg11[%dma_wait3A_165, %dma_wait3A_166] : memref<10000x16xf32, #tpu.memory_space<vmem_shared>> -> memref<10000x16xf32, #tpu.memory_space<vmem_shared>>
          tpu.wait_indirect_dma semaphore(%arg19 : memref<!tpu.dma_semaphore, #tpu.memory_space<semaphore_mem>>) src(%arg16 : memref<128x16xf32, #tpu.memory_space<vmem>>) dst(%dma_wait3A_167 : memref<10000x16xf32, #tpu.memory_space<vmem_shared>>)
        } else {
        }
        %add3A_140 = arith.constant 2 : i32
        %add3A_141 = arith.addi %add3A_100, %add3A_140 : i32
        %lt3A_142 = arith.cmpi slt, %add3A_141, %add3A_8 : i32
        %convert_element_type3A_143 = arith.extui %lt3A_142 : i1 to i32
        %cond3A_144 = arith.constant 0 : i32
        %cond3A_145 = arith.cmpi ne, %convert_element_type3A_143, %cond3A_144 : i32
        scf.if %cond3A_145 {
          %add3A_154 = arith.addi %add3A_4, %add3A_100 : i32
          %add3A_155 = arith.constant 2 : i32
          %add3A_156 = arith.addi %add3A_154, %add3A_155 : i32
          %dma_start3A_157 = arith.constant 1 : i32
          %dma_start3A_158 = arith.constant 0 : i32
          %dma_start3A_159 = tpu.memref_slice %arg12[%dma_start3A_157, %dma_start3A_158] : memref<4x128xi32, #tpu.memory_space<vmem>> -> memref<1x128xi32, #tpu.memory_space<vmem>>
          %dma_start3A_160 = tpu.memref_squeeze %dma_start3A_159 : memref<1x128xi32, #tpu.memory_space<vmem>> -> memref<128xi32, #tpu.memory_space<vmem>>
          %dma_start3A_161 = arith.constant 0 : i32
          %dma_start3A_162 = tpu.memref_slice %arg3[%add3A_156, %dma_start3A_161] : memref<2500x128xi32, #tpu.memory_space<hbm>> -> memref<1x128xi32, #tpu.memory_space<hbm>>
          %dma_start3A_163 = tpu.memref_squeeze %dma_start3A_162 : memref<1x128xi32, #tpu.memory_space<hbm>> -> memref<128xi32, #tpu.memory_space<hbm>>
          %dma_start3A_164 = arith.constant 0 : i32
          %dma_start3A_165 = tpu.memref_slice %arg12[%dma_start3A_157, %dma_start3A_164] : memref<4x128xi32, #tpu.memory_space<vmem>> -> memref<1x128xi32, #tpu.memory_space<vmem>>
          %dma_start3A_166 = tpu.memref_squeeze %dma_start3A_165 : memref<1x128xi32, #tpu.memory_space<vmem>> -> memref<128xi32, #tpu.memory_space<vmem>>
          %dma_start3A_167 = arith.constant 0 : i32
          %dma_start3A_168 = tpu.memref_slice %arg3[%add3A_156, %dma_start3A_167] : memref<2500x128xi32, #tpu.memory_space<hbm>> -> memref<1x128xi32, #tpu.memory_space<hbm>>
          %dma_start3A_169 = tpu.memref_squeeze %dma_start3A_168 : memref<1x128xi32, #tpu.memory_space<hbm>> -> memref<128xi32, #tpu.memory_space<hbm>>
          tpu.enqueue_dma source(%dma_start3A_169 : memref<128xi32, #tpu.memory_space<hbm>>) target(%dma_start3A_166 : memref<128xi32, #tpu.memory_space<vmem>>) target_semaphore(%arg22 : memref<!tpu.dma_semaphore, #tpu.memory_space<semaphore_mem>>)
          %dma_start3A_170 = arith.constant 1 : i32
          %dma_start3A_171 = arith.constant 0 : i32
          %dma_start3A_172 = tpu.memref_slice %arg13[%dma_start3A_170, %dma_start3A_171] : memref<4x128xi32, #tpu.memory_space<vmem>> -> memref<1x128xi32, #tpu.memory_space<vmem>>
          %dma_start3A_173 = tpu.memref_squeeze %dma_start3A_172 : memref<1x128xi32, #tpu.memory_space<vmem>> -> memref<128xi32, #tpu.memory_space<vmem>>
          %dma_start3A_174 = arith.constant 0 : i32
          %dma_start3A_175 = tpu.memref_slice %arg4[%add3A_156, %dma_start3A_174] : memref<2500x128xi32, #tpu.memory_space<hbm>> -> memref<1x128xi32, #tpu.memory_space<hbm>>
          %dma_start3A_176 = tpu.memref_squeeze %dma_start3A_175 : memref<1x128xi32, #tpu.memory_space<hbm>> -> memref<128xi32, #tpu.memory_space<hbm>>
          %dma_start3A_177 = arith.constant 0 : i32
          %dma_start3A_178 = tpu.memref_slice %arg13[%dma_start3A_170, %dma_start3A_177] : memref<4x128xi32, #tpu.memory_space<vmem>> -> memref<1x128xi32, #tpu.memory_space<vmem>>
          %dma_start3A_179 = tpu.memref_squeeze %dma_start3A_178 : memref<1x128xi32, #tpu.memory_space<vmem>> -> memref<128xi32, #tpu.memory_space<vmem>>
          %dma_start3A_180 = arith.constant 0 : i32
          %dma_start3A_181 = tpu.memref_slice %arg4[%add3A_156, %dma_start3A_180] : memref<2500x128xi32, #tpu.memory_space<hbm>> -> memref<1x128xi32, #tpu.memory_space<hbm>>
          %dma_start3A_182 = tpu.memref_squeeze %dma_start3A_181 : memref<1x128xi32, #tpu.memory_space<hbm>> -> memref<128xi32, #tpu.memory_space<hbm>>
          tpu.enqueue_dma source(%dma_start3A_182 : memref<128xi32, #tpu.memory_space<hbm>>) target(%dma_start3A_179 : memref<128xi32, #tpu.memory_space<vmem>>) target_semaphore(%arg22 : memref<!tpu.dma_semaphore, #tpu.memory_space<semaphore_mem>>)
        } else {
        }
        %add3A_146 = arith.constant 2 : i32
        %add3A_147 = arith.addi %add3A_100, %add3A_146 : i32
        %sub3A_148 = arith.constant 1 : i32
        %sub3A_149 = arith.subi %add3A_147, %sub3A_148 : i32
        %lt3A_150 = arith.cmpi slt, %sub3A_149, %add3A_8 : i32
        %convert_element_type3A_151 = arith.extui %lt3A_150 : i1 to i32
        %cond3A_152 = arith.constant 0 : i32
        %cond3A_153 = arith.cmpi ne, %convert_element_type3A_151, %cond3A_152 : i32
        scf.if %cond3A_153 {
          %dma_start3A_154 = arith.constant 0 : i32
          %dma_start3A_155 = arith.constant 0 : i32
          %dma_start3A_156 = tpu.memref_slice %arg12[%dma_start3A_154, %dma_start3A_155] : memref<4x128xi32, #tpu.memory_space<vmem>> -> memref<1x128xi32, #tpu.memory_space<vmem>>
          %dma_start3A_157 = tpu.memref_squeeze %dma_start3A_156 : memref<1x128xi32, #tpu.memory_space<vmem>> -> memref<128xi32, #tpu.memory_space<vmem>>
          %dma_start3A_158 = arith.constant 0 : i32
          %dma_start3A_159 = arith.constant 0 : i32
          %dma_start3A_160 = tpu.memref_slice %arg2[%dma_start3A_158, %dma_start3A_159] : memref<10000x128xf32, #tpu.memory_space<hbm>> -> memref<10000x128xf32, #tpu.memory_space<hbm>>
          tpu.enqueue_indirect_dma source(%dma_start3A_160 : memref<10000x128xf32, #tpu.memory_space<hbm>>) target(%arg14 : memref<128x128xf32, #tpu.memory_space<vmem>>) offsets(%dma_start3A_157 : memref<128xi32, #tpu.memory_space<vmem>>) semaphore(%arg17 : memref<!tpu.dma_semaphore, #tpu.memory_space<semaphore_mem>>)
        } else {
        }
      } else {
      }
    }
    %scan3A_23 = arith.constant 20 : i32
    %sub3A = arith.constant 1 : i32
    %sub3A_24 = arith.subi %add3A_8, %sub3A : i32
    %jit3A_25 = arith.constant 2 : i32
    %eq3A = arith.constant 0 : i32
    %eq3A_26 = arith.cmpi eq, %jit3A_25, %eq3A : i32
    %jit3A_27 = arith.constant 1 : i32
    %select_n3A_28 = arith.select %eq3A_26, %jit3A_27, %jit3A_25 : i32
    %rem3A = arith.remsi %sub3A_24, %select_n3A_28 : i32
    %ne3A = arith.constant 0 : i32
    %ne3A_29 = arith.cmpi ne, %rem3A, %ne3A : i32
    %lt3A_30 = arith.constant 0 : i32
    %lt3A_31 = arith.cmpi slt, %rem3A, %lt3A_30 : i32
    %lt3A_32 = arith.constant 0 : i32
    %lt3A_33 = arith.cmpi slt, %select_n3A_28, %lt3A_32 : i32
    %ne3A_34 = arith.xori %lt3A_31, %lt3A_33 : i1
    %and3A = arith.andi %ne3A_34, %ne3A_29 : i1
    %add3A_35 = arith.addi %rem3A, %select_n3A_28 : i32
    %select_n3A_36 = arith.select %and3A, %add3A_35, %rem3A : i32
    %eq3A_37 = arith.constant 0 : i32
    %eq3A_38 = arith.cmpi eq, %select_n3A_36, %eq3A_37 : i32
    %convert_element_type3A = arith.extui %eq3A_38 : i1 to i32
    %cond3A = arith.constant 0 : i32
    %cond3A_39 = arith.cmpi ne, %convert_element_type3A, %cond3A : i32
    scf.if %cond3A_39 {
      %sub3A_72 = arith.constant 1 : i32
      %sub3A_73 = arith.subi %add3A_8, %sub3A_72 : i32
      %jit3A_74 = arith.constant 4 : i32
      %eq3A_75 = arith.constant 0 : i32
      %eq3A_76 = arith.cmpi eq, %jit3A_74, %eq3A_75 : i32
      %jit3A_77 = arith.constant 1 : i32
      %select_n3A_78 = arith.select %eq3A_76, %jit3A_77, %jit3A_74 : i32
      %rem3A_79 = arith.remsi %sub3A_73, %select_n3A_78 : i32
      %ne3A_80 = arith.constant 0 : i32
      %ne3A_81 = arith.cmpi ne, %rem3A_79, %ne3A_80 : i32
      %lt3A_82 = arith.constant 0 : i32
      %lt3A_83 = arith.cmpi slt, %rem3A_79, %lt3A_82 : i32
      %lt3A_84 = arith.constant 0 : i32
      %lt3A_85 = arith.cmpi slt, %select_n3A_78, %lt3A_84 : i32
      %ne3A_86 = arith.xori %lt3A_83, %lt3A_85 : i1
      %and3A_87 = arith.andi %ne3A_86, %ne3A_81 : i1
      %add3A_88 = arith.addi %rem3A_79, %select_n3A_78 : i32
      %select_n3A_89 = arith.select %and3A_87, %add3A_88, %rem3A_79 : i32
      %dma_wait3A = arith.constant 0 : i32
      %dma_wait3A_90 = tpu.memref_slice %arg13[%select_n3A_89, %dma_wait3A] : memref<4x128xi32, #tpu.memory_space<vmem>> -> memref<1x128xi32, #tpu.memory_space<vmem>>
      %dma_wait3A_91 = tpu.memref_squeeze %dma_wait3A_90 : memref<1x128xi32, #tpu.memory_space<vmem>> -> memref<128xi32, #tpu.memory_space<vmem>>
      %dma_wait3A_92 = arith.constant 0 : i32
      %dma_wait3A_93 = arith.constant 0 : i32
      %dma_wait3A_94 = tpu.memref_slice %arg10[%dma_wait3A_92, %dma_wait3A_93] : memref<10000x128xf32, #tpu.memory_space<vmem_shared>> -> memref<10000x128xf32, #tpu.memory_space<vmem_shared>>
      tpu.wait_indirect_dma semaphore(%arg19 : memref<!tpu.dma_semaphore, #tpu.memory_space<semaphore_mem>>) src(%arg14 : memref<128x128xf32, #tpu.memory_space<vmem>>) dst(%dma_wait3A_94 : memref<10000x128xf32, #tpu.memory_space<vmem_shared>>)
      %dma_wait3A_95 = arith.constant 0 : i32
      %dma_wait3A_96 = tpu.memref_slice %arg13[%select_n3A_89, %dma_wait3A_95] : memref<4x128xi32, #tpu.memory_space<vmem>> -> memref<1x128xi32, #tpu.memory_space<vmem>>
      %dma_wait3A_97 = tpu.memref_squeeze %dma_wait3A_96 : memref<1x128xi32, #tpu.memory_space<vmem>> -> memref<128xi32, #tpu.memory_space<vmem>>
      %dma_wait3A_98 = arith.constant 0 : i32
      %dma_wait3A_99 = arith.constant 0 : i32
      %dma_wait3A_100 = tpu.memref_slice %arg11[%dma_wait3A_98, %dma_wait3A_99] : memref<10000x16xf32, #tpu.memory_space<vmem_shared>> -> memref<10000x16xf32, #tpu.memory_space<vmem_shared>>
      tpu.wait_indirect_dma semaphore(%arg19 : memref<!tpu.dma_semaphore, #tpu.memory_space<semaphore_mem>>) src(%arg16 : memref<128x16xf32, #tpu.memory_space<vmem>>) dst(%dma_wait3A_100 : memref<10000x16xf32, #tpu.memory_space<vmem_shared>>)
    } else {
    }
    %sub3A_40 = arith.constant 1 : i32
    %sub3A_41 = arith.subi %add3A_8, %sub3A_40 : i32
    %jit3A_42 = arith.constant 2 : i32
    %eq3A_43 = arith.constant 0 : i32
    %eq3A_44 = arith.cmpi eq, %jit3A_42, %eq3A_43 : i32
    %jit3A_45 = arith.constant 1 : i32
    %select_n3A_46 = arith.select %eq3A_44, %jit3A_45, %jit3A_42 : i32
    %rem3A_47 = arith.remsi %sub3A_41, %select_n3A_46 : i32
    %ne3A_48 = arith.constant 0 : i32
    %ne3A_49 = arith.cmpi ne, %rem3A_47, %ne3A_48 : i32
    %lt3A_50 = arith.constant 0 : i32
    %lt3A_51 = arith.cmpi slt, %rem3A_47, %lt3A_50 : i32
    %lt3A_52 = arith.constant 0 : i32
    %lt3A_53 = arith.cmpi slt, %select_n3A_46, %lt3A_52 : i32
    %ne3A_54 = arith.xori %lt3A_51, %lt3A_53 : i1
    %and3A_55 = arith.andi %ne3A_54, %ne3A_49 : i1
    %add3A_56 = arith.addi %rem3A_47, %select_n3A_46 : i32
    %select_n3A_57 = arith.select %and3A_55, %add3A_56, %rem3A_47 : i32
    %eq3A_58 = arith.constant 1 : i32
    %eq3A_59 = arith.cmpi eq, %select_n3A_57, %eq3A_58 : i32
    %convert_element_type3A_60 = arith.extui %eq3A_59 : i1 to i32
    %cond3A_61 = arith.constant 0 : i32
    %cond3A_62 = arith.cmpi ne, %convert_element_type3A_60, %cond3A_61 : i32
    scf.if %cond3A_62 {
      %sub3A_72 = arith.constant 1 : i32
      %sub3A_73 = arith.subi %add3A_8, %sub3A_72 : i32
      %jit3A_74 = arith.constant 4 : i32
      %eq3A_75 = arith.constant 0 : i32
      %eq3A_76 = arith.cmpi eq, %jit3A_74, %eq3A_75 : i32
      %jit3A_77 = arith.constant 1 : i32
      %select_n3A_78 = arith.select %eq3A_76, %jit3A_77, %jit3A_74 : i32
      %rem3A_79 = arith.remsi %sub3A_73, %select_n3A_78 : i32
      %ne3A_80 = arith.constant 0 : i32
      %ne3A_81 = arith.cmpi ne, %rem3A_79, %ne3A_80 : i32
      %lt3A_82 = arith.constant 0 : i32
      %lt3A_83 = arith.cmpi slt, %rem3A_79, %lt3A_82 : i32
      %lt3A_84 = arith.constant 0 : i32
      %lt3A_85 = arith.cmpi slt, %select_n3A_78, %lt3A_84 : i32
      %ne3A_86 = arith.xori %lt3A_83, %lt3A_85 : i1
      %and3A_87 = arith.andi %ne3A_86, %ne3A_81 : i1
      %add3A_88 = arith.addi %rem3A_79, %select_n3A_78 : i32
      %select_n3A_89 = arith.select %and3A_87, %add3A_88, %rem3A_79 : i32
      %dma_wait3A = arith.constant 0 : i32
      %dma_wait3A_90 = tpu.memref_slice %arg13[%select_n3A_89, %dma_wait3A] : memref<4x128xi32, #tpu.memory_space<vmem>> -> memref<1x128xi32, #tpu.memory_space<vmem>>
      %dma_wait3A_91 = tpu.memref_squeeze %dma_wait3A_90 : memref<1x128xi32, #tpu.memory_space<vmem>> -> memref<128xi32, #tpu.memory_space<vmem>>
      %dma_wait3A_92 = arith.constant 0 : i32
      %dma_wait3A_93 = arith.constant 0 : i32
      %dma_wait3A_94 = tpu.memref_slice %arg10[%dma_wait3A_92, %dma_wait3A_93] : memref<10000x128xf32, #tpu.memory_space<vmem_shared>> -> memref<10000x128xf32, #tpu.memory_space<vmem_shared>>
      tpu.wait_indirect_dma semaphore(%arg20 : memref<!tpu.dma_semaphore, #tpu.memory_space<semaphore_mem>>) src(%arg15 : memref<128x128xf32, #tpu.memory_space<vmem>>) dst(%dma_wait3A_94 : memref<10000x128xf32, #tpu.memory_space<vmem_shared>>)
      %dma_wait3A_95 = arith.constant 0 : i32
      %dma_wait3A_96 = tpu.memref_slice %arg13[%select_n3A_89, %dma_wait3A_95] : memref<4x128xi32, #tpu.memory_space<vmem>> -> memref<1x128xi32, #tpu.memory_space<vmem>>
      %dma_wait3A_97 = tpu.memref_squeeze %dma_wait3A_96 : memref<1x128xi32, #tpu.memory_space<vmem>> -> memref<128xi32, #tpu.memory_space<vmem>>
      %dma_wait3A_98 = arith.constant 0 : i32
      %dma_wait3A_99 = arith.constant 0 : i32
      %dma_wait3A_100 = tpu.memref_slice %arg11[%dma_wait3A_98, %dma_wait3A_99] : memref<10000x16xf32, #tpu.memory_space<vmem_shared>> -> memref<10000x16xf32, #tpu.memory_space<vmem_shared>>
      tpu.wait_indirect_dma semaphore(%arg20 : memref<!tpu.dma_semaphore, #tpu.memory_space<semaphore_mem>>) src(%arg16 : memref<128x16xf32, #tpu.memory_space<vmem>>) dst(%dma_wait3A_100 : memref<10000x16xf32, #tpu.memory_space<vmem_shared>>)
    } else {
    }
    %barrier3A_63 = arith.constant 0 : index
    tpu.barrier barrier_id(%barrier3A_63)
    %mul3A_64 = arith.constant 625 : i32
    %mul3A_65 = arith.muli %arg1, %mul3A_64 : i32
    %mul3A_66 = arith.constant 625 : i32
    %mul3A_67 = arith.muli %arg1, %mul3A_66 : i32
    "tpu.region"() ({
      %run_scoped3A = tpu.sem_alloc : memref<!tpu.dma_semaphore, #tpu.memory_space<semaphore_mem>>
      %dma_start3A_72 = arith.constant 0 : i32
      %dma_start3A_73 = arith.constant 0 : i32
      %dma_start3A_74 = tpu.memref_slice %arg8[%arg0, %dma_start3A_72, %dma_start3A_73] : memref<2x10000x128xf32, #tpu.memory_space<hbm>> -> memref<1x10000x128xf32, #tpu.memory_space<hbm>>
      %dma_start3A_75 = tpu.memref_squeeze %dma_start3A_74 : memref<1x10000x128xf32, #tpu.memory_space<hbm>> -> memref<10000x128xf32, #tpu.memory_space<hbm>>
      %dma_start3A_76 = arith.constant 0 : i32
      %dma_start3A_77 = tpu.memref_slice %dma_start3A_75[%mul3A_67, %dma_start3A_76] : memref<10000x128xf32, #tpu.memory_space<hbm>> -> memref<625x128xf32, #tpu.memory_space<hbm>>
      %dma_start3A_78 = arith.constant 0 : i32
      %dma_start3A_79 = tpu.memref_slice %arg10[%mul3A_65, %dma_start3A_78] : memref<10000x128xf32, #tpu.memory_space<vmem_shared>> -> memref<625x128xf32, #tpu.memory_space<vmem_shared>>
      tpu.enqueue_dma source(%dma_start3A_79 : memref<625x128xf32, #tpu.memory_space<vmem_shared>>) target(%dma_start3A_77 : memref<625x128xf32, #tpu.memory_space<hbm>>) target_semaphore(%run_scoped3A : memref<!tpu.dma_semaphore, #tpu.memory_space<semaphore_mem>>)
      %dma_wait3A = arith.constant 0 : i32
      %dma_wait3A_80 = arith.constant 0 : i32
      %dma_wait3A_81 = tpu.memref_slice %arg8[%arg0, %dma_wait3A, %dma_wait3A_80] : memref<2x10000x128xf32, #tpu.memory_space<hbm>> -> memref<1x10000x128xf32, #tpu.memory_space<hbm>>
      %dma_wait3A_82 = tpu.memref_squeeze %dma_wait3A_81 : memref<1x10000x128xf32, #tpu.memory_space<hbm>> -> memref<10000x128xf32, #tpu.memory_space<hbm>>
      %dma_wait3A_83 = arith.constant 0 : i32
      %dma_wait3A_84 = tpu.memref_slice %dma_wait3A_82[%mul3A_67, %dma_wait3A_83] : memref<10000x128xf32, #tpu.memory_space<hbm>> -> memref<625x128xf32, #tpu.memory_space<hbm>>
      %dma_wait3A_85 = arith.constant 0 : i32
      %dma_wait3A_86 = tpu.memref_slice %arg10[%mul3A_65, %dma_wait3A_85] : memref<10000x128xf32, #tpu.memory_space<vmem_shared>> -> memref<625x128xf32, #tpu.memory_space<vmem_shared>>
      tpu.wait_dma2 semaphore(%run_scoped3A : memref<!tpu.dma_semaphore, #tpu.memory_space<semaphore_mem>>) src(%dma_wait3A_86 : memref<625x128xf32, #tpu.memory_space<vmem_shared>>) dst(%dma_wait3A_84 : memref<625x128xf32, #tpu.memory_space<hbm>>)
      tpu.yield
    }) : () -> ()
    %mul3A_68 = arith.constant 625 : i32
    %mul3A_69 = arith.muli %arg1, %mul3A_68 : i32
    %mul3A_70 = arith.constant 625 : i32
    %mul3A_71 = arith.muli %arg1, %mul3A_70 : i32
    "tpu.region"() ({
      %run_scoped3A = tpu.sem_alloc : memref<!tpu.dma_semaphore, #tpu.memory_space<semaphore_mem>>
      %dma_start3A_72 = arith.constant 0 : i32
      %dma_start3A_73 = arith.constant 0 : i32
      %dma_start3A_74 = tpu.memref_slice %arg9[%arg0, %dma_start3A_72, %dma_start3A_73] : memref<2x10000x16xf32, #tpu.memory_space<hbm>> -> memref<1x10000x16xf32, #tpu.memory_space<hbm>>
      %dma_start3A_75 = tpu.memref_squeeze %dma_start3A_74 : memref<1x10000x16xf32, #tpu.memory_space<hbm>> -> memref<10000x16xf32, #tpu.memory_space<hbm>>
      %dma_start3A_76 = arith.constant 0 : i32
      %dma_start3A_77 = tpu.memref_slice %dma_start3A_75[%mul3A_71, %dma_start3A_76] : memref<10000x16xf32, #tpu.memory_space<hbm>> -> memref<625x16xf32, #tpu.memory_space<hbm>>
      %dma_start3A_78 = arith.constant 0 : i32
      %dma_start3A_79 = tpu.memref_slice %arg11[%mul3A_69, %dma_start3A_78] : memref<10000x16xf32, #tpu.memory_space<vmem_shared>> -> memref<625x16xf32, #tpu.memory_space<vmem_shared>>
      tpu.enqueue_dma source(%dma_start3A_79 : memref<625x16xf32, #tpu.memory_space<vmem_shared>>) target(%dma_start3A_77 : memref<625x16xf32, #tpu.memory_space<hbm>>) target_semaphore(%run_scoped3A : memref<!tpu.dma_semaphore, #tpu.memory_space<semaphore_mem>>)
      %dma_wait3A = arith.constant 0 : i32
      %dma_wait3A_80 = arith.constant 0 : i32
      %dma_wait3A_81 = tpu.memref_slice %arg9[%arg0, %dma_wait3A, %dma_wait3A_80] : memref<2x10000x16xf32, #tpu.memory_space<hbm>> -> memref<1x10000x16xf32, #tpu.memory_space<hbm>>
      %dma_wait3A_82 = tpu.memref_squeeze %dma_wait3A_81 : memref<1x10000x16xf32, #tpu.memory_space<hbm>> -> memref<10000x16xf32, #tpu.memory_space<hbm>>
      %dma_wait3A_83 = arith.constant 0 : i32
      %dma_wait3A_84 = tpu.memref_slice %dma_wait3A_82[%mul3A_71, %dma_wait3A_83] : memref<10000x16xf32, #tpu.memory_space<hbm>> -> memref<625x16xf32, #tpu.memory_space<hbm>>
      %dma_wait3A_85 = arith.constant 0 : i32
      %dma_wait3A_86 = tpu.memref_slice %arg11[%mul3A_69, %dma_wait3A_85] : memref<10000x16xf32, #tpu.memory_space<vmem_shared>> -> memref<625x16xf32, #tpu.memory_space<vmem_shared>>
      tpu.wait_dma2 semaphore(%run_scoped3A : memref<!tpu.dma_semaphore, #tpu.memory_space<semaphore_mem>>) src(%dma_wait3A_86 : memref<625x16xf32, #tpu.memory_space<vmem_shared>>) dst(%dma_wait3A_84 : memref<625x16xf32, #tpu.memory_space<hbm>>)
      tpu.yield
    }) : () -> ()
    return
  }
}

#map = affine_map<(d0, d1) -> (0, 0)>
#map1 = affine_map<(d0, d1) -> (0, 0, 0)>
module attributes {stable_mosaic.version = 14 : i64} {
  func.func @body(%arg0: i32, %arg1: i32, %arg2: memref<10000x128xf32, #tpu.memory_space<hbm>>, %arg3: memref<2500x128xi32, #tpu.memory_space<hbm>>, %arg4: memref<2500x128xi32, #tpu.memory_space<hbm>>, %arg5: memref<625x128xf32, #tpu.memory_space<hbm>>, %arg6: memref<625x16xf32, #tpu.memory_space<hbm>>, %arg7: memref<128x16xf32, #tpu.memory_space<hbm>>, %arg8: memref<2x10000x128xf32, #tpu.memory_space<hbm>>, %arg9: memref<10000x128xf32, #tpu.memory_space<vmem_shared>>, %arg10: memref<10000x16xf32, #tpu.memory_space<vmem_shared>>, %arg11: memref<6x128xi32, #tpu.memory_space<vmem>>, %arg12: memref<6x128xi32, #tpu.memory_space<vmem>>, %arg13: memref<128x128xf32, #tpu.memory_space<vmem>>, %arg14: memref<128x128xf32, #tpu.memory_space<vmem>>, %arg15: memref<128x128xf32, #tpu.memory_space<vmem>>, %arg16: memref<128x16xf32, #tpu.memory_space<vmem>>, %arg17: memref<!tpu.dma_semaphore, #tpu.memory_space<semaphore_mem>>, %arg18: memref<!tpu.dma_semaphore, #tpu.memory_space<semaphore_mem>>, %arg19: memref<!tpu.dma_semaphore, #tpu.memory_space<semaphore_mem>>, %arg20: memref<!tpu.dma_semaphore, #tpu.memory_space<semaphore_mem>>, %arg21: memref<!tpu.dma_semaphore, #tpu.memory_space<semaphore_mem>>, %arg22: memref<!tpu.dma_semaphore, #tpu.memory_space<semaphore_mem>>, %arg23: memref<!tpu.dma_semaphore, #tpu.memory_space<semaphore_mem>>, %arg24: memref<!tpu.dma_semaphore, #tpu.memory_space<semaphore_mem>>) attributes {dimension_semantics = [#tpu.dimension_semantics<core_parallel>, #tpu.dimension_semantics<subcore_parallel>], iteration_bounds = array<i64: 2, 16>, scalar_prefetch = 0 : i64, scratch_operands = 16 : i64, tpu.core_type = #tpu.core_type<sc_vector_subcore>, window_params = [{transform_indices = #map}, {transform_indices = #map}, {transform_indices = #map}, {transform_indices = #map}, {transform_indices = #map}, {transform_indices = #map}, {transform_indices = #map1}]} {
    %mul3A = arith.constant 2 : i32
    %mul3A_0 = arith.muli %arg1, %mul3A : i32
    %add3A = arith.addi %mul3A_0, %arg0 : i32
    %mul3A_1 = arith.constant 78 : i32
    %mul3A_2 = arith.muli %add3A, %mul3A_1 : i32
    %min3A = arith.constant 4 : i32
    %min3A_3 = arith.minsi %add3A, %min3A : i32
    %add3A_4 = arith.addi %mul3A_2, %min3A_3 : i32
    %lt3A = arith.constant 4 : i32
    %lt3A_5 = arith.cmpi slt, %add3A, %lt3A : i32
    %jit3A = arith.constant 1 : i32
    %jit3A_6 = arith.constant 0 : i32
    %select_n3A = arith.select %lt3A_5, %jit3A, %jit3A_6 : i32
    %add3A_7 = arith.constant 78 : i32
    %add3A_8 = arith.addi %add3A_7, %select_n3A : i32
    %mul3A_9 = arith.constant 625 : i32
    %mul3A_10 = arith.muli %arg1, %mul3A_9 : i32
    "tpu.region"() ({
      %run_scoped3A = tpu.sem_alloc : memref<!tpu.dma_semaphore, #tpu.memory_space<semaphore_mem>>
      %dma_start3A_96 = arith.constant 0 : i32
      %dma_start3A_97 = tpu.memref_slice %arg9[%mul3A_10, %dma_start3A_96] : memref<10000x128xf32, #tpu.memory_space<vmem_shared>> -> memref<625x128xf32, #tpu.memory_space<vmem_shared>>
      tpu.enqueue_dma source(%arg5 : memref<625x128xf32, #tpu.memory_space<hbm>>) target(%dma_start3A_97 : memref<625x128xf32, #tpu.memory_space<vmem_shared>>) target_semaphore(%run_scoped3A : memref<!tpu.dma_semaphore, #tpu.memory_space<semaphore_mem>>)
      %dma_wait3A = arith.constant 0 : i32
      %dma_wait3A_98 = tpu.memref_slice %arg9[%mul3A_10, %dma_wait3A] : memref<10000x128xf32, #tpu.memory_space<vmem_shared>> -> memref<625x128xf32, #tpu.memory_space<vmem_shared>>
      tpu.wait_dma2 semaphore(%run_scoped3A : memref<!tpu.dma_semaphore, #tpu.memory_space<semaphore_mem>>) src(%arg5 : memref<625x128xf32, #tpu.memory_space<hbm>>) dst(%dma_wait3A_98 : memref<625x128xf32, #tpu.memory_space<vmem_shared>>)
      tpu.yield
    }) : () -> ()
    "tpu.region"() ({
      %run_scoped3A = tpu.sem_alloc : memref<!tpu.dma_semaphore, #tpu.memory_space<semaphore_mem>>
      %dma_start3A_96 = arith.constant 0 : i32
      %dma_start3A_97 = arith.constant 0 : i32
      %dma_start3A_98 = tpu.memref_slice %arg11[%dma_start3A_96, %dma_start3A_97] : memref<6x128xi32, #tpu.memory_space<vmem>> -> memref<3x128xi32, #tpu.memory_space<vmem>>
      %dma_start3A_99 = arith.constant 0 : i32
      %dma_start3A_100 = tpu.memref_slice %arg3[%add3A_4, %dma_start3A_99] : memref<2500x128xi32, #tpu.memory_space<hbm>> -> memref<3x128xi32, #tpu.memory_space<hbm>>
      %dma_start3A_101 = arith.constant 0 : i32
      %dma_start3A_102 = arith.constant 0 : i32
      %dma_start3A_103 = tpu.memref_slice %arg11[%dma_start3A_101, %dma_start3A_102] : memref<6x128xi32, #tpu.memory_space<vmem>> -> memref<3x128xi32, #tpu.memory_space<vmem>>
      %dma_start3A_104 = arith.constant 0 : i32
      %dma_start3A_105 = tpu.memref_slice %arg3[%add3A_4, %dma_start3A_104] : memref<2500x128xi32, #tpu.memory_space<hbm>> -> memref<3x128xi32, #tpu.memory_space<hbm>>
      tpu.enqueue_dma source(%dma_start3A_105 : memref<3x128xi32, #tpu.memory_space<hbm>>) target(%dma_start3A_103 : memref<3x128xi32, #tpu.memory_space<vmem>>) target_semaphore(%run_scoped3A : memref<!tpu.dma_semaphore, #tpu.memory_space<semaphore_mem>>)
      %dma_wait3A = arith.constant 0 : i32
      %dma_wait3A_106 = arith.constant 0 : i32
      %dma_wait3A_107 = tpu.memref_slice %arg11[%dma_wait3A, %dma_wait3A_106] : memref<6x128xi32, #tpu.memory_space<vmem>> -> memref<3x128xi32, #tpu.memory_space<vmem>>
      %dma_wait3A_108 = arith.constant 0 : i32
      %dma_wait3A_109 = tpu.memref_slice %arg3[%add3A_4, %dma_wait3A_108] : memref<2500x128xi32, #tpu.memory_space<hbm>> -> memref<3x128xi32, #tpu.memory_space<hbm>>
      %dma_wait3A_110 = arith.constant 0 : i32
      %dma_wait3A_111 = arith.constant 0 : i32
      %dma_wait3A_112 = tpu.memref_slice %arg11[%dma_wait3A_110, %dma_wait3A_111] : memref<6x128xi32, #tpu.memory_space<vmem>> -> memref<3x128xi32, #tpu.memory_space<vmem>>
      %dma_wait3A_113 = arith.constant 0 : i32
      %dma_wait3A_114 = tpu.memref_slice %arg3[%add3A_4, %dma_wait3A_113] : memref<2500x128xi32, #tpu.memory_space<hbm>> -> memref<3x128xi32, #tpu.memory_space<hbm>>
      tpu.wait_dma2 semaphore(%run_scoped3A : memref<!tpu.dma_semaphore, #tpu.memory_space<semaphore_mem>>) src(%dma_wait3A_114 : memref<3x128xi32, #tpu.memory_space<hbm>>) dst(%dma_wait3A_112 : memref<3x128xi32, #tpu.memory_space<vmem>>)
      tpu.yield
    }) : () -> ()
    "tpu.region"() ({
      %run_scoped3A = tpu.sem_alloc : memref<!tpu.dma_semaphore, #tpu.memory_space<semaphore_mem>>
      %dma_start3A_96 = arith.constant 0 : i32
      %dma_start3A_97 = arith.constant 0 : i32
      %dma_start3A_98 = tpu.memref_slice %arg12[%dma_start3A_96, %dma_start3A_97] : memref<6x128xi32, #tpu.memory_space<vmem>> -> memref<3x128xi32, #tpu.memory_space<vmem>>
      %dma_start3A_99 = arith.constant 0 : i32
      %dma_start3A_100 = tpu.memref_slice %arg4[%add3A_4, %dma_start3A_99] : memref<2500x128xi32, #tpu.memory_space<hbm>> -> memref<3x128xi32, #tpu.memory_space<hbm>>
      %dma_start3A_101 = arith.constant 0 : i32
      %dma_start3A_102 = arith.constant 0 : i32
      %dma_start3A_103 = tpu.memref_slice %arg12[%dma_start3A_101, %dma_start3A_102] : memref<6x128xi32, #tpu.memory_space<vmem>> -> memref<3x128xi32, #tpu.memory_space<vmem>>
      %dma_start3A_104 = arith.constant 0 : i32
      %dma_start3A_105 = tpu.memref_slice %arg4[%add3A_4, %dma_start3A_104] : memref<2500x128xi32, #tpu.memory_space<hbm>> -> memref<3x128xi32, #tpu.memory_space<hbm>>
      tpu.enqueue_dma source(%dma_start3A_105 : memref<3x128xi32, #tpu.memory_space<hbm>>) target(%dma_start3A_103 : memref<3x128xi32, #tpu.memory_space<vmem>>) target_semaphore(%run_scoped3A : memref<!tpu.dma_semaphore, #tpu.memory_space<semaphore_mem>>)
      %dma_wait3A = arith.constant 0 : i32
      %dma_wait3A_106 = arith.constant 0 : i32
      %dma_wait3A_107 = tpu.memref_slice %arg12[%dma_wait3A, %dma_wait3A_106] : memref<6x128xi32, #tpu.memory_space<vmem>> -> memref<3x128xi32, #tpu.memory_space<vmem>>
      %dma_wait3A_108 = arith.constant 0 : i32
      %dma_wait3A_109 = tpu.memref_slice %arg4[%add3A_4, %dma_wait3A_108] : memref<2500x128xi32, #tpu.memory_space<hbm>> -> memref<3x128xi32, #tpu.memory_space<hbm>>
      %dma_wait3A_110 = arith.constant 0 : i32
      %dma_wait3A_111 = arith.constant 0 : i32
      %dma_wait3A_112 = tpu.memref_slice %arg12[%dma_wait3A_110, %dma_wait3A_111] : memref<6x128xi32, #tpu.memory_space<vmem>> -> memref<3x128xi32, #tpu.memory_space<vmem>>
      %dma_wait3A_113 = arith.constant 0 : i32
      %dma_wait3A_114 = tpu.memref_slice %arg4[%add3A_4, %dma_wait3A_113] : memref<2500x128xi32, #tpu.memory_space<hbm>> -> memref<3x128xi32, #tpu.memory_space<hbm>>
      tpu.wait_dma2 semaphore(%run_scoped3A : memref<!tpu.dma_semaphore, #tpu.memory_space<semaphore_mem>>) src(%dma_wait3A_114 : memref<3x128xi32, #tpu.memory_space<hbm>>) dst(%dma_wait3A_112 : memref<3x128xi32, #tpu.memory_space<vmem>>)
      tpu.yield
    }) : () -> ()
    %dma_start3A = arith.constant 0 : i32
    %dma_start3A_11 = arith.constant 0 : i32
    %dma_start3A_12 = tpu.memref_slice %arg11[%dma_start3A, %dma_start3A_11] : memref<6x128xi32, #tpu.memory_space<vmem>> -> memref<1x128xi32, #tpu.memory_space<vmem>>
    %dma_start3A_13 = tpu.memref_squeeze %dma_start3A_12 : memref<1x128xi32, #tpu.memory_space<vmem>> -> memref<128xi32, #tpu.memory_space<vmem>>
    %dma_start3A_14 = arith.constant 0 : i32
    %dma_start3A_15 = arith.constant 0 : i32
    %dma_start3A_16 = tpu.memref_slice %arg2[%dma_start3A_14, %dma_start3A_15] : memref<10000x128xf32, #tpu.memory_space<hbm>> -> memref<10000x128xf32, #tpu.memory_space<hbm>>
    tpu.enqueue_indirect_dma source(%dma_start3A_16 : memref<10000x128xf32, #tpu.memory_space<hbm>>) target(%arg13 : memref<128x128xf32, #tpu.memory_space<vmem>>) offsets(%dma_start3A_13 : memref<128xi32, #tpu.memory_space<vmem>>) semaphore(%arg17 : memref<!tpu.dma_semaphore, #tpu.memory_space<semaphore_mem>>)
    %dma_start3A_17 = arith.constant 1 : i32
    %dma_start3A_18 = arith.constant 0 : i32
    %dma_start3A_19 = tpu.memref_slice %arg11[%dma_start3A_17, %dma_start3A_18] : memref<6x128xi32, #tpu.memory_space<vmem>> -> memref<1x128xi32, #tpu.memory_space<vmem>>
    %dma_start3A_20 = tpu.memref_squeeze %dma_start3A_19 : memref<1x128xi32, #tpu.memory_space<vmem>> -> memref<128xi32, #tpu.memory_space<vmem>>
    %dma_start3A_21 = arith.constant 0 : i32
    %dma_start3A_22 = arith.constant 0 : i32
    %dma_start3A_23 = tpu.memref_slice %arg2[%dma_start3A_21, %dma_start3A_22] : memref<10000x128xf32, #tpu.memory_space<hbm>> -> memref<10000x128xf32, #tpu.memory_space<hbm>>
    tpu.enqueue_indirect_dma source(%dma_start3A_23 : memref<10000x128xf32, #tpu.memory_space<hbm>>) target(%arg14 : memref<128x128xf32, #tpu.memory_space<vmem>>) offsets(%dma_start3A_20 : memref<128xi32, #tpu.memory_space<vmem>>) semaphore(%arg18 : memref<!tpu.dma_semaphore, #tpu.memory_space<semaphore_mem>>)
    %barrier3A = arith.constant 0 : index
    tpu.barrier barrier_id(%barrier3A)
    %scan3A = arith.constant 0 : i32
    %scan3A_24 = arith.constant 0 : i32
    %scan3A_25 = arith.constant 14 : i32
    %scan3A_26 = arith.addi %scan3A_24, %scan3A_25 : i32
    %scan3A_27 = arith.constant 1 : i32
    scf.for %scan3A_96 = %scan3A_24 to %scan3A_26 step %scan3A_27  : i32 {
      %mul3A_97 = arith.constant 6 : i32
      %mul3A_98 = arith.muli %scan3A_96, %mul3A_97 : i32
      %add3A_99 = arith.constant 0 : i32
      %add3A_100 = arith.addi %mul3A_98, %add3A_99 : i32
      %lt3A_101 = arith.cmpi slt, %add3A_100, %add3A_8 : i32
      %convert_element_type3A_102 = arith.extui %lt3A_101 : i1 to i32
      %cond3A_103 = arith.constant 0 : i32
      %cond3A_104 = arith.cmpi ne, %convert_element_type3A_102, %cond3A_103 : i32
      scf.if %cond3A_104 {
        %ge3A = arith.constant 1 : i32
        %ge3A_145 = arith.cmpi sge, %add3A_100, %ge3A : i32
        %add3A_146 = arith.constant 3 : i32
        %add3A_147 = arith.addi %add3A_100, %add3A_146 : i32
        %sub3A_148 = arith.constant 1 : i32
        %sub3A_149 = arith.subi %add3A_147, %sub3A_148 : i32
        %lt3A_150 = arith.cmpi slt, %sub3A_149, %add3A_8 : i32
        %and3A_151 = arith.andi %ge3A_145, %lt3A_150 : i1
        %convert_element_type3A_152 = arith.extui %and3A_151 : i1 to i32
        %cond3A_153 = arith.constant 0 : i32
        %cond3A_154 = arith.cmpi ne, %convert_element_type3A_152, %cond3A_153 : i32
        scf.if %cond3A_154 {
          %add3A_187 = arith.addi %add3A_4, %add3A_100 : i32
          %add3A_188 = arith.constant 3 : i32
          %add3A_189 = arith.addi %add3A_187, %add3A_188 : i32
          %sub3A_190 = arith.constant 1 : i32
          %sub3A_191 = arith.subi %add3A_189, %sub3A_190 : i32
          %dma_wait3A_192 = arith.constant 2 : i32
          %dma_wait3A_193 = arith.constant 0 : i32
          %dma_wait3A_194 = tpu.memref_slice %arg11[%dma_wait3A_192, %dma_wait3A_193] : memref<6x128xi32, #tpu.memory_space<vmem>> -> memref<1x128xi32, #tpu.memory_space<vmem>>
          %dma_wait3A_195 = tpu.memref_squeeze %dma_wait3A_194 : memref<1x128xi32, #tpu.memory_space<vmem>> -> memref<128xi32, #tpu.memory_space<vmem>>
          %dma_wait3A_196 = arith.constant 0 : i32
          %dma_wait3A_197 = tpu.memref_slice %arg3[%sub3A_191, %dma_wait3A_196] : memref<2500x128xi32, #tpu.memory_space<hbm>> -> memref<1x128xi32, #tpu.memory_space<hbm>>
          %dma_wait3A_198 = tpu.memref_squeeze %dma_wait3A_197 : memref<1x128xi32, #tpu.memory_space<hbm>> -> memref<128xi32, #tpu.memory_space<hbm>>
          %dma_wait3A_199 = arith.constant 0 : i32
          %dma_wait3A_200 = tpu.memref_slice %arg11[%dma_wait3A_192, %dma_wait3A_199] : memref<6x128xi32, #tpu.memory_space<vmem>> -> memref<1x128xi32, #tpu.memory_space<vmem>>
          %dma_wait3A_201 = tpu.memref_squeeze %dma_wait3A_200 : memref<1x128xi32, #tpu.memory_space<vmem>> -> memref<128xi32, #tpu.memory_space<vmem>>
          %dma_wait3A_202 = arith.constant 0 : i32
          %dma_wait3A_203 = tpu.memref_slice %arg3[%sub3A_191, %dma_wait3A_202] : memref<2500x128xi32, #tpu.memory_space<hbm>> -> memref<1x128xi32, #tpu.memory_space<hbm>>
          %dma_wait3A_204 = tpu.memref_squeeze %dma_wait3A_203 : memref<1x128xi32, #tpu.memory_space<hbm>> -> memref<128xi32, #tpu.memory_space<hbm>>
          tpu.wait_dma2 semaphore(%arg24 : memref<!tpu.dma_semaphore, #tpu.memory_space<semaphore_mem>>) src(%dma_wait3A_204 : memref<128xi32, #tpu.memory_space<hbm>>) dst(%dma_wait3A_201 : memref<128xi32, #tpu.memory_space<vmem>>)
          %dma_wait3A_205 = arith.constant 2 : i32
          %dma_wait3A_206 = arith.constant 0 : i32
          %dma_wait3A_207 = tpu.memref_slice %arg12[%dma_wait3A_205, %dma_wait3A_206] : memref<6x128xi32, #tpu.memory_space<vmem>> -> memref<1x128xi32, #tpu.memory_space<vmem>>
          %dma_wait3A_208 = tpu.memref_squeeze %dma_wait3A_207 : memref<1x128xi32, #tpu.memory_space<vmem>> -> memref<128xi32, #tpu.memory_space<vmem>>
          %dma_wait3A_209 = arith.constant 0 : i32
          %dma_wait3A_210 = tpu.memref_slice %arg4[%sub3A_191, %dma_wait3A_209] : memref<2500x128xi32, #tpu.memory_space<hbm>> -> memref<1x128xi32, #tpu.memory_space<hbm>>
          %dma_wait3A_211 = tpu.memref_squeeze %dma_wait3A_210 : memref<1x128xi32, #tpu.memory_space<hbm>> -> memref<128xi32, #tpu.memory_space<hbm>>
          %dma_wait3A_212 = arith.constant 0 : i32
          %dma_wait3A_213 = tpu.memref_slice %arg12[%dma_wait3A_205, %dma_wait3A_212] : memref<6x128xi32, #tpu.memory_space<vmem>> -> memref<1x128xi32, #tpu.memory_space<vmem>>
          %dma_wait3A_214 = tpu.memref_squeeze %dma_wait3A_213 : memref<1x128xi32, #tpu.memory_space<vmem>> -> memref<128xi32, #tpu.memory_space<vmem>>
          %dma_wait3A_215 = arith.constant 0 : i32
          %dma_wait3A_216 = tpu.memref_slice %arg4[%sub3A_191, %dma_wait3A_215] : memref<2500x128xi32, #tpu.memory_space<hbm>> -> memref<1x128xi32, #tpu.memory_space<hbm>>
          %dma_wait3A_217 = tpu.memref_squeeze %dma_wait3A_216 : memref<1x128xi32, #tpu.memory_space<hbm>> -> memref<128xi32, #tpu.memory_space<hbm>>
          tpu.wait_dma2 semaphore(%arg24 : memref<!tpu.dma_semaphore, #tpu.memory_space<semaphore_mem>>) src(%dma_wait3A_217 : memref<128xi32, #tpu.memory_space<hbm>>) dst(%dma_wait3A_214 : memref<128xi32, #tpu.memory_space<vmem>>)
        } else {
        }
        %dma_wait3A = arith.constant 0 : i32
        %dma_wait3A_155 = arith.constant 0 : i32
        %dma_wait3A_156 = tpu.memref_slice %arg11[%dma_wait3A, %dma_wait3A_155] : memref<6x128xi32, #tpu.memory_space<vmem>> -> memref<1x128xi32, #tpu.memory_space<vmem>>
        %dma_wait3A_157 = tpu.memref_squeeze %dma_wait3A_156 : memref<1x128xi32, #tpu.memory_space<vmem>> -> memref<128xi32, #tpu.memory_space<vmem>>
        %dma_wait3A_158 = arith.constant 0 : i32
        %dma_wait3A_159 = arith.constant 0 : i32
        %dma_wait3A_160 = tpu.memref_slice %arg2[%dma_wait3A_158, %dma_wait3A_159] : memref<10000x128xf32, #tpu.memory_space<hbm>> -> memref<10000x128xf32, #tpu.memory_space<hbm>>
        tpu.wait_indirect_dma semaphore(%arg17 : memref<!tpu.dma_semaphore, #tpu.memory_space<semaphore_mem>>) src(%dma_wait3A_160 : memref<10000x128xf32, #tpu.memory_space<hbm>>) dst(%arg13 : memref<128x128xf32, #tpu.memory_space<vmem>>)
        %dma_start3A_161 = arith.constant 0 : i32
        %dma_start3A_162 = arith.constant 0 : i32
        %dma_start3A_163 = tpu.memref_slice %arg12[%dma_start3A_161, %dma_start3A_162] : memref<6x128xi32, #tpu.memory_space<vmem>> -> memref<1x128xi32, #tpu.memory_space<vmem>>
        %dma_start3A_164 = tpu.memref_squeeze %dma_start3A_163 : memref<1x128xi32, #tpu.memory_space<vmem>> -> memref<128xi32, #tpu.memory_space<vmem>>
        %dma_start3A_165 = arith.constant 0 : i32
        %dma_start3A_166 = arith.constant 0 : i32
        %dma_start3A_167 = tpu.memref_slice %arg9[%dma_start3A_165, %dma_start3A_166] : memref<10000x128xf32, #tpu.memory_space<vmem_shared>> -> memref<10000x128xf32, #tpu.memory_space<vmem_shared>>
        tpu.enqueue_indirect_dma source(%arg13 : memref<128x128xf32, #tpu.memory_space<vmem>>) target(%dma_start3A_167 : memref<10000x128xf32, #tpu.memory_space<vmem_shared>>) offsets(%dma_start3A_164 : memref<128xi32, #tpu.memory_space<vmem>>) semaphore(%arg20 : memref<!tpu.dma_semaphore, #tpu.memory_space<semaphore_mem>>) {add = true}
        %ge3A_168 = arith.constant 1 : i32
        %ge3A_169 = arith.cmpi sge, %add3A_100, %ge3A_168 : i32
        %convert_element_type3A_170 = arith.extui %ge3A_169 : i1 to i32
        %cond3A_171 = arith.constant 0 : i32
        %cond3A_172 = arith.cmpi ne, %convert_element_type3A_170, %cond3A_171 : i32
        scf.if %cond3A_172 {
          %dma_wait3A_187 = arith.constant 5 : i32
          %dma_wait3A_188 = arith.constant 0 : i32
          %dma_wait3A_189 = tpu.memref_slice %arg12[%dma_wait3A_187, %dma_wait3A_188] : memref<6x128xi32, #tpu.memory_space<vmem>> -> memref<1x128xi32, #tpu.memory_space<vmem>>
          %dma_wait3A_190 = tpu.memref_squeeze %dma_wait3A_189 : memref<1x128xi32, #tpu.memory_space<vmem>> -> memref<128xi32, #tpu.memory_space<vmem>>
          %dma_wait3A_191 = arith.constant 0 : i32
          %dma_wait3A_192 = arith.constant 0 : i32
          %dma_wait3A_193 = tpu.memref_slice %arg9[%dma_wait3A_191, %dma_wait3A_192] : memref<10000x128xf32, #tpu.memory_space<vmem_shared>> -> memref<10000x128xf32, #tpu.memory_space<vmem_shared>>
          tpu.wait_indirect_dma semaphore(%arg22 : memref<!tpu.dma_semaphore, #tpu.memory_space<semaphore_mem>>) src(%arg15 : memref<128x128xf32, #tpu.memory_space<vmem>>) dst(%dma_wait3A_193 : memref<10000x128xf32, #tpu.memory_space<vmem_shared>>)
        } else {
        }
        %add3A_173 = arith.constant 3 : i32
        %add3A_174 = arith.addi %add3A_100, %add3A_173 : i32
        %lt3A_175 = arith.cmpi slt, %add3A_174, %add3A_8 : i32
        %convert_element_type3A_176 = arith.extui %lt3A_175 : i1 to i32
        %cond3A_177 = arith.constant 0 : i32
        %cond3A_178 = arith.cmpi ne, %convert_element_type3A_176, %cond3A_177 : i32
        scf.if %cond3A_178 {
          %add3A_187 = arith.addi %add3A_4, %add3A_100 : i32
          %add3A_188 = arith.constant 3 : i32
          %add3A_189 = arith.addi %add3A_187, %add3A_188 : i32
          %dma_start3A_190 = arith.constant 3 : i32
          %dma_start3A_191 = arith.constant 0 : i32
          %dma_start3A_192 = tpu.memref_slice %arg11[%dma_start3A_190, %dma_start3A_191] : memref<6x128xi32, #tpu.memory_space<vmem>> -> memref<1x128xi32, #tpu.memory_space<vmem>>
          %dma_start3A_193 = tpu.memref_squeeze %dma_start3A_192 : memref<1x128xi32, #tpu.memory_space<vmem>> -> memref<128xi32, #tpu.memory_space<vmem>>
          %dma_start3A_194 = arith.constant 0 : i32
          %dma_start3A_195 = tpu.memref_slice %arg3[%add3A_189, %dma_start3A_194] : memref<2500x128xi32, #tpu.memory_space<hbm>> -> memref<1x128xi32, #tpu.memory_space<hbm>>
          %dma_start3A_196 = tpu.memref_squeeze %dma_start3A_195 : memref<1x128xi32, #tpu.memory_space<hbm>> -> memref<128xi32, #tpu.memory_space<hbm>>
          %dma_start3A_197 = arith.constant 0 : i32
          %dma_start3A_198 = tpu.memref_slice %arg11[%dma_start3A_190, %dma_start3A_197] : memref<6x128xi32, #tpu.memory_space<vmem>> -> memref<1x128xi32, #tpu.memory_space<vmem>>
          %dma_start3A_199 = tpu.memref_squeeze %dma_start3A_198 : memref<1x128xi32, #tpu.memory_space<vmem>> -> memref<128xi32, #tpu.memory_space<vmem>>
          %dma_start3A_200 = arith.constant 0 : i32
          %dma_start3A_201 = tpu.memref_slice %arg3[%add3A_189, %dma_start3A_200] : memref<2500x128xi32, #tpu.memory_space<hbm>> -> memref<1x128xi32, #tpu.memory_space<hbm>>
          %dma_start3A_202 = tpu.memref_squeeze %dma_start3A_201 : memref<1x128xi32, #tpu.memory_space<hbm>> -> memref<128xi32, #tpu.memory_space<hbm>>
          tpu.enqueue_dma source(%dma_start3A_202 : memref<128xi32, #tpu.memory_space<hbm>>) target(%dma_start3A_199 : memref<128xi32, #tpu.memory_space<vmem>>) target_semaphore(%arg23 : memref<!tpu.dma_semaphore, #tpu.memory_space<semaphore_mem>>)
          %dma_start3A_203 = arith.constant 3 : i32
          %dma_start3A_204 = arith.constant 0 : i32
          %dma_start3A_205 = tpu.memref_slice %arg12[%dma_start3A_203, %dma_start3A_204] : memref<6x128xi32, #tpu.memory_space<vmem>> -> memref<1x128xi32, #tpu.memory_space<vmem>>
          %dma_start3A_206 = tpu.memref_squeeze %dma_start3A_205 : memref<1x128xi32, #tpu.memory_space<vmem>> -> memref<128xi32, #tpu.memory_space<vmem>>
          %dma_start3A_207 = arith.constant 0 : i32
          %dma_start3A_208 = tpu.memref_slice %arg4[%add3A_189, %dma_start3A_207] : memref<2500x128xi32, #tpu.memory_space<hbm>> -> memref<1x128xi32, #tpu.memory_space<hbm>>
          %dma_start3A_209 = tpu.memref_squeeze %dma_start3A_208 : memref<1x128xi32, #tpu.memory_space<hbm>> -> memref<128xi32, #tpu.memory_space<hbm>>
          %dma_start3A_210 = arith.constant 0 : i32
          %dma_start3A_211 = tpu.memref_slice %arg12[%dma_start3A_203, %dma_start3A_210] : memref<6x128xi32, #tpu.memory_space<vmem>> -> memref<1x128xi32, #tpu.memory_space<vmem>>
          %dma_start3A_212 = tpu.memref_squeeze %dma_start3A_211 : memref<1x128xi32, #tpu.memory_space<vmem>> -> memref<128xi32, #tpu.memory_space<vmem>>
          %dma_start3A_213 = arith.constant 0 : i32
          %dma_start3A_214 = tpu.memref_slice %arg4[%add3A_189, %dma_start3A_213] : memref<2500x128xi32, #tpu.memory_space<hbm>> -> memref<1x128xi32, #tpu.memory_space<hbm>>
          %dma_start3A_215 = tpu.memref_squeeze %dma_start3A_214 : memref<1x128xi32, #tpu.memory_space<hbm>> -> memref<128xi32, #tpu.memory_space<hbm>>
          tpu.enqueue_dma source(%dma_start3A_215 : memref<128xi32, #tpu.memory_space<hbm>>) target(%dma_start3A_212 : memref<128xi32, #tpu.memory_space<vmem>>) target_semaphore(%arg23 : memref<!tpu.dma_semaphore, #tpu.memory_space<semaphore_mem>>)
        } else {
        }
        %add3A_179 = arith.constant 3 : i32
        %add3A_180 = arith.addi %add3A_100, %add3A_179 : i32
        %sub3A_181 = arith.constant 1 : i32
        %sub3A_182 = arith.subi %add3A_180, %sub3A_181 : i32
        %lt3A_183 = arith.cmpi slt, %sub3A_182, %add3A_8 : i32
        %convert_element_type3A_184 = arith.extui %lt3A_183 : i1 to i32
        %cond3A_185 = arith.constant 0 : i32
        %cond3A_186 = arith.cmpi ne, %convert_element_type3A_184, %cond3A_185 : i32
        scf.if %cond3A_186 {
          %dma_start3A_187 = arith.constant 2 : i32
          %dma_start3A_188 = arith.constant 0 : i32
          %dma_start3A_189 = tpu.memref_slice %arg11[%dma_start3A_187, %dma_start3A_188] : memref<6x128xi32, #tpu.memory_space<vmem>> -> memref<1x128xi32, #tpu.memory_space<vmem>>
          %dma_start3A_190 = tpu.memref_squeeze %dma_start3A_189 : memref<1x128xi32, #tpu.memory_space<vmem>> -> memref<128xi32, #tpu.memory_space<vmem>>
          %dma_start3A_191 = arith.constant 0 : i32
          %dma_start3A_192 = arith.constant 0 : i32
          %dma_start3A_193 = tpu.memref_slice %arg2[%dma_start3A_191, %dma_start3A_192] : memref<10000x128xf32, #tpu.memory_space<hbm>> -> memref<10000x128xf32, #tpu.memory_space<hbm>>
          tpu.enqueue_indirect_dma source(%dma_start3A_193 : memref<10000x128xf32, #tpu.memory_space<hbm>>) target(%arg15 : memref<128x128xf32, #tpu.memory_space<vmem>>) offsets(%dma_start3A_190 : memref<128xi32, #tpu.memory_space<vmem>>) semaphore(%arg19 : memref<!tpu.dma_semaphore, #tpu.memory_space<semaphore_mem>>)
        } else {
        }
      } else {
      }
      %mul3A_105 = arith.constant 6 : i32
      %mul3A_106 = arith.muli %scan3A_96, %mul3A_105 : i32
      %add3A_107 = arith.constant 1 : i32
      %add3A_108 = arith.addi %mul3A_106, %add3A_107 : i32
      %lt3A_109 = arith.cmpi slt, %add3A_108, %add3A_8 : i32
      %convert_element_type3A_110 = arith.extui %lt3A_109 : i1 to i32
      %cond3A_111 = arith.constant 0 : i32
      %cond3A_112 = arith.cmpi ne, %convert_element_type3A_110, %cond3A_111 : i32
      scf.if %cond3A_112 {
        %ge3A = arith.constant 1 : i32
        %ge3A_145 = arith.cmpi sge, %add3A_108, %ge3A : i32
        %add3A_146 = arith.constant 3 : i32
        %add3A_147 = arith.addi %add3A_108, %add3A_146 : i32
        %sub3A_148 = arith.constant 1 : i32
        %sub3A_149 = arith.subi %add3A_147, %sub3A_148 : i32
        %lt3A_150 = arith.cmpi slt, %sub3A_149, %add3A_8 : i32
        %and3A_151 = arith.andi %ge3A_145, %lt3A_150 : i1
        %convert_element_type3A_152 = arith.extui %and3A_151 : i1 to i32
        %cond3A_153 = arith.constant 0 : i32
        %cond3A_154 = arith.cmpi ne, %convert_element_type3A_152, %cond3A_153 : i32
        scf.if %cond3A_154 {
          %add3A_187 = arith.addi %add3A_4, %add3A_108 : i32
          %add3A_188 = arith.constant 3 : i32
          %add3A_189 = arith.addi %add3A_187, %add3A_188 : i32
          %sub3A_190 = arith.constant 1 : i32
          %sub3A_191 = arith.subi %add3A_189, %sub3A_190 : i32
          %dma_wait3A_192 = arith.constant 3 : i32
          %dma_wait3A_193 = arith.constant 0 : i32
          %dma_wait3A_194 = tpu.memref_slice %arg11[%dma_wait3A_192, %dma_wait3A_193] : memref<6x128xi32, #tpu.memory_space<vmem>> -> memref<1x128xi32, #tpu.memory_space<vmem>>
          %dma_wait3A_195 = tpu.memref_squeeze %dma_wait3A_194 : memref<1x128xi32, #tpu.memory_space<vmem>> -> memref<128xi32, #tpu.memory_space<vmem>>
          %dma_wait3A_196 = arith.constant 0 : i32
          %dma_wait3A_197 = tpu.memref_slice %arg3[%sub3A_191, %dma_wait3A_196] : memref<2500x128xi32, #tpu.memory_space<hbm>> -> memref<1x128xi32, #tpu.memory_space<hbm>>
          %dma_wait3A_198 = tpu.memref_squeeze %dma_wait3A_197 : memref<1x128xi32, #tpu.memory_space<hbm>> -> memref<128xi32, #tpu.memory_space<hbm>>
          %dma_wait3A_199 = arith.constant 0 : i32
          %dma_wait3A_200 = tpu.memref_slice %arg11[%dma_wait3A_192, %dma_wait3A_199] : memref<6x128xi32, #tpu.memory_space<vmem>> -> memref<1x128xi32, #tpu.memory_space<vmem>>
          %dma_wait3A_201 = tpu.memref_squeeze %dma_wait3A_200 : memref<1x128xi32, #tpu.memory_space<vmem>> -> memref<128xi32, #tpu.memory_space<vmem>>
          %dma_wait3A_202 = arith.constant 0 : i32
          %dma_wait3A_203 = tpu.memref_slice %arg3[%sub3A_191, %dma_wait3A_202] : memref<2500x128xi32, #tpu.memory_space<hbm>> -> memref<1x128xi32, #tpu.memory_space<hbm>>
          %dma_wait3A_204 = tpu.memref_squeeze %dma_wait3A_203 : memref<1x128xi32, #tpu.memory_space<hbm>> -> memref<128xi32, #tpu.memory_space<hbm>>
          tpu.wait_dma2 semaphore(%arg23 : memref<!tpu.dma_semaphore, #tpu.memory_space<semaphore_mem>>) src(%dma_wait3A_204 : memref<128xi32, #tpu.memory_space<hbm>>) dst(%dma_wait3A_201 : memref<128xi32, #tpu.memory_space<vmem>>)
          %dma_wait3A_205 = arith.constant 3 : i32
          %dma_wait3A_206 = arith.constant 0 : i32
          %dma_wait3A_207 = tpu.memref_slice %arg12[%dma_wait3A_205, %dma_wait3A_206] : memref<6x128xi32, #tpu.memory_space<vmem>> -> memref<1x128xi32, #tpu.memory_space<vmem>>
          %dma_wait3A_208 = tpu.memref_squeeze %dma_wait3A_207 : memref<1x128xi32, #tpu.memory_space<vmem>> -> memref<128xi32, #tpu.memory_space<vmem>>
          %dma_wait3A_209 = arith.constant 0 : i32
          %dma_wait3A_210 = tpu.memref_slice %arg4[%sub3A_191, %dma_wait3A_209] : memref<2500x128xi32, #tpu.memory_space<hbm>> -> memref<1x128xi32, #tpu.memory_space<hbm>>
          %dma_wait3A_211 = tpu.memref_squeeze %dma_wait3A_210 : memref<1x128xi32, #tpu.memory_space<hbm>> -> memref<128xi32, #tpu.memory_space<hbm>>
          %dma_wait3A_212 = arith.constant 0 : i32
          %dma_wait3A_213 = tpu.memref_slice %arg12[%dma_wait3A_205, %dma_wait3A_212] : memref<6x128xi32, #tpu.memory_space<vmem>> -> memref<1x128xi32, #tpu.memory_space<vmem>>
          %dma_wait3A_214 = tpu.memref_squeeze %dma_wait3A_213 : memref<1x128xi32, #tpu.memory_space<vmem>> -> memref<128xi32, #tpu.memory_space<vmem>>
          %dma_wait3A_215 = arith.constant 0 : i32
          %dma_wait3A_216 = tpu.memref_slice %arg4[%sub3A_191, %dma_wait3A_215] : memref<2500x128xi32, #tpu.memory_space<hbm>> -> memref<1x128xi32, #tpu.memory_space<hbm>>
          %dma_wait3A_217 = tpu.memref_squeeze %dma_wait3A_216 : memref<1x128xi32, #tpu.memory_space<hbm>> -> memref<128xi32, #tpu.memory_space<hbm>>
          tpu.wait_dma2 semaphore(%arg23 : memref<!tpu.dma_semaphore, #tpu.memory_space<semaphore_mem>>) src(%dma_wait3A_217 : memref<128xi32, #tpu.memory_space<hbm>>) dst(%dma_wait3A_214 : memref<128xi32, #tpu.memory_space<vmem>>)
        } else {
        }
        %dma_wait3A = arith.constant 1 : i32
        %dma_wait3A_155 = arith.constant 0 : i32
        %dma_wait3A_156 = tpu.memref_slice %arg11[%dma_wait3A, %dma_wait3A_155] : memref<6x128xi32, #tpu.memory_space<vmem>> -> memref<1x128xi32, #tpu.memory_space<vmem>>
        %dma_wait3A_157 = tpu.memref_squeeze %dma_wait3A_156 : memref<1x128xi32, #tpu.memory_space<vmem>> -> memref<128xi32, #tpu.memory_space<vmem>>
        %dma_wait3A_158 = arith.constant 0 : i32
        %dma_wait3A_159 = arith.constant 0 : i32
        %dma_wait3A_160 = tpu.memref_slice %arg2[%dma_wait3A_158, %dma_wait3A_159] : memref<10000x128xf32, #tpu.memory_space<hbm>> -> memref<10000x128xf32, #tpu.memory_space<hbm>>
        tpu.wait_indirect_dma semaphore(%arg18 : memref<!tpu.dma_semaphore, #tpu.memory_space<semaphore_mem>>) src(%dma_wait3A_160 : memref<10000x128xf32, #tpu.memory_space<hbm>>) dst(%arg14 : memref<128x128xf32, #tpu.memory_space<vmem>>)
        %dma_start3A_161 = arith.constant 1 : i32
        %dma_start3A_162 = arith.constant 0 : i32
        %dma_start3A_163 = tpu.memref_slice %arg12[%dma_start3A_161, %dma_start3A_162] : memref<6x128xi32, #tpu.memory_space<vmem>> -> memref<1x128xi32, #tpu.memory_space<vmem>>
        %dma_start3A_164 = tpu.memref_squeeze %dma_start3A_163 : memref<1x128xi32, #tpu.memory_space<vmem>> -> memref<128xi32, #tpu.memory_space<vmem>>
        %dma_start3A_165 = arith.constant 0 : i32
        %dma_start3A_166 = arith.constant 0 : i32
        %dma_start3A_167 = tpu.memref_slice %arg9[%dma_start3A_165, %dma_start3A_166] : memref<10000x128xf32, #tpu.memory_space<vmem_shared>> -> memref<10000x128xf32, #tpu.memory_space<vmem_shared>>
        tpu.enqueue_indirect_dma source(%arg14 : memref<128x128xf32, #tpu.memory_space<vmem>>) target(%dma_start3A_167 : memref<10000x128xf32, #tpu.memory_space<vmem_shared>>) offsets(%dma_start3A_164 : memref<128xi32, #tpu.memory_space<vmem>>) semaphore(%arg21 : memref<!tpu.dma_semaphore, #tpu.memory_space<semaphore_mem>>) {add = true}
        %ge3A_168 = arith.constant 1 : i32
        %ge3A_169 = arith.cmpi sge, %add3A_108, %ge3A_168 : i32
        %convert_element_type3A_170 = arith.extui %ge3A_169 : i1 to i32
        %cond3A_171 = arith.constant 0 : i32
        %cond3A_172 = arith.cmpi ne, %convert_element_type3A_170, %cond3A_171 : i32
        scf.if %cond3A_172 {
          %dma_wait3A_187 = arith.constant 0 : i32
          %dma_wait3A_188 = arith.constant 0 : i32
          %dma_wait3A_189 = tpu.memref_slice %arg12[%dma_wait3A_187, %dma_wait3A_188] : memref<6x128xi32, #tpu.memory_space<vmem>> -> memref<1x128xi32, #tpu.memory_space<vmem>>
          %dma_wait3A_190 = tpu.memref_squeeze %dma_wait3A_189 : memref<1x128xi32, #tpu.memory_space<vmem>> -> memref<128xi32, #tpu.memory_space<vmem>>
          %dma_wait3A_191 = arith.constant 0 : i32
          %dma_wait3A_192 = arith.constant 0 : i32
          %dma_wait3A_193 = tpu.memref_slice %arg9[%dma_wait3A_191, %dma_wait3A_192] : memref<10000x128xf32, #tpu.memory_space<vmem_shared>> -> memref<10000x128xf32, #tpu.memory_space<vmem_shared>>
          tpu.wait_indirect_dma semaphore(%arg20 : memref<!tpu.dma_semaphore, #tpu.memory_space<semaphore_mem>>) src(%arg13 : memref<128x128xf32, #tpu.memory_space<vmem>>) dst(%dma_wait3A_193 : memref<10000x128xf32, #tpu.memory_space<vmem_shared>>)
        } else {
        }
        %add3A_173 = arith.constant 3 : i32
        %add3A_174 = arith.addi %add3A_108, %add3A_173 : i32
        %lt3A_175 = arith.cmpi slt, %add3A_174, %add3A_8 : i32
        %convert_element_type3A_176 = arith.extui %lt3A_175 : i1 to i32
        %cond3A_177 = arith.constant 0 : i32
        %cond3A_178 = arith.cmpi ne, %convert_element_type3A_176, %cond3A_177 : i32
        scf.if %cond3A_178 {
          %add3A_187 = arith.addi %add3A_4, %add3A_108 : i32
          %add3A_188 = arith.constant 3 : i32
          %add3A_189 = arith.addi %add3A_187, %add3A_188 : i32
          %dma_start3A_190 = arith.constant 4 : i32
          %dma_start3A_191 = arith.constant 0 : i32
          %dma_start3A_192 = tpu.memref_slice %arg11[%dma_start3A_190, %dma_start3A_191] : memref<6x128xi32, #tpu.memory_space<vmem>> -> memref<1x128xi32, #tpu.memory_space<vmem>>
          %dma_start3A_193 = tpu.memref_squeeze %dma_start3A_192 : memref<1x128xi32, #tpu.memory_space<vmem>> -> memref<128xi32, #tpu.memory_space<vmem>>
          %dma_start3A_194 = arith.constant 0 : i32
          %dma_start3A_195 = tpu.memref_slice %arg3[%add3A_189, %dma_start3A_194] : memref<2500x128xi32, #tpu.memory_space<hbm>> -> memref<1x128xi32, #tpu.memory_space<hbm>>
          %dma_start3A_196 = tpu.memref_squeeze %dma_start3A_195 : memref<1x128xi32, #tpu.memory_space<hbm>> -> memref<128xi32, #tpu.memory_space<hbm>>
          %dma_start3A_197 = arith.constant 0 : i32
          %dma_start3A_198 = tpu.memref_slice %arg11[%dma_start3A_190, %dma_start3A_197] : memref<6x128xi32, #tpu.memory_space<vmem>> -> memref<1x128xi32, #tpu.memory_space<vmem>>
          %dma_start3A_199 = tpu.memref_squeeze %dma_start3A_198 : memref<1x128xi32, #tpu.memory_space<vmem>> -> memref<128xi32, #tpu.memory_space<vmem>>
          %dma_start3A_200 = arith.constant 0 : i32
          %dma_start3A_201 = tpu.memref_slice %arg3[%add3A_189, %dma_start3A_200] : memref<2500x128xi32, #tpu.memory_space<hbm>> -> memref<1x128xi32, #tpu.memory_space<hbm>>
          %dma_start3A_202 = tpu.memref_squeeze %dma_start3A_201 : memref<1x128xi32, #tpu.memory_space<hbm>> -> memref<128xi32, #tpu.memory_space<hbm>>
          tpu.enqueue_dma source(%dma_start3A_202 : memref<128xi32, #tpu.memory_space<hbm>>) target(%dma_start3A_199 : memref<128xi32, #tpu.memory_space<vmem>>) target_semaphore(%arg24 : memref<!tpu.dma_semaphore, #tpu.memory_space<semaphore_mem>>)
          %dma_start3A_203 = arith.constant 4 : i32
          %dma_start3A_204 = arith.constant 0 : i32
          %dma_start3A_205 = tpu.memref_slice %arg12[%dma_start3A_203, %dma_start3A_204] : memref<6x128xi32, #tpu.memory_space<vmem>> -> memref<1x128xi32, #tpu.memory_space<vmem>>
          %dma_start3A_206 = tpu.memref_squeeze %dma_start3A_205 : memref<1x128xi32, #tpu.memory_space<vmem>> -> memref<128xi32, #tpu.memory_space<vmem>>
          %dma_start3A_207 = arith.constant 0 : i32
          %dma_start3A_208 = tpu.memref_slice %arg4[%add3A_189, %dma_start3A_207] : memref<2500x128xi32, #tpu.memory_space<hbm>> -> memref<1x128xi32, #tpu.memory_space<hbm>>
          %dma_start3A_209 = tpu.memref_squeeze %dma_start3A_208 : memref<1x128xi32, #tpu.memory_space<hbm>> -> memref<128xi32, #tpu.memory_space<hbm>>
          %dma_start3A_210 = arith.constant 0 : i32
          %dma_start3A_211 = tpu.memref_slice %arg12[%dma_start3A_203, %dma_start3A_210] : memref<6x128xi32, #tpu.memory_space<vmem>> -> memref<1x128xi32, #tpu.memory_space<vmem>>
          %dma_start3A_212 = tpu.memref_squeeze %dma_start3A_211 : memref<1x128xi32, #tpu.memory_space<vmem>> -> memref<128xi32, #tpu.memory_space<vmem>>
          %dma_start3A_213 = arith.constant 0 : i32
          %dma_start3A_214 = tpu.memref_slice %arg4[%add3A_189, %dma_start3A_213] : memref<2500x128xi32, #tpu.memory_space<hbm>> -> memref<1x128xi32, #tpu.memory_space<hbm>>
          %dma_start3A_215 = tpu.memref_squeeze %dma_start3A_214 : memref<1x128xi32, #tpu.memory_space<hbm>> -> memref<128xi32, #tpu.memory_space<hbm>>
          tpu.enqueue_dma source(%dma_start3A_215 : memref<128xi32, #tpu.memory_space<hbm>>) target(%dma_start3A_212 : memref<128xi32, #tpu.memory_space<vmem>>) target_semaphore(%arg24 : memref<!tpu.dma_semaphore, #tpu.memory_space<semaphore_mem>>)
        } else {
        }
        %add3A_179 = arith.constant 3 : i32
        %add3A_180 = arith.addi %add3A_108, %add3A_179 : i32
        %sub3A_181 = arith.constant 1 : i32
        %sub3A_182 = arith.subi %add3A_180, %sub3A_181 : i32
        %lt3A_183 = arith.cmpi slt, %sub3A_182, %add3A_8 : i32
        %convert_element_type3A_184 = arith.extui %lt3A_183 : i1 to i32
        %cond3A_185 = arith.constant 0 : i32
        %cond3A_186 = arith.cmpi ne, %convert_element_type3A_184, %cond3A_185 : i32
        scf.if %cond3A_186 {
          %dma_start3A_187 = arith.constant 3 : i32
          %dma_start3A_188 = arith.constant 0 : i32
          %dma_start3A_189 = tpu.memref_slice %arg11[%dma_start3A_187, %dma_start3A_188] : memref<6x128xi32, #tpu.memory_space<vmem>> -> memref<1x128xi32, #tpu.memory_space<vmem>>
          %dma_start3A_190 = tpu.memref_squeeze %dma_start3A_189 : memref<1x128xi32, #tpu.memory_space<vmem>> -> memref<128xi32, #tpu.memory_space<vmem>>
          %dma_start3A_191 = arith.constant 0 : i32
          %dma_start3A_192 = arith.constant 0 : i32
          %dma_start3A_193 = tpu.memref_slice %arg2[%dma_start3A_191, %dma_start3A_192] : memref<10000x128xf32, #tpu.memory_space<hbm>> -> memref<10000x128xf32, #tpu.memory_space<hbm>>
          tpu.enqueue_indirect_dma source(%dma_start3A_193 : memref<10000x128xf32, #tpu.memory_space<hbm>>) target(%arg13 : memref<128x128xf32, #tpu.memory_space<vmem>>) offsets(%dma_start3A_190 : memref<128xi32, #tpu.memory_space<vmem>>) semaphore(%arg17 : memref<!tpu.dma_semaphore, #tpu.memory_space<semaphore_mem>>)
        } else {
        }
      } else {
      }
      %mul3A_113 = arith.constant 6 : i32
      %mul3A_114 = arith.muli %scan3A_96, %mul3A_113 : i32
      %add3A_115 = arith.constant 2 : i32
      %add3A_116 = arith.addi %mul3A_114, %add3A_115 : i32
      %lt3A_117 = arith.cmpi slt, %add3A_116, %add3A_8 : i32
      %convert_element_type3A_118 = arith.extui %lt3A_117 : i1 to i32
      %cond3A_119 = arith.constant 0 : i32
      %cond3A_120 = arith.cmpi ne, %convert_element_type3A_118, %cond3A_119 : i32
      scf.if %cond3A_120 {
        %ge3A = arith.constant 1 : i32
        %ge3A_145 = arith.cmpi sge, %add3A_116, %ge3A : i32
        %add3A_146 = arith.constant 3 : i32
        %add3A_147 = arith.addi %add3A_116, %add3A_146 : i32
        %sub3A_148 = arith.constant 1 : i32
        %sub3A_149 = arith.subi %add3A_147, %sub3A_148 : i32
        %lt3A_150 = arith.cmpi slt, %sub3A_149, %add3A_8 : i32
        %and3A_151 = arith.andi %ge3A_145, %lt3A_150 : i1
        %convert_element_type3A_152 = arith.extui %and3A_151 : i1 to i32
        %cond3A_153 = arith.constant 0 : i32
        %cond3A_154 = arith.cmpi ne, %convert_element_type3A_152, %cond3A_153 : i32
        scf.if %cond3A_154 {
          %add3A_187 = arith.addi %add3A_4, %add3A_116 : i32
          %add3A_188 = arith.constant 3 : i32
          %add3A_189 = arith.addi %add3A_187, %add3A_188 : i32
          %sub3A_190 = arith.constant 1 : i32
          %sub3A_191 = arith.subi %add3A_189, %sub3A_190 : i32
          %dma_wait3A_192 = arith.constant 4 : i32
          %dma_wait3A_193 = arith.constant 0 : i32
          %dma_wait3A_194 = tpu.memref_slice %arg11[%dma_wait3A_192, %dma_wait3A_193] : memref<6x128xi32, #tpu.memory_space<vmem>> -> memref<1x128xi32, #tpu.memory_space<vmem>>
          %dma_wait3A_195 = tpu.memref_squeeze %dma_wait3A_194 : memref<1x128xi32, #tpu.memory_space<vmem>> -> memref<128xi32, #tpu.memory_space<vmem>>
          %dma_wait3A_196 = arith.constant 0 : i32
          %dma_wait3A_197 = tpu.memref_slice %arg3[%sub3A_191, %dma_wait3A_196] : memref<2500x128xi32, #tpu.memory_space<hbm>> -> memref<1x128xi32, #tpu.memory_space<hbm>>
          %dma_wait3A_198 = tpu.memref_squeeze %dma_wait3A_197 : memref<1x128xi32, #tpu.memory_space<hbm>> -> memref<128xi32, #tpu.memory_space<hbm>>
          %dma_wait3A_199 = arith.constant 0 : i32
          %dma_wait3A_200 = tpu.memref_slice %arg11[%dma_wait3A_192, %dma_wait3A_199] : memref<6x128xi32, #tpu.memory_space<vmem>> -> memref<1x128xi32, #tpu.memory_space<vmem>>
          %dma_wait3A_201 = tpu.memref_squeeze %dma_wait3A_200 : memref<1x128xi32, #tpu.memory_space<vmem>> -> memref<128xi32, #tpu.memory_space<vmem>>
          %dma_wait3A_202 = arith.constant 0 : i32
          %dma_wait3A_203 = tpu.memref_slice %arg3[%sub3A_191, %dma_wait3A_202] : memref<2500x128xi32, #tpu.memory_space<hbm>> -> memref<1x128xi32, #tpu.memory_space<hbm>>
          %dma_wait3A_204 = tpu.memref_squeeze %dma_wait3A_203 : memref<1x128xi32, #tpu.memory_space<hbm>> -> memref<128xi32, #tpu.memory_space<hbm>>
          tpu.wait_dma2 semaphore(%arg24 : memref<!tpu.dma_semaphore, #tpu.memory_space<semaphore_mem>>) src(%dma_wait3A_204 : memref<128xi32, #tpu.memory_space<hbm>>) dst(%dma_wait3A_201 : memref<128xi32, #tpu.memory_space<vmem>>)
          %dma_wait3A_205 = arith.constant 4 : i32
          %dma_wait3A_206 = arith.constant 0 : i32
          %dma_wait3A_207 = tpu.memref_slice %arg12[%dma_wait3A_205, %dma_wait3A_206] : memref<6x128xi32, #tpu.memory_space<vmem>> -> memref<1x128xi32, #tpu.memory_space<vmem>>
          %dma_wait3A_208 = tpu.memref_squeeze %dma_wait3A_207 : memref<1x128xi32, #tpu.memory_space<vmem>> -> memref<128xi32, #tpu.memory_space<vmem>>
          %dma_wait3A_209 = arith.constant 0 : i32
          %dma_wait3A_210 = tpu.memref_slice %arg4[%sub3A_191, %dma_wait3A_209] : memref<2500x128xi32, #tpu.memory_space<hbm>> -> memref<1x128xi32, #tpu.memory_space<hbm>>
          %dma_wait3A_211 = tpu.memref_squeeze %dma_wait3A_210 : memref<1x128xi32, #tpu.memory_space<hbm>> -> memref<128xi32, #tpu.memory_space<hbm>>
          %dma_wait3A_212 = arith.constant 0 : i32
          %dma_wait3A_213 = tpu.memref_slice %arg12[%dma_wait3A_205, %dma_wait3A_212] : memref<6x128xi32, #tpu.memory_space<vmem>> -> memref<1x128xi32, #tpu.memory_space<vmem>>
          %dma_wait3A_214 = tpu.memref_squeeze %dma_wait3A_213 : memref<1x128xi32, #tpu.memory_space<vmem>> -> memref<128xi32, #tpu.memory_space<vmem>>
          %dma_wait3A_215 = arith.constant 0 : i32
          %dma_wait3A_216 = tpu.memref_slice %arg4[%sub3A_191, %dma_wait3A_215] : memref<2500x128xi32, #tpu.memory_space<hbm>> -> memref<1x128xi32, #tpu.memory_space<hbm>>
          %dma_wait3A_217 = tpu.memref_squeeze %dma_wait3A_216 : memref<1x128xi32, #tpu.memory_space<hbm>> -> memref<128xi32, #tpu.memory_space<hbm>>
          tpu.wait_dma2 semaphore(%arg24 : memref<!tpu.dma_semaphore, #tpu.memory_space<semaphore_mem>>) src(%dma_wait3A_217 : memref<128xi32, #tpu.memory_space<hbm>>) dst(%dma_wait3A_214 : memref<128xi32, #tpu.memory_space<vmem>>)
        } else {
        }
        %dma_wait3A = arith.constant 2 : i32
        %dma_wait3A_155 = arith.constant 0 : i32
        %dma_wait3A_156 = tpu.memref_slice %arg11[%dma_wait3A, %dma_wait3A_155] : memref<6x128xi32, #tpu.memory_space<vmem>> -> memref<1x128xi32, #tpu.memory_space<vmem>>
        %dma_wait3A_157 = tpu.memref_squeeze %dma_wait3A_156 : memref<1x128xi32, #tpu.memory_space<vmem>> -> memref<128xi32, #tpu.memory_space<vmem>>
        %dma_wait3A_158 = arith.constant 0 : i32
        %dma_wait3A_159 = arith.constant 0 : i32
        %dma_wait3A_160 = tpu.memref_slice %arg2[%dma_wait3A_158, %dma_wait3A_159] : memref<10000x128xf32, #tpu.memory_space<hbm>> -> memref<10000x128xf32, #tpu.memory_space<hbm>>
        tpu.wait_indirect_dma semaphore(%arg19 : memref<!tpu.dma_semaphore, #tpu.memory_space<semaphore_mem>>) src(%dma_wait3A_160 : memref<10000x128xf32, #tpu.memory_space<hbm>>) dst(%arg15 : memref<128x128xf32, #tpu.memory_space<vmem>>)
        %dma_start3A_161 = arith.constant 2 : i32
        %dma_start3A_162 = arith.constant 0 : i32
        %dma_start3A_163 = tpu.memref_slice %arg12[%dma_start3A_161, %dma_start3A_162] : memref<6x128xi32, #tpu.memory_space<vmem>> -> memref<1x128xi32, #tpu.memory_space<vmem>>
        %dma_start3A_164 = tpu.memref_squeeze %dma_start3A_163 : memref<1x128xi32, #tpu.memory_space<vmem>> -> memref<128xi32, #tpu.memory_space<vmem>>
        %dma_start3A_165 = arith.constant 0 : i32
        %dma_start3A_166 = arith.constant 0 : i32
        %dma_start3A_167 = tpu.memref_slice %arg9[%dma_start3A_165, %dma_start3A_166] : memref<10000x128xf32, #tpu.memory_space<vmem_shared>> -> memref<10000x128xf32, #tpu.memory_space<vmem_shared>>
        tpu.enqueue_indirect_dma source(%arg15 : memref<128x128xf32, #tpu.memory_space<vmem>>) target(%dma_start3A_167 : memref<10000x128xf32, #tpu.memory_space<vmem_shared>>) offsets(%dma_start3A_164 : memref<128xi32, #tpu.memory_space<vmem>>) semaphore(%arg22 : memref<!tpu.dma_semaphore, #tpu.memory_space<semaphore_mem>>) {add = true}
        %ge3A_168 = arith.constant 1 : i32
        %ge3A_169 = arith.cmpi sge, %add3A_116, %ge3A_168 : i32
        %convert_element_type3A_170 = arith.extui %ge3A_169 : i1 to i32
        %cond3A_171 = arith.constant 0 : i32
        %cond3A_172 = arith.cmpi ne, %convert_element_type3A_170, %cond3A_171 : i32
        scf.if %cond3A_172 {
          %dma_wait3A_187 = arith.constant 1 : i32
          %dma_wait3A_188 = arith.constant 0 : i32
          %dma_wait3A_189 = tpu.memref_slice %arg12[%dma_wait3A_187, %dma_wait3A_188] : memref<6x128xi32, #tpu.memory_space<vmem>> -> memref<1x128xi32, #tpu.memory_space<vmem>>
          %dma_wait3A_190 = tpu.memref_squeeze %dma_wait3A_189 : memref<1x128xi32, #tpu.memory_space<vmem>> -> memref<128xi32, #tpu.memory_space<vmem>>
          %dma_wait3A_191 = arith.constant 0 : i32
          %dma_wait3A_192 = arith.constant 0 : i32
          %dma_wait3A_193 = tpu.memref_slice %arg9[%dma_wait3A_191, %dma_wait3A_192] : memref<10000x128xf32, #tpu.memory_space<vmem_shared>> -> memref<10000x128xf32, #tpu.memory_space<vmem_shared>>
          tpu.wait_indirect_dma semaphore(%arg21 : memref<!tpu.dma_semaphore, #tpu.memory_space<semaphore_mem>>) src(%arg14 : memref<128x128xf32, #tpu.memory_space<vmem>>) dst(%dma_wait3A_193 : memref<10000x128xf32, #tpu.memory_space<vmem_shared>>)
        } else {
        }
        %add3A_173 = arith.constant 3 : i32
        %add3A_174 = arith.addi %add3A_116, %add3A_173 : i32
        %lt3A_175 = arith.cmpi slt, %add3A_174, %add3A_8 : i32
        %convert_element_type3A_176 = arith.extui %lt3A_175 : i1 to i32
        %cond3A_177 = arith.constant 0 : i32
        %cond3A_178 = arith.cmpi ne, %convert_element_type3A_176, %cond3A_177 : i32
        scf.if %cond3A_178 {
          %add3A_187 = arith.addi %add3A_4, %add3A_116 : i32
          %add3A_188 = arith.constant 3 : i32
          %add3A_189 = arith.addi %add3A_187, %add3A_188 : i32
          %dma_start3A_190 = arith.constant 5 : i32
          %dma_start3A_191 = arith.constant 0 : i32
          %dma_start3A_192 = tpu.memref_slice %arg11[%dma_start3A_190, %dma_start3A_191] : memref<6x128xi32, #tpu.memory_space<vmem>> -> memref<1x128xi32, #tpu.memory_space<vmem>>
          %dma_start3A_193 = tpu.memref_squeeze %dma_start3A_192 : memref<1x128xi32, #tpu.memory_space<vmem>> -> memref<128xi32, #tpu.memory_space<vmem>>
          %dma_start3A_194 = arith.constant 0 : i32
          %dma_start3A_195 = tpu.memref_slice %arg3[%add3A_189, %dma_start3A_194] : memref<2500x128xi32, #tpu.memory_space<hbm>> -> memref<1x128xi32, #tpu.memory_space<hbm>>
          %dma_start3A_196 = tpu.memref_squeeze %dma_start3A_195 : memref<1x128xi32, #tpu.memory_space<hbm>> -> memref<128xi32, #tpu.memory_space<hbm>>
          %dma_start3A_197 = arith.constant 0 : i32
          %dma_start3A_198 = tpu.memref_slice %arg11[%dma_start3A_190, %dma_start3A_197] : memref<6x128xi32, #tpu.memory_space<vmem>> -> memref<1x128xi32, #tpu.memory_space<vmem>>
          %dma_start3A_199 = tpu.memref_squeeze %dma_start3A_198 : memref<1x128xi32, #tpu.memory_space<vmem>> -> memref<128xi32, #tpu.memory_space<vmem>>
          %dma_start3A_200 = arith.constant 0 : i32
          %dma_start3A_201 = tpu.memref_slice %arg3[%add3A_189, %dma_start3A_200] : memref<2500x128xi32, #tpu.memory_space<hbm>> -> memref<1x128xi32, #tpu.memory_space<hbm>>
          %dma_start3A_202 = tpu.memref_squeeze %dma_start3A_201 : memref<1x128xi32, #tpu.memory_space<hbm>> -> memref<128xi32, #tpu.memory_space<hbm>>
          tpu.enqueue_dma source(%dma_start3A_202 : memref<128xi32, #tpu.memory_space<hbm>>) target(%dma_start3A_199 : memref<128xi32, #tpu.memory_space<vmem>>) target_semaphore(%arg23 : memref<!tpu.dma_semaphore, #tpu.memory_space<semaphore_mem>>)
          %dma_start3A_203 = arith.constant 5 : i32
          %dma_start3A_204 = arith.constant 0 : i32
          %dma_start3A_205 = tpu.memref_slice %arg12[%dma_start3A_203, %dma_start3A_204] : memref<6x128xi32, #tpu.memory_space<vmem>> -> memref<1x128xi32, #tpu.memory_space<vmem>>
          %dma_start3A_206 = tpu.memref_squeeze %dma_start3A_205 : memref<1x128xi32, #tpu.memory_space<vmem>> -> memref<128xi32, #tpu.memory_space<vmem>>
          %dma_start3A_207 = arith.constant 0 : i32
          %dma_start3A_208 = tpu.memref_slice %arg4[%add3A_189, %dma_start3A_207] : memref<2500x128xi32, #tpu.memory_space<hbm>> -> memref<1x128xi32, #tpu.memory_space<hbm>>
          %dma_start3A_209 = tpu.memref_squeeze %dma_start3A_208 : memref<1x128xi32, #tpu.memory_space<hbm>> -> memref<128xi32, #tpu.memory_space<hbm>>
          %dma_start3A_210 = arith.constant 0 : i32
          %dma_start3A_211 = tpu.memref_slice %arg12[%dma_start3A_203, %dma_start3A_210] : memref<6x128xi32, #tpu.memory_space<vmem>> -> memref<1x128xi32, #tpu.memory_space<vmem>>
          %dma_start3A_212 = tpu.memref_squeeze %dma_start3A_211 : memref<1x128xi32, #tpu.memory_space<vmem>> -> memref<128xi32, #tpu.memory_space<vmem>>
          %dma_start3A_213 = arith.constant 0 : i32
          %dma_start3A_214 = tpu.memref_slice %arg4[%add3A_189, %dma_start3A_213] : memref<2500x128xi32, #tpu.memory_space<hbm>> -> memref<1x128xi32, #tpu.memory_space<hbm>>
          %dma_start3A_215 = tpu.memref_squeeze %dma_start3A_214 : memref<1x128xi32, #tpu.memory_space<hbm>> -> memref<128xi32, #tpu.memory_space<hbm>>
          tpu.enqueue_dma source(%dma_start3A_215 : memref<128xi32, #tpu.memory_space<hbm>>) target(%dma_start3A_212 : memref<128xi32, #tpu.memory_space<vmem>>) target_semaphore(%arg23 : memref<!tpu.dma_semaphore, #tpu.memory_space<semaphore_mem>>)
        } else {
        }
        %add3A_179 = arith.constant 3 : i32
        %add3A_180 = arith.addi %add3A_116, %add3A_179 : i32
        %sub3A_181 = arith.constant 1 : i32
        %sub3A_182 = arith.subi %add3A_180, %sub3A_181 : i32
        %lt3A_183 = arith.cmpi slt, %sub3A_182, %add3A_8 : i32
        %convert_element_type3A_184 = arith.extui %lt3A_183 : i1 to i32
        %cond3A_185 = arith.constant 0 : i32
        %cond3A_186 = arith.cmpi ne, %convert_element_type3A_184, %cond3A_185 : i32
        scf.if %cond3A_186 {
          %dma_start3A_187 = arith.constant 4 : i32
          %dma_start3A_188 = arith.constant 0 : i32
          %dma_start3A_189 = tpu.memref_slice %arg11[%dma_start3A_187, %dma_start3A_188] : memref<6x128xi32, #tpu.memory_space<vmem>> -> memref<1x128xi32, #tpu.memory_space<vmem>>
          %dma_start3A_190 = tpu.memref_squeeze %dma_start3A_189 : memref<1x128xi32, #tpu.memory_space<vmem>> -> memref<128xi32, #tpu.memory_space<vmem>>
          %dma_start3A_191 = arith.constant 0 : i32
          %dma_start3A_192 = arith.constant 0 : i32
          %dma_start3A_193 = tpu.memref_slice %arg2[%dma_start3A_191, %dma_start3A_192] : memref<10000x128xf32, #tpu.memory_space<hbm>> -> memref<10000x128xf32, #tpu.memory_space<hbm>>
          tpu.enqueue_indirect_dma source(%dma_start3A_193 : memref<10000x128xf32, #tpu.memory_space<hbm>>) target(%arg14 : memref<128x128xf32, #tpu.memory_space<vmem>>) offsets(%dma_start3A_190 : memref<128xi32, #tpu.memory_space<vmem>>) semaphore(%arg18 : memref<!tpu.dma_semaphore, #tpu.memory_space<semaphore_mem>>)
        } else {
        }
      } else {
      }
      %mul3A_121 = arith.constant 6 : i32
      %mul3A_122 = arith.muli %scan3A_96, %mul3A_121 : i32
      %add3A_123 = arith.constant 3 : i32
      %add3A_124 = arith.addi %mul3A_122, %add3A_123 : i32
      %lt3A_125 = arith.cmpi slt, %add3A_124, %add3A_8 : i32
      %convert_element_type3A_126 = arith.extui %lt3A_125 : i1 to i32
      %cond3A_127 = arith.constant 0 : i32
      %cond3A_128 = arith.cmpi ne, %convert_element_type3A_126, %cond3A_127 : i32
      scf.if %cond3A_128 {
        %ge3A = arith.constant 1 : i32
        %ge3A_145 = arith.cmpi sge, %add3A_124, %ge3A : i32
        %add3A_146 = arith.constant 3 : i32
        %add3A_147 = arith.addi %add3A_124, %add3A_146 : i32
        %sub3A_148 = arith.constant 1 : i32
        %sub3A_149 = arith.subi %add3A_147, %sub3A_148 : i32
        %lt3A_150 = arith.cmpi slt, %sub3A_149, %add3A_8 : i32
        %and3A_151 = arith.andi %ge3A_145, %lt3A_150 : i1
        %convert_element_type3A_152 = arith.extui %and3A_151 : i1 to i32
        %cond3A_153 = arith.constant 0 : i32
        %cond3A_154 = arith.cmpi ne, %convert_element_type3A_152, %cond3A_153 : i32
        scf.if %cond3A_154 {
          %add3A_187 = arith.addi %add3A_4, %add3A_124 : i32
          %add3A_188 = arith.constant 3 : i32
          %add3A_189 = arith.addi %add3A_187, %add3A_188 : i32
          %sub3A_190 = arith.constant 1 : i32
          %sub3A_191 = arith.subi %add3A_189, %sub3A_190 : i32
          %dma_wait3A_192 = arith.constant 5 : i32
          %dma_wait3A_193 = arith.constant 0 : i32
          %dma_wait3A_194 = tpu.memref_slice %arg11[%dma_wait3A_192, %dma_wait3A_193] : memref<6x128xi32, #tpu.memory_space<vmem>> -> memref<1x128xi32, #tpu.memory_space<vmem>>
          %dma_wait3A_195 = tpu.memref_squeeze %dma_wait3A_194 : memref<1x128xi32, #tpu.memory_space<vmem>> -> memref<128xi32, #tpu.memory_space<vmem>>
          %dma_wait3A_196 = arith.constant 0 : i32
          %dma_wait3A_197 = tpu.memref_slice %arg3[%sub3A_191, %dma_wait3A_196] : memref<2500x128xi32, #tpu.memory_space<hbm>> -> memref<1x128xi32, #tpu.memory_space<hbm>>
          %dma_wait3A_198 = tpu.memref_squeeze %dma_wait3A_197 : memref<1x128xi32, #tpu.memory_space<hbm>> -> memref<128xi32, #tpu.memory_space<hbm>>
          %dma_wait3A_199 = arith.constant 0 : i32
          %dma_wait3A_200 = tpu.memref_slice %arg11[%dma_wait3A_192, %dma_wait3A_199] : memref<6x128xi32, #tpu.memory_space<vmem>> -> memref<1x128xi32, #tpu.memory_space<vmem>>
          %dma_wait3A_201 = tpu.memref_squeeze %dma_wait3A_200 : memref<1x128xi32, #tpu.memory_space<vmem>> -> memref<128xi32, #tpu.memory_space<vmem>>
          %dma_wait3A_202 = arith.constant 0 : i32
          %dma_wait3A_203 = tpu.memref_slice %arg3[%sub3A_191, %dma_wait3A_202] : memref<2500x128xi32, #tpu.memory_space<hbm>> -> memref<1x128xi32, #tpu.memory_space<hbm>>
          %dma_wait3A_204 = tpu.memref_squeeze %dma_wait3A_203 : memref<1x128xi32, #tpu.memory_space<hbm>> -> memref<128xi32, #tpu.memory_space<hbm>>
          tpu.wait_dma2 semaphore(%arg23 : memref<!tpu.dma_semaphore, #tpu.memory_space<semaphore_mem>>) src(%dma_wait3A_204 : memref<128xi32, #tpu.memory_space<hbm>>) dst(%dma_wait3A_201 : memref<128xi32, #tpu.memory_space<vmem>>)
          %dma_wait3A_205 = arith.constant 5 : i32
          %dma_wait3A_206 = arith.constant 0 : i32
          %dma_wait3A_207 = tpu.memref_slice %arg12[%dma_wait3A_205, %dma_wait3A_206] : memref<6x128xi32, #tpu.memory_space<vmem>> -> memref<1x128xi32, #tpu.memory_space<vmem>>
          %dma_wait3A_208 = tpu.memref_squeeze %dma_wait3A_207 : memref<1x128xi32, #tpu.memory_space<vmem>> -> memref<128xi32, #tpu.memory_space<vmem>>
          %dma_wait3A_209 = arith.constant 0 : i32
          %dma_wait3A_210 = tpu.memref_slice %arg4[%sub3A_191, %dma_wait3A_209] : memref<2500x128xi32, #tpu.memory_space<hbm>> -> memref<1x128xi32, #tpu.memory_space<hbm>>
          %dma_wait3A_211 = tpu.memref_squeeze %dma_wait3A_210 : memref<1x128xi32, #tpu.memory_space<hbm>> -> memref<128xi32, #tpu.memory_space<hbm>>
          %dma_wait3A_212 = arith.constant 0 : i32
          %dma_wait3A_213 = tpu.memref_slice %arg12[%dma_wait3A_205, %dma_wait3A_212] : memref<6x128xi32, #tpu.memory_space<vmem>> -> memref<1x128xi32, #tpu.memory_space<vmem>>
          %dma_wait3A_214 = tpu.memref_squeeze %dma_wait3A_213 : memref<1x128xi32, #tpu.memory_space<vmem>> -> memref<128xi32, #tpu.memory_space<vmem>>
          %dma_wait3A_215 = arith.constant 0 : i32
          %dma_wait3A_216 = tpu.memref_slice %arg4[%sub3A_191, %dma_wait3A_215] : memref<2500x128xi32, #tpu.memory_space<hbm>> -> memref<1x128xi32, #tpu.memory_space<hbm>>
          %dma_wait3A_217 = tpu.memref_squeeze %dma_wait3A_216 : memref<1x128xi32, #tpu.memory_space<hbm>> -> memref<128xi32, #tpu.memory_space<hbm>>
          tpu.wait_dma2 semaphore(%arg23 : memref<!tpu.dma_semaphore, #tpu.memory_space<semaphore_mem>>) src(%dma_wait3A_217 : memref<128xi32, #tpu.memory_space<hbm>>) dst(%dma_wait3A_214 : memref<128xi32, #tpu.memory_space<vmem>>)
        } else {
        }
        %dma_wait3A = arith.constant 3 : i32
        %dma_wait3A_155 = arith.constant 0 : i32
        %dma_wait3A_156 = tpu.memref_slice %arg11[%dma_wait3A, %dma_wait3A_155] : memref<6x128xi32, #tpu.memory_space<vmem>> -> memref<1x128xi32, #tpu.memory_space<vmem>>
        %dma_wait3A_157 = tpu.memref_squeeze %dma_wait3A_156 : memref<1x128xi32, #tpu.memory_space<vmem>> -> memref<128xi32, #tpu.memory_space<vmem>>
        %dma_wait3A_158 = arith.constant 0 : i32
        %dma_wait3A_159 = arith.constant 0 : i32
        %dma_wait3A_160 = tpu.memref_slice %arg2[%dma_wait3A_158, %dma_wait3A_159] : memref<10000x128xf32, #tpu.memory_space<hbm>> -> memref<10000x128xf32, #tpu.memory_space<hbm>>
        tpu.wait_indirect_dma semaphore(%arg17 : memref<!tpu.dma_semaphore, #tpu.memory_space<semaphore_mem>>) src(%dma_wait3A_160 : memref<10000x128xf32, #tpu.memory_space<hbm>>) dst(%arg13 : memref<128x128xf32, #tpu.memory_space<vmem>>)
        %dma_start3A_161 = arith.constant 3 : i32
        %dma_start3A_162 = arith.constant 0 : i32
        %dma_start3A_163 = tpu.memref_slice %arg12[%dma_start3A_161, %dma_start3A_162] : memref<6x128xi32, #tpu.memory_space<vmem>> -> memref<1x128xi32, #tpu.memory_space<vmem>>
        %dma_start3A_164 = tpu.memref_squeeze %dma_start3A_163 : memref<1x128xi32, #tpu.memory_space<vmem>> -> memref<128xi32, #tpu.memory_space<vmem>>
        %dma_start3A_165 = arith.constant 0 : i32
        %dma_start3A_166 = arith.constant 0 : i32
        %dma_start3A_167 = tpu.memref_slice %arg9[%dma_start3A_165, %dma_start3A_166] : memref<10000x128xf32, #tpu.memory_space<vmem_shared>> -> memref<10000x128xf32, #tpu.memory_space<vmem_shared>>
        tpu.enqueue_indirect_dma source(%arg13 : memref<128x128xf32, #tpu.memory_space<vmem>>) target(%dma_start3A_167 : memref<10000x128xf32, #tpu.memory_space<vmem_shared>>) offsets(%dma_start3A_164 : memref<128xi32, #tpu.memory_space<vmem>>) semaphore(%arg20 : memref<!tpu.dma_semaphore, #tpu.memory_space<semaphore_mem>>) {add = true}
        %ge3A_168 = arith.constant 1 : i32
        %ge3A_169 = arith.cmpi sge, %add3A_124, %ge3A_168 : i32
        %convert_element_type3A_170 = arith.extui %ge3A_169 : i1 to i32
        %cond3A_171 = arith.constant 0 : i32
        %cond3A_172 = arith.cmpi ne, %convert_element_type3A_170, %cond3A_171 : i32
        scf.if %cond3A_172 {
          %dma_wait3A_187 = arith.constant 2 : i32
          %dma_wait3A_188 = arith.constant 0 : i32
          %dma_wait3A_189 = tpu.memref_slice %arg12[%dma_wait3A_187, %dma_wait3A_188] : memref<6x128xi32, #tpu.memory_space<vmem>> -> memref<1x128xi32, #tpu.memory_space<vmem>>
          %dma_wait3A_190 = tpu.memref_squeeze %dma_wait3A_189 : memref<1x128xi32, #tpu.memory_space<vmem>> -> memref<128xi32, #tpu.memory_space<vmem>>
          %dma_wait3A_191 = arith.constant 0 : i32
          %dma_wait3A_192 = arith.constant 0 : i32
          %dma_wait3A_193 = tpu.memref_slice %arg9[%dma_wait3A_191, %dma_wait3A_192] : memref<10000x128xf32, #tpu.memory_space<vmem_shared>> -> memref<10000x128xf32, #tpu.memory_space<vmem_shared>>
          tpu.wait_indirect_dma semaphore(%arg22 : memref<!tpu.dma_semaphore, #tpu.memory_space<semaphore_mem>>) src(%arg15 : memref<128x128xf32, #tpu.memory_space<vmem>>) dst(%dma_wait3A_193 : memref<10000x128xf32, #tpu.memory_space<vmem_shared>>)
        } else {
        }
        %add3A_173 = arith.constant 3 : i32
        %add3A_174 = arith.addi %add3A_124, %add3A_173 : i32
        %lt3A_175 = arith.cmpi slt, %add3A_174, %add3A_8 : i32
        %convert_element_type3A_176 = arith.extui %lt3A_175 : i1 to i32
        %cond3A_177 = arith.constant 0 : i32
        %cond3A_178 = arith.cmpi ne, %convert_element_type3A_176, %cond3A_177 : i32
        scf.if %cond3A_178 {
          %add3A_187 = arith.addi %add3A_4, %add3A_124 : i32
          %add3A_188 = arith.constant 3 : i32
          %add3A_189 = arith.addi %add3A_187, %add3A_188 : i32
          %dma_start3A_190 = arith.constant 0 : i32
          %dma_start3A_191 = arith.constant 0 : i32
          %dma_start3A_192 = tpu.memref_slice %arg11[%dma_start3A_190, %dma_start3A_191] : memref<6x128xi32, #tpu.memory_space<vmem>> -> memref<1x128xi32, #tpu.memory_space<vmem>>
          %dma_start3A_193 = tpu.memref_squeeze %dma_start3A_192 : memref<1x128xi32, #tpu.memory_space<vmem>> -> memref<128xi32, #tpu.memory_space<vmem>>
          %dma_start3A_194 = arith.constant 0 : i32
          %dma_start3A_195 = tpu.memref_slice %arg3[%add3A_189, %dma_start3A_194] : memref<2500x128xi32, #tpu.memory_space<hbm>> -> memref<1x128xi32, #tpu.memory_space<hbm>>
          %dma_start3A_196 = tpu.memref_squeeze %dma_start3A_195 : memref<1x128xi32, #tpu.memory_space<hbm>> -> memref<128xi32, #tpu.memory_space<hbm>>
          %dma_start3A_197 = arith.constant 0 : i32
          %dma_start3A_198 = tpu.memref_slice %arg11[%dma_start3A_190, %dma_start3A_197] : memref<6x128xi32, #tpu.memory_space<vmem>> -> memref<1x128xi32, #tpu.memory_space<vmem>>
          %dma_start3A_199 = tpu.memref_squeeze %dma_start3A_198 : memref<1x128xi32, #tpu.memory_space<vmem>> -> memref<128xi32, #tpu.memory_space<vmem>>
          %dma_start3A_200 = arith.constant 0 : i32
          %dma_start3A_201 = tpu.memref_slice %arg3[%add3A_189, %dma_start3A_200] : memref<2500x128xi32, #tpu.memory_space<hbm>> -> memref<1x128xi32, #tpu.memory_space<hbm>>
          %dma_start3A_202 = tpu.memref_squeeze %dma_start3A_201 : memref<1x128xi32, #tpu.memory_space<hbm>> -> memref<128xi32, #tpu.memory_space<hbm>>
          tpu.enqueue_dma source(%dma_start3A_202 : memref<128xi32, #tpu.memory_space<hbm>>) target(%dma_start3A_199 : memref<128xi32, #tpu.memory_space<vmem>>) target_semaphore(%arg24 : memref<!tpu.dma_semaphore, #tpu.memory_space<semaphore_mem>>)
          %dma_start3A_203 = arith.constant 0 : i32
          %dma_start3A_204 = arith.constant 0 : i32
          %dma_start3A_205 = tpu.memref_slice %arg12[%dma_start3A_203, %dma_start3A_204] : memref<6x128xi32, #tpu.memory_space<vmem>> -> memref<1x128xi32, #tpu.memory_space<vmem>>
          %dma_start3A_206 = tpu.memref_squeeze %dma_start3A_205 : memref<1x128xi32, #tpu.memory_space<vmem>> -> memref<128xi32, #tpu.memory_space<vmem>>
          %dma_start3A_207 = arith.constant 0 : i32
          %dma_start3A_208 = tpu.memref_slice %arg4[%add3A_189, %dma_start3A_207] : memref<2500x128xi32, #tpu.memory_space<hbm>> -> memref<1x128xi32, #tpu.memory_space<hbm>>
          %dma_start3A_209 = tpu.memref_squeeze %dma_start3A_208 : memref<1x128xi32, #tpu.memory_space<hbm>> -> memref<128xi32, #tpu.memory_space<hbm>>
          %dma_start3A_210 = arith.constant 0 : i32
          %dma_start3A_211 = tpu.memref_slice %arg12[%dma_start3A_203, %dma_start3A_210] : memref<6x128xi32, #tpu.memory_space<vmem>> -> memref<1x128xi32, #tpu.memory_space<vmem>>
          %dma_start3A_212 = tpu.memref_squeeze %dma_start3A_211 : memref<1x128xi32, #tpu.memory_space<vmem>> -> memref<128xi32, #tpu.memory_space<vmem>>
          %dma_start3A_213 = arith.constant 0 : i32
          %dma_start3A_214 = tpu.memref_slice %arg4[%add3A_189, %dma_start3A_213] : memref<2500x128xi32, #tpu.memory_space<hbm>> -> memref<1x128xi32, #tpu.memory_space<hbm>>
          %dma_start3A_215 = tpu.memref_squeeze %dma_start3A_214 : memref<1x128xi32, #tpu.memory_space<hbm>> -> memref<128xi32, #tpu.memory_space<hbm>>
          tpu.enqueue_dma source(%dma_start3A_215 : memref<128xi32, #tpu.memory_space<hbm>>) target(%dma_start3A_212 : memref<128xi32, #tpu.memory_space<vmem>>) target_semaphore(%arg24 : memref<!tpu.dma_semaphore, #tpu.memory_space<semaphore_mem>>)
        } else {
        }
        %add3A_179 = arith.constant 3 : i32
        %add3A_180 = arith.addi %add3A_124, %add3A_179 : i32
        %sub3A_181 = arith.constant 1 : i32
        %sub3A_182 = arith.subi %add3A_180, %sub3A_181 : i32
        %lt3A_183 = arith.cmpi slt, %sub3A_182, %add3A_8 : i32
        %convert_element_type3A_184 = arith.extui %lt3A_183 : i1 to i32
        %cond3A_185 = arith.constant 0 : i32
        %cond3A_186 = arith.cmpi ne, %convert_element_type3A_184, %cond3A_185 : i32
        scf.if %cond3A_186 {
          %dma_start3A_187 = arith.constant 5 : i32
          %dma_start3A_188 = arith.constant 0 : i32
          %dma_start3A_189 = tpu.memref_slice %arg11[%dma_start3A_187, %dma_start3A_188] : memref<6x128xi32, #tpu.memory_space<vmem>> -> memref<1x128xi32, #tpu.memory_space<vmem>>
          %dma_start3A_190 = tpu.memref_squeeze %dma_start3A_189 : memref<1x128xi32, #tpu.memory_space<vmem>> -> memref<128xi32, #tpu.memory_space<vmem>>
          %dma_start3A_191 = arith.constant 0 : i32
          %dma_start3A_192 = arith.constant 0 : i32
          %dma_start3A_193 = tpu.memref_slice %arg2[%dma_start3A_191, %dma_start3A_192] : memref<10000x128xf32, #tpu.memory_space<hbm>> -> memref<10000x128xf32, #tpu.memory_space<hbm>>
          tpu.enqueue_indirect_dma source(%dma_start3A_193 : memref<10000x128xf32, #tpu.memory_space<hbm>>) target(%arg15 : memref<128x128xf32, #tpu.memory_space<vmem>>) offsets(%dma_start3A_190 : memref<128xi32, #tpu.memory_space<vmem>>) semaphore(%arg19 : memref<!tpu.dma_semaphore, #tpu.memory_space<semaphore_mem>>)
        } else {
        }
      } else {
      }
      %mul3A_129 = arith.constant 6 : i32
      %mul3A_130 = arith.muli %scan3A_96, %mul3A_129 : i32
      %add3A_131 = arith.constant 4 : i32
      %add3A_132 = arith.addi %mul3A_130, %add3A_131 : i32
      %lt3A_133 = arith.cmpi slt, %add3A_132, %add3A_8 : i32
      %convert_element_type3A_134 = arith.extui %lt3A_133 : i1 to i32
      %cond3A_135 = arith.constant 0 : i32
      %cond3A_136 = arith.cmpi ne, %convert_element_type3A_134, %cond3A_135 : i32
      scf.if %cond3A_136 {
        %ge3A = arith.constant 1 : i32
        %ge3A_145 = arith.cmpi sge, %add3A_132, %ge3A : i32
        %add3A_146 = arith.constant 3 : i32
        %add3A_147 = arith.addi %add3A_132, %add3A_146 : i32
        %sub3A_148 = arith.constant 1 : i32
        %sub3A_149 = arith.subi %add3A_147, %sub3A_148 : i32
        %lt3A_150 = arith.cmpi slt, %sub3A_149, %add3A_8 : i32
        %and3A_151 = arith.andi %ge3A_145, %lt3A_150 : i1
        %convert_element_type3A_152 = arith.extui %and3A_151 : i1 to i32
        %cond3A_153 = arith.constant 0 : i32
        %cond3A_154 = arith.cmpi ne, %convert_element_type3A_152, %cond3A_153 : i32
        scf.if %cond3A_154 {
          %add3A_187 = arith.addi %add3A_4, %add3A_132 : i32
          %add3A_188 = arith.constant 3 : i32
          %add3A_189 = arith.addi %add3A_187, %add3A_188 : i32
          %sub3A_190 = arith.constant 1 : i32
          %sub3A_191 = arith.subi %add3A_189, %sub3A_190 : i32
          %dma_wait3A_192 = arith.constant 0 : i32
          %dma_wait3A_193 = arith.constant 0 : i32
          %dma_wait3A_194 = tpu.memref_slice %arg11[%dma_wait3A_192, %dma_wait3A_193] : memref<6x128xi32, #tpu.memory_space<vmem>> -> memref<1x128xi32, #tpu.memory_space<vmem>>
          %dma_wait3A_195 = tpu.memref_squeeze %dma_wait3A_194 : memref<1x128xi32, #tpu.memory_space<vmem>> -> memref<128xi32, #tpu.memory_space<vmem>>
          %dma_wait3A_196 = arith.constant 0 : i32
          %dma_wait3A_197 = tpu.memref_slice %arg3[%sub3A_191, %dma_wait3A_196] : memref<2500x128xi32, #tpu.memory_space<hbm>> -> memref<1x128xi32, #tpu.memory_space<hbm>>
          %dma_wait3A_198 = tpu.memref_squeeze %dma_wait3A_197 : memref<1x128xi32, #tpu.memory_space<hbm>> -> memref<128xi32, #tpu.memory_space<hbm>>
          %dma_wait3A_199 = arith.constant 0 : i32
          %dma_wait3A_200 = tpu.memref_slice %arg11[%dma_wait3A_192, %dma_wait3A_199] : memref<6x128xi32, #tpu.memory_space<vmem>> -> memref<1x128xi32, #tpu.memory_space<vmem>>
          %dma_wait3A_201 = tpu.memref_squeeze %dma_wait3A_200 : memref<1x128xi32, #tpu.memory_space<vmem>> -> memref<128xi32, #tpu.memory_space<vmem>>
          %dma_wait3A_202 = arith.constant 0 : i32
          %dma_wait3A_203 = tpu.memref_slice %arg3[%sub3A_191, %dma_wait3A_202] : memref<2500x128xi32, #tpu.memory_space<hbm>> -> memref<1x128xi32, #tpu.memory_space<hbm>>
          %dma_wait3A_204 = tpu.memref_squeeze %dma_wait3A_203 : memref<1x128xi32, #tpu.memory_space<hbm>> -> memref<128xi32, #tpu.memory_space<hbm>>
          tpu.wait_dma2 semaphore(%arg24 : memref<!tpu.dma_semaphore, #tpu.memory_space<semaphore_mem>>) src(%dma_wait3A_204 : memref<128xi32, #tpu.memory_space<hbm>>) dst(%dma_wait3A_201 : memref<128xi32, #tpu.memory_space<vmem>>)
          %dma_wait3A_205 = arith.constant 0 : i32
          %dma_wait3A_206 = arith.constant 0 : i32
          %dma_wait3A_207 = tpu.memref_slice %arg12[%dma_wait3A_205, %dma_wait3A_206] : memref<6x128xi32, #tpu.memory_space<vmem>> -> memref<1x128xi32, #tpu.memory_space<vmem>>
          %dma_wait3A_208 = tpu.memref_squeeze %dma_wait3A_207 : memref<1x128xi32, #tpu.memory_space<vmem>> -> memref<128xi32, #tpu.memory_space<vmem>>
          %dma_wait3A_209 = arith.constant 0 : i32
          %dma_wait3A_210 = tpu.memref_slice %arg4[%sub3A_191, %dma_wait3A_209] : memref<2500x128xi32, #tpu.memory_space<hbm>> -> memref<1x128xi32, #tpu.memory_space<hbm>>
          %dma_wait3A_211 = tpu.memref_squeeze %dma_wait3A_210 : memref<1x128xi32, #tpu.memory_space<hbm>> -> memref<128xi32, #tpu.memory_space<hbm>>
          %dma_wait3A_212 = arith.constant 0 : i32
          %dma_wait3A_213 = tpu.memref_slice %arg12[%dma_wait3A_205, %dma_wait3A_212] : memref<6x128xi32, #tpu.memory_space<vmem>> -> memref<1x128xi32, #tpu.memory_space<vmem>>
          %dma_wait3A_214 = tpu.memref_squeeze %dma_wait3A_213 : memref<1x128xi32, #tpu.memory_space<vmem>> -> memref<128xi32, #tpu.memory_space<vmem>>
          %dma_wait3A_215 = arith.constant 0 : i32
          %dma_wait3A_216 = tpu.memref_slice %arg4[%sub3A_191, %dma_wait3A_215] : memref<2500x128xi32, #tpu.memory_space<hbm>> -> memref<1x128xi32, #tpu.memory_space<hbm>>
          %dma_wait3A_217 = tpu.memref_squeeze %dma_wait3A_216 : memref<1x128xi32, #tpu.memory_space<hbm>> -> memref<128xi32, #tpu.memory_space<hbm>>
          tpu.wait_dma2 semaphore(%arg24 : memref<!tpu.dma_semaphore, #tpu.memory_space<semaphore_mem>>) src(%dma_wait3A_217 : memref<128xi32, #tpu.memory_space<hbm>>) dst(%dma_wait3A_214 : memref<128xi32, #tpu.memory_space<vmem>>)
        } else {
        }
        %dma_wait3A = arith.constant 4 : i32
        %dma_wait3A_155 = arith.constant 0 : i32
        %dma_wait3A_156 = tpu.memref_slice %arg11[%dma_wait3A, %dma_wait3A_155] : memref<6x128xi32, #tpu.memory_space<vmem>> -> memref<1x128xi32, #tpu.memory_space<vmem>>
        %dma_wait3A_157 = tpu.memref_squeeze %dma_wait3A_156 : memref<1x128xi32, #tpu.memory_space<vmem>> -> memref<128xi32, #tpu.memory_space<vmem>>
        %dma_wait3A_158 = arith.constant 0 : i32
        %dma_wait3A_159 = arith.constant 0 : i32
        %dma_wait3A_160 = tpu.memref_slice %arg2[%dma_wait3A_158, %dma_wait3A_159] : memref<10000x128xf32, #tpu.memory_space<hbm>> -> memref<10000x128xf32, #tpu.memory_space<hbm>>
        tpu.wait_indirect_dma semaphore(%arg18 : memref<!tpu.dma_semaphore, #tpu.memory_space<semaphore_mem>>) src(%dma_wait3A_160 : memref<10000x128xf32, #tpu.memory_space<hbm>>) dst(%arg14 : memref<128x128xf32, #tpu.memory_space<vmem>>)
        %dma_start3A_161 = arith.constant 4 : i32
        %dma_start3A_162 = arith.constant 0 : i32
        %dma_start3A_163 = tpu.memref_slice %arg12[%dma_start3A_161, %dma_start3A_162] : memref<6x128xi32, #tpu.memory_space<vmem>> -> memref<1x128xi32, #tpu.memory_space<vmem>>
        %dma_start3A_164 = tpu.memref_squeeze %dma_start3A_163 : memref<1x128xi32, #tpu.memory_space<vmem>> -> memref<128xi32, #tpu.memory_space<vmem>>
        %dma_start3A_165 = arith.constant 0 : i32
        %dma_start3A_166 = arith.constant 0 : i32
        %dma_start3A_167 = tpu.memref_slice %arg9[%dma_start3A_165, %dma_start3A_166] : memref<10000x128xf32, #tpu.memory_space<vmem_shared>> -> memref<10000x128xf32, #tpu.memory_space<vmem_shared>>
        tpu.enqueue_indirect_dma source(%arg14 : memref<128x128xf32, #tpu.memory_space<vmem>>) target(%dma_start3A_167 : memref<10000x128xf32, #tpu.memory_space<vmem_shared>>) offsets(%dma_start3A_164 : memref<128xi32, #tpu.memory_space<vmem>>) semaphore(%arg21 : memref<!tpu.dma_semaphore, #tpu.memory_space<semaphore_mem>>) {add = true}
        %ge3A_168 = arith.constant 1 : i32
        %ge3A_169 = arith.cmpi sge, %add3A_132, %ge3A_168 : i32
        %convert_element_type3A_170 = arith.extui %ge3A_169 : i1 to i32
        %cond3A_171 = arith.constant 0 : i32
        %cond3A_172 = arith.cmpi ne, %convert_element_type3A_170, %cond3A_171 : i32
        scf.if %cond3A_172 {
          %dma_wait3A_187 = arith.constant 3 : i32
          %dma_wait3A_188 = arith.constant 0 : i32
          %dma_wait3A_189 = tpu.memref_slice %arg12[%dma_wait3A_187, %dma_wait3A_188] : memref<6x128xi32, #tpu.memory_space<vmem>> -> memref<1x128xi32, #tpu.memory_space<vmem>>
          %dma_wait3A_190 = tpu.memref_squeeze %dma_wait3A_189 : memref<1x128xi32, #tpu.memory_space<vmem>> -> memref<128xi32, #tpu.memory_space<vmem>>
          %dma_wait3A_191 = arith.constant 0 : i32
          %dma_wait3A_192 = arith.constant 0 : i32
          %dma_wait3A_193 = tpu.memref_slice %arg9[%dma_wait3A_191, %dma_wait3A_192] : memref<10000x128xf32, #tpu.memory_space<vmem_shared>> -> memref<10000x128xf32, #tpu.memory_space<vmem_shared>>
          tpu.wait_indirect_dma semaphore(%arg20 : memref<!tpu.dma_semaphore, #tpu.memory_space<semaphore_mem>>) src(%arg13 : memref<128x128xf32, #tpu.memory_space<vmem>>) dst(%dma_wait3A_193 : memref<10000x128xf32, #tpu.memory_space<vmem_shared>>)
        } else {
        }
        %add3A_173 = arith.constant 3 : i32
        %add3A_174 = arith.addi %add3A_132, %add3A_173 : i32
        %lt3A_175 = arith.cmpi slt, %add3A_174, %add3A_8 : i32
        %convert_element_type3A_176 = arith.extui %lt3A_175 : i1 to i32
        %cond3A_177 = arith.constant 0 : i32
        %cond3A_178 = arith.cmpi ne, %convert_element_type3A_176, %cond3A_177 : i32
        scf.if %cond3A_178 {
          %add3A_187 = arith.addi %add3A_4, %add3A_132 : i32
          %add3A_188 = arith.constant 3 : i32
          %add3A_189 = arith.addi %add3A_187, %add3A_188 : i32
          %dma_start3A_190 = arith.constant 1 : i32
          %dma_start3A_191 = arith.constant 0 : i32
          %dma_start3A_192 = tpu.memref_slice %arg11[%dma_start3A_190, %dma_start3A_191] : memref<6x128xi32, #tpu.memory_space<vmem>> -> memref<1x128xi32, #tpu.memory_space<vmem>>
          %dma_start3A_193 = tpu.memref_squeeze %dma_start3A_192 : memref<1x128xi32, #tpu.memory_space<vmem>> -> memref<128xi32, #tpu.memory_space<vmem>>
          %dma_start3A_194 = arith.constant 0 : i32
          %dma_start3A_195 = tpu.memref_slice %arg3[%add3A_189, %dma_start3A_194] : memref<2500x128xi32, #tpu.memory_space<hbm>> -> memref<1x128xi32, #tpu.memory_space<hbm>>
          %dma_start3A_196 = tpu.memref_squeeze %dma_start3A_195 : memref<1x128xi32, #tpu.memory_space<hbm>> -> memref<128xi32, #tpu.memory_space<hbm>>
          %dma_start3A_197 = arith.constant 0 : i32
          %dma_start3A_198 = tpu.memref_slice %arg11[%dma_start3A_190, %dma_start3A_197] : memref<6x128xi32, #tpu.memory_space<vmem>> -> memref<1x128xi32, #tpu.memory_space<vmem>>
          %dma_start3A_199 = tpu.memref_squeeze %dma_start3A_198 : memref<1x128xi32, #tpu.memory_space<vmem>> -> memref<128xi32, #tpu.memory_space<vmem>>
          %dma_start3A_200 = arith.constant 0 : i32
          %dma_start3A_201 = tpu.memref_slice %arg3[%add3A_189, %dma_start3A_200] : memref<2500x128xi32, #tpu.memory_space<hbm>> -> memref<1x128xi32, #tpu.memory_space<hbm>>
          %dma_start3A_202 = tpu.memref_squeeze %dma_start3A_201 : memref<1x128xi32, #tpu.memory_space<hbm>> -> memref<128xi32, #tpu.memory_space<hbm>>
          tpu.enqueue_dma source(%dma_start3A_202 : memref<128xi32, #tpu.memory_space<hbm>>) target(%dma_start3A_199 : memref<128xi32, #tpu.memory_space<vmem>>) target_semaphore(%arg23 : memref<!tpu.dma_semaphore, #tpu.memory_space<semaphore_mem>>)
          %dma_start3A_203 = arith.constant 1 : i32
          %dma_start3A_204 = arith.constant 0 : i32
          %dma_start3A_205 = tpu.memref_slice %arg12[%dma_start3A_203, %dma_start3A_204] : memref<6x128xi32, #tpu.memory_space<vmem>> -> memref<1x128xi32, #tpu.memory_space<vmem>>
          %dma_start3A_206 = tpu.memref_squeeze %dma_start3A_205 : memref<1x128xi32, #tpu.memory_space<vmem>> -> memref<128xi32, #tpu.memory_space<vmem>>
          %dma_start3A_207 = arith.constant 0 : i32
          %dma_start3A_208 = tpu.memref_slice %arg4[%add3A_189, %dma_start3A_207] : memref<2500x128xi32, #tpu.memory_space<hbm>> -> memref<1x128xi32, #tpu.memory_space<hbm>>
          %dma_start3A_209 = tpu.memref_squeeze %dma_start3A_208 : memref<1x128xi32, #tpu.memory_space<hbm>> -> memref<128xi32, #tpu.memory_space<hbm>>
          %dma_start3A_210 = arith.constant 0 : i32
          %dma_start3A_211 = tpu.memref_slice %arg12[%dma_start3A_203, %dma_start3A_210] : memref<6x128xi32, #tpu.memory_space<vmem>> -> memref<1x128xi32, #tpu.memory_space<vmem>>
          %dma_start3A_212 = tpu.memref_squeeze %dma_start3A_211 : memref<1x128xi32, #tpu.memory_space<vmem>> -> memref<128xi32, #tpu.memory_space<vmem>>
          %dma_start3A_213 = arith.constant 0 : i32
          %dma_start3A_214 = tpu.memref_slice %arg4[%add3A_189, %dma_start3A_213] : memref<2500x128xi32, #tpu.memory_space<hbm>> -> memref<1x128xi32, #tpu.memory_space<hbm>>
          %dma_start3A_215 = tpu.memref_squeeze %dma_start3A_214 : memref<1x128xi32, #tpu.memory_space<hbm>> -> memref<128xi32, #tpu.memory_space<hbm>>
          tpu.enqueue_dma source(%dma_start3A_215 : memref<128xi32, #tpu.memory_space<hbm>>) target(%dma_start3A_212 : memref<128xi32, #tpu.memory_space<vmem>>) target_semaphore(%arg23 : memref<!tpu.dma_semaphore, #tpu.memory_space<semaphore_mem>>)
        } else {
        }
        %add3A_179 = arith.constant 3 : i32
        %add3A_180 = arith.addi %add3A_132, %add3A_179 : i32
        %sub3A_181 = arith.constant 1 : i32
        %sub3A_182 = arith.subi %add3A_180, %sub3A_181 : i32
        %lt3A_183 = arith.cmpi slt, %sub3A_182, %add3A_8 : i32
        %convert_element_type3A_184 = arith.extui %lt3A_183 : i1 to i32
        %cond3A_185 = arith.constant 0 : i32
        %cond3A_186 = arith.cmpi ne, %convert_element_type3A_184, %cond3A_185 : i32
        scf.if %cond3A_186 {
          %dma_start3A_187 = arith.constant 0 : i32
          %dma_start3A_188 = arith.constant 0 : i32
          %dma_start3A_189 = tpu.memref_slice %arg11[%dma_start3A_187, %dma_start3A_188] : memref<6x128xi32, #tpu.memory_space<vmem>> -> memref<1x128xi32, #tpu.memory_space<vmem>>
          %dma_start3A_190 = tpu.memref_squeeze %dma_start3A_189 : memref<1x128xi32, #tpu.memory_space<vmem>> -> memref<128xi32, #tpu.memory_space<vmem>>
          %dma_start3A_191 = arith.constant 0 : i32
          %dma_start3A_192 = arith.constant 0 : i32
          %dma_start3A_193 = tpu.memref_slice %arg2[%dma_start3A_191, %dma_start3A_192] : memref<10000x128xf32, #tpu.memory_space<hbm>> -> memref<10000x128xf32, #tpu.memory_space<hbm>>
          tpu.enqueue_indirect_dma source(%dma_start3A_193 : memref<10000x128xf32, #tpu.memory_space<hbm>>) target(%arg13 : memref<128x128xf32, #tpu.memory_space<vmem>>) offsets(%dma_start3A_190 : memref<128xi32, #tpu.memory_space<vmem>>) semaphore(%arg17 : memref<!tpu.dma_semaphore, #tpu.memory_space<semaphore_mem>>)
        } else {
        }
      } else {
      }
      %mul3A_137 = arith.constant 6 : i32
      %mul3A_138 = arith.muli %scan3A_96, %mul3A_137 : i32
      %add3A_139 = arith.constant 5 : i32
      %add3A_140 = arith.addi %mul3A_138, %add3A_139 : i32
      %lt3A_141 = arith.cmpi slt, %add3A_140, %add3A_8 : i32
      %convert_element_type3A_142 = arith.extui %lt3A_141 : i1 to i32
      %cond3A_143 = arith.constant 0 : i32
      %cond3A_144 = arith.cmpi ne, %convert_element_type3A_142, %cond3A_143 : i32
      scf.if %cond3A_144 {
        %ge3A = arith.constant 1 : i32
        %ge3A_145 = arith.cmpi sge, %add3A_140, %ge3A : i32
        %add3A_146 = arith.constant 3 : i32
        %add3A_147 = arith.addi %add3A_140, %add3A_146 : i32
        %sub3A_148 = arith.constant 1 : i32
        %sub3A_149 = arith.subi %add3A_147, %sub3A_148 : i32
        %lt3A_150 = arith.cmpi slt, %sub3A_149, %add3A_8 : i32
        %and3A_151 = arith.andi %ge3A_145, %lt3A_150 : i1
        %convert_element_type3A_152 = arith.extui %and3A_151 : i1 to i32
        %cond3A_153 = arith.constant 0 : i32
        %cond3A_154 = arith.cmpi ne, %convert_element_type3A_152, %cond3A_153 : i32
        scf.if %cond3A_154 {
          %add3A_187 = arith.addi %add3A_4, %add3A_140 : i32
          %add3A_188 = arith.constant 3 : i32
          %add3A_189 = arith.addi %add3A_187, %add3A_188 : i32
          %sub3A_190 = arith.constant 1 : i32
          %sub3A_191 = arith.subi %add3A_189, %sub3A_190 : i32
          %dma_wait3A_192 = arith.constant 1 : i32
          %dma_wait3A_193 = arith.constant 0 : i32
          %dma_wait3A_194 = tpu.memref_slice %arg11[%dma_wait3A_192, %dma_wait3A_193] : memref<6x128xi32, #tpu.memory_space<vmem>> -> memref<1x128xi32, #tpu.memory_space<vmem>>
          %dma_wait3A_195 = tpu.memref_squeeze %dma_wait3A_194 : memref<1x128xi32, #tpu.memory_space<vmem>> -> memref<128xi32, #tpu.memory_space<vmem>>
          %dma_wait3A_196 = arith.constant 0 : i32
          %dma_wait3A_197 = tpu.memref_slice %arg3[%sub3A_191, %dma_wait3A_196] : memref<2500x128xi32, #tpu.memory_space<hbm>> -> memref<1x128xi32, #tpu.memory_space<hbm>>
          %dma_wait3A_198 = tpu.memref_squeeze %dma_wait3A_197 : memref<1x128xi32, #tpu.memory_space<hbm>> -> memref<128xi32, #tpu.memory_space<hbm>>
          %dma_wait3A_199 = arith.constant 0 : i32
          %dma_wait3A_200 = tpu.memref_slice %arg11[%dma_wait3A_192, %dma_wait3A_199] : memref<6x128xi32, #tpu.memory_space<vmem>> -> memref<1x128xi32, #tpu.memory_space<vmem>>
          %dma_wait3A_201 = tpu.memref_squeeze %dma_wait3A_200 : memref<1x128xi32, #tpu.memory_space<vmem>> -> memref<128xi32, #tpu.memory_space<vmem>>
          %dma_wait3A_202 = arith.constant 0 : i32
          %dma_wait3A_203 = tpu.memref_slice %arg3[%sub3A_191, %dma_wait3A_202] : memref<2500x128xi32, #tpu.memory_space<hbm>> -> memref<1x128xi32, #tpu.memory_space<hbm>>
          %dma_wait3A_204 = tpu.memref_squeeze %dma_wait3A_203 : memref<1x128xi32, #tpu.memory_space<hbm>> -> memref<128xi32, #tpu.memory_space<hbm>>
          tpu.wait_dma2 semaphore(%arg23 : memref<!tpu.dma_semaphore, #tpu.memory_space<semaphore_mem>>) src(%dma_wait3A_204 : memref<128xi32, #tpu.memory_space<hbm>>) dst(%dma_wait3A_201 : memref<128xi32, #tpu.memory_space<vmem>>)
          %dma_wait3A_205 = arith.constant 1 : i32
          %dma_wait3A_206 = arith.constant 0 : i32
          %dma_wait3A_207 = tpu.memref_slice %arg12[%dma_wait3A_205, %dma_wait3A_206] : memref<6x128xi32, #tpu.memory_space<vmem>> -> memref<1x128xi32, #tpu.memory_space<vmem>>
          %dma_wait3A_208 = tpu.memref_squeeze %dma_wait3A_207 : memref<1x128xi32, #tpu.memory_space<vmem>> -> memref<128xi32, #tpu.memory_space<vmem>>
          %dma_wait3A_209 = arith.constant 0 : i32
          %dma_wait3A_210 = tpu.memref_slice %arg4[%sub3A_191, %dma_wait3A_209] : memref<2500x128xi32, #tpu.memory_space<hbm>> -> memref<1x128xi32, #tpu.memory_space<hbm>>
          %dma_wait3A_211 = tpu.memref_squeeze %dma_wait3A_210 : memref<1x128xi32, #tpu.memory_space<hbm>> -> memref<128xi32, #tpu.memory_space<hbm>>
          %dma_wait3A_212 = arith.constant 0 : i32
          %dma_wait3A_213 = tpu.memref_slice %arg12[%dma_wait3A_205, %dma_wait3A_212] : memref<6x128xi32, #tpu.memory_space<vmem>> -> memref<1x128xi32, #tpu.memory_space<vmem>>
          %dma_wait3A_214 = tpu.memref_squeeze %dma_wait3A_213 : memref<1x128xi32, #tpu.memory_space<vmem>> -> memref<128xi32, #tpu.memory_space<vmem>>
          %dma_wait3A_215 = arith.constant 0 : i32
          %dma_wait3A_216 = tpu.memref_slice %arg4[%sub3A_191, %dma_wait3A_215] : memref<2500x128xi32, #tpu.memory_space<hbm>> -> memref<1x128xi32, #tpu.memory_space<hbm>>
          %dma_wait3A_217 = tpu.memref_squeeze %dma_wait3A_216 : memref<1x128xi32, #tpu.memory_space<hbm>> -> memref<128xi32, #tpu.memory_space<hbm>>
          tpu.wait_dma2 semaphore(%arg23 : memref<!tpu.dma_semaphore, #tpu.memory_space<semaphore_mem>>) src(%dma_wait3A_217 : memref<128xi32, #tpu.memory_space<hbm>>) dst(%dma_wait3A_214 : memref<128xi32, #tpu.memory_space<vmem>>)
        } else {
        }
        %dma_wait3A = arith.constant 5 : i32
        %dma_wait3A_155 = arith.constant 0 : i32
        %dma_wait3A_156 = tpu.memref_slice %arg11[%dma_wait3A, %dma_wait3A_155] : memref<6x128xi32, #tpu.memory_space<vmem>> -> memref<1x128xi32, #tpu.memory_space<vmem>>
        %dma_wait3A_157 = tpu.memref_squeeze %dma_wait3A_156 : memref<1x128xi32, #tpu.memory_space<vmem>> -> memref<128xi32, #tpu.memory_space<vmem>>
        %dma_wait3A_158 = arith.constant 0 : i32
        %dma_wait3A_159 = arith.constant 0 : i32
        %dma_wait3A_160 = tpu.memref_slice %arg2[%dma_wait3A_158, %dma_wait3A_159] : memref<10000x128xf32, #tpu.memory_space<hbm>> -> memref<10000x128xf32, #tpu.memory_space<hbm>>
        tpu.wait_indirect_dma semaphore(%arg19 : memref<!tpu.dma_semaphore, #tpu.memory_space<semaphore_mem>>) src(%dma_wait3A_160 : memref<10000x128xf32, #tpu.memory_space<hbm>>) dst(%arg15 : memref<128x128xf32, #tpu.memory_space<vmem>>)
        %dma_start3A_161 = arith.constant 5 : i32
        %dma_start3A_162 = arith.constant 0 : i32
        %dma_start3A_163 = tpu.memref_slice %arg12[%dma_start3A_161, %dma_start3A_162] : memref<6x128xi32, #tpu.memory_space<vmem>> -> memref<1x128xi32, #tpu.memory_space<vmem>>
        %dma_start3A_164 = tpu.memref_squeeze %dma_start3A_163 : memref<1x128xi32, #tpu.memory_space<vmem>> -> memref<128xi32, #tpu.memory_space<vmem>>
        %dma_start3A_165 = arith.constant 0 : i32
        %dma_start3A_166 = arith.constant 0 : i32
        %dma_start3A_167 = tpu.memref_slice %arg9[%dma_start3A_165, %dma_start3A_166] : memref<10000x128xf32, #tpu.memory_space<vmem_shared>> -> memref<10000x128xf32, #tpu.memory_space<vmem_shared>>
        tpu.enqueue_indirect_dma source(%arg15 : memref<128x128xf32, #tpu.memory_space<vmem>>) target(%dma_start3A_167 : memref<10000x128xf32, #tpu.memory_space<vmem_shared>>) offsets(%dma_start3A_164 : memref<128xi32, #tpu.memory_space<vmem>>) semaphore(%arg22 : memref<!tpu.dma_semaphore, #tpu.memory_space<semaphore_mem>>) {add = true}
        %ge3A_168 = arith.constant 1 : i32
        %ge3A_169 = arith.cmpi sge, %add3A_140, %ge3A_168 : i32
        %convert_element_type3A_170 = arith.extui %ge3A_169 : i1 to i32
        %cond3A_171 = arith.constant 0 : i32
        %cond3A_172 = arith.cmpi ne, %convert_element_type3A_170, %cond3A_171 : i32
        scf.if %cond3A_172 {
          %dma_wait3A_187 = arith.constant 4 : i32
          %dma_wait3A_188 = arith.constant 0 : i32
          %dma_wait3A_189 = tpu.memref_slice %arg12[%dma_wait3A_187, %dma_wait3A_188] : memref<6x128xi32, #tpu.memory_space<vmem>> -> memref<1x128xi32, #tpu.memory_space<vmem>>
          %dma_wait3A_190 = tpu.memref_squeeze %dma_wait3A_189 : memref<1x128xi32, #tpu.memory_space<vmem>> -> memref<128xi32, #tpu.memory_space<vmem>>
          %dma_wait3A_191 = arith.constant 0 : i32
          %dma_wait3A_192 = arith.constant 0 : i32
          %dma_wait3A_193 = tpu.memref_slice %arg9[%dma_wait3A_191, %dma_wait3A_192] : memref<10000x128xf32, #tpu.memory_space<vmem_shared>> -> memref<10000x128xf32, #tpu.memory_space<vmem_shared>>
          tpu.wait_indirect_dma semaphore(%arg21 : memref<!tpu.dma_semaphore, #tpu.memory_space<semaphore_mem>>) src(%arg14 : memref<128x128xf32, #tpu.memory_space<vmem>>) dst(%dma_wait3A_193 : memref<10000x128xf32, #tpu.memory_space<vmem_shared>>)
        } else {
        }
        %add3A_173 = arith.constant 3 : i32
        %add3A_174 = arith.addi %add3A_140, %add3A_173 : i32
        %lt3A_175 = arith.cmpi slt, %add3A_174, %add3A_8 : i32
        %convert_element_type3A_176 = arith.extui %lt3A_175 : i1 to i32
        %cond3A_177 = arith.constant 0 : i32
        %cond3A_178 = arith.cmpi ne, %convert_element_type3A_176, %cond3A_177 : i32
        scf.if %cond3A_178 {
          %add3A_187 = arith.addi %add3A_4, %add3A_140 : i32
          %add3A_188 = arith.constant 3 : i32
          %add3A_189 = arith.addi %add3A_187, %add3A_188 : i32
          %dma_start3A_190 = arith.constant 2 : i32
          %dma_start3A_191 = arith.constant 0 : i32
          %dma_start3A_192 = tpu.memref_slice %arg11[%dma_start3A_190, %dma_start3A_191] : memref<6x128xi32, #tpu.memory_space<vmem>> -> memref<1x128xi32, #tpu.memory_space<vmem>>
          %dma_start3A_193 = tpu.memref_squeeze %dma_start3A_192 : memref<1x128xi32, #tpu.memory_space<vmem>> -> memref<128xi32, #tpu.memory_space<vmem>>
          %dma_start3A_194 = arith.constant 0 : i32
          %dma_start3A_195 = tpu.memref_slice %arg3[%add3A_189, %dma_start3A_194] : memref<2500x128xi32, #tpu.memory_space<hbm>> -> memref<1x128xi32, #tpu.memory_space<hbm>>
          %dma_start3A_196 = tpu.memref_squeeze %dma_start3A_195 : memref<1x128xi32, #tpu.memory_space<hbm>> -> memref<128xi32, #tpu.memory_space<hbm>>
          %dma_start3A_197 = arith.constant 0 : i32
          %dma_start3A_198 = tpu.memref_slice %arg11[%dma_start3A_190, %dma_start3A_197] : memref<6x128xi32, #tpu.memory_space<vmem>> -> memref<1x128xi32, #tpu.memory_space<vmem>>
          %dma_start3A_199 = tpu.memref_squeeze %dma_start3A_198 : memref<1x128xi32, #tpu.memory_space<vmem>> -> memref<128xi32, #tpu.memory_space<vmem>>
          %dma_start3A_200 = arith.constant 0 : i32
          %dma_start3A_201 = tpu.memref_slice %arg3[%add3A_189, %dma_start3A_200] : memref<2500x128xi32, #tpu.memory_space<hbm>> -> memref<1x128xi32, #tpu.memory_space<hbm>>
          %dma_start3A_202 = tpu.memref_squeeze %dma_start3A_201 : memref<1x128xi32, #tpu.memory_space<hbm>> -> memref<128xi32, #tpu.memory_space<hbm>>
          tpu.enqueue_dma source(%dma_start3A_202 : memref<128xi32, #tpu.memory_space<hbm>>) target(%dma_start3A_199 : memref<128xi32, #tpu.memory_space<vmem>>) target_semaphore(%arg24 : memref<!tpu.dma_semaphore, #tpu.memory_space<semaphore_mem>>)
          %dma_start3A_203 = arith.constant 2 : i32
          %dma_start3A_204 = arith.constant 0 : i32
          %dma_start3A_205 = tpu.memref_slice %arg12[%dma_start3A_203, %dma_start3A_204] : memref<6x128xi32, #tpu.memory_space<vmem>> -> memref<1x128xi32, #tpu.memory_space<vmem>>
          %dma_start3A_206 = tpu.memref_squeeze %dma_start3A_205 : memref<1x128xi32, #tpu.memory_space<vmem>> -> memref<128xi32, #tpu.memory_space<vmem>>
          %dma_start3A_207 = arith.constant 0 : i32
          %dma_start3A_208 = tpu.memref_slice %arg4[%add3A_189, %dma_start3A_207] : memref<2500x128xi32, #tpu.memory_space<hbm>> -> memref<1x128xi32, #tpu.memory_space<hbm>>
          %dma_start3A_209 = tpu.memref_squeeze %dma_start3A_208 : memref<1x128xi32, #tpu.memory_space<hbm>> -> memref<128xi32, #tpu.memory_space<hbm>>
          %dma_start3A_210 = arith.constant 0 : i32
          %dma_start3A_211 = tpu.memref_slice %arg12[%dma_start3A_203, %dma_start3A_210] : memref<6x128xi32, #tpu.memory_space<vmem>> -> memref<1x128xi32, #tpu.memory_space<vmem>>
          %dma_start3A_212 = tpu.memref_squeeze %dma_start3A_211 : memref<1x128xi32, #tpu.memory_space<vmem>> -> memref<128xi32, #tpu.memory_space<vmem>>
          %dma_start3A_213 = arith.constant 0 : i32
          %dma_start3A_214 = tpu.memref_slice %arg4[%add3A_189, %dma_start3A_213] : memref<2500x128xi32, #tpu.memory_space<hbm>> -> memref<1x128xi32, #tpu.memory_space<hbm>>
          %dma_start3A_215 = tpu.memref_squeeze %dma_start3A_214 : memref<1x128xi32, #tpu.memory_space<hbm>> -> memref<128xi32, #tpu.memory_space<hbm>>
          tpu.enqueue_dma source(%dma_start3A_215 : memref<128xi32, #tpu.memory_space<hbm>>) target(%dma_start3A_212 : memref<128xi32, #tpu.memory_space<vmem>>) target_semaphore(%arg24 : memref<!tpu.dma_semaphore, #tpu.memory_space<semaphore_mem>>)
        } else {
        }
        %add3A_179 = arith.constant 3 : i32
        %add3A_180 = arith.addi %add3A_140, %add3A_179 : i32
        %sub3A_181 = arith.constant 1 : i32
        %sub3A_182 = arith.subi %add3A_180, %sub3A_181 : i32
        %lt3A_183 = arith.cmpi slt, %sub3A_182, %add3A_8 : i32
        %convert_element_type3A_184 = arith.extui %lt3A_183 : i1 to i32
        %cond3A_185 = arith.constant 0 : i32
        %cond3A_186 = arith.cmpi ne, %convert_element_type3A_184, %cond3A_185 : i32
        scf.if %cond3A_186 {
          %dma_start3A_187 = arith.constant 1 : i32
          %dma_start3A_188 = arith.constant 0 : i32
          %dma_start3A_189 = tpu.memref_slice %arg11[%dma_start3A_187, %dma_start3A_188] : memref<6x128xi32, #tpu.memory_space<vmem>> -> memref<1x128xi32, #tpu.memory_space<vmem>>
          %dma_start3A_190 = tpu.memref_squeeze %dma_start3A_189 : memref<1x128xi32, #tpu.memory_space<vmem>> -> memref<128xi32, #tpu.memory_space<vmem>>
          %dma_start3A_191 = arith.constant 0 : i32
          %dma_start3A_192 = arith.constant 0 : i32
          %dma_start3A_193 = tpu.memref_slice %arg2[%dma_start3A_191, %dma_start3A_192] : memref<10000x128xf32, #tpu.memory_space<hbm>> -> memref<10000x128xf32, #tpu.memory_space<hbm>>
          tpu.enqueue_indirect_dma source(%dma_start3A_193 : memref<10000x128xf32, #tpu.memory_space<hbm>>) target(%arg14 : memref<128x128xf32, #tpu.memory_space<vmem>>) offsets(%dma_start3A_190 : memref<128xi32, #tpu.memory_space<vmem>>) semaphore(%arg18 : memref<!tpu.dma_semaphore, #tpu.memory_space<semaphore_mem>>)
        } else {
        }
      } else {
      }
    }
    %scan3A_28 = arith.constant 14 : i32
    %sub3A = arith.constant 1 : i32
    %sub3A_29 = arith.subi %add3A_8, %sub3A : i32
    %jit3A_30 = arith.constant 3 : i32
    %eq3A = arith.constant 0 : i32
    %eq3A_31 = arith.cmpi eq, %jit3A_30, %eq3A : i32
    %jit3A_32 = arith.constant 1 : i32
    %select_n3A_33 = arith.select %eq3A_31, %jit3A_32, %jit3A_30 : i32
    %rem3A = arith.remsi %sub3A_29, %select_n3A_33 : i32
    %ne3A = arith.constant 0 : i32
    %ne3A_34 = arith.cmpi ne, %rem3A, %ne3A : i32
    %lt3A_35 = arith.constant 0 : i32
    %lt3A_36 = arith.cmpi slt, %rem3A, %lt3A_35 : i32
    %lt3A_37 = arith.constant 0 : i32
    %lt3A_38 = arith.cmpi slt, %select_n3A_33, %lt3A_37 : i32
    %ne3A_39 = arith.xori %lt3A_36, %lt3A_38 : i1
    %and3A = arith.andi %ne3A_39, %ne3A_34 : i1
    %add3A_40 = arith.addi %rem3A, %select_n3A_33 : i32
    %select_n3A_41 = arith.select %and3A, %add3A_40, %rem3A : i32
    %eq3A_42 = arith.constant 0 : i32
    %eq3A_43 = arith.cmpi eq, %select_n3A_41, %eq3A_42 : i32
    %convert_element_type3A = arith.extui %eq3A_43 : i1 to i32
    %cond3A = arith.constant 0 : i32
    %cond3A_44 = arith.cmpi ne, %convert_element_type3A, %cond3A : i32
    scf.if %cond3A_44 {
      %sub3A_96 = arith.constant 1 : i32
      %sub3A_97 = arith.subi %add3A_8, %sub3A_96 : i32
      %jit3A_98 = arith.constant 6 : i32
      %eq3A_99 = arith.constant 0 : i32
      %eq3A_100 = arith.cmpi eq, %jit3A_98, %eq3A_99 : i32
      %jit3A_101 = arith.constant 1 : i32
      %select_n3A_102 = arith.select %eq3A_100, %jit3A_101, %jit3A_98 : i32
      %rem3A_103 = arith.remsi %sub3A_97, %select_n3A_102 : i32
      %ne3A_104 = arith.constant 0 : i32
      %ne3A_105 = arith.cmpi ne, %rem3A_103, %ne3A_104 : i32
      %lt3A_106 = arith.constant 0 : i32
      %lt3A_107 = arith.cmpi slt, %rem3A_103, %lt3A_106 : i32
      %lt3A_108 = arith.constant 0 : i32
      %lt3A_109 = arith.cmpi slt, %select_n3A_102, %lt3A_108 : i32
      %ne3A_110 = arith.xori %lt3A_107, %lt3A_109 : i1
      %and3A_111 = arith.andi %ne3A_110, %ne3A_105 : i1
      %add3A_112 = arith.addi %rem3A_103, %select_n3A_102 : i32
      %select_n3A_113 = arith.select %and3A_111, %add3A_112, %rem3A_103 : i32
      %dma_wait3A = arith.constant 0 : i32
      %dma_wait3A_114 = tpu.memref_slice %arg12[%select_n3A_113, %dma_wait3A] : memref<6x128xi32, #tpu.memory_space<vmem>> -> memref<1x128xi32, #tpu.memory_space<vmem>>
      %dma_wait3A_115 = tpu.memref_squeeze %dma_wait3A_114 : memref<1x128xi32, #tpu.memory_space<vmem>> -> memref<128xi32, #tpu.memory_space<vmem>>
      %dma_wait3A_116 = arith.constant 0 : i32
      %dma_wait3A_117 = arith.constant 0 : i32
      %dma_wait3A_118 = tpu.memref_slice %arg9[%dma_wait3A_116, %dma_wait3A_117] : memref<10000x128xf32, #tpu.memory_space<vmem_shared>> -> memref<10000x128xf32, #tpu.memory_space<vmem_shared>>
      tpu.wait_indirect_dma semaphore(%arg20 : memref<!tpu.dma_semaphore, #tpu.memory_space<semaphore_mem>>) src(%arg13 : memref<128x128xf32, #tpu.memory_space<vmem>>) dst(%dma_wait3A_118 : memref<10000x128xf32, #tpu.memory_space<vmem_shared>>)
    } else {
    }
    %sub3A_45 = arith.constant 1 : i32
    %sub3A_46 = arith.subi %add3A_8, %sub3A_45 : i32
    %jit3A_47 = arith.constant 3 : i32
    %eq3A_48 = arith.constant 0 : i32
    %eq3A_49 = arith.cmpi eq, %jit3A_47, %eq3A_48 : i32
    %jit3A_50 = arith.constant 1 : i32
    %select_n3A_51 = arith.select %eq3A_49, %jit3A_50, %jit3A_47 : i32
    %rem3A_52 = arith.remsi %sub3A_46, %select_n3A_51 : i32
    %ne3A_53 = arith.constant 0 : i32
    %ne3A_54 = arith.cmpi ne, %rem3A_52, %ne3A_53 : i32
    %lt3A_55 = arith.constant 0 : i32
    %lt3A_56 = arith.cmpi slt, %rem3A_52, %lt3A_55 : i32
    %lt3A_57 = arith.constant 0 : i32
    %lt3A_58 = arith.cmpi slt, %select_n3A_51, %lt3A_57 : i32
    %ne3A_59 = arith.xori %lt3A_56, %lt3A_58 : i1
    %and3A_60 = arith.andi %ne3A_59, %ne3A_54 : i1
    %add3A_61 = arith.addi %rem3A_52, %select_n3A_51 : i32
    %select_n3A_62 = arith.select %and3A_60, %add3A_61, %rem3A_52 : i32
    %eq3A_63 = arith.constant 1 : i32
    %eq3A_64 = arith.cmpi eq, %select_n3A_62, %eq3A_63 : i32
    %convert_element_type3A_65 = arith.extui %eq3A_64 : i1 to i32
    %cond3A_66 = arith.constant 0 : i32
    %cond3A_67 = arith.cmpi ne, %convert_element_type3A_65, %cond3A_66 : i32
    scf.if %cond3A_67 {
      %sub3A_96 = arith.constant 1 : i32
      %sub3A_97 = arith.subi %add3A_8, %sub3A_96 : i32
      %jit3A_98 = arith.constant 6 : i32
      %eq3A_99 = arith.constant 0 : i32
      %eq3A_100 = arith.cmpi eq, %jit3A_98, %eq3A_99 : i32
      %jit3A_101 = arith.constant 1 : i32
      %select_n3A_102 = arith.select %eq3A_100, %jit3A_101, %jit3A_98 : i32
      %rem3A_103 = arith.remsi %sub3A_97, %select_n3A_102 : i32
      %ne3A_104 = arith.constant 0 : i32
      %ne3A_105 = arith.cmpi ne, %rem3A_103, %ne3A_104 : i32
      %lt3A_106 = arith.constant 0 : i32
      %lt3A_107 = arith.cmpi slt, %rem3A_103, %lt3A_106 : i32
      %lt3A_108 = arith.constant 0 : i32
      %lt3A_109 = arith.cmpi slt, %select_n3A_102, %lt3A_108 : i32
      %ne3A_110 = arith.xori %lt3A_107, %lt3A_109 : i1
      %and3A_111 = arith.andi %ne3A_110, %ne3A_105 : i1
      %add3A_112 = arith.addi %rem3A_103, %select_n3A_102 : i32
      %select_n3A_113 = arith.select %and3A_111, %add3A_112, %rem3A_103 : i32
      %dma_wait3A = arith.constant 0 : i32
      %dma_wait3A_114 = tpu.memref_slice %arg12[%select_n3A_113, %dma_wait3A] : memref<6x128xi32, #tpu.memory_space<vmem>> -> memref<1x128xi32, #tpu.memory_space<vmem>>
      %dma_wait3A_115 = tpu.memref_squeeze %dma_wait3A_114 : memref<1x128xi32, #tpu.memory_space<vmem>> -> memref<128xi32, #tpu.memory_space<vmem>>
      %dma_wait3A_116 = arith.constant 0 : i32
      %dma_wait3A_117 = arith.constant 0 : i32
      %dma_wait3A_118 = tpu.memref_slice %arg9[%dma_wait3A_116, %dma_wait3A_117] : memref<10000x128xf32, #tpu.memory_space<vmem_shared>> -> memref<10000x128xf32, #tpu.memory_space<vmem_shared>>
      tpu.wait_indirect_dma semaphore(%arg21 : memref<!tpu.dma_semaphore, #tpu.memory_space<semaphore_mem>>) src(%arg14 : memref<128x128xf32, #tpu.memory_space<vmem>>) dst(%dma_wait3A_118 : memref<10000x128xf32, #tpu.memory_space<vmem_shared>>)
    } else {
    }
    %sub3A_68 = arith.constant 1 : i32
    %sub3A_69 = arith.subi %add3A_8, %sub3A_68 : i32
    %jit3A_70 = arith.constant 3 : i32
    %eq3A_71 = arith.constant 0 : i32
    %eq3A_72 = arith.cmpi eq, %jit3A_70, %eq3A_71 : i32
    %jit3A_73 = arith.constant 1 : i32
    %select_n3A_74 = arith.select %eq3A_72, %jit3A_73, %jit3A_70 : i32
    %rem3A_75 = arith.remsi %sub3A_69, %select_n3A_74 : i32
    %ne3A_76 = arith.constant 0 : i32
    %ne3A_77 = arith.cmpi ne, %rem3A_75, %ne3A_76 : i32
    %lt3A_78 = arith.constant 0 : i32
    %lt3A_79 = arith.cmpi slt, %rem3A_75, %lt3A_78 : i32
    %lt3A_80 = arith.constant 0 : i32
    %lt3A_81 = arith.cmpi slt, %select_n3A_74, %lt3A_80 : i32
    %ne3A_82 = arith.xori %lt3A_79, %lt3A_81 : i1
    %and3A_83 = arith.andi %ne3A_82, %ne3A_77 : i1
    %add3A_84 = arith.addi %rem3A_75, %select_n3A_74 : i32
    %select_n3A_85 = arith.select %and3A_83, %add3A_84, %rem3A_75 : i32
    %eq3A_86 = arith.constant 2 : i32
    %eq3A_87 = arith.cmpi eq, %select_n3A_85, %eq3A_86 : i32
    %convert_element_type3A_88 = arith.extui %eq3A_87 : i1 to i32
    %cond3A_89 = arith.constant 0 : i32
    %cond3A_90 = arith.cmpi ne, %convert_element_type3A_88, %cond3A_89 : i32
    scf.if %cond3A_90 {
      %sub3A_96 = arith.constant 1 : i32
      %sub3A_97 = arith.subi %add3A_8, %sub3A_96 : i32
      %jit3A_98 = arith.constant 6 : i32
      %eq3A_99 = arith.constant 0 : i32
      %eq3A_100 = arith.cmpi eq, %jit3A_98, %eq3A_99 : i32
      %jit3A_101 = arith.constant 1 : i32
      %select_n3A_102 = arith.select %eq3A_100, %jit3A_101, %jit3A_98 : i32
      %rem3A_103 = arith.remsi %sub3A_97, %select_n3A_102 : i32
      %ne3A_104 = arith.constant 0 : i32
      %ne3A_105 = arith.cmpi ne, %rem3A_103, %ne3A_104 : i32
      %lt3A_106 = arith.constant 0 : i32
      %lt3A_107 = arith.cmpi slt, %rem3A_103, %lt3A_106 : i32
      %lt3A_108 = arith.constant 0 : i32
      %lt3A_109 = arith.cmpi slt, %select_n3A_102, %lt3A_108 : i32
      %ne3A_110 = arith.xori %lt3A_107, %lt3A_109 : i1
      %and3A_111 = arith.andi %ne3A_110, %ne3A_105 : i1
      %add3A_112 = arith.addi %rem3A_103, %select_n3A_102 : i32
      %select_n3A_113 = arith.select %and3A_111, %add3A_112, %rem3A_103 : i32
      %dma_wait3A = arith.constant 0 : i32
      %dma_wait3A_114 = tpu.memref_slice %arg12[%select_n3A_113, %dma_wait3A] : memref<6x128xi32, #tpu.memory_space<vmem>> -> memref<1x128xi32, #tpu.memory_space<vmem>>
      %dma_wait3A_115 = tpu.memref_squeeze %dma_wait3A_114 : memref<1x128xi32, #tpu.memory_space<vmem>> -> memref<128xi32, #tpu.memory_space<vmem>>
      %dma_wait3A_116 = arith.constant 0 : i32
      %dma_wait3A_117 = arith.constant 0 : i32
      %dma_wait3A_118 = tpu.memref_slice %arg9[%dma_wait3A_116, %dma_wait3A_117] : memref<10000x128xf32, #tpu.memory_space<vmem_shared>> -> memref<10000x128xf32, #tpu.memory_space<vmem_shared>>
      tpu.wait_indirect_dma semaphore(%arg22 : memref<!tpu.dma_semaphore, #tpu.memory_space<semaphore_mem>>) src(%arg15 : memref<128x128xf32, #tpu.memory_space<vmem>>) dst(%dma_wait3A_118 : memref<10000x128xf32, #tpu.memory_space<vmem_shared>>)
    } else {
    }
    %barrier3A_91 = arith.constant 0 : index
    tpu.barrier barrier_id(%barrier3A_91)
    %mul3A_92 = arith.constant 625 : i32
    %mul3A_93 = arith.muli %arg1, %mul3A_92 : i32
    %mul3A_94 = arith.constant 625 : i32
    %mul3A_95 = arith.muli %arg1, %mul3A_94 : i32
    "tpu.region"() ({
      %run_scoped3A = tpu.sem_alloc : memref<!tpu.dma_semaphore, #tpu.memory_space<semaphore_mem>>
      %dma_start3A_96 = arith.constant 0 : i32
      %dma_start3A_97 = arith.constant 0 : i32
      %dma_start3A_98 = tpu.memref_slice %arg8[%arg0, %dma_start3A_96, %dma_start3A_97] : memref<2x10000x128xf32, #tpu.memory_space<hbm>> -> memref<1x10000x128xf32, #tpu.memory_space<hbm>>
      %dma_start3A_99 = tpu.memref_squeeze %dma_start3A_98 : memref<1x10000x128xf32, #tpu.memory_space<hbm>> -> memref<10000x128xf32, #tpu.memory_space<hbm>>
      %dma_start3A_100 = arith.constant 0 : i32
      %dma_start3A_101 = tpu.memref_slice %dma_start3A_99[%mul3A_95, %dma_start3A_100] : memref<10000x128xf32, #tpu.memory_space<hbm>> -> memref<625x128xf32, #tpu.memory_space<hbm>>
      %dma_start3A_102 = arith.constant 0 : i32
      %dma_start3A_103 = tpu.memref_slice %arg9[%mul3A_93, %dma_start3A_102] : memref<10000x128xf32, #tpu.memory_space<vmem_shared>> -> memref<625x128xf32, #tpu.memory_space<vmem_shared>>
      tpu.enqueue_dma source(%dma_start3A_103 : memref<625x128xf32, #tpu.memory_space<vmem_shared>>) target(%dma_start3A_101 : memref<625x128xf32, #tpu.memory_space<hbm>>) target_semaphore(%run_scoped3A : memref<!tpu.dma_semaphore, #tpu.memory_space<semaphore_mem>>)
      %dma_wait3A = arith.constant 0 : i32
      %dma_wait3A_104 = arith.constant 0 : i32
      %dma_wait3A_105 = tpu.memref_slice %arg8[%arg0, %dma_wait3A, %dma_wait3A_104] : memref<2x10000x128xf32, #tpu.memory_space<hbm>> -> memref<1x10000x128xf32, #tpu.memory_space<hbm>>
      %dma_wait3A_106 = tpu.memref_squeeze %dma_wait3A_105 : memref<1x10000x128xf32, #tpu.memory_space<hbm>> -> memref<10000x128xf32, #tpu.memory_space<hbm>>
      %dma_wait3A_107 = arith.constant 0 : i32
      %dma_wait3A_108 = tpu.memref_slice %dma_wait3A_106[%mul3A_95, %dma_wait3A_107] : memref<10000x128xf32, #tpu.memory_space<hbm>> -> memref<625x128xf32, #tpu.memory_space<hbm>>
      %dma_wait3A_109 = arith.constant 0 : i32
      %dma_wait3A_110 = tpu.memref_slice %arg9[%mul3A_93, %dma_wait3A_109] : memref<10000x128xf32, #tpu.memory_space<vmem_shared>> -> memref<625x128xf32, #tpu.memory_space<vmem_shared>>
      tpu.wait_dma2 semaphore(%run_scoped3A : memref<!tpu.dma_semaphore, #tpu.memory_space<semaphore_mem>>) src(%dma_wait3A_110 : memref<625x128xf32, #tpu.memory_space<vmem_shared>>) dst(%dma_wait3A_108 : memref<625x128xf32, #tpu.memory_space<hbm>>)
      tpu.yield
    }) : () -> ()
    return
  }
}

#map = affine_map<(d0, d1) -> (0, 0, 0)>
#map1 = affine_map<(d0, d1) -> (0, 0)>
module attributes {stable_mosaic.version = 14 : i64} {
  func.func @body(%arg0: i32, %arg1: i32, %arg2: memref<2x10000x128xf32, #tpu.memory_space<hbm>>, %arg3: memref<2500x128xi32, #tpu.memory_space<hbm>>, %arg4: memref<2500x128xi32, #tpu.memory_space<hbm>>, %arg5: memref<625x128xf32, #tpu.memory_space<hbm>>, %arg6: memref<625x16xf32, #tpu.memory_space<hbm>>, %arg7: memref<128x16xf32, #tpu.memory_space<hbm>>, %arg8: memref<2x10000x128xf32, #tpu.memory_space<hbm>>, %arg9: memref<10000x128xf32, #tpu.memory_space<vmem_shared>>, %arg10: memref<10000x16xf32, #tpu.memory_space<vmem_shared>>, %arg11: memref<6x128xi32, #tpu.memory_space<vmem>>, %arg12: memref<6x128xi32, #tpu.memory_space<vmem>>, %arg13: memref<128x128xf32, #tpu.memory_space<vmem>>, %arg14: memref<128x128xf32, #tpu.memory_space<vmem>>, %arg15: memref<128x128xf32, #tpu.memory_space<vmem>>, %arg16: memref<128x16xf32, #tpu.memory_space<vmem>>, %arg17: memref<!tpu.dma_semaphore, #tpu.memory_space<semaphore_mem>>, %arg18: memref<!tpu.dma_semaphore, #tpu.memory_space<semaphore_mem>>, %arg19: memref<!tpu.dma_semaphore, #tpu.memory_space<semaphore_mem>>, %arg20: memref<!tpu.dma_semaphore, #tpu.memory_space<semaphore_mem>>, %arg21: memref<!tpu.dma_semaphore, #tpu.memory_space<semaphore_mem>>, %arg22: memref<!tpu.dma_semaphore, #tpu.memory_space<semaphore_mem>>, %arg23: memref<!tpu.dma_semaphore, #tpu.memory_space<semaphore_mem>>, %arg24: memref<!tpu.dma_semaphore, #tpu.memory_space<semaphore_mem>>) attributes {dimension_semantics = [#tpu.dimension_semantics<core_parallel>, #tpu.dimension_semantics<subcore_parallel>], iteration_bounds = array<i64: 2, 16>, scalar_prefetch = 0 : i64, scratch_operands = 16 : i64, tpu.core_type = #tpu.core_type<sc_vector_subcore>, window_params = [{transform_indices = #map}, {transform_indices = #map1}, {transform_indices = #map1}, {transform_indices = #map1}, {transform_indices = #map1}, {transform_indices = #map1}, {transform_indices = #map}]} {
    %mul3A = arith.constant 156 : i32
    %mul3A_0 = arith.muli %arg1, %mul3A : i32
    %min3A = arith.constant 4 : i32
    %min3A_1 = arith.minsi %arg1, %min3A : i32
    %add3A = arith.addi %mul3A_0, %min3A_1 : i32
    %lt3A = arith.constant 4 : i32
    %lt3A_2 = arith.cmpi slt, %arg1, %lt3A : i32
    %jit3A = arith.constant 1 : i32
    %jit3A_3 = arith.constant 0 : i32
    %select_n3A = arith.select %lt3A_2, %jit3A, %jit3A_3 : i32
    %add3A_4 = arith.constant 156 : i32
    %add3A_5 = arith.addi %add3A_4, %select_n3A : i32
    %mul3A_6 = arith.constant 625 : i32
    %mul3A_7 = arith.muli %arg1, %mul3A_6 : i32
    "tpu.region"() ({
      %run_scoped3A = tpu.sem_alloc : memref<!tpu.dma_semaphore, #tpu.memory_space<semaphore_mem>>
      %dma_start3A_101 = arith.constant 0 : i32
      %dma_start3A_102 = tpu.memref_slice %arg9[%mul3A_7, %dma_start3A_101] : memref<10000x128xf32, #tpu.memory_space<vmem_shared>> -> memref<625x128xf32, #tpu.memory_space<vmem_shared>>
      tpu.enqueue_dma source(%arg5 : memref<625x128xf32, #tpu.memory_space<hbm>>) target(%dma_start3A_102 : memref<625x128xf32, #tpu.memory_space<vmem_shared>>) target_semaphore(%run_scoped3A : memref<!tpu.dma_semaphore, #tpu.memory_space<semaphore_mem>>)
      %dma_wait3A = arith.constant 0 : i32
      %dma_wait3A_103 = tpu.memref_slice %arg9[%mul3A_7, %dma_wait3A] : memref<10000x128xf32, #tpu.memory_space<vmem_shared>> -> memref<625x128xf32, #tpu.memory_space<vmem_shared>>
      tpu.wait_dma2 semaphore(%run_scoped3A : memref<!tpu.dma_semaphore, #tpu.memory_space<semaphore_mem>>) src(%arg5 : memref<625x128xf32, #tpu.memory_space<hbm>>) dst(%dma_wait3A_103 : memref<625x128xf32, #tpu.memory_space<vmem_shared>>)
      tpu.yield
    }) : () -> ()
    "tpu.region"() ({
      %run_scoped3A = tpu.sem_alloc : memref<!tpu.dma_semaphore, #tpu.memory_space<semaphore_mem>>
      %dma_start3A_101 = arith.constant 0 : i32
      %dma_start3A_102 = arith.constant 0 : i32
      %dma_start3A_103 = tpu.memref_slice %arg11[%dma_start3A_101, %dma_start3A_102] : memref<6x128xi32, #tpu.memory_space<vmem>> -> memref<3x128xi32, #tpu.memory_space<vmem>>
      %dma_start3A_104 = arith.constant 0 : i32
      %dma_start3A_105 = tpu.memref_slice %arg3[%add3A, %dma_start3A_104] : memref<2500x128xi32, #tpu.memory_space<hbm>> -> memref<3x128xi32, #tpu.memory_space<hbm>>
      %dma_start3A_106 = arith.constant 0 : i32
      %dma_start3A_107 = arith.constant 0 : i32
      %dma_start3A_108 = tpu.memref_slice %arg11[%dma_start3A_106, %dma_start3A_107] : memref<6x128xi32, #tpu.memory_space<vmem>> -> memref<3x128xi32, #tpu.memory_space<vmem>>
      %dma_start3A_109 = arith.constant 0 : i32
      %dma_start3A_110 = tpu.memref_slice %arg3[%add3A, %dma_start3A_109] : memref<2500x128xi32, #tpu.memory_space<hbm>> -> memref<3x128xi32, #tpu.memory_space<hbm>>
      tpu.enqueue_dma source(%dma_start3A_110 : memref<3x128xi32, #tpu.memory_space<hbm>>) target(%dma_start3A_108 : memref<3x128xi32, #tpu.memory_space<vmem>>) target_semaphore(%run_scoped3A : memref<!tpu.dma_semaphore, #tpu.memory_space<semaphore_mem>>)
      %dma_wait3A = arith.constant 0 : i32
      %dma_wait3A_111 = arith.constant 0 : i32
      %dma_wait3A_112 = tpu.memref_slice %arg11[%dma_wait3A, %dma_wait3A_111] : memref<6x128xi32, #tpu.memory_space<vmem>> -> memref<3x128xi32, #tpu.memory_space<vmem>>
      %dma_wait3A_113 = arith.constant 0 : i32
      %dma_wait3A_114 = tpu.memref_slice %arg3[%add3A, %dma_wait3A_113] : memref<2500x128xi32, #tpu.memory_space<hbm>> -> memref<3x128xi32, #tpu.memory_space<hbm>>
      %dma_wait3A_115 = arith.constant 0 : i32
      %dma_wait3A_116 = arith.constant 0 : i32
      %dma_wait3A_117 = tpu.memref_slice %arg11[%dma_wait3A_115, %dma_wait3A_116] : memref<6x128xi32, #tpu.memory_space<vmem>> -> memref<3x128xi32, #tpu.memory_space<vmem>>
      %dma_wait3A_118 = arith.constant 0 : i32
      %dma_wait3A_119 = tpu.memref_slice %arg3[%add3A, %dma_wait3A_118] : memref<2500x128xi32, #tpu.memory_space<hbm>> -> memref<3x128xi32, #tpu.memory_space<hbm>>
      tpu.wait_dma2 semaphore(%run_scoped3A : memref<!tpu.dma_semaphore, #tpu.memory_space<semaphore_mem>>) src(%dma_wait3A_119 : memref<3x128xi32, #tpu.memory_space<hbm>>) dst(%dma_wait3A_117 : memref<3x128xi32, #tpu.memory_space<vmem>>)
      tpu.yield
    }) : () -> ()
    "tpu.region"() ({
      %run_scoped3A = tpu.sem_alloc : memref<!tpu.dma_semaphore, #tpu.memory_space<semaphore_mem>>
      %dma_start3A_101 = arith.constant 0 : i32
      %dma_start3A_102 = arith.constant 0 : i32
      %dma_start3A_103 = tpu.memref_slice %arg12[%dma_start3A_101, %dma_start3A_102] : memref<6x128xi32, #tpu.memory_space<vmem>> -> memref<3x128xi32, #tpu.memory_space<vmem>>
      %dma_start3A_104 = arith.constant 0 : i32
      %dma_start3A_105 = tpu.memref_slice %arg4[%add3A, %dma_start3A_104] : memref<2500x128xi32, #tpu.memory_space<hbm>> -> memref<3x128xi32, #tpu.memory_space<hbm>>
      %dma_start3A_106 = arith.constant 0 : i32
      %dma_start3A_107 = arith.constant 0 : i32
      %dma_start3A_108 = tpu.memref_slice %arg12[%dma_start3A_106, %dma_start3A_107] : memref<6x128xi32, #tpu.memory_space<vmem>> -> memref<3x128xi32, #tpu.memory_space<vmem>>
      %dma_start3A_109 = arith.constant 0 : i32
      %dma_start3A_110 = tpu.memref_slice %arg4[%add3A, %dma_start3A_109] : memref<2500x128xi32, #tpu.memory_space<hbm>> -> memref<3x128xi32, #tpu.memory_space<hbm>>
      tpu.enqueue_dma source(%dma_start3A_110 : memref<3x128xi32, #tpu.memory_space<hbm>>) target(%dma_start3A_108 : memref<3x128xi32, #tpu.memory_space<vmem>>) target_semaphore(%run_scoped3A : memref<!tpu.dma_semaphore, #tpu.memory_space<semaphore_mem>>)
      %dma_wait3A = arith.constant 0 : i32
      %dma_wait3A_111 = arith.constant 0 : i32
      %dma_wait3A_112 = tpu.memref_slice %arg12[%dma_wait3A, %dma_wait3A_111] : memref<6x128xi32, #tpu.memory_space<vmem>> -> memref<3x128xi32, #tpu.memory_space<vmem>>
      %dma_wait3A_113 = arith.constant 0 : i32
      %dma_wait3A_114 = tpu.memref_slice %arg4[%add3A, %dma_wait3A_113] : memref<2500x128xi32, #tpu.memory_space<hbm>> -> memref<3x128xi32, #tpu.memory_space<hbm>>
      %dma_wait3A_115 = arith.constant 0 : i32
      %dma_wait3A_116 = arith.constant 0 : i32
      %dma_wait3A_117 = tpu.memref_slice %arg12[%dma_wait3A_115, %dma_wait3A_116] : memref<6x128xi32, #tpu.memory_space<vmem>> -> memref<3x128xi32, #tpu.memory_space<vmem>>
      %dma_wait3A_118 = arith.constant 0 : i32
      %dma_wait3A_119 = tpu.memref_slice %arg4[%add3A, %dma_wait3A_118] : memref<2500x128xi32, #tpu.memory_space<hbm>> -> memref<3x128xi32, #tpu.memory_space<hbm>>
      tpu.wait_dma2 semaphore(%run_scoped3A : memref<!tpu.dma_semaphore, #tpu.memory_space<semaphore_mem>>) src(%dma_wait3A_119 : memref<3x128xi32, #tpu.memory_space<hbm>>) dst(%dma_wait3A_117 : memref<3x128xi32, #tpu.memory_space<vmem>>)
      tpu.yield
    }) : () -> ()
    %dma_start3A = arith.constant 0 : i32
    %dma_start3A_8 = arith.constant 0 : i32
    %dma_start3A_9 = tpu.memref_slice %arg11[%dma_start3A, %dma_start3A_8] : memref<6x128xi32, #tpu.memory_space<vmem>> -> memref<1x128xi32, #tpu.memory_space<vmem>>
    %dma_start3A_10 = tpu.memref_squeeze %dma_start3A_9 : memref<1x128xi32, #tpu.memory_space<vmem>> -> memref<128xi32, #tpu.memory_space<vmem>>
    %dma_start3A_11 = arith.constant 0 : i32
    %dma_start3A_12 = arith.constant 0 : i32
    %dma_start3A_13 = tpu.memref_slice %arg2[%arg0, %dma_start3A_11, %dma_start3A_12] : memref<2x10000x128xf32, #tpu.memory_space<hbm>> -> memref<1x10000x128xf32, #tpu.memory_space<hbm>>
    %dma_start3A_14 = tpu.memref_squeeze %dma_start3A_13 : memref<1x10000x128xf32, #tpu.memory_space<hbm>> -> memref<10000x128xf32, #tpu.memory_space<hbm>>
    %dma_start3A_15 = arith.constant 0 : i32
    %dma_start3A_16 = arith.constant 0 : i32
    %dma_start3A_17 = tpu.memref_slice %dma_start3A_14[%dma_start3A_15, %dma_start3A_16] : memref<10000x128xf32, #tpu.memory_space<hbm>> -> memref<10000x128xf32, #tpu.memory_space<hbm>>
    tpu.enqueue_indirect_dma source(%dma_start3A_17 : memref<10000x128xf32, #tpu.memory_space<hbm>>) target(%arg13 : memref<128x128xf32, #tpu.memory_space<vmem>>) offsets(%dma_start3A_10 : memref<128xi32, #tpu.memory_space<vmem>>) semaphore(%arg17 : memref<!tpu.dma_semaphore, #tpu.memory_space<semaphore_mem>>)
    %dma_start3A_18 = arith.constant 1 : i32
    %dma_start3A_19 = arith.constant 0 : i32
    %dma_start3A_20 = tpu.memref_slice %arg11[%dma_start3A_18, %dma_start3A_19] : memref<6x128xi32, #tpu.memory_space<vmem>> -> memref<1x128xi32, #tpu.memory_space<vmem>>
    %dma_start3A_21 = tpu.memref_squeeze %dma_start3A_20 : memref<1x128xi32, #tpu.memory_space<vmem>> -> memref<128xi32, #tpu.memory_space<vmem>>
    %dma_start3A_22 = arith.constant 0 : i32
    %dma_start3A_23 = arith.constant 0 : i32
    %dma_start3A_24 = tpu.memref_slice %arg2[%arg0, %dma_start3A_22, %dma_start3A_23] : memref<2x10000x128xf32, #tpu.memory_space<hbm>> -> memref<1x10000x128xf32, #tpu.memory_space<hbm>>
    %dma_start3A_25 = tpu.memref_squeeze %dma_start3A_24 : memref<1x10000x128xf32, #tpu.memory_space<hbm>> -> memref<10000x128xf32, #tpu.memory_space<hbm>>
    %dma_start3A_26 = arith.constant 0 : i32
    %dma_start3A_27 = arith.constant 0 : i32
    %dma_start3A_28 = tpu.memref_slice %dma_start3A_25[%dma_start3A_26, %dma_start3A_27] : memref<10000x128xf32, #tpu.memory_space<hbm>> -> memref<10000x128xf32, #tpu.memory_space<hbm>>
    tpu.enqueue_indirect_dma source(%dma_start3A_28 : memref<10000x128xf32, #tpu.memory_space<hbm>>) target(%arg14 : memref<128x128xf32, #tpu.memory_space<vmem>>) offsets(%dma_start3A_21 : memref<128xi32, #tpu.memory_space<vmem>>) semaphore(%arg18 : memref<!tpu.dma_semaphore, #tpu.memory_space<semaphore_mem>>)
    %barrier3A = arith.constant 0 : index
    tpu.barrier barrier_id(%barrier3A)
    %scan3A = arith.constant 0 : i32
    %scan3A_29 = arith.constant 0 : i32
    %scan3A_30 = arith.constant 27 : i32
    %scan3A_31 = arith.addi %scan3A_29, %scan3A_30 : i32
    %scan3A_32 = arith.constant 1 : i32
    scf.for %scan3A_101 = %scan3A_29 to %scan3A_31 step %scan3A_32  : i32 {
      %mul3A_102 = arith.constant 6 : i32
      %mul3A_103 = arith.muli %scan3A_101, %mul3A_102 : i32
      %add3A_104 = arith.constant 0 : i32
      %add3A_105 = arith.addi %mul3A_103, %add3A_104 : i32
      %lt3A_106 = arith.cmpi slt, %add3A_105, %add3A_5 : i32
      %convert_element_type3A_107 = arith.extui %lt3A_106 : i1 to i32
      %cond3A_108 = arith.constant 0 : i32
      %cond3A_109 = arith.cmpi ne, %convert_element_type3A_107, %cond3A_108 : i32
      scf.if %cond3A_109 {
        %ge3A = arith.constant 1 : i32
        %ge3A_150 = arith.cmpi sge, %add3A_105, %ge3A : i32
        %add3A_151 = arith.constant 3 : i32
        %add3A_152 = arith.addi %add3A_105, %add3A_151 : i32
        %sub3A_153 = arith.constant 1 : i32
        %sub3A_154 = arith.subi %add3A_152, %sub3A_153 : i32
        %lt3A_155 = arith.cmpi slt, %sub3A_154, %add3A_5 : i32
        %and3A_156 = arith.andi %ge3A_150, %lt3A_155 : i1
        %convert_element_type3A_157 = arith.extui %and3A_156 : i1 to i32
        %cond3A_158 = arith.constant 0 : i32
        %cond3A_159 = arith.cmpi ne, %convert_element_type3A_157, %cond3A_158 : i32
        scf.if %cond3A_159 {
          %add3A_196 = arith.addi %add3A, %add3A_105 : i32
          %add3A_197 = arith.constant 3 : i32
          %add3A_198 = arith.addi %add3A_196, %add3A_197 : i32
          %sub3A_199 = arith.constant 1 : i32
          %sub3A_200 = arith.subi %add3A_198, %sub3A_199 : i32
          %dma_wait3A_201 = arith.constant 2 : i32
          %dma_wait3A_202 = arith.constant 0 : i32
          %dma_wait3A_203 = tpu.memref_slice %arg11[%dma_wait3A_201, %dma_wait3A_202] : memref<6x128xi32, #tpu.memory_space<vmem>> -> memref<1x128xi32, #tpu.memory_space<vmem>>
          %dma_wait3A_204 = tpu.memref_squeeze %dma_wait3A_203 : memref<1x128xi32, #tpu.memory_space<vmem>> -> memref<128xi32, #tpu.memory_space<vmem>>
          %dma_wait3A_205 = arith.constant 0 : i32
          %dma_wait3A_206 = tpu.memref_slice %arg3[%sub3A_200, %dma_wait3A_205] : memref<2500x128xi32, #tpu.memory_space<hbm>> -> memref<1x128xi32, #tpu.memory_space<hbm>>
          %dma_wait3A_207 = tpu.memref_squeeze %dma_wait3A_206 : memref<1x128xi32, #tpu.memory_space<hbm>> -> memref<128xi32, #tpu.memory_space<hbm>>
          %dma_wait3A_208 = arith.constant 0 : i32
          %dma_wait3A_209 = tpu.memref_slice %arg11[%dma_wait3A_201, %dma_wait3A_208] : memref<6x128xi32, #tpu.memory_space<vmem>> -> memref<1x128xi32, #tpu.memory_space<vmem>>
          %dma_wait3A_210 = tpu.memref_squeeze %dma_wait3A_209 : memref<1x128xi32, #tpu.memory_space<vmem>> -> memref<128xi32, #tpu.memory_space<vmem>>
          %dma_wait3A_211 = arith.constant 0 : i32
          %dma_wait3A_212 = tpu.memref_slice %arg3[%sub3A_200, %dma_wait3A_211] : memref<2500x128xi32, #tpu.memory_space<hbm>> -> memref<1x128xi32, #tpu.memory_space<hbm>>
          %dma_wait3A_213 = tpu.memref_squeeze %dma_wait3A_212 : memref<1x128xi32, #tpu.memory_space<hbm>> -> memref<128xi32, #tpu.memory_space<hbm>>
          tpu.wait_dma2 semaphore(%arg24 : memref<!tpu.dma_semaphore, #tpu.memory_space<semaphore_mem>>) src(%dma_wait3A_213 : memref<128xi32, #tpu.memory_space<hbm>>) dst(%dma_wait3A_210 : memref<128xi32, #tpu.memory_space<vmem>>)
          %dma_wait3A_214 = arith.constant 2 : i32
          %dma_wait3A_215 = arith.constant 0 : i32
          %dma_wait3A_216 = tpu.memref_slice %arg12[%dma_wait3A_214, %dma_wait3A_215] : memref<6x128xi32, #tpu.memory_space<vmem>> -> memref<1x128xi32, #tpu.memory_space<vmem>>
          %dma_wait3A_217 = tpu.memref_squeeze %dma_wait3A_216 : memref<1x128xi32, #tpu.memory_space<vmem>> -> memref<128xi32, #tpu.memory_space<vmem>>
          %dma_wait3A_218 = arith.constant 0 : i32
          %dma_wait3A_219 = tpu.memref_slice %arg4[%sub3A_200, %dma_wait3A_218] : memref<2500x128xi32, #tpu.memory_space<hbm>> -> memref<1x128xi32, #tpu.memory_space<hbm>>
          %dma_wait3A_220 = tpu.memref_squeeze %dma_wait3A_219 : memref<1x128xi32, #tpu.memory_space<hbm>> -> memref<128xi32, #tpu.memory_space<hbm>>
          %dma_wait3A_221 = arith.constant 0 : i32
          %dma_wait3A_222 = tpu.memref_slice %arg12[%dma_wait3A_214, %dma_wait3A_221] : memref<6x128xi32, #tpu.memory_space<vmem>> -> memref<1x128xi32, #tpu.memory_space<vmem>>
          %dma_wait3A_223 = tpu.memref_squeeze %dma_wait3A_222 : memref<1x128xi32, #tpu.memory_space<vmem>> -> memref<128xi32, #tpu.memory_space<vmem>>
          %dma_wait3A_224 = arith.constant 0 : i32
          %dma_wait3A_225 = tpu.memref_slice %arg4[%sub3A_200, %dma_wait3A_224] : memref<2500x128xi32, #tpu.memory_space<hbm>> -> memref<1x128xi32, #tpu.memory_space<hbm>>
          %dma_wait3A_226 = tpu.memref_squeeze %dma_wait3A_225 : memref<1x128xi32, #tpu.memory_space<hbm>> -> memref<128xi32, #tpu.memory_space<hbm>>
          tpu.wait_dma2 semaphore(%arg24 : memref<!tpu.dma_semaphore, #tpu.memory_space<semaphore_mem>>) src(%dma_wait3A_226 : memref<128xi32, #tpu.memory_space<hbm>>) dst(%dma_wait3A_223 : memref<128xi32, #tpu.memory_space<vmem>>)
        } else {
        }
        %dma_wait3A = arith.constant 0 : i32
        %dma_wait3A_160 = arith.constant 0 : i32
        %dma_wait3A_161 = tpu.memref_slice %arg11[%dma_wait3A, %dma_wait3A_160] : memref<6x128xi32, #tpu.memory_space<vmem>> -> memref<1x128xi32, #tpu.memory_space<vmem>>
        %dma_wait3A_162 = tpu.memref_squeeze %dma_wait3A_161 : memref<1x128xi32, #tpu.memory_space<vmem>> -> memref<128xi32, #tpu.memory_space<vmem>>
        %dma_wait3A_163 = arith.constant 0 : i32
        %dma_wait3A_164 = arith.constant 0 : i32
        %dma_wait3A_165 = tpu.memref_slice %arg2[%arg0, %dma_wait3A_163, %dma_wait3A_164] : memref<2x10000x128xf32, #tpu.memory_space<hbm>> -> memref<1x10000x128xf32, #tpu.memory_space<hbm>>
        %dma_wait3A_166 = tpu.memref_squeeze %dma_wait3A_165 : memref<1x10000x128xf32, #tpu.memory_space<hbm>> -> memref<10000x128xf32, #tpu.memory_space<hbm>>
        %dma_wait3A_167 = arith.constant 0 : i32
        %dma_wait3A_168 = arith.constant 0 : i32
        %dma_wait3A_169 = tpu.memref_slice %dma_wait3A_166[%dma_wait3A_167, %dma_wait3A_168] : memref<10000x128xf32, #tpu.memory_space<hbm>> -> memref<10000x128xf32, #tpu.memory_space<hbm>>
        tpu.wait_indirect_dma semaphore(%arg17 : memref<!tpu.dma_semaphore, #tpu.memory_space<semaphore_mem>>) src(%dma_wait3A_169 : memref<10000x128xf32, #tpu.memory_space<hbm>>) dst(%arg13 : memref<128x128xf32, #tpu.memory_space<vmem>>)
        %dma_start3A_170 = arith.constant 0 : i32
        %dma_start3A_171 = arith.constant 0 : i32
        %dma_start3A_172 = tpu.memref_slice %arg12[%dma_start3A_170, %dma_start3A_171] : memref<6x128xi32, #tpu.memory_space<vmem>> -> memref<1x128xi32, #tpu.memory_space<vmem>>
        %dma_start3A_173 = tpu.memref_squeeze %dma_start3A_172 : memref<1x128xi32, #tpu.memory_space<vmem>> -> memref<128xi32, #tpu.memory_space<vmem>>
        %dma_start3A_174 = arith.constant 0 : i32
        %dma_start3A_175 = arith.constant 0 : i32
        %dma_start3A_176 = tpu.memref_slice %arg9[%dma_start3A_174, %dma_start3A_175] : memref<10000x128xf32, #tpu.memory_space<vmem_shared>> -> memref<10000x128xf32, #tpu.memory_space<vmem_shared>>
        tpu.enqueue_indirect_dma source(%arg13 : memref<128x128xf32, #tpu.memory_space<vmem>>) target(%dma_start3A_176 : memref<10000x128xf32, #tpu.memory_space<vmem_shared>>) offsets(%dma_start3A_173 : memref<128xi32, #tpu.memory_space<vmem>>) semaphore(%arg20 : memref<!tpu.dma_semaphore, #tpu.memory_space<semaphore_mem>>) {add = true}
        %ge3A_177 = arith.constant 1 : i32
        %ge3A_178 = arith.cmpi sge, %add3A_105, %ge3A_177 : i32
        %convert_element_type3A_179 = arith.extui %ge3A_178 : i1 to i32
        %cond3A_180 = arith.constant 0 : i32
        %cond3A_181 = arith.cmpi ne, %convert_element_type3A_179, %cond3A_180 : i32
        scf.if %cond3A_181 {
          %dma_wait3A_196 = arith.constant 5 : i32
          %dma_wait3A_197 = arith.constant 0 : i32
          %dma_wait3A_198 = tpu.memref_slice %arg12[%dma_wait3A_196, %dma_wait3A_197] : memref<6x128xi32, #tpu.memory_space<vmem>> -> memref<1x128xi32, #tpu.memory_space<vmem>>
          %dma_wait3A_199 = tpu.memref_squeeze %dma_wait3A_198 : memref<1x128xi32, #tpu.memory_space<vmem>> -> memref<128xi32, #tpu.memory_space<vmem>>
          %dma_wait3A_200 = arith.constant 0 : i32
          %dma_wait3A_201 = arith.constant 0 : i32
          %dma_wait3A_202 = tpu.memref_slice %arg9[%dma_wait3A_200, %dma_wait3A_201] : memref<10000x128xf32, #tpu.memory_space<vmem_shared>> -> memref<10000x128xf32, #tpu.memory_space<vmem_shared>>
          tpu.wait_indirect_dma semaphore(%arg22 : memref<!tpu.dma_semaphore, #tpu.memory_space<semaphore_mem>>) src(%arg15 : memref<128x128xf32, #tpu.memory_space<vmem>>) dst(%dma_wait3A_202 : memref<10000x128xf32, #tpu.memory_space<vmem_shared>>)
        } else {
        }
        %add3A_182 = arith.constant 3 : i32
        %add3A_183 = arith.addi %add3A_105, %add3A_182 : i32
        %lt3A_184 = arith.cmpi slt, %add3A_183, %add3A_5 : i32
        %convert_element_type3A_185 = arith.extui %lt3A_184 : i1 to i32
        %cond3A_186 = arith.constant 0 : i32
        %cond3A_187 = arith.cmpi ne, %convert_element_type3A_185, %cond3A_186 : i32
        scf.if %cond3A_187 {
          %add3A_196 = arith.addi %add3A, %add3A_105 : i32
          %add3A_197 = arith.constant 3 : i32
          %add3A_198 = arith.addi %add3A_196, %add3A_197 : i32
          %dma_start3A_199 = arith.constant 3 : i32
          %dma_start3A_200 = arith.constant 0 : i32
          %dma_start3A_201 = tpu.memref_slice %arg11[%dma_start3A_199, %dma_start3A_200] : memref<6x128xi32, #tpu.memory_space<vmem>> -> memref<1x128xi32, #tpu.memory_space<vmem>>
          %dma_start3A_202 = tpu.memref_squeeze %dma_start3A_201 : memref<1x128xi32, #tpu.memory_space<vmem>> -> memref<128xi32, #tpu.memory_space<vmem>>
          %dma_start3A_203 = arith.constant 0 : i32
          %dma_start3A_204 = tpu.memref_slice %arg3[%add3A_198, %dma_start3A_203] : memref<2500x128xi32, #tpu.memory_space<hbm>> -> memref<1x128xi32, #tpu.memory_space<hbm>>
          %dma_start3A_205 = tpu.memref_squeeze %dma_start3A_204 : memref<1x128xi32, #tpu.memory_space<hbm>> -> memref<128xi32, #tpu.memory_space<hbm>>
          %dma_start3A_206 = arith.constant 0 : i32
          %dma_start3A_207 = tpu.memref_slice %arg11[%dma_start3A_199, %dma_start3A_206] : memref<6x128xi32, #tpu.memory_space<vmem>> -> memref<1x128xi32, #tpu.memory_space<vmem>>
          %dma_start3A_208 = tpu.memref_squeeze %dma_start3A_207 : memref<1x128xi32, #tpu.memory_space<vmem>> -> memref<128xi32, #tpu.memory_space<vmem>>
          %dma_start3A_209 = arith.constant 0 : i32
          %dma_start3A_210 = tpu.memref_slice %arg3[%add3A_198, %dma_start3A_209] : memref<2500x128xi32, #tpu.memory_space<hbm>> -> memref<1x128xi32, #tpu.memory_space<hbm>>
          %dma_start3A_211 = tpu.memref_squeeze %dma_start3A_210 : memref<1x128xi32, #tpu.memory_space<hbm>> -> memref<128xi32, #tpu.memory_space<hbm>>
          tpu.enqueue_dma source(%dma_start3A_211 : memref<128xi32, #tpu.memory_space<hbm>>) target(%dma_start3A_208 : memref<128xi32, #tpu.memory_space<vmem>>) target_semaphore(%arg23 : memref<!tpu.dma_semaphore, #tpu.memory_space<semaphore_mem>>)
          %dma_start3A_212 = arith.constant 3 : i32
          %dma_start3A_213 = arith.constant 0 : i32
          %dma_start3A_214 = tpu.memref_slice %arg12[%dma_start3A_212, %dma_start3A_213] : memref<6x128xi32, #tpu.memory_space<vmem>> -> memref<1x128xi32, #tpu.memory_space<vmem>>
          %dma_start3A_215 = tpu.memref_squeeze %dma_start3A_214 : memref<1x128xi32, #tpu.memory_space<vmem>> -> memref<128xi32, #tpu.memory_space<vmem>>
          %dma_start3A_216 = arith.constant 0 : i32
          %dma_start3A_217 = tpu.memref_slice %arg4[%add3A_198, %dma_start3A_216] : memref<2500x128xi32, #tpu.memory_space<hbm>> -> memref<1x128xi32, #tpu.memory_space<hbm>>
          %dma_start3A_218 = tpu.memref_squeeze %dma_start3A_217 : memref<1x128xi32, #tpu.memory_space<hbm>> -> memref<128xi32, #tpu.memory_space<hbm>>
          %dma_start3A_219 = arith.constant 0 : i32
          %dma_start3A_220 = tpu.memref_slice %arg12[%dma_start3A_212, %dma_start3A_219] : memref<6x128xi32, #tpu.memory_space<vmem>> -> memref<1x128xi32, #tpu.memory_space<vmem>>
          %dma_start3A_221 = tpu.memref_squeeze %dma_start3A_220 : memref<1x128xi32, #tpu.memory_space<vmem>> -> memref<128xi32, #tpu.memory_space<vmem>>
          %dma_start3A_222 = arith.constant 0 : i32
          %dma_start3A_223 = tpu.memref_slice %arg4[%add3A_198, %dma_start3A_222] : memref<2500x128xi32, #tpu.memory_space<hbm>> -> memref<1x128xi32, #tpu.memory_space<hbm>>
          %dma_start3A_224 = tpu.memref_squeeze %dma_start3A_223 : memref<1x128xi32, #tpu.memory_space<hbm>> -> memref<128xi32, #tpu.memory_space<hbm>>
          tpu.enqueue_dma source(%dma_start3A_224 : memref<128xi32, #tpu.memory_space<hbm>>) target(%dma_start3A_221 : memref<128xi32, #tpu.memory_space<vmem>>) target_semaphore(%arg23 : memref<!tpu.dma_semaphore, #tpu.memory_space<semaphore_mem>>)
        } else {
        }
        %add3A_188 = arith.constant 3 : i32
        %add3A_189 = arith.addi %add3A_105, %add3A_188 : i32
        %sub3A_190 = arith.constant 1 : i32
        %sub3A_191 = arith.subi %add3A_189, %sub3A_190 : i32
        %lt3A_192 = arith.cmpi slt, %sub3A_191, %add3A_5 : i32
        %convert_element_type3A_193 = arith.extui %lt3A_192 : i1 to i32
        %cond3A_194 = arith.constant 0 : i32
        %cond3A_195 = arith.cmpi ne, %convert_element_type3A_193, %cond3A_194 : i32
        scf.if %cond3A_195 {
          %dma_start3A_196 = arith.constant 2 : i32
          %dma_start3A_197 = arith.constant 0 : i32
          %dma_start3A_198 = tpu.memref_slice %arg11[%dma_start3A_196, %dma_start3A_197] : memref<6x128xi32, #tpu.memory_space<vmem>> -> memref<1x128xi32, #tpu.memory_space<vmem>>
          %dma_start3A_199 = tpu.memref_squeeze %dma_start3A_198 : memref<1x128xi32, #tpu.memory_space<vmem>> -> memref<128xi32, #tpu.memory_space<vmem>>
          %dma_start3A_200 = arith.constant 0 : i32
          %dma_start3A_201 = arith.constant 0 : i32
          %dma_start3A_202 = tpu.memref_slice %arg2[%arg0, %dma_start3A_200, %dma_start3A_201] : memref<2x10000x128xf32, #tpu.memory_space<hbm>> -> memref<1x10000x128xf32, #tpu.memory_space<hbm>>
          %dma_start3A_203 = tpu.memref_squeeze %dma_start3A_202 : memref<1x10000x128xf32, #tpu.memory_space<hbm>> -> memref<10000x128xf32, #tpu.memory_space<hbm>>
          %dma_start3A_204 = arith.constant 0 : i32
          %dma_start3A_205 = arith.constant 0 : i32
          %dma_start3A_206 = tpu.memref_slice %dma_start3A_203[%dma_start3A_204, %dma_start3A_205] : memref<10000x128xf32, #tpu.memory_space<hbm>> -> memref<10000x128xf32, #tpu.memory_space<hbm>>
          tpu.enqueue_indirect_dma source(%dma_start3A_206 : memref<10000x128xf32, #tpu.memory_space<hbm>>) target(%arg15 : memref<128x128xf32, #tpu.memory_space<vmem>>) offsets(%dma_start3A_199 : memref<128xi32, #tpu.memory_space<vmem>>) semaphore(%arg19 : memref<!tpu.dma_semaphore, #tpu.memory_space<semaphore_mem>>)
        } else {
        }
      } else {
      }
      %mul3A_110 = arith.constant 6 : i32
      %mul3A_111 = arith.muli %scan3A_101, %mul3A_110 : i32
      %add3A_112 = arith.constant 1 : i32
      %add3A_113 = arith.addi %mul3A_111, %add3A_112 : i32
      %lt3A_114 = arith.cmpi slt, %add3A_113, %add3A_5 : i32
      %convert_element_type3A_115 = arith.extui %lt3A_114 : i1 to i32
      %cond3A_116 = arith.constant 0 : i32
      %cond3A_117 = arith.cmpi ne, %convert_element_type3A_115, %cond3A_116 : i32
      scf.if %cond3A_117 {
        %ge3A = arith.constant 1 : i32
        %ge3A_150 = arith.cmpi sge, %add3A_113, %ge3A : i32
        %add3A_151 = arith.constant 3 : i32
        %add3A_152 = arith.addi %add3A_113, %add3A_151 : i32
        %sub3A_153 = arith.constant 1 : i32
        %sub3A_154 = arith.subi %add3A_152, %sub3A_153 : i32
        %lt3A_155 = arith.cmpi slt, %sub3A_154, %add3A_5 : i32
        %and3A_156 = arith.andi %ge3A_150, %lt3A_155 : i1
        %convert_element_type3A_157 = arith.extui %and3A_156 : i1 to i32
        %cond3A_158 = arith.constant 0 : i32
        %cond3A_159 = arith.cmpi ne, %convert_element_type3A_157, %cond3A_158 : i32
        scf.if %cond3A_159 {
          %add3A_196 = arith.addi %add3A, %add3A_113 : i32
          %add3A_197 = arith.constant 3 : i32
          %add3A_198 = arith.addi %add3A_196, %add3A_197 : i32
          %sub3A_199 = arith.constant 1 : i32
          %sub3A_200 = arith.subi %add3A_198, %sub3A_199 : i32
          %dma_wait3A_201 = arith.constant 3 : i32
          %dma_wait3A_202 = arith.constant 0 : i32
          %dma_wait3A_203 = tpu.memref_slice %arg11[%dma_wait3A_201, %dma_wait3A_202] : memref<6x128xi32, #tpu.memory_space<vmem>> -> memref<1x128xi32, #tpu.memory_space<vmem>>
          %dma_wait3A_204 = tpu.memref_squeeze %dma_wait3A_203 : memref<1x128xi32, #tpu.memory_space<vmem>> -> memref<128xi32, #tpu.memory_space<vmem>>
          %dma_wait3A_205 = arith.constant 0 : i32
          %dma_wait3A_206 = tpu.memref_slice %arg3[%sub3A_200, %dma_wait3A_205] : memref<2500x128xi32, #tpu.memory_space<hbm>> -> memref<1x128xi32, #tpu.memory_space<hbm>>
          %dma_wait3A_207 = tpu.memref_squeeze %dma_wait3A_206 : memref<1x128xi32, #tpu.memory_space<hbm>> -> memref<128xi32, #tpu.memory_space<hbm>>
          %dma_wait3A_208 = arith.constant 0 : i32
          %dma_wait3A_209 = tpu.memref_slice %arg11[%dma_wait3A_201, %dma_wait3A_208] : memref<6x128xi32, #tpu.memory_space<vmem>> -> memref<1x128xi32, #tpu.memory_space<vmem>>
          %dma_wait3A_210 = tpu.memref_squeeze %dma_wait3A_209 : memref<1x128xi32, #tpu.memory_space<vmem>> -> memref<128xi32, #tpu.memory_space<vmem>>
          %dma_wait3A_211 = arith.constant 0 : i32
          %dma_wait3A_212 = tpu.memref_slice %arg3[%sub3A_200, %dma_wait3A_211] : memref<2500x128xi32, #tpu.memory_space<hbm>> -> memref<1x128xi32, #tpu.memory_space<hbm>>
          %dma_wait3A_213 = tpu.memref_squeeze %dma_wait3A_212 : memref<1x128xi32, #tpu.memory_space<hbm>> -> memref<128xi32, #tpu.memory_space<hbm>>
          tpu.wait_dma2 semaphore(%arg23 : memref<!tpu.dma_semaphore, #tpu.memory_space<semaphore_mem>>) src(%dma_wait3A_213 : memref<128xi32, #tpu.memory_space<hbm>>) dst(%dma_wait3A_210 : memref<128xi32, #tpu.memory_space<vmem>>)
          %dma_wait3A_214 = arith.constant 3 : i32
          %dma_wait3A_215 = arith.constant 0 : i32
          %dma_wait3A_216 = tpu.memref_slice %arg12[%dma_wait3A_214, %dma_wait3A_215] : memref<6x128xi32, #tpu.memory_space<vmem>> -> memref<1x128xi32, #tpu.memory_space<vmem>>
          %dma_wait3A_217 = tpu.memref_squeeze %dma_wait3A_216 : memref<1x128xi32, #tpu.memory_space<vmem>> -> memref<128xi32, #tpu.memory_space<vmem>>
          %dma_wait3A_218 = arith.constant 0 : i32
          %dma_wait3A_219 = tpu.memref_slice %arg4[%sub3A_200, %dma_wait3A_218] : memref<2500x128xi32, #tpu.memory_space<hbm>> -> memref<1x128xi32, #tpu.memory_space<hbm>>
          %dma_wait3A_220 = tpu.memref_squeeze %dma_wait3A_219 : memref<1x128xi32, #tpu.memory_space<hbm>> -> memref<128xi32, #tpu.memory_space<hbm>>
          %dma_wait3A_221 = arith.constant 0 : i32
          %dma_wait3A_222 = tpu.memref_slice %arg12[%dma_wait3A_214, %dma_wait3A_221] : memref<6x128xi32, #tpu.memory_space<vmem>> -> memref<1x128xi32, #tpu.memory_space<vmem>>
          %dma_wait3A_223 = tpu.memref_squeeze %dma_wait3A_222 : memref<1x128xi32, #tpu.memory_space<vmem>> -> memref<128xi32, #tpu.memory_space<vmem>>
          %dma_wait3A_224 = arith.constant 0 : i32
          %dma_wait3A_225 = tpu.memref_slice %arg4[%sub3A_200, %dma_wait3A_224] : memref<2500x128xi32, #tpu.memory_space<hbm>> -> memref<1x128xi32, #tpu.memory_space<hbm>>
          %dma_wait3A_226 = tpu.memref_squeeze %dma_wait3A_225 : memref<1x128xi32, #tpu.memory_space<hbm>> -> memref<128xi32, #tpu.memory_space<hbm>>
          tpu.wait_dma2 semaphore(%arg23 : memref<!tpu.dma_semaphore, #tpu.memory_space<semaphore_mem>>) src(%dma_wait3A_226 : memref<128xi32, #tpu.memory_space<hbm>>) dst(%dma_wait3A_223 : memref<128xi32, #tpu.memory_space<vmem>>)
        } else {
        }
        %dma_wait3A = arith.constant 1 : i32
        %dma_wait3A_160 = arith.constant 0 : i32
        %dma_wait3A_161 = tpu.memref_slice %arg11[%dma_wait3A, %dma_wait3A_160] : memref<6x128xi32, #tpu.memory_space<vmem>> -> memref<1x128xi32, #tpu.memory_space<vmem>>
        %dma_wait3A_162 = tpu.memref_squeeze %dma_wait3A_161 : memref<1x128xi32, #tpu.memory_space<vmem>> -> memref<128xi32, #tpu.memory_space<vmem>>
        %dma_wait3A_163 = arith.constant 0 : i32
        %dma_wait3A_164 = arith.constant 0 : i32
        %dma_wait3A_165 = tpu.memref_slice %arg2[%arg0, %dma_wait3A_163, %dma_wait3A_164] : memref<2x10000x128xf32, #tpu.memory_space<hbm>> -> memref<1x10000x128xf32, #tpu.memory_space<hbm>>
        %dma_wait3A_166 = tpu.memref_squeeze %dma_wait3A_165 : memref<1x10000x128xf32, #tpu.memory_space<hbm>> -> memref<10000x128xf32, #tpu.memory_space<hbm>>
        %dma_wait3A_167 = arith.constant 0 : i32
        %dma_wait3A_168 = arith.constant 0 : i32
        %dma_wait3A_169 = tpu.memref_slice %dma_wait3A_166[%dma_wait3A_167, %dma_wait3A_168] : memref<10000x128xf32, #tpu.memory_space<hbm>> -> memref<10000x128xf32, #tpu.memory_space<hbm>>
        tpu.wait_indirect_dma semaphore(%arg18 : memref<!tpu.dma_semaphore, #tpu.memory_space<semaphore_mem>>) src(%dma_wait3A_169 : memref<10000x128xf32, #tpu.memory_space<hbm>>) dst(%arg14 : memref<128x128xf32, #tpu.memory_space<vmem>>)
        %dma_start3A_170 = arith.constant 1 : i32
        %dma_start3A_171 = arith.constant 0 : i32
        %dma_start3A_172 = tpu.memref_slice %arg12[%dma_start3A_170, %dma_start3A_171] : memref<6x128xi32, #tpu.memory_space<vmem>> -> memref<1x128xi32, #tpu.memory_space<vmem>>
        %dma_start3A_173 = tpu.memref_squeeze %dma_start3A_172 : memref<1x128xi32, #tpu.memory_space<vmem>> -> memref<128xi32, #tpu.memory_space<vmem>>
        %dma_start3A_174 = arith.constant 0 : i32
        %dma_start3A_175 = arith.constant 0 : i32
        %dma_start3A_176 = tpu.memref_slice %arg9[%dma_start3A_174, %dma_start3A_175] : memref<10000x128xf32, #tpu.memory_space<vmem_shared>> -> memref<10000x128xf32, #tpu.memory_space<vmem_shared>>
        tpu.enqueue_indirect_dma source(%arg14 : memref<128x128xf32, #tpu.memory_space<vmem>>) target(%dma_start3A_176 : memref<10000x128xf32, #tpu.memory_space<vmem_shared>>) offsets(%dma_start3A_173 : memref<128xi32, #tpu.memory_space<vmem>>) semaphore(%arg21 : memref<!tpu.dma_semaphore, #tpu.memory_space<semaphore_mem>>) {add = true}
        %ge3A_177 = arith.constant 1 : i32
        %ge3A_178 = arith.cmpi sge, %add3A_113, %ge3A_177 : i32
        %convert_element_type3A_179 = arith.extui %ge3A_178 : i1 to i32
        %cond3A_180 = arith.constant 0 : i32
        %cond3A_181 = arith.cmpi ne, %convert_element_type3A_179, %cond3A_180 : i32
        scf.if %cond3A_181 {
          %dma_wait3A_196 = arith.constant 0 : i32
          %dma_wait3A_197 = arith.constant 0 : i32
          %dma_wait3A_198 = tpu.memref_slice %arg12[%dma_wait3A_196, %dma_wait3A_197] : memref<6x128xi32, #tpu.memory_space<vmem>> -> memref<1x128xi32, #tpu.memory_space<vmem>>
          %dma_wait3A_199 = tpu.memref_squeeze %dma_wait3A_198 : memref<1x128xi32, #tpu.memory_space<vmem>> -> memref<128xi32, #tpu.memory_space<vmem>>
          %dma_wait3A_200 = arith.constant 0 : i32
          %dma_wait3A_201 = arith.constant 0 : i32
          %dma_wait3A_202 = tpu.memref_slice %arg9[%dma_wait3A_200, %dma_wait3A_201] : memref<10000x128xf32, #tpu.memory_space<vmem_shared>> -> memref<10000x128xf32, #tpu.memory_space<vmem_shared>>
          tpu.wait_indirect_dma semaphore(%arg20 : memref<!tpu.dma_semaphore, #tpu.memory_space<semaphore_mem>>) src(%arg13 : memref<128x128xf32, #tpu.memory_space<vmem>>) dst(%dma_wait3A_202 : memref<10000x128xf32, #tpu.memory_space<vmem_shared>>)
        } else {
        }
        %add3A_182 = arith.constant 3 : i32
        %add3A_183 = arith.addi %add3A_113, %add3A_182 : i32
        %lt3A_184 = arith.cmpi slt, %add3A_183, %add3A_5 : i32
        %convert_element_type3A_185 = arith.extui %lt3A_184 : i1 to i32
        %cond3A_186 = arith.constant 0 : i32
        %cond3A_187 = arith.cmpi ne, %convert_element_type3A_185, %cond3A_186 : i32
        scf.if %cond3A_187 {
          %add3A_196 = arith.addi %add3A, %add3A_113 : i32
          %add3A_197 = arith.constant 3 : i32
          %add3A_198 = arith.addi %add3A_196, %add3A_197 : i32
          %dma_start3A_199 = arith.constant 4 : i32
          %dma_start3A_200 = arith.constant 0 : i32
          %dma_start3A_201 = tpu.memref_slice %arg11[%dma_start3A_199, %dma_start3A_200] : memref<6x128xi32, #tpu.memory_space<vmem>> -> memref<1x128xi32, #tpu.memory_space<vmem>>
          %dma_start3A_202 = tpu.memref_squeeze %dma_start3A_201 : memref<1x128xi32, #tpu.memory_space<vmem>> -> memref<128xi32, #tpu.memory_space<vmem>>
          %dma_start3A_203 = arith.constant 0 : i32
          %dma_start3A_204 = tpu.memref_slice %arg3[%add3A_198, %dma_start3A_203] : memref<2500x128xi32, #tpu.memory_space<hbm>> -> memref<1x128xi32, #tpu.memory_space<hbm>>
          %dma_start3A_205 = tpu.memref_squeeze %dma_start3A_204 : memref<1x128xi32, #tpu.memory_space<hbm>> -> memref<128xi32, #tpu.memory_space<hbm>>
          %dma_start3A_206 = arith.constant 0 : i32
          %dma_start3A_207 = tpu.memref_slice %arg11[%dma_start3A_199, %dma_start3A_206] : memref<6x128xi32, #tpu.memory_space<vmem>> -> memref<1x128xi32, #tpu.memory_space<vmem>>
          %dma_start3A_208 = tpu.memref_squeeze %dma_start3A_207 : memref<1x128xi32, #tpu.memory_space<vmem>> -> memref<128xi32, #tpu.memory_space<vmem>>
          %dma_start3A_209 = arith.constant 0 : i32
          %dma_start3A_210 = tpu.memref_slice %arg3[%add3A_198, %dma_start3A_209] : memref<2500x128xi32, #tpu.memory_space<hbm>> -> memref<1x128xi32, #tpu.memory_space<hbm>>
          %dma_start3A_211 = tpu.memref_squeeze %dma_start3A_210 : memref<1x128xi32, #tpu.memory_space<hbm>> -> memref<128xi32, #tpu.memory_space<hbm>>
          tpu.enqueue_dma source(%dma_start3A_211 : memref<128xi32, #tpu.memory_space<hbm>>) target(%dma_start3A_208 : memref<128xi32, #tpu.memory_space<vmem>>) target_semaphore(%arg24 : memref<!tpu.dma_semaphore, #tpu.memory_space<semaphore_mem>>)
          %dma_start3A_212 = arith.constant 4 : i32
          %dma_start3A_213 = arith.constant 0 : i32
          %dma_start3A_214 = tpu.memref_slice %arg12[%dma_start3A_212, %dma_start3A_213] : memref<6x128xi32, #tpu.memory_space<vmem>> -> memref<1x128xi32, #tpu.memory_space<vmem>>
          %dma_start3A_215 = tpu.memref_squeeze %dma_start3A_214 : memref<1x128xi32, #tpu.memory_space<vmem>> -> memref<128xi32, #tpu.memory_space<vmem>>
          %dma_start3A_216 = arith.constant 0 : i32
          %dma_start3A_217 = tpu.memref_slice %arg4[%add3A_198, %dma_start3A_216] : memref<2500x128xi32, #tpu.memory_space<hbm>> -> memref<1x128xi32, #tpu.memory_space<hbm>>
          %dma_start3A_218 = tpu.memref_squeeze %dma_start3A_217 : memref<1x128xi32, #tpu.memory_space<hbm>> -> memref<128xi32, #tpu.memory_space<hbm>>
          %dma_start3A_219 = arith.constant 0 : i32
          %dma_start3A_220 = tpu.memref_slice %arg12[%dma_start3A_212, %dma_start3A_219] : memref<6x128xi32, #tpu.memory_space<vmem>> -> memref<1x128xi32, #tpu.memory_space<vmem>>
          %dma_start3A_221 = tpu.memref_squeeze %dma_start3A_220 : memref<1x128xi32, #tpu.memory_space<vmem>> -> memref<128xi32, #tpu.memory_space<vmem>>
          %dma_start3A_222 = arith.constant 0 : i32
          %dma_start3A_223 = tpu.memref_slice %arg4[%add3A_198, %dma_start3A_222] : memref<2500x128xi32, #tpu.memory_space<hbm>> -> memref<1x128xi32, #tpu.memory_space<hbm>>
          %dma_start3A_224 = tpu.memref_squeeze %dma_start3A_223 : memref<1x128xi32, #tpu.memory_space<hbm>> -> memref<128xi32, #tpu.memory_space<hbm>>
          tpu.enqueue_dma source(%dma_start3A_224 : memref<128xi32, #tpu.memory_space<hbm>>) target(%dma_start3A_221 : memref<128xi32, #tpu.memory_space<vmem>>) target_semaphore(%arg24 : memref<!tpu.dma_semaphore, #tpu.memory_space<semaphore_mem>>)
        } else {
        }
        %add3A_188 = arith.constant 3 : i32
        %add3A_189 = arith.addi %add3A_113, %add3A_188 : i32
        %sub3A_190 = arith.constant 1 : i32
        %sub3A_191 = arith.subi %add3A_189, %sub3A_190 : i32
        %lt3A_192 = arith.cmpi slt, %sub3A_191, %add3A_5 : i32
        %convert_element_type3A_193 = arith.extui %lt3A_192 : i1 to i32
        %cond3A_194 = arith.constant 0 : i32
        %cond3A_195 = arith.cmpi ne, %convert_element_type3A_193, %cond3A_194 : i32
        scf.if %cond3A_195 {
          %dma_start3A_196 = arith.constant 3 : i32
          %dma_start3A_197 = arith.constant 0 : i32
          %dma_start3A_198 = tpu.memref_slice %arg11[%dma_start3A_196, %dma_start3A_197] : memref<6x128xi32, #tpu.memory_space<vmem>> -> memref<1x128xi32, #tpu.memory_space<vmem>>
          %dma_start3A_199 = tpu.memref_squeeze %dma_start3A_198 : memref<1x128xi32, #tpu.memory_space<vmem>> -> memref<128xi32, #tpu.memory_space<vmem>>
          %dma_start3A_200 = arith.constant 0 : i32
          %dma_start3A_201 = arith.constant 0 : i32
          %dma_start3A_202 = tpu.memref_slice %arg2[%arg0, %dma_start3A_200, %dma_start3A_201] : memref<2x10000x128xf32, #tpu.memory_space<hbm>> -> memref<1x10000x128xf32, #tpu.memory_space<hbm>>
          %dma_start3A_203 = tpu.memref_squeeze %dma_start3A_202 : memref<1x10000x128xf32, #tpu.memory_space<hbm>> -> memref<10000x128xf32, #tpu.memory_space<hbm>>
          %dma_start3A_204 = arith.constant 0 : i32
          %dma_start3A_205 = arith.constant 0 : i32
          %dma_start3A_206 = tpu.memref_slice %dma_start3A_203[%dma_start3A_204, %dma_start3A_205] : memref<10000x128xf32, #tpu.memory_space<hbm>> -> memref<10000x128xf32, #tpu.memory_space<hbm>>
          tpu.enqueue_indirect_dma source(%dma_start3A_206 : memref<10000x128xf32, #tpu.memory_space<hbm>>) target(%arg13 : memref<128x128xf32, #tpu.memory_space<vmem>>) offsets(%dma_start3A_199 : memref<128xi32, #tpu.memory_space<vmem>>) semaphore(%arg17 : memref<!tpu.dma_semaphore, #tpu.memory_space<semaphore_mem>>)
        } else {
        }
      } else {
      }
      %mul3A_118 = arith.constant 6 : i32
      %mul3A_119 = arith.muli %scan3A_101, %mul3A_118 : i32
      %add3A_120 = arith.constant 2 : i32
      %add3A_121 = arith.addi %mul3A_119, %add3A_120 : i32
      %lt3A_122 = arith.cmpi slt, %add3A_121, %add3A_5 : i32
      %convert_element_type3A_123 = arith.extui %lt3A_122 : i1 to i32
      %cond3A_124 = arith.constant 0 : i32
      %cond3A_125 = arith.cmpi ne, %convert_element_type3A_123, %cond3A_124 : i32
      scf.if %cond3A_125 {
        %ge3A = arith.constant 1 : i32
        %ge3A_150 = arith.cmpi sge, %add3A_121, %ge3A : i32
        %add3A_151 = arith.constant 3 : i32
        %add3A_152 = arith.addi %add3A_121, %add3A_151 : i32
        %sub3A_153 = arith.constant 1 : i32
        %sub3A_154 = arith.subi %add3A_152, %sub3A_153 : i32
        %lt3A_155 = arith.cmpi slt, %sub3A_154, %add3A_5 : i32
        %and3A_156 = arith.andi %ge3A_150, %lt3A_155 : i1
        %convert_element_type3A_157 = arith.extui %and3A_156 : i1 to i32
        %cond3A_158 = arith.constant 0 : i32
        %cond3A_159 = arith.cmpi ne, %convert_element_type3A_157, %cond3A_158 : i32
        scf.if %cond3A_159 {
          %add3A_196 = arith.addi %add3A, %add3A_121 : i32
          %add3A_197 = arith.constant 3 : i32
          %add3A_198 = arith.addi %add3A_196, %add3A_197 : i32
          %sub3A_199 = arith.constant 1 : i32
          %sub3A_200 = arith.subi %add3A_198, %sub3A_199 : i32
          %dma_wait3A_201 = arith.constant 4 : i32
          %dma_wait3A_202 = arith.constant 0 : i32
          %dma_wait3A_203 = tpu.memref_slice %arg11[%dma_wait3A_201, %dma_wait3A_202] : memref<6x128xi32, #tpu.memory_space<vmem>> -> memref<1x128xi32, #tpu.memory_space<vmem>>
          %dma_wait3A_204 = tpu.memref_squeeze %dma_wait3A_203 : memref<1x128xi32, #tpu.memory_space<vmem>> -> memref<128xi32, #tpu.memory_space<vmem>>
          %dma_wait3A_205 = arith.constant 0 : i32
          %dma_wait3A_206 = tpu.memref_slice %arg3[%sub3A_200, %dma_wait3A_205] : memref<2500x128xi32, #tpu.memory_space<hbm>> -> memref<1x128xi32, #tpu.memory_space<hbm>>
          %dma_wait3A_207 = tpu.memref_squeeze %dma_wait3A_206 : memref<1x128xi32, #tpu.memory_space<hbm>> -> memref<128xi32, #tpu.memory_space<hbm>>
          %dma_wait3A_208 = arith.constant 0 : i32
          %dma_wait3A_209 = tpu.memref_slice %arg11[%dma_wait3A_201, %dma_wait3A_208] : memref<6x128xi32, #tpu.memory_space<vmem>> -> memref<1x128xi32, #tpu.memory_space<vmem>>
          %dma_wait3A_210 = tpu.memref_squeeze %dma_wait3A_209 : memref<1x128xi32, #tpu.memory_space<vmem>> -> memref<128xi32, #tpu.memory_space<vmem>>
          %dma_wait3A_211 = arith.constant 0 : i32
          %dma_wait3A_212 = tpu.memref_slice %arg3[%sub3A_200, %dma_wait3A_211] : memref<2500x128xi32, #tpu.memory_space<hbm>> -> memref<1x128xi32, #tpu.memory_space<hbm>>
          %dma_wait3A_213 = tpu.memref_squeeze %dma_wait3A_212 : memref<1x128xi32, #tpu.memory_space<hbm>> -> memref<128xi32, #tpu.memory_space<hbm>>
          tpu.wait_dma2 semaphore(%arg24 : memref<!tpu.dma_semaphore, #tpu.memory_space<semaphore_mem>>) src(%dma_wait3A_213 : memref<128xi32, #tpu.memory_space<hbm>>) dst(%dma_wait3A_210 : memref<128xi32, #tpu.memory_space<vmem>>)
          %dma_wait3A_214 = arith.constant 4 : i32
          %dma_wait3A_215 = arith.constant 0 : i32
          %dma_wait3A_216 = tpu.memref_slice %arg12[%dma_wait3A_214, %dma_wait3A_215] : memref<6x128xi32, #tpu.memory_space<vmem>> -> memref<1x128xi32, #tpu.memory_space<vmem>>
          %dma_wait3A_217 = tpu.memref_squeeze %dma_wait3A_216 : memref<1x128xi32, #tpu.memory_space<vmem>> -> memref<128xi32, #tpu.memory_space<vmem>>
          %dma_wait3A_218 = arith.constant 0 : i32
          %dma_wait3A_219 = tpu.memref_slice %arg4[%sub3A_200, %dma_wait3A_218] : memref<2500x128xi32, #tpu.memory_space<hbm>> -> memref<1x128xi32, #tpu.memory_space<hbm>>
          %dma_wait3A_220 = tpu.memref_squeeze %dma_wait3A_219 : memref<1x128xi32, #tpu.memory_space<hbm>> -> memref<128xi32, #tpu.memory_space<hbm>>
          %dma_wait3A_221 = arith.constant 0 : i32
          %dma_wait3A_222 = tpu.memref_slice %arg12[%dma_wait3A_214, %dma_wait3A_221] : memref<6x128xi32, #tpu.memory_space<vmem>> -> memref<1x128xi32, #tpu.memory_space<vmem>>
          %dma_wait3A_223 = tpu.memref_squeeze %dma_wait3A_222 : memref<1x128xi32, #tpu.memory_space<vmem>> -> memref<128xi32, #tpu.memory_space<vmem>>
          %dma_wait3A_224 = arith.constant 0 : i32
          %dma_wait3A_225 = tpu.memref_slice %arg4[%sub3A_200, %dma_wait3A_224] : memref<2500x128xi32, #tpu.memory_space<hbm>> -> memref<1x128xi32, #tpu.memory_space<hbm>>
          %dma_wait3A_226 = tpu.memref_squeeze %dma_wait3A_225 : memref<1x128xi32, #tpu.memory_space<hbm>> -> memref<128xi32, #tpu.memory_space<hbm>>
          tpu.wait_dma2 semaphore(%arg24 : memref<!tpu.dma_semaphore, #tpu.memory_space<semaphore_mem>>) src(%dma_wait3A_226 : memref<128xi32, #tpu.memory_space<hbm>>) dst(%dma_wait3A_223 : memref<128xi32, #tpu.memory_space<vmem>>)
        } else {
        }
        %dma_wait3A = arith.constant 2 : i32
        %dma_wait3A_160 = arith.constant 0 : i32
        %dma_wait3A_161 = tpu.memref_slice %arg11[%dma_wait3A, %dma_wait3A_160] : memref<6x128xi32, #tpu.memory_space<vmem>> -> memref<1x128xi32, #tpu.memory_space<vmem>>
        %dma_wait3A_162 = tpu.memref_squeeze %dma_wait3A_161 : memref<1x128xi32, #tpu.memory_space<vmem>> -> memref<128xi32, #tpu.memory_space<vmem>>
        %dma_wait3A_163 = arith.constant 0 : i32
        %dma_wait3A_164 = arith.constant 0 : i32
        %dma_wait3A_165 = tpu.memref_slice %arg2[%arg0, %dma_wait3A_163, %dma_wait3A_164] : memref<2x10000x128xf32, #tpu.memory_space<hbm>> -> memref<1x10000x128xf32, #tpu.memory_space<hbm>>
        %dma_wait3A_166 = tpu.memref_squeeze %dma_wait3A_165 : memref<1x10000x128xf32, #tpu.memory_space<hbm>> -> memref<10000x128xf32, #tpu.memory_space<hbm>>
        %dma_wait3A_167 = arith.constant 0 : i32
        %dma_wait3A_168 = arith.constant 0 : i32
        %dma_wait3A_169 = tpu.memref_slice %dma_wait3A_166[%dma_wait3A_167, %dma_wait3A_168] : memref<10000x128xf32, #tpu.memory_space<hbm>> -> memref<10000x128xf32, #tpu.memory_space<hbm>>
        tpu.wait_indirect_dma semaphore(%arg19 : memref<!tpu.dma_semaphore, #tpu.memory_space<semaphore_mem>>) src(%dma_wait3A_169 : memref<10000x128xf32, #tpu.memory_space<hbm>>) dst(%arg15 : memref<128x128xf32, #tpu.memory_space<vmem>>)
        %dma_start3A_170 = arith.constant 2 : i32
        %dma_start3A_171 = arith.constant 0 : i32
        %dma_start3A_172 = tpu.memref_slice %arg12[%dma_start3A_170, %dma_start3A_171] : memref<6x128xi32, #tpu.memory_space<vmem>> -> memref<1x128xi32, #tpu.memory_space<vmem>>
        %dma_start3A_173 = tpu.memref_squeeze %dma_start3A_172 : memref<1x128xi32, #tpu.memory_space<vmem>> -> memref<128xi32, #tpu.memory_space<vmem>>
        %dma_start3A_174 = arith.constant 0 : i32
        %dma_start3A_175 = arith.constant 0 : i32
        %dma_start3A_176 = tpu.memref_slice %arg9[%dma_start3A_174, %dma_start3A_175] : memref<10000x128xf32, #tpu.memory_space<vmem_shared>> -> memref<10000x128xf32, #tpu.memory_space<vmem_shared>>
        tpu.enqueue_indirect_dma source(%arg15 : memref<128x128xf32, #tpu.memory_space<vmem>>) target(%dma_start3A_176 : memref<10000x128xf32, #tpu.memory_space<vmem_shared>>) offsets(%dma_start3A_173 : memref<128xi32, #tpu.memory_space<vmem>>) semaphore(%arg22 : memref<!tpu.dma_semaphore, #tpu.memory_space<semaphore_mem>>) {add = true}
        %ge3A_177 = arith.constant 1 : i32
        %ge3A_178 = arith.cmpi sge, %add3A_121, %ge3A_177 : i32
        %convert_element_type3A_179 = arith.extui %ge3A_178 : i1 to i32
        %cond3A_180 = arith.constant 0 : i32
        %cond3A_181 = arith.cmpi ne, %convert_element_type3A_179, %cond3A_180 : i32
        scf.if %cond3A_181 {
          %dma_wait3A_196 = arith.constant 1 : i32
          %dma_wait3A_197 = arith.constant 0 : i32
          %dma_wait3A_198 = tpu.memref_slice %arg12[%dma_wait3A_196, %dma_wait3A_197] : memref<6x128xi32, #tpu.memory_space<vmem>> -> memref<1x128xi32, #tpu.memory_space<vmem>>
          %dma_wait3A_199 = tpu.memref_squeeze %dma_wait3A_198 : memref<1x128xi32, #tpu.memory_space<vmem>> -> memref<128xi32, #tpu.memory_space<vmem>>
          %dma_wait3A_200 = arith.constant 0 : i32
          %dma_wait3A_201 = arith.constant 0 : i32
          %dma_wait3A_202 = tpu.memref_slice %arg9[%dma_wait3A_200, %dma_wait3A_201] : memref<10000x128xf32, #tpu.memory_space<vmem_shared>> -> memref<10000x128xf32, #tpu.memory_space<vmem_shared>>
          tpu.wait_indirect_dma semaphore(%arg21 : memref<!tpu.dma_semaphore, #tpu.memory_space<semaphore_mem>>) src(%arg14 : memref<128x128xf32, #tpu.memory_space<vmem>>) dst(%dma_wait3A_202 : memref<10000x128xf32, #tpu.memory_space<vmem_shared>>)
        } else {
        }
        %add3A_182 = arith.constant 3 : i32
        %add3A_183 = arith.addi %add3A_121, %add3A_182 : i32
        %lt3A_184 = arith.cmpi slt, %add3A_183, %add3A_5 : i32
        %convert_element_type3A_185 = arith.extui %lt3A_184 : i1 to i32
        %cond3A_186 = arith.constant 0 : i32
        %cond3A_187 = arith.cmpi ne, %convert_element_type3A_185, %cond3A_186 : i32
        scf.if %cond3A_187 {
          %add3A_196 = arith.addi %add3A, %add3A_121 : i32
          %add3A_197 = arith.constant 3 : i32
          %add3A_198 = arith.addi %add3A_196, %add3A_197 : i32
          %dma_start3A_199 = arith.constant 5 : i32
          %dma_start3A_200 = arith.constant 0 : i32
          %dma_start3A_201 = tpu.memref_slice %arg11[%dma_start3A_199, %dma_start3A_200] : memref<6x128xi32, #tpu.memory_space<vmem>> -> memref<1x128xi32, #tpu.memory_space<vmem>>
          %dma_start3A_202 = tpu.memref_squeeze %dma_start3A_201 : memref<1x128xi32, #tpu.memory_space<vmem>> -> memref<128xi32, #tpu.memory_space<vmem>>
          %dma_start3A_203 = arith.constant 0 : i32
          %dma_start3A_204 = tpu.memref_slice %arg3[%add3A_198, %dma_start3A_203] : memref<2500x128xi32, #tpu.memory_space<hbm>> -> memref<1x128xi32, #tpu.memory_space<hbm>>
          %dma_start3A_205 = tpu.memref_squeeze %dma_start3A_204 : memref<1x128xi32, #tpu.memory_space<hbm>> -> memref<128xi32, #tpu.memory_space<hbm>>
          %dma_start3A_206 = arith.constant 0 : i32
          %dma_start3A_207 = tpu.memref_slice %arg11[%dma_start3A_199, %dma_start3A_206] : memref<6x128xi32, #tpu.memory_space<vmem>> -> memref<1x128xi32, #tpu.memory_space<vmem>>
          %dma_start3A_208 = tpu.memref_squeeze %dma_start3A_207 : memref<1x128xi32, #tpu.memory_space<vmem>> -> memref<128xi32, #tpu.memory_space<vmem>>
          %dma_start3A_209 = arith.constant 0 : i32
          %dma_start3A_210 = tpu.memref_slice %arg3[%add3A_198, %dma_start3A_209] : memref<2500x128xi32, #tpu.memory_space<hbm>> -> memref<1x128xi32, #tpu.memory_space<hbm>>
          %dma_start3A_211 = tpu.memref_squeeze %dma_start3A_210 : memref<1x128xi32, #tpu.memory_space<hbm>> -> memref<128xi32, #tpu.memory_space<hbm>>
          tpu.enqueue_dma source(%dma_start3A_211 : memref<128xi32, #tpu.memory_space<hbm>>) target(%dma_start3A_208 : memref<128xi32, #tpu.memory_space<vmem>>) target_semaphore(%arg23 : memref<!tpu.dma_semaphore, #tpu.memory_space<semaphore_mem>>)
          %dma_start3A_212 = arith.constant 5 : i32
          %dma_start3A_213 = arith.constant 0 : i32
          %dma_start3A_214 = tpu.memref_slice %arg12[%dma_start3A_212, %dma_start3A_213] : memref<6x128xi32, #tpu.memory_space<vmem>> -> memref<1x128xi32, #tpu.memory_space<vmem>>
          %dma_start3A_215 = tpu.memref_squeeze %dma_start3A_214 : memref<1x128xi32, #tpu.memory_space<vmem>> -> memref<128xi32, #tpu.memory_space<vmem>>
          %dma_start3A_216 = arith.constant 0 : i32
          %dma_start3A_217 = tpu.memref_slice %arg4[%add3A_198, %dma_start3A_216] : memref<2500x128xi32, #tpu.memory_space<hbm>> -> memref<1x128xi32, #tpu.memory_space<hbm>>
          %dma_start3A_218 = tpu.memref_squeeze %dma_start3A_217 : memref<1x128xi32, #tpu.memory_space<hbm>> -> memref<128xi32, #tpu.memory_space<hbm>>
          %dma_start3A_219 = arith.constant 0 : i32
          %dma_start3A_220 = tpu.memref_slice %arg12[%dma_start3A_212, %dma_start3A_219] : memref<6x128xi32, #tpu.memory_space<vmem>> -> memref<1x128xi32, #tpu.memory_space<vmem>>
          %dma_start3A_221 = tpu.memref_squeeze %dma_start3A_220 : memref<1x128xi32, #tpu.memory_space<vmem>> -> memref<128xi32, #tpu.memory_space<vmem>>
          %dma_start3A_222 = arith.constant 0 : i32
          %dma_start3A_223 = tpu.memref_slice %arg4[%add3A_198, %dma_start3A_222] : memref<2500x128xi32, #tpu.memory_space<hbm>> -> memref<1x128xi32, #tpu.memory_space<hbm>>
          %dma_start3A_224 = tpu.memref_squeeze %dma_start3A_223 : memref<1x128xi32, #tpu.memory_space<hbm>> -> memref<128xi32, #tpu.memory_space<hbm>>
          tpu.enqueue_dma source(%dma_start3A_224 : memref<128xi32, #tpu.memory_space<hbm>>) target(%dma_start3A_221 : memref<128xi32, #tpu.memory_space<vmem>>) target_semaphore(%arg23 : memref<!tpu.dma_semaphore, #tpu.memory_space<semaphore_mem>>)
        } else {
        }
        %add3A_188 = arith.constant 3 : i32
        %add3A_189 = arith.addi %add3A_121, %add3A_188 : i32
        %sub3A_190 = arith.constant 1 : i32
        %sub3A_191 = arith.subi %add3A_189, %sub3A_190 : i32
        %lt3A_192 = arith.cmpi slt, %sub3A_191, %add3A_5 : i32
        %convert_element_type3A_193 = arith.extui %lt3A_192 : i1 to i32
        %cond3A_194 = arith.constant 0 : i32
        %cond3A_195 = arith.cmpi ne, %convert_element_type3A_193, %cond3A_194 : i32
        scf.if %cond3A_195 {
          %dma_start3A_196 = arith.constant 4 : i32
          %dma_start3A_197 = arith.constant 0 : i32
          %dma_start3A_198 = tpu.memref_slice %arg11[%dma_start3A_196, %dma_start3A_197] : memref<6x128xi32, #tpu.memory_space<vmem>> -> memref<1x128xi32, #tpu.memory_space<vmem>>
          %dma_start3A_199 = tpu.memref_squeeze %dma_start3A_198 : memref<1x128xi32, #tpu.memory_space<vmem>> -> memref<128xi32, #tpu.memory_space<vmem>>
          %dma_start3A_200 = arith.constant 0 : i32
          %dma_start3A_201 = arith.constant 0 : i32
          %dma_start3A_202 = tpu.memref_slice %arg2[%arg0, %dma_start3A_200, %dma_start3A_201] : memref<2x10000x128xf32, #tpu.memory_space<hbm>> -> memref<1x10000x128xf32, #tpu.memory_space<hbm>>
          %dma_start3A_203 = tpu.memref_squeeze %dma_start3A_202 : memref<1x10000x128xf32, #tpu.memory_space<hbm>> -> memref<10000x128xf32, #tpu.memory_space<hbm>>
          %dma_start3A_204 = arith.constant 0 : i32
          %dma_start3A_205 = arith.constant 0 : i32
          %dma_start3A_206 = tpu.memref_slice %dma_start3A_203[%dma_start3A_204, %dma_start3A_205] : memref<10000x128xf32, #tpu.memory_space<hbm>> -> memref<10000x128xf32, #tpu.memory_space<hbm>>
          tpu.enqueue_indirect_dma source(%dma_start3A_206 : memref<10000x128xf32, #tpu.memory_space<hbm>>) target(%arg14 : memref<128x128xf32, #tpu.memory_space<vmem>>) offsets(%dma_start3A_199 : memref<128xi32, #tpu.memory_space<vmem>>) semaphore(%arg18 : memref<!tpu.dma_semaphore, #tpu.memory_space<semaphore_mem>>)
        } else {
        }
      } else {
      }
      %mul3A_126 = arith.constant 6 : i32
      %mul3A_127 = arith.muli %scan3A_101, %mul3A_126 : i32
      %add3A_128 = arith.constant 3 : i32
      %add3A_129 = arith.addi %mul3A_127, %add3A_128 : i32
      %lt3A_130 = arith.cmpi slt, %add3A_129, %add3A_5 : i32
      %convert_element_type3A_131 = arith.extui %lt3A_130 : i1 to i32
      %cond3A_132 = arith.constant 0 : i32
      %cond3A_133 = arith.cmpi ne, %convert_element_type3A_131, %cond3A_132 : i32
      scf.if %cond3A_133 {
        %ge3A = arith.constant 1 : i32
        %ge3A_150 = arith.cmpi sge, %add3A_129, %ge3A : i32
        %add3A_151 = arith.constant 3 : i32
        %add3A_152 = arith.addi %add3A_129, %add3A_151 : i32
        %sub3A_153 = arith.constant 1 : i32
        %sub3A_154 = arith.subi %add3A_152, %sub3A_153 : i32
        %lt3A_155 = arith.cmpi slt, %sub3A_154, %add3A_5 : i32
        %and3A_156 = arith.andi %ge3A_150, %lt3A_155 : i1
        %convert_element_type3A_157 = arith.extui %and3A_156 : i1 to i32
        %cond3A_158 = arith.constant 0 : i32
        %cond3A_159 = arith.cmpi ne, %convert_element_type3A_157, %cond3A_158 : i32
        scf.if %cond3A_159 {
          %add3A_196 = arith.addi %add3A, %add3A_129 : i32
          %add3A_197 = arith.constant 3 : i32
          %add3A_198 = arith.addi %add3A_196, %add3A_197 : i32
          %sub3A_199 = arith.constant 1 : i32
          %sub3A_200 = arith.subi %add3A_198, %sub3A_199 : i32
          %dma_wait3A_201 = arith.constant 5 : i32
          %dma_wait3A_202 = arith.constant 0 : i32
          %dma_wait3A_203 = tpu.memref_slice %arg11[%dma_wait3A_201, %dma_wait3A_202] : memref<6x128xi32, #tpu.memory_space<vmem>> -> memref<1x128xi32, #tpu.memory_space<vmem>>
          %dma_wait3A_204 = tpu.memref_squeeze %dma_wait3A_203 : memref<1x128xi32, #tpu.memory_space<vmem>> -> memref<128xi32, #tpu.memory_space<vmem>>
          %dma_wait3A_205 = arith.constant 0 : i32
          %dma_wait3A_206 = tpu.memref_slice %arg3[%sub3A_200, %dma_wait3A_205] : memref<2500x128xi32, #tpu.memory_space<hbm>> -> memref<1x128xi32, #tpu.memory_space<hbm>>
          %dma_wait3A_207 = tpu.memref_squeeze %dma_wait3A_206 : memref<1x128xi32, #tpu.memory_space<hbm>> -> memref<128xi32, #tpu.memory_space<hbm>>
          %dma_wait3A_208 = arith.constant 0 : i32
          %dma_wait3A_209 = tpu.memref_slice %arg11[%dma_wait3A_201, %dma_wait3A_208] : memref<6x128xi32, #tpu.memory_space<vmem>> -> memref<1x128xi32, #tpu.memory_space<vmem>>
          %dma_wait3A_210 = tpu.memref_squeeze %dma_wait3A_209 : memref<1x128xi32, #tpu.memory_space<vmem>> -> memref<128xi32, #tpu.memory_space<vmem>>
          %dma_wait3A_211 = arith.constant 0 : i32
          %dma_wait3A_212 = tpu.memref_slice %arg3[%sub3A_200, %dma_wait3A_211] : memref<2500x128xi32, #tpu.memory_space<hbm>> -> memref<1x128xi32, #tpu.memory_space<hbm>>
          %dma_wait3A_213 = tpu.memref_squeeze %dma_wait3A_212 : memref<1x128xi32, #tpu.memory_space<hbm>> -> memref<128xi32, #tpu.memory_space<hbm>>
          tpu.wait_dma2 semaphore(%arg23 : memref<!tpu.dma_semaphore, #tpu.memory_space<semaphore_mem>>) src(%dma_wait3A_213 : memref<128xi32, #tpu.memory_space<hbm>>) dst(%dma_wait3A_210 : memref<128xi32, #tpu.memory_space<vmem>>)
          %dma_wait3A_214 = arith.constant 5 : i32
          %dma_wait3A_215 = arith.constant 0 : i32
          %dma_wait3A_216 = tpu.memref_slice %arg12[%dma_wait3A_214, %dma_wait3A_215] : memref<6x128xi32, #tpu.memory_space<vmem>> -> memref<1x128xi32, #tpu.memory_space<vmem>>
          %dma_wait3A_217 = tpu.memref_squeeze %dma_wait3A_216 : memref<1x128xi32, #tpu.memory_space<vmem>> -> memref<128xi32, #tpu.memory_space<vmem>>
          %dma_wait3A_218 = arith.constant 0 : i32
          %dma_wait3A_219 = tpu.memref_slice %arg4[%sub3A_200, %dma_wait3A_218] : memref<2500x128xi32, #tpu.memory_space<hbm>> -> memref<1x128xi32, #tpu.memory_space<hbm>>
          %dma_wait3A_220 = tpu.memref_squeeze %dma_wait3A_219 : memref<1x128xi32, #tpu.memory_space<hbm>> -> memref<128xi32, #tpu.memory_space<hbm>>
          %dma_wait3A_221 = arith.constant 0 : i32
          %dma_wait3A_222 = tpu.memref_slice %arg12[%dma_wait3A_214, %dma_wait3A_221] : memref<6x128xi32, #tpu.memory_space<vmem>> -> memref<1x128xi32, #tpu.memory_space<vmem>>
          %dma_wait3A_223 = tpu.memref_squeeze %dma_wait3A_222 : memref<1x128xi32, #tpu.memory_space<vmem>> -> memref<128xi32, #tpu.memory_space<vmem>>
          %dma_wait3A_224 = arith.constant 0 : i32
          %dma_wait3A_225 = tpu.memref_slice %arg4[%sub3A_200, %dma_wait3A_224] : memref<2500x128xi32, #tpu.memory_space<hbm>> -> memref<1x128xi32, #tpu.memory_space<hbm>>
          %dma_wait3A_226 = tpu.memref_squeeze %dma_wait3A_225 : memref<1x128xi32, #tpu.memory_space<hbm>> -> memref<128xi32, #tpu.memory_space<hbm>>
          tpu.wait_dma2 semaphore(%arg23 : memref<!tpu.dma_semaphore, #tpu.memory_space<semaphore_mem>>) src(%dma_wait3A_226 : memref<128xi32, #tpu.memory_space<hbm>>) dst(%dma_wait3A_223 : memref<128xi32, #tpu.memory_space<vmem>>)
        } else {
        }
        %dma_wait3A = arith.constant 3 : i32
        %dma_wait3A_160 = arith.constant 0 : i32
        %dma_wait3A_161 = tpu.memref_slice %arg11[%dma_wait3A, %dma_wait3A_160] : memref<6x128xi32, #tpu.memory_space<vmem>> -> memref<1x128xi32, #tpu.memory_space<vmem>>
        %dma_wait3A_162 = tpu.memref_squeeze %dma_wait3A_161 : memref<1x128xi32, #tpu.memory_space<vmem>> -> memref<128xi32, #tpu.memory_space<vmem>>
        %dma_wait3A_163 = arith.constant 0 : i32
        %dma_wait3A_164 = arith.constant 0 : i32
        %dma_wait3A_165 = tpu.memref_slice %arg2[%arg0, %dma_wait3A_163, %dma_wait3A_164] : memref<2x10000x128xf32, #tpu.memory_space<hbm>> -> memref<1x10000x128xf32, #tpu.memory_space<hbm>>
        %dma_wait3A_166 = tpu.memref_squeeze %dma_wait3A_165 : memref<1x10000x128xf32, #tpu.memory_space<hbm>> -> memref<10000x128xf32, #tpu.memory_space<hbm>>
        %dma_wait3A_167 = arith.constant 0 : i32
        %dma_wait3A_168 = arith.constant 0 : i32
        %dma_wait3A_169 = tpu.memref_slice %dma_wait3A_166[%dma_wait3A_167, %dma_wait3A_168] : memref<10000x128xf32, #tpu.memory_space<hbm>> -> memref<10000x128xf32, #tpu.memory_space<hbm>>
        tpu.wait_indirect_dma semaphore(%arg17 : memref<!tpu.dma_semaphore, #tpu.memory_space<semaphore_mem>>) src(%dma_wait3A_169 : memref<10000x128xf32, #tpu.memory_space<hbm>>) dst(%arg13 : memref<128x128xf32, #tpu.memory_space<vmem>>)
        %dma_start3A_170 = arith.constant 3 : i32
        %dma_start3A_171 = arith.constant 0 : i32
        %dma_start3A_172 = tpu.memref_slice %arg12[%dma_start3A_170, %dma_start3A_171] : memref<6x128xi32, #tpu.memory_space<vmem>> -> memref<1x128xi32, #tpu.memory_space<vmem>>
        %dma_start3A_173 = tpu.memref_squeeze %dma_start3A_172 : memref<1x128xi32, #tpu.memory_space<vmem>> -> memref<128xi32, #tpu.memory_space<vmem>>
        %dma_start3A_174 = arith.constant 0 : i32
        %dma_start3A_175 = arith.constant 0 : i32
        %dma_start3A_176 = tpu.memref_slice %arg9[%dma_start3A_174, %dma_start3A_175] : memref<10000x128xf32, #tpu.memory_space<vmem_shared>> -> memref<10000x128xf32, #tpu.memory_space<vmem_shared>>
        tpu.enqueue_indirect_dma source(%arg13 : memref<128x128xf32, #tpu.memory_space<vmem>>) target(%dma_start3A_176 : memref<10000x128xf32, #tpu.memory_space<vmem_shared>>) offsets(%dma_start3A_173 : memref<128xi32, #tpu.memory_space<vmem>>) semaphore(%arg20 : memref<!tpu.dma_semaphore, #tpu.memory_space<semaphore_mem>>) {add = true}
        %ge3A_177 = arith.constant 1 : i32
        %ge3A_178 = arith.cmpi sge, %add3A_129, %ge3A_177 : i32
        %convert_element_type3A_179 = arith.extui %ge3A_178 : i1 to i32
        %cond3A_180 = arith.constant 0 : i32
        %cond3A_181 = arith.cmpi ne, %convert_element_type3A_179, %cond3A_180 : i32
        scf.if %cond3A_181 {
          %dma_wait3A_196 = arith.constant 2 : i32
          %dma_wait3A_197 = arith.constant 0 : i32
          %dma_wait3A_198 = tpu.memref_slice %arg12[%dma_wait3A_196, %dma_wait3A_197] : memref<6x128xi32, #tpu.memory_space<vmem>> -> memref<1x128xi32, #tpu.memory_space<vmem>>
          %dma_wait3A_199 = tpu.memref_squeeze %dma_wait3A_198 : memref<1x128xi32, #tpu.memory_space<vmem>> -> memref<128xi32, #tpu.memory_space<vmem>>
          %dma_wait3A_200 = arith.constant 0 : i32
          %dma_wait3A_201 = arith.constant 0 : i32
          %dma_wait3A_202 = tpu.memref_slice %arg9[%dma_wait3A_200, %dma_wait3A_201] : memref<10000x128xf32, #tpu.memory_space<vmem_shared>> -> memref<10000x128xf32, #tpu.memory_space<vmem_shared>>
          tpu.wait_indirect_dma semaphore(%arg22 : memref<!tpu.dma_semaphore, #tpu.memory_space<semaphore_mem>>) src(%arg15 : memref<128x128xf32, #tpu.memory_space<vmem>>) dst(%dma_wait3A_202 : memref<10000x128xf32, #tpu.memory_space<vmem_shared>>)
        } else {
        }
        %add3A_182 = arith.constant 3 : i32
        %add3A_183 = arith.addi %add3A_129, %add3A_182 : i32
        %lt3A_184 = arith.cmpi slt, %add3A_183, %add3A_5 : i32
        %convert_element_type3A_185 = arith.extui %lt3A_184 : i1 to i32
        %cond3A_186 = arith.constant 0 : i32
        %cond3A_187 = arith.cmpi ne, %convert_element_type3A_185, %cond3A_186 : i32
        scf.if %cond3A_187 {
          %add3A_196 = arith.addi %add3A, %add3A_129 : i32
          %add3A_197 = arith.constant 3 : i32
          %add3A_198 = arith.addi %add3A_196, %add3A_197 : i32
          %dma_start3A_199 = arith.constant 0 : i32
          %dma_start3A_200 = arith.constant 0 : i32
          %dma_start3A_201 = tpu.memref_slice %arg11[%dma_start3A_199, %dma_start3A_200] : memref<6x128xi32, #tpu.memory_space<vmem>> -> memref<1x128xi32, #tpu.memory_space<vmem>>
          %dma_start3A_202 = tpu.memref_squeeze %dma_start3A_201 : memref<1x128xi32, #tpu.memory_space<vmem>> -> memref<128xi32, #tpu.memory_space<vmem>>
          %dma_start3A_203 = arith.constant 0 : i32
          %dma_start3A_204 = tpu.memref_slice %arg3[%add3A_198, %dma_start3A_203] : memref<2500x128xi32, #tpu.memory_space<hbm>> -> memref<1x128xi32, #tpu.memory_space<hbm>>
          %dma_start3A_205 = tpu.memref_squeeze %dma_start3A_204 : memref<1x128xi32, #tpu.memory_space<hbm>> -> memref<128xi32, #tpu.memory_space<hbm>>
          %dma_start3A_206 = arith.constant 0 : i32
          %dma_start3A_207 = tpu.memref_slice %arg11[%dma_start3A_199, %dma_start3A_206] : memref<6x128xi32, #tpu.memory_space<vmem>> -> memref<1x128xi32, #tpu.memory_space<vmem>>
          %dma_start3A_208 = tpu.memref_squeeze %dma_start3A_207 : memref<1x128xi32, #tpu.memory_space<vmem>> -> memref<128xi32, #tpu.memory_space<vmem>>
          %dma_start3A_209 = arith.constant 0 : i32
          %dma_start3A_210 = tpu.memref_slice %arg3[%add3A_198, %dma_start3A_209] : memref<2500x128xi32, #tpu.memory_space<hbm>> -> memref<1x128xi32, #tpu.memory_space<hbm>>
          %dma_start3A_211 = tpu.memref_squeeze %dma_start3A_210 : memref<1x128xi32, #tpu.memory_space<hbm>> -> memref<128xi32, #tpu.memory_space<hbm>>
          tpu.enqueue_dma source(%dma_start3A_211 : memref<128xi32, #tpu.memory_space<hbm>>) target(%dma_start3A_208 : memref<128xi32, #tpu.memory_space<vmem>>) target_semaphore(%arg24 : memref<!tpu.dma_semaphore, #tpu.memory_space<semaphore_mem>>)
          %dma_start3A_212 = arith.constant 0 : i32
          %dma_start3A_213 = arith.constant 0 : i32
          %dma_start3A_214 = tpu.memref_slice %arg12[%dma_start3A_212, %dma_start3A_213] : memref<6x128xi32, #tpu.memory_space<vmem>> -> memref<1x128xi32, #tpu.memory_space<vmem>>
          %dma_start3A_215 = tpu.memref_squeeze %dma_start3A_214 : memref<1x128xi32, #tpu.memory_space<vmem>> -> memref<128xi32, #tpu.memory_space<vmem>>
          %dma_start3A_216 = arith.constant 0 : i32
          %dma_start3A_217 = tpu.memref_slice %arg4[%add3A_198, %dma_start3A_216] : memref<2500x128xi32, #tpu.memory_space<hbm>> -> memref<1x128xi32, #tpu.memory_space<hbm>>
          %dma_start3A_218 = tpu.memref_squeeze %dma_start3A_217 : memref<1x128xi32, #tpu.memory_space<hbm>> -> memref<128xi32, #tpu.memory_space<hbm>>
          %dma_start3A_219 = arith.constant 0 : i32
          %dma_start3A_220 = tpu.memref_slice %arg12[%dma_start3A_212, %dma_start3A_219] : memref<6x128xi32, #tpu.memory_space<vmem>> -> memref<1x128xi32, #tpu.memory_space<vmem>>
          %dma_start3A_221 = tpu.memref_squeeze %dma_start3A_220 : memref<1x128xi32, #tpu.memory_space<vmem>> -> memref<128xi32, #tpu.memory_space<vmem>>
          %dma_start3A_222 = arith.constant 0 : i32
          %dma_start3A_223 = tpu.memref_slice %arg4[%add3A_198, %dma_start3A_222] : memref<2500x128xi32, #tpu.memory_space<hbm>> -> memref<1x128xi32, #tpu.memory_space<hbm>>
          %dma_start3A_224 = tpu.memref_squeeze %dma_start3A_223 : memref<1x128xi32, #tpu.memory_space<hbm>> -> memref<128xi32, #tpu.memory_space<hbm>>
          tpu.enqueue_dma source(%dma_start3A_224 : memref<128xi32, #tpu.memory_space<hbm>>) target(%dma_start3A_221 : memref<128xi32, #tpu.memory_space<vmem>>) target_semaphore(%arg24 : memref<!tpu.dma_semaphore, #tpu.memory_space<semaphore_mem>>)
        } else {
        }
        %add3A_188 = arith.constant 3 : i32
        %add3A_189 = arith.addi %add3A_129, %add3A_188 : i32
        %sub3A_190 = arith.constant 1 : i32
        %sub3A_191 = arith.subi %add3A_189, %sub3A_190 : i32
        %lt3A_192 = arith.cmpi slt, %sub3A_191, %add3A_5 : i32
        %convert_element_type3A_193 = arith.extui %lt3A_192 : i1 to i32
        %cond3A_194 = arith.constant 0 : i32
        %cond3A_195 = arith.cmpi ne, %convert_element_type3A_193, %cond3A_194 : i32
        scf.if %cond3A_195 {
          %dma_start3A_196 = arith.constant 5 : i32
          %dma_start3A_197 = arith.constant 0 : i32
          %dma_start3A_198 = tpu.memref_slice %arg11[%dma_start3A_196, %dma_start3A_197] : memref<6x128xi32, #tpu.memory_space<vmem>> -> memref<1x128xi32, #tpu.memory_space<vmem>>
          %dma_start3A_199 = tpu.memref_squeeze %dma_start3A_198 : memref<1x128xi32, #tpu.memory_space<vmem>> -> memref<128xi32, #tpu.memory_space<vmem>>
          %dma_start3A_200 = arith.constant 0 : i32
          %dma_start3A_201 = arith.constant 0 : i32
          %dma_start3A_202 = tpu.memref_slice %arg2[%arg0, %dma_start3A_200, %dma_start3A_201] : memref<2x10000x128xf32, #tpu.memory_space<hbm>> -> memref<1x10000x128xf32, #tpu.memory_space<hbm>>
          %dma_start3A_203 = tpu.memref_squeeze %dma_start3A_202 : memref<1x10000x128xf32, #tpu.memory_space<hbm>> -> memref<10000x128xf32, #tpu.memory_space<hbm>>
          %dma_start3A_204 = arith.constant 0 : i32
          %dma_start3A_205 = arith.constant 0 : i32
          %dma_start3A_206 = tpu.memref_slice %dma_start3A_203[%dma_start3A_204, %dma_start3A_205] : memref<10000x128xf32, #tpu.memory_space<hbm>> -> memref<10000x128xf32, #tpu.memory_space<hbm>>
          tpu.enqueue_indirect_dma source(%dma_start3A_206 : memref<10000x128xf32, #tpu.memory_space<hbm>>) target(%arg15 : memref<128x128xf32, #tpu.memory_space<vmem>>) offsets(%dma_start3A_199 : memref<128xi32, #tpu.memory_space<vmem>>) semaphore(%arg19 : memref<!tpu.dma_semaphore, #tpu.memory_space<semaphore_mem>>)
        } else {
        }
      } else {
      }
      %mul3A_134 = arith.constant 6 : i32
      %mul3A_135 = arith.muli %scan3A_101, %mul3A_134 : i32
      %add3A_136 = arith.constant 4 : i32
      %add3A_137 = arith.addi %mul3A_135, %add3A_136 : i32
      %lt3A_138 = arith.cmpi slt, %add3A_137, %add3A_5 : i32
      %convert_element_type3A_139 = arith.extui %lt3A_138 : i1 to i32
      %cond3A_140 = arith.constant 0 : i32
      %cond3A_141 = arith.cmpi ne, %convert_element_type3A_139, %cond3A_140 : i32
      scf.if %cond3A_141 {
        %ge3A = arith.constant 1 : i32
        %ge3A_150 = arith.cmpi sge, %add3A_137, %ge3A : i32
        %add3A_151 = arith.constant 3 : i32
        %add3A_152 = arith.addi %add3A_137, %add3A_151 : i32
        %sub3A_153 = arith.constant 1 : i32
        %sub3A_154 = arith.subi %add3A_152, %sub3A_153 : i32
        %lt3A_155 = arith.cmpi slt, %sub3A_154, %add3A_5 : i32
        %and3A_156 = arith.andi %ge3A_150, %lt3A_155 : i1
        %convert_element_type3A_157 = arith.extui %and3A_156 : i1 to i32
        %cond3A_158 = arith.constant 0 : i32
        %cond3A_159 = arith.cmpi ne, %convert_element_type3A_157, %cond3A_158 : i32
        scf.if %cond3A_159 {
          %add3A_196 = arith.addi %add3A, %add3A_137 : i32
          %add3A_197 = arith.constant 3 : i32
          %add3A_198 = arith.addi %add3A_196, %add3A_197 : i32
          %sub3A_199 = arith.constant 1 : i32
          %sub3A_200 = arith.subi %add3A_198, %sub3A_199 : i32
          %dma_wait3A_201 = arith.constant 0 : i32
          %dma_wait3A_202 = arith.constant 0 : i32
          %dma_wait3A_203 = tpu.memref_slice %arg11[%dma_wait3A_201, %dma_wait3A_202] : memref<6x128xi32, #tpu.memory_space<vmem>> -> memref<1x128xi32, #tpu.memory_space<vmem>>
          %dma_wait3A_204 = tpu.memref_squeeze %dma_wait3A_203 : memref<1x128xi32, #tpu.memory_space<vmem>> -> memref<128xi32, #tpu.memory_space<vmem>>
          %dma_wait3A_205 = arith.constant 0 : i32
          %dma_wait3A_206 = tpu.memref_slice %arg3[%sub3A_200, %dma_wait3A_205] : memref<2500x128xi32, #tpu.memory_space<hbm>> -> memref<1x128xi32, #tpu.memory_space<hbm>>
          %dma_wait3A_207 = tpu.memref_squeeze %dma_wait3A_206 : memref<1x128xi32, #tpu.memory_space<hbm>> -> memref<128xi32, #tpu.memory_space<hbm>>
          %dma_wait3A_208 = arith.constant 0 : i32
          %dma_wait3A_209 = tpu.memref_slice %arg11[%dma_wait3A_201, %dma_wait3A_208] : memref<6x128xi32, #tpu.memory_space<vmem>> -> memref<1x128xi32, #tpu.memory_space<vmem>>
          %dma_wait3A_210 = tpu.memref_squeeze %dma_wait3A_209 : memref<1x128xi32, #tpu.memory_space<vmem>> -> memref<128xi32, #tpu.memory_space<vmem>>
          %dma_wait3A_211 = arith.constant 0 : i32
          %dma_wait3A_212 = tpu.memref_slice %arg3[%sub3A_200, %dma_wait3A_211] : memref<2500x128xi32, #tpu.memory_space<hbm>> -> memref<1x128xi32, #tpu.memory_space<hbm>>
          %dma_wait3A_213 = tpu.memref_squeeze %dma_wait3A_212 : memref<1x128xi32, #tpu.memory_space<hbm>> -> memref<128xi32, #tpu.memory_space<hbm>>
          tpu.wait_dma2 semaphore(%arg24 : memref<!tpu.dma_semaphore, #tpu.memory_space<semaphore_mem>>) src(%dma_wait3A_213 : memref<128xi32, #tpu.memory_space<hbm>>) dst(%dma_wait3A_210 : memref<128xi32, #tpu.memory_space<vmem>>)
          %dma_wait3A_214 = arith.constant 0 : i32
          %dma_wait3A_215 = arith.constant 0 : i32
          %dma_wait3A_216 = tpu.memref_slice %arg12[%dma_wait3A_214, %dma_wait3A_215] : memref<6x128xi32, #tpu.memory_space<vmem>> -> memref<1x128xi32, #tpu.memory_space<vmem>>
          %dma_wait3A_217 = tpu.memref_squeeze %dma_wait3A_216 : memref<1x128xi32, #tpu.memory_space<vmem>> -> memref<128xi32, #tpu.memory_space<vmem>>
          %dma_wait3A_218 = arith.constant 0 : i32
          %dma_wait3A_219 = tpu.memref_slice %arg4[%sub3A_200, %dma_wait3A_218] : memref<2500x128xi32, #tpu.memory_space<hbm>> -> memref<1x128xi32, #tpu.memory_space<hbm>>
          %dma_wait3A_220 = tpu.memref_squeeze %dma_wait3A_219 : memref<1x128xi32, #tpu.memory_space<hbm>> -> memref<128xi32, #tpu.memory_space<hbm>>
          %dma_wait3A_221 = arith.constant 0 : i32
          %dma_wait3A_222 = tpu.memref_slice %arg12[%dma_wait3A_214, %dma_wait3A_221] : memref<6x128xi32, #tpu.memory_space<vmem>> -> memref<1x128xi32, #tpu.memory_space<vmem>>
          %dma_wait3A_223 = tpu.memref_squeeze %dma_wait3A_222 : memref<1x128xi32, #tpu.memory_space<vmem>> -> memref<128xi32, #tpu.memory_space<vmem>>
          %dma_wait3A_224 = arith.constant 0 : i32
          %dma_wait3A_225 = tpu.memref_slice %arg4[%sub3A_200, %dma_wait3A_224] : memref<2500x128xi32, #tpu.memory_space<hbm>> -> memref<1x128xi32, #tpu.memory_space<hbm>>
          %dma_wait3A_226 = tpu.memref_squeeze %dma_wait3A_225 : memref<1x128xi32, #tpu.memory_space<hbm>> -> memref<128xi32, #tpu.memory_space<hbm>>
          tpu.wait_dma2 semaphore(%arg24 : memref<!tpu.dma_semaphore, #tpu.memory_space<semaphore_mem>>) src(%dma_wait3A_226 : memref<128xi32, #tpu.memory_space<hbm>>) dst(%dma_wait3A_223 : memref<128xi32, #tpu.memory_space<vmem>>)
        } else {
        }
        %dma_wait3A = arith.constant 4 : i32
        %dma_wait3A_160 = arith.constant 0 : i32
        %dma_wait3A_161 = tpu.memref_slice %arg11[%dma_wait3A, %dma_wait3A_160] : memref<6x128xi32, #tpu.memory_space<vmem>> -> memref<1x128xi32, #tpu.memory_space<vmem>>
        %dma_wait3A_162 = tpu.memref_squeeze %dma_wait3A_161 : memref<1x128xi32, #tpu.memory_space<vmem>> -> memref<128xi32, #tpu.memory_space<vmem>>
        %dma_wait3A_163 = arith.constant 0 : i32
        %dma_wait3A_164 = arith.constant 0 : i32
        %dma_wait3A_165 = tpu.memref_slice %arg2[%arg0, %dma_wait3A_163, %dma_wait3A_164] : memref<2x10000x128xf32, #tpu.memory_space<hbm>> -> memref<1x10000x128xf32, #tpu.memory_space<hbm>>
        %dma_wait3A_166 = tpu.memref_squeeze %dma_wait3A_165 : memref<1x10000x128xf32, #tpu.memory_space<hbm>> -> memref<10000x128xf32, #tpu.memory_space<hbm>>
        %dma_wait3A_167 = arith.constant 0 : i32
        %dma_wait3A_168 = arith.constant 0 : i32
        %dma_wait3A_169 = tpu.memref_slice %dma_wait3A_166[%dma_wait3A_167, %dma_wait3A_168] : memref<10000x128xf32, #tpu.memory_space<hbm>> -> memref<10000x128xf32, #tpu.memory_space<hbm>>
        tpu.wait_indirect_dma semaphore(%arg18 : memref<!tpu.dma_semaphore, #tpu.memory_space<semaphore_mem>>) src(%dma_wait3A_169 : memref<10000x128xf32, #tpu.memory_space<hbm>>) dst(%arg14 : memref<128x128xf32, #tpu.memory_space<vmem>>)
        %dma_start3A_170 = arith.constant 4 : i32
        %dma_start3A_171 = arith.constant 0 : i32
        %dma_start3A_172 = tpu.memref_slice %arg12[%dma_start3A_170, %dma_start3A_171] : memref<6x128xi32, #tpu.memory_space<vmem>> -> memref<1x128xi32, #tpu.memory_space<vmem>>
        %dma_start3A_173 = tpu.memref_squeeze %dma_start3A_172 : memref<1x128xi32, #tpu.memory_space<vmem>> -> memref<128xi32, #tpu.memory_space<vmem>>
        %dma_start3A_174 = arith.constant 0 : i32
        %dma_start3A_175 = arith.constant 0 : i32
        %dma_start3A_176 = tpu.memref_slice %arg9[%dma_start3A_174, %dma_start3A_175] : memref<10000x128xf32, #tpu.memory_space<vmem_shared>> -> memref<10000x128xf32, #tpu.memory_space<vmem_shared>>
        tpu.enqueue_indirect_dma source(%arg14 : memref<128x128xf32, #tpu.memory_space<vmem>>) target(%dma_start3A_176 : memref<10000x128xf32, #tpu.memory_space<vmem_shared>>) offsets(%dma_start3A_173 : memref<128xi32, #tpu.memory_space<vmem>>) semaphore(%arg21 : memref<!tpu.dma_semaphore, #tpu.memory_space<semaphore_mem>>) {add = true}
        %ge3A_177 = arith.constant 1 : i32
        %ge3A_178 = arith.cmpi sge, %add3A_137, %ge3A_177 : i32
        %convert_element_type3A_179 = arith.extui %ge3A_178 : i1 to i32
        %cond3A_180 = arith.constant 0 : i32
        %cond3A_181 = arith.cmpi ne, %convert_element_type3A_179, %cond3A_180 : i32
        scf.if %cond3A_181 {
          %dma_wait3A_196 = arith.constant 3 : i32
          %dma_wait3A_197 = arith.constant 0 : i32
          %dma_wait3A_198 = tpu.memref_slice %arg12[%dma_wait3A_196, %dma_wait3A_197] : memref<6x128xi32, #tpu.memory_space<vmem>> -> memref<1x128xi32, #tpu.memory_space<vmem>>
          %dma_wait3A_199 = tpu.memref_squeeze %dma_wait3A_198 : memref<1x128xi32, #tpu.memory_space<vmem>> -> memref<128xi32, #tpu.memory_space<vmem>>
          %dma_wait3A_200 = arith.constant 0 : i32
          %dma_wait3A_201 = arith.constant 0 : i32
          %dma_wait3A_202 = tpu.memref_slice %arg9[%dma_wait3A_200, %dma_wait3A_201] : memref<10000x128xf32, #tpu.memory_space<vmem_shared>> -> memref<10000x128xf32, #tpu.memory_space<vmem_shared>>
          tpu.wait_indirect_dma semaphore(%arg20 : memref<!tpu.dma_semaphore, #tpu.memory_space<semaphore_mem>>) src(%arg13 : memref<128x128xf32, #tpu.memory_space<vmem>>) dst(%dma_wait3A_202 : memref<10000x128xf32, #tpu.memory_space<vmem_shared>>)
        } else {
        }
        %add3A_182 = arith.constant 3 : i32
        %add3A_183 = arith.addi %add3A_137, %add3A_182 : i32
        %lt3A_184 = arith.cmpi slt, %add3A_183, %add3A_5 : i32
        %convert_element_type3A_185 = arith.extui %lt3A_184 : i1 to i32
        %cond3A_186 = arith.constant 0 : i32
        %cond3A_187 = arith.cmpi ne, %convert_element_type3A_185, %cond3A_186 : i32
        scf.if %cond3A_187 {
          %add3A_196 = arith.addi %add3A, %add3A_137 : i32
          %add3A_197 = arith.constant 3 : i32
          %add3A_198 = arith.addi %add3A_196, %add3A_197 : i32
          %dma_start3A_199 = arith.constant 1 : i32
          %dma_start3A_200 = arith.constant 0 : i32
          %dma_start3A_201 = tpu.memref_slice %arg11[%dma_start3A_199, %dma_start3A_200] : memref<6x128xi32, #tpu.memory_space<vmem>> -> memref<1x128xi32, #tpu.memory_space<vmem>>
          %dma_start3A_202 = tpu.memref_squeeze %dma_start3A_201 : memref<1x128xi32, #tpu.memory_space<vmem>> -> memref<128xi32, #tpu.memory_space<vmem>>
          %dma_start3A_203 = arith.constant 0 : i32
          %dma_start3A_204 = tpu.memref_slice %arg3[%add3A_198, %dma_start3A_203] : memref<2500x128xi32, #tpu.memory_space<hbm>> -> memref<1x128xi32, #tpu.memory_space<hbm>>
          %dma_start3A_205 = tpu.memref_squeeze %dma_start3A_204 : memref<1x128xi32, #tpu.memory_space<hbm>> -> memref<128xi32, #tpu.memory_space<hbm>>
          %dma_start3A_206 = arith.constant 0 : i32
          %dma_start3A_207 = tpu.memref_slice %arg11[%dma_start3A_199, %dma_start3A_206] : memref<6x128xi32, #tpu.memory_space<vmem>> -> memref<1x128xi32, #tpu.memory_space<vmem>>
          %dma_start3A_208 = tpu.memref_squeeze %dma_start3A_207 : memref<1x128xi32, #tpu.memory_space<vmem>> -> memref<128xi32, #tpu.memory_space<vmem>>
          %dma_start3A_209 = arith.constant 0 : i32
          %dma_start3A_210 = tpu.memref_slice %arg3[%add3A_198, %dma_start3A_209] : memref<2500x128xi32, #tpu.memory_space<hbm>> -> memref<1x128xi32, #tpu.memory_space<hbm>>
          %dma_start3A_211 = tpu.memref_squeeze %dma_start3A_210 : memref<1x128xi32, #tpu.memory_space<hbm>> -> memref<128xi32, #tpu.memory_space<hbm>>
          tpu.enqueue_dma source(%dma_start3A_211 : memref<128xi32, #tpu.memory_space<hbm>>) target(%dma_start3A_208 : memref<128xi32, #tpu.memory_space<vmem>>) target_semaphore(%arg23 : memref<!tpu.dma_semaphore, #tpu.memory_space<semaphore_mem>>)
          %dma_start3A_212 = arith.constant 1 : i32
          %dma_start3A_213 = arith.constant 0 : i32
          %dma_start3A_214 = tpu.memref_slice %arg12[%dma_start3A_212, %dma_start3A_213] : memref<6x128xi32, #tpu.memory_space<vmem>> -> memref<1x128xi32, #tpu.memory_space<vmem>>
          %dma_start3A_215 = tpu.memref_squeeze %dma_start3A_214 : memref<1x128xi32, #tpu.memory_space<vmem>> -> memref<128xi32, #tpu.memory_space<vmem>>
          %dma_start3A_216 = arith.constant 0 : i32
          %dma_start3A_217 = tpu.memref_slice %arg4[%add3A_198, %dma_start3A_216] : memref<2500x128xi32, #tpu.memory_space<hbm>> -> memref<1x128xi32, #tpu.memory_space<hbm>>
          %dma_start3A_218 = tpu.memref_squeeze %dma_start3A_217 : memref<1x128xi32, #tpu.memory_space<hbm>> -> memref<128xi32, #tpu.memory_space<hbm>>
          %dma_start3A_219 = arith.constant 0 : i32
          %dma_start3A_220 = tpu.memref_slice %arg12[%dma_start3A_212, %dma_start3A_219] : memref<6x128xi32, #tpu.memory_space<vmem>> -> memref<1x128xi32, #tpu.memory_space<vmem>>
          %dma_start3A_221 = tpu.memref_squeeze %dma_start3A_220 : memref<1x128xi32, #tpu.memory_space<vmem>> -> memref<128xi32, #tpu.memory_space<vmem>>
          %dma_start3A_222 = arith.constant 0 : i32
          %dma_start3A_223 = tpu.memref_slice %arg4[%add3A_198, %dma_start3A_222] : memref<2500x128xi32, #tpu.memory_space<hbm>> -> memref<1x128xi32, #tpu.memory_space<hbm>>
          %dma_start3A_224 = tpu.memref_squeeze %dma_start3A_223 : memref<1x128xi32, #tpu.memory_space<hbm>> -> memref<128xi32, #tpu.memory_space<hbm>>
          tpu.enqueue_dma source(%dma_start3A_224 : memref<128xi32, #tpu.memory_space<hbm>>) target(%dma_start3A_221 : memref<128xi32, #tpu.memory_space<vmem>>) target_semaphore(%arg23 : memref<!tpu.dma_semaphore, #tpu.memory_space<semaphore_mem>>)
        } else {
        }
        %add3A_188 = arith.constant 3 : i32
        %add3A_189 = arith.addi %add3A_137, %add3A_188 : i32
        %sub3A_190 = arith.constant 1 : i32
        %sub3A_191 = arith.subi %add3A_189, %sub3A_190 : i32
        %lt3A_192 = arith.cmpi slt, %sub3A_191, %add3A_5 : i32
        %convert_element_type3A_193 = arith.extui %lt3A_192 : i1 to i32
        %cond3A_194 = arith.constant 0 : i32
        %cond3A_195 = arith.cmpi ne, %convert_element_type3A_193, %cond3A_194 : i32
        scf.if %cond3A_195 {
          %dma_start3A_196 = arith.constant 0 : i32
          %dma_start3A_197 = arith.constant 0 : i32
          %dma_start3A_198 = tpu.memref_slice %arg11[%dma_start3A_196, %dma_start3A_197] : memref<6x128xi32, #tpu.memory_space<vmem>> -> memref<1x128xi32, #tpu.memory_space<vmem>>
          %dma_start3A_199 = tpu.memref_squeeze %dma_start3A_198 : memref<1x128xi32, #tpu.memory_space<vmem>> -> memref<128xi32, #tpu.memory_space<vmem>>
          %dma_start3A_200 = arith.constant 0 : i32
          %dma_start3A_201 = arith.constant 0 : i32
          %dma_start3A_202 = tpu.memref_slice %arg2[%arg0, %dma_start3A_200, %dma_start3A_201] : memref<2x10000x128xf32, #tpu.memory_space<hbm>> -> memref<1x10000x128xf32, #tpu.memory_space<hbm>>
          %dma_start3A_203 = tpu.memref_squeeze %dma_start3A_202 : memref<1x10000x128xf32, #tpu.memory_space<hbm>> -> memref<10000x128xf32, #tpu.memory_space<hbm>>
          %dma_start3A_204 = arith.constant 0 : i32
          %dma_start3A_205 = arith.constant 0 : i32
          %dma_start3A_206 = tpu.memref_slice %dma_start3A_203[%dma_start3A_204, %dma_start3A_205] : memref<10000x128xf32, #tpu.memory_space<hbm>> -> memref<10000x128xf32, #tpu.memory_space<hbm>>
          tpu.enqueue_indirect_dma source(%dma_start3A_206 : memref<10000x128xf32, #tpu.memory_space<hbm>>) target(%arg13 : memref<128x128xf32, #tpu.memory_space<vmem>>) offsets(%dma_start3A_199 : memref<128xi32, #tpu.memory_space<vmem>>) semaphore(%arg17 : memref<!tpu.dma_semaphore, #tpu.memory_space<semaphore_mem>>)
        } else {
        }
      } else {
      }
      %mul3A_142 = arith.constant 6 : i32
      %mul3A_143 = arith.muli %scan3A_101, %mul3A_142 : i32
      %add3A_144 = arith.constant 5 : i32
      %add3A_145 = arith.addi %mul3A_143, %add3A_144 : i32
      %lt3A_146 = arith.cmpi slt, %add3A_145, %add3A_5 : i32
      %convert_element_type3A_147 = arith.extui %lt3A_146 : i1 to i32
      %cond3A_148 = arith.constant 0 : i32
      %cond3A_149 = arith.cmpi ne, %convert_element_type3A_147, %cond3A_148 : i32
      scf.if %cond3A_149 {
        %ge3A = arith.constant 1 : i32
        %ge3A_150 = arith.cmpi sge, %add3A_145, %ge3A : i32
        %add3A_151 = arith.constant 3 : i32
        %add3A_152 = arith.addi %add3A_145, %add3A_151 : i32
        %sub3A_153 = arith.constant 1 : i32
        %sub3A_154 = arith.subi %add3A_152, %sub3A_153 : i32
        %lt3A_155 = arith.cmpi slt, %sub3A_154, %add3A_5 : i32
        %and3A_156 = arith.andi %ge3A_150, %lt3A_155 : i1
        %convert_element_type3A_157 = arith.extui %and3A_156 : i1 to i32
        %cond3A_158 = arith.constant 0 : i32
        %cond3A_159 = arith.cmpi ne, %convert_element_type3A_157, %cond3A_158 : i32
        scf.if %cond3A_159 {
          %add3A_196 = arith.addi %add3A, %add3A_145 : i32
          %add3A_197 = arith.constant 3 : i32
          %add3A_198 = arith.addi %add3A_196, %add3A_197 : i32
          %sub3A_199 = arith.constant 1 : i32
          %sub3A_200 = arith.subi %add3A_198, %sub3A_199 : i32
          %dma_wait3A_201 = arith.constant 1 : i32
          %dma_wait3A_202 = arith.constant 0 : i32
          %dma_wait3A_203 = tpu.memref_slice %arg11[%dma_wait3A_201, %dma_wait3A_202] : memref<6x128xi32, #tpu.memory_space<vmem>> -> memref<1x128xi32, #tpu.memory_space<vmem>>
          %dma_wait3A_204 = tpu.memref_squeeze %dma_wait3A_203 : memref<1x128xi32, #tpu.memory_space<vmem>> -> memref<128xi32, #tpu.memory_space<vmem>>
          %dma_wait3A_205 = arith.constant 0 : i32
          %dma_wait3A_206 = tpu.memref_slice %arg3[%sub3A_200, %dma_wait3A_205] : memref<2500x128xi32, #tpu.memory_space<hbm>> -> memref<1x128xi32, #tpu.memory_space<hbm>>
          %dma_wait3A_207 = tpu.memref_squeeze %dma_wait3A_206 : memref<1x128xi32, #tpu.memory_space<hbm>> -> memref<128xi32, #tpu.memory_space<hbm>>
          %dma_wait3A_208 = arith.constant 0 : i32
          %dma_wait3A_209 = tpu.memref_slice %arg11[%dma_wait3A_201, %dma_wait3A_208] : memref<6x128xi32, #tpu.memory_space<vmem>> -> memref<1x128xi32, #tpu.memory_space<vmem>>
          %dma_wait3A_210 = tpu.memref_squeeze %dma_wait3A_209 : memref<1x128xi32, #tpu.memory_space<vmem>> -> memref<128xi32, #tpu.memory_space<vmem>>
          %dma_wait3A_211 = arith.constant 0 : i32
          %dma_wait3A_212 = tpu.memref_slice %arg3[%sub3A_200, %dma_wait3A_211] : memref<2500x128xi32, #tpu.memory_space<hbm>> -> memref<1x128xi32, #tpu.memory_space<hbm>>
          %dma_wait3A_213 = tpu.memref_squeeze %dma_wait3A_212 : memref<1x128xi32, #tpu.memory_space<hbm>> -> memref<128xi32, #tpu.memory_space<hbm>>
          tpu.wait_dma2 semaphore(%arg23 : memref<!tpu.dma_semaphore, #tpu.memory_space<semaphore_mem>>) src(%dma_wait3A_213 : memref<128xi32, #tpu.memory_space<hbm>>) dst(%dma_wait3A_210 : memref<128xi32, #tpu.memory_space<vmem>>)
          %dma_wait3A_214 = arith.constant 1 : i32
          %dma_wait3A_215 = arith.constant 0 : i32
          %dma_wait3A_216 = tpu.memref_slice %arg12[%dma_wait3A_214, %dma_wait3A_215] : memref<6x128xi32, #tpu.memory_space<vmem>> -> memref<1x128xi32, #tpu.memory_space<vmem>>
          %dma_wait3A_217 = tpu.memref_squeeze %dma_wait3A_216 : memref<1x128xi32, #tpu.memory_space<vmem>> -> memref<128xi32, #tpu.memory_space<vmem>>
          %dma_wait3A_218 = arith.constant 0 : i32
          %dma_wait3A_219 = tpu.memref_slice %arg4[%sub3A_200, %dma_wait3A_218] : memref<2500x128xi32, #tpu.memory_space<hbm>> -> memref<1x128xi32, #tpu.memory_space<hbm>>
          %dma_wait3A_220 = tpu.memref_squeeze %dma_wait3A_219 : memref<1x128xi32, #tpu.memory_space<hbm>> -> memref<128xi32, #tpu.memory_space<hbm>>
          %dma_wait3A_221 = arith.constant 0 : i32
          %dma_wait3A_222 = tpu.memref_slice %arg12[%dma_wait3A_214, %dma_wait3A_221] : memref<6x128xi32, #tpu.memory_space<vmem>> -> memref<1x128xi32, #tpu.memory_space<vmem>>
          %dma_wait3A_223 = tpu.memref_squeeze %dma_wait3A_222 : memref<1x128xi32, #tpu.memory_space<vmem>> -> memref<128xi32, #tpu.memory_space<vmem>>
          %dma_wait3A_224 = arith.constant 0 : i32
          %dma_wait3A_225 = tpu.memref_slice %arg4[%sub3A_200, %dma_wait3A_224] : memref<2500x128xi32, #tpu.memory_space<hbm>> -> memref<1x128xi32, #tpu.memory_space<hbm>>
          %dma_wait3A_226 = tpu.memref_squeeze %dma_wait3A_225 : memref<1x128xi32, #tpu.memory_space<hbm>> -> memref<128xi32, #tpu.memory_space<hbm>>
          tpu.wait_dma2 semaphore(%arg23 : memref<!tpu.dma_semaphore, #tpu.memory_space<semaphore_mem>>) src(%dma_wait3A_226 : memref<128xi32, #tpu.memory_space<hbm>>) dst(%dma_wait3A_223 : memref<128xi32, #tpu.memory_space<vmem>>)
        } else {
        }
        %dma_wait3A = arith.constant 5 : i32
        %dma_wait3A_160 = arith.constant 0 : i32
        %dma_wait3A_161 = tpu.memref_slice %arg11[%dma_wait3A, %dma_wait3A_160] : memref<6x128xi32, #tpu.memory_space<vmem>> -> memref<1x128xi32, #tpu.memory_space<vmem>>
        %dma_wait3A_162 = tpu.memref_squeeze %dma_wait3A_161 : memref<1x128xi32, #tpu.memory_space<vmem>> -> memref<128xi32, #tpu.memory_space<vmem>>
        %dma_wait3A_163 = arith.constant 0 : i32
        %dma_wait3A_164 = arith.constant 0 : i32
        %dma_wait3A_165 = tpu.memref_slice %arg2[%arg0, %dma_wait3A_163, %dma_wait3A_164] : memref<2x10000x128xf32, #tpu.memory_space<hbm>> -> memref<1x10000x128xf32, #tpu.memory_space<hbm>>
        %dma_wait3A_166 = tpu.memref_squeeze %dma_wait3A_165 : memref<1x10000x128xf32, #tpu.memory_space<hbm>> -> memref<10000x128xf32, #tpu.memory_space<hbm>>
        %dma_wait3A_167 = arith.constant 0 : i32
        %dma_wait3A_168 = arith.constant 0 : i32
        %dma_wait3A_169 = tpu.memref_slice %dma_wait3A_166[%dma_wait3A_167, %dma_wait3A_168] : memref<10000x128xf32, #tpu.memory_space<hbm>> -> memref<10000x128xf32, #tpu.memory_space<hbm>>
        tpu.wait_indirect_dma semaphore(%arg19 : memref<!tpu.dma_semaphore, #tpu.memory_space<semaphore_mem>>) src(%dma_wait3A_169 : memref<10000x128xf32, #tpu.memory_space<hbm>>) dst(%arg15 : memref<128x128xf32, #tpu.memory_space<vmem>>)
        %dma_start3A_170 = arith.constant 5 : i32
        %dma_start3A_171 = arith.constant 0 : i32
        %dma_start3A_172 = tpu.memref_slice %arg12[%dma_start3A_170, %dma_start3A_171] : memref<6x128xi32, #tpu.memory_space<vmem>> -> memref<1x128xi32, #tpu.memory_space<vmem>>
        %dma_start3A_173 = tpu.memref_squeeze %dma_start3A_172 : memref<1x128xi32, #tpu.memory_space<vmem>> -> memref<128xi32, #tpu.memory_space<vmem>>
        %dma_start3A_174 = arith.constant 0 : i32
        %dma_start3A_175 = arith.constant 0 : i32
        %dma_start3A_176 = tpu.memref_slice %arg9[%dma_start3A_174, %dma_start3A_175] : memref<10000x128xf32, #tpu.memory_space<vmem_shared>> -> memref<10000x128xf32, #tpu.memory_space<vmem_shared>>
        tpu.enqueue_indirect_dma source(%arg15 : memref<128x128xf32, #tpu.memory_space<vmem>>) target(%dma_start3A_176 : memref<10000x128xf32, #tpu.memory_space<vmem_shared>>) offsets(%dma_start3A_173 : memref<128xi32, #tpu.memory_space<vmem>>) semaphore(%arg22 : memref<!tpu.dma_semaphore, #tpu.memory_space<semaphore_mem>>) {add = true}
        %ge3A_177 = arith.constant 1 : i32
        %ge3A_178 = arith.cmpi sge, %add3A_145, %ge3A_177 : i32
        %convert_element_type3A_179 = arith.extui %ge3A_178 : i1 to i32
        %cond3A_180 = arith.constant 0 : i32
        %cond3A_181 = arith.cmpi ne, %convert_element_type3A_179, %cond3A_180 : i32
        scf.if %cond3A_181 {
          %dma_wait3A_196 = arith.constant 4 : i32
          %dma_wait3A_197 = arith.constant 0 : i32
          %dma_wait3A_198 = tpu.memref_slice %arg12[%dma_wait3A_196, %dma_wait3A_197] : memref<6x128xi32, #tpu.memory_space<vmem>> -> memref<1x128xi32, #tpu.memory_space<vmem>>
          %dma_wait3A_199 = tpu.memref_squeeze %dma_wait3A_198 : memref<1x128xi32, #tpu.memory_space<vmem>> -> memref<128xi32, #tpu.memory_space<vmem>>
          %dma_wait3A_200 = arith.constant 0 : i32
          %dma_wait3A_201 = arith.constant 0 : i32
          %dma_wait3A_202 = tpu.memref_slice %arg9[%dma_wait3A_200, %dma_wait3A_201] : memref<10000x128xf32, #tpu.memory_space<vmem_shared>> -> memref<10000x128xf32, #tpu.memory_space<vmem_shared>>
          tpu.wait_indirect_dma semaphore(%arg21 : memref<!tpu.dma_semaphore, #tpu.memory_space<semaphore_mem>>) src(%arg14 : memref<128x128xf32, #tpu.memory_space<vmem>>) dst(%dma_wait3A_202 : memref<10000x128xf32, #tpu.memory_space<vmem_shared>>)
        } else {
        }
        %add3A_182 = arith.constant 3 : i32
        %add3A_183 = arith.addi %add3A_145, %add3A_182 : i32
        %lt3A_184 = arith.cmpi slt, %add3A_183, %add3A_5 : i32
        %convert_element_type3A_185 = arith.extui %lt3A_184 : i1 to i32
        %cond3A_186 = arith.constant 0 : i32
        %cond3A_187 = arith.cmpi ne, %convert_element_type3A_185, %cond3A_186 : i32
        scf.if %cond3A_187 {
          %add3A_196 = arith.addi %add3A, %add3A_145 : i32
          %add3A_197 = arith.constant 3 : i32
          %add3A_198 = arith.addi %add3A_196, %add3A_197 : i32
          %dma_start3A_199 = arith.constant 2 : i32
          %dma_start3A_200 = arith.constant 0 : i32
          %dma_start3A_201 = tpu.memref_slice %arg11[%dma_start3A_199, %dma_start3A_200] : memref<6x128xi32, #tpu.memory_space<vmem>> -> memref<1x128xi32, #tpu.memory_space<vmem>>
          %dma_start3A_202 = tpu.memref_squeeze %dma_start3A_201 : memref<1x128xi32, #tpu.memory_space<vmem>> -> memref<128xi32, #tpu.memory_space<vmem>>
          %dma_start3A_203 = arith.constant 0 : i32
          %dma_start3A_204 = tpu.memref_slice %arg3[%add3A_198, %dma_start3A_203] : memref<2500x128xi32, #tpu.memory_space<hbm>> -> memref<1x128xi32, #tpu.memory_space<hbm>>
          %dma_start3A_205 = tpu.memref_squeeze %dma_start3A_204 : memref<1x128xi32, #tpu.memory_space<hbm>> -> memref<128xi32, #tpu.memory_space<hbm>>
          %dma_start3A_206 = arith.constant 0 : i32
          %dma_start3A_207 = tpu.memref_slice %arg11[%dma_start3A_199, %dma_start3A_206] : memref<6x128xi32, #tpu.memory_space<vmem>> -> memref<1x128xi32, #tpu.memory_space<vmem>>
          %dma_start3A_208 = tpu.memref_squeeze %dma_start3A_207 : memref<1x128xi32, #tpu.memory_space<vmem>> -> memref<128xi32, #tpu.memory_space<vmem>>
          %dma_start3A_209 = arith.constant 0 : i32
          %dma_start3A_210 = tpu.memref_slice %arg3[%add3A_198, %dma_start3A_209] : memref<2500x128xi32, #tpu.memory_space<hbm>> -> memref<1x128xi32, #tpu.memory_space<hbm>>
          %dma_start3A_211 = tpu.memref_squeeze %dma_start3A_210 : memref<1x128xi32, #tpu.memory_space<hbm>> -> memref<128xi32, #tpu.memory_space<hbm>>
          tpu.enqueue_dma source(%dma_start3A_211 : memref<128xi32, #tpu.memory_space<hbm>>) target(%dma_start3A_208 : memref<128xi32, #tpu.memory_space<vmem>>) target_semaphore(%arg24 : memref<!tpu.dma_semaphore, #tpu.memory_space<semaphore_mem>>)
          %dma_start3A_212 = arith.constant 2 : i32
          %dma_start3A_213 = arith.constant 0 : i32
          %dma_start3A_214 = tpu.memref_slice %arg12[%dma_start3A_212, %dma_start3A_213] : memref<6x128xi32, #tpu.memory_space<vmem>> -> memref<1x128xi32, #tpu.memory_space<vmem>>
          %dma_start3A_215 = tpu.memref_squeeze %dma_start3A_214 : memref<1x128xi32, #tpu.memory_space<vmem>> -> memref<128xi32, #tpu.memory_space<vmem>>
          %dma_start3A_216 = arith.constant 0 : i32
          %dma_start3A_217 = tpu.memref_slice %arg4[%add3A_198, %dma_start3A_216] : memref<2500x128xi32, #tpu.memory_space<hbm>> -> memref<1x128xi32, #tpu.memory_space<hbm>>
          %dma_start3A_218 = tpu.memref_squeeze %dma_start3A_217 : memref<1x128xi32, #tpu.memory_space<hbm>> -> memref<128xi32, #tpu.memory_space<hbm>>
          %dma_start3A_219 = arith.constant 0 : i32
          %dma_start3A_220 = tpu.memref_slice %arg12[%dma_start3A_212, %dma_start3A_219] : memref<6x128xi32, #tpu.memory_space<vmem>> -> memref<1x128xi32, #tpu.memory_space<vmem>>
          %dma_start3A_221 = tpu.memref_squeeze %dma_start3A_220 : memref<1x128xi32, #tpu.memory_space<vmem>> -> memref<128xi32, #tpu.memory_space<vmem>>
          %dma_start3A_222 = arith.constant 0 : i32
          %dma_start3A_223 = tpu.memref_slice %arg4[%add3A_198, %dma_start3A_222] : memref<2500x128xi32, #tpu.memory_space<hbm>> -> memref<1x128xi32, #tpu.memory_space<hbm>>
          %dma_start3A_224 = tpu.memref_squeeze %dma_start3A_223 : memref<1x128xi32, #tpu.memory_space<hbm>> -> memref<128xi32, #tpu.memory_space<hbm>>
          tpu.enqueue_dma source(%dma_start3A_224 : memref<128xi32, #tpu.memory_space<hbm>>) target(%dma_start3A_221 : memref<128xi32, #tpu.memory_space<vmem>>) target_semaphore(%arg24 : memref<!tpu.dma_semaphore, #tpu.memory_space<semaphore_mem>>)
        } else {
        }
        %add3A_188 = arith.constant 3 : i32
        %add3A_189 = arith.addi %add3A_145, %add3A_188 : i32
        %sub3A_190 = arith.constant 1 : i32
        %sub3A_191 = arith.subi %add3A_189, %sub3A_190 : i32
        %lt3A_192 = arith.cmpi slt, %sub3A_191, %add3A_5 : i32
        %convert_element_type3A_193 = arith.extui %lt3A_192 : i1 to i32
        %cond3A_194 = arith.constant 0 : i32
        %cond3A_195 = arith.cmpi ne, %convert_element_type3A_193, %cond3A_194 : i32
        scf.if %cond3A_195 {
          %dma_start3A_196 = arith.constant 1 : i32
          %dma_start3A_197 = arith.constant 0 : i32
          %dma_start3A_198 = tpu.memref_slice %arg11[%dma_start3A_196, %dma_start3A_197] : memref<6x128xi32, #tpu.memory_space<vmem>> -> memref<1x128xi32, #tpu.memory_space<vmem>>
          %dma_start3A_199 = tpu.memref_squeeze %dma_start3A_198 : memref<1x128xi32, #tpu.memory_space<vmem>> -> memref<128xi32, #tpu.memory_space<vmem>>
          %dma_start3A_200 = arith.constant 0 : i32
          %dma_start3A_201 = arith.constant 0 : i32
          %dma_start3A_202 = tpu.memref_slice %arg2[%arg0, %dma_start3A_200, %dma_start3A_201] : memref<2x10000x128xf32, #tpu.memory_space<hbm>> -> memref<1x10000x128xf32, #tpu.memory_space<hbm>>
          %dma_start3A_203 = tpu.memref_squeeze %dma_start3A_202 : memref<1x10000x128xf32, #tpu.memory_space<hbm>> -> memref<10000x128xf32, #tpu.memory_space<hbm>>
          %dma_start3A_204 = arith.constant 0 : i32
          %dma_start3A_205 = arith.constant 0 : i32
          %dma_start3A_206 = tpu.memref_slice %dma_start3A_203[%dma_start3A_204, %dma_start3A_205] : memref<10000x128xf32, #tpu.memory_space<hbm>> -> memref<10000x128xf32, #tpu.memory_space<hbm>>
          tpu.enqueue_indirect_dma source(%dma_start3A_206 : memref<10000x128xf32, #tpu.memory_space<hbm>>) target(%arg14 : memref<128x128xf32, #tpu.memory_space<vmem>>) offsets(%dma_start3A_199 : memref<128xi32, #tpu.memory_space<vmem>>) semaphore(%arg18 : memref<!tpu.dma_semaphore, #tpu.memory_space<semaphore_mem>>)
        } else {
        }
      } else {
      }
    }
    %scan3A_33 = arith.constant 27 : i32
    %sub3A = arith.constant 1 : i32
    %sub3A_34 = arith.subi %add3A_5, %sub3A : i32
    %jit3A_35 = arith.constant 3 : i32
    %eq3A = arith.constant 0 : i32
    %eq3A_36 = arith.cmpi eq, %jit3A_35, %eq3A : i32
    %jit3A_37 = arith.constant 1 : i32
    %select_n3A_38 = arith.select %eq3A_36, %jit3A_37, %jit3A_35 : i32
    %rem3A = arith.remsi %sub3A_34, %select_n3A_38 : i32
    %ne3A = arith.constant 0 : i32
    %ne3A_39 = arith.cmpi ne, %rem3A, %ne3A : i32
    %lt3A_40 = arith.constant 0 : i32
    %lt3A_41 = arith.cmpi slt, %rem3A, %lt3A_40 : i32
    %lt3A_42 = arith.constant 0 : i32
    %lt3A_43 = arith.cmpi slt, %select_n3A_38, %lt3A_42 : i32
    %ne3A_44 = arith.xori %lt3A_41, %lt3A_43 : i1
    %and3A = arith.andi %ne3A_44, %ne3A_39 : i1
    %add3A_45 = arith.addi %rem3A, %select_n3A_38 : i32
    %select_n3A_46 = arith.select %and3A, %add3A_45, %rem3A : i32
    %eq3A_47 = arith.constant 0 : i32
    %eq3A_48 = arith.cmpi eq, %select_n3A_46, %eq3A_47 : i32
    %convert_element_type3A = arith.extui %eq3A_48 : i1 to i32
    %cond3A = arith.constant 0 : i32
    %cond3A_49 = arith.cmpi ne, %convert_element_type3A, %cond3A : i32
    scf.if %cond3A_49 {
      %sub3A_101 = arith.constant 1 : i32
      %sub3A_102 = arith.subi %add3A_5, %sub3A_101 : i32
      %jit3A_103 = arith.constant 6 : i32
      %eq3A_104 = arith.constant 0 : i32
      %eq3A_105 = arith.cmpi eq, %jit3A_103, %eq3A_104 : i32
      %jit3A_106 = arith.constant 1 : i32
      %select_n3A_107 = arith.select %eq3A_105, %jit3A_106, %jit3A_103 : i32
      %rem3A_108 = arith.remsi %sub3A_102, %select_n3A_107 : i32
      %ne3A_109 = arith.constant 0 : i32
      %ne3A_110 = arith.cmpi ne, %rem3A_108, %ne3A_109 : i32
      %lt3A_111 = arith.constant 0 : i32
      %lt3A_112 = arith.cmpi slt, %rem3A_108, %lt3A_111 : i32
      %lt3A_113 = arith.constant 0 : i32
      %lt3A_114 = arith.cmpi slt, %select_n3A_107, %lt3A_113 : i32
      %ne3A_115 = arith.xori %lt3A_112, %lt3A_114 : i1
      %and3A_116 = arith.andi %ne3A_115, %ne3A_110 : i1
      %add3A_117 = arith.addi %rem3A_108, %select_n3A_107 : i32
      %select_n3A_118 = arith.select %and3A_116, %add3A_117, %rem3A_108 : i32
      %dma_wait3A = arith.constant 0 : i32
      %dma_wait3A_119 = tpu.memref_slice %arg12[%select_n3A_118, %dma_wait3A] : memref<6x128xi32, #tpu.memory_space<vmem>> -> memref<1x128xi32, #tpu.memory_space<vmem>>
      %dma_wait3A_120 = tpu.memref_squeeze %dma_wait3A_119 : memref<1x128xi32, #tpu.memory_space<vmem>> -> memref<128xi32, #tpu.memory_space<vmem>>
      %dma_wait3A_121 = arith.constant 0 : i32
      %dma_wait3A_122 = arith.constant 0 : i32
      %dma_wait3A_123 = tpu.memref_slice %arg9[%dma_wait3A_121, %dma_wait3A_122] : memref<10000x128xf32, #tpu.memory_space<vmem_shared>> -> memref<10000x128xf32, #tpu.memory_space<vmem_shared>>
      tpu.wait_indirect_dma semaphore(%arg20 : memref<!tpu.dma_semaphore, #tpu.memory_space<semaphore_mem>>) src(%arg13 : memref<128x128xf32, #tpu.memory_space<vmem>>) dst(%dma_wait3A_123 : memref<10000x128xf32, #tpu.memory_space<vmem_shared>>)
    } else {
    }
    %sub3A_50 = arith.constant 1 : i32
    %sub3A_51 = arith.subi %add3A_5, %sub3A_50 : i32
    %jit3A_52 = arith.constant 3 : i32
    %eq3A_53 = arith.constant 0 : i32
    %eq3A_54 = arith.cmpi eq, %jit3A_52, %eq3A_53 : i32
    %jit3A_55 = arith.constant 1 : i32
    %select_n3A_56 = arith.select %eq3A_54, %jit3A_55, %jit3A_52 : i32
    %rem3A_57 = arith.remsi %sub3A_51, %select_n3A_56 : i32
    %ne3A_58 = arith.constant 0 : i32
    %ne3A_59 = arith.cmpi ne, %rem3A_57, %ne3A_58 : i32
    %lt3A_60 = arith.constant 0 : i32
    %lt3A_61 = arith.cmpi slt, %rem3A_57, %lt3A_60 : i32
    %lt3A_62 = arith.constant 0 : i32
    %lt3A_63 = arith.cmpi slt, %select_n3A_56, %lt3A_62 : i32
    %ne3A_64 = arith.xori %lt3A_61, %lt3A_63 : i1
    %and3A_65 = arith.andi %ne3A_64, %ne3A_59 : i1
    %add3A_66 = arith.addi %rem3A_57, %select_n3A_56 : i32
    %select_n3A_67 = arith.select %and3A_65, %add3A_66, %rem3A_57 : i32
    %eq3A_68 = arith.constant 1 : i32
    %eq3A_69 = arith.cmpi eq, %select_n3A_67, %eq3A_68 : i32
    %convert_element_type3A_70 = arith.extui %eq3A_69 : i1 to i32
    %cond3A_71 = arith.constant 0 : i32
    %cond3A_72 = arith.cmpi ne, %convert_element_type3A_70, %cond3A_71 : i32
    scf.if %cond3A_72 {
      %sub3A_101 = arith.constant 1 : i32
      %sub3A_102 = arith.subi %add3A_5, %sub3A_101 : i32
      %jit3A_103 = arith.constant 6 : i32
      %eq3A_104 = arith.constant 0 : i32
      %eq3A_105 = arith.cmpi eq, %jit3A_103, %eq3A_104 : i32
      %jit3A_106 = arith.constant 1 : i32
      %select_n3A_107 = arith.select %eq3A_105, %jit3A_106, %jit3A_103 : i32
      %rem3A_108 = arith.remsi %sub3A_102, %select_n3A_107 : i32
      %ne3A_109 = arith.constant 0 : i32
      %ne3A_110 = arith.cmpi ne, %rem3A_108, %ne3A_109 : i32
      %lt3A_111 = arith.constant 0 : i32
      %lt3A_112 = arith.cmpi slt, %rem3A_108, %lt3A_111 : i32
      %lt3A_113 = arith.constant 0 : i32
      %lt3A_114 = arith.cmpi slt, %select_n3A_107, %lt3A_113 : i32
      %ne3A_115 = arith.xori %lt3A_112, %lt3A_114 : i1
      %and3A_116 = arith.andi %ne3A_115, %ne3A_110 : i1
      %add3A_117 = arith.addi %rem3A_108, %select_n3A_107 : i32
      %select_n3A_118 = arith.select %and3A_116, %add3A_117, %rem3A_108 : i32
      %dma_wait3A = arith.constant 0 : i32
      %dma_wait3A_119 = tpu.memref_slice %arg12[%select_n3A_118, %dma_wait3A] : memref<6x128xi32, #tpu.memory_space<vmem>> -> memref<1x128xi32, #tpu.memory_space<vmem>>
      %dma_wait3A_120 = tpu.memref_squeeze %dma_wait3A_119 : memref<1x128xi32, #tpu.memory_space<vmem>> -> memref<128xi32, #tpu.memory_space<vmem>>
      %dma_wait3A_121 = arith.constant 0 : i32
      %dma_wait3A_122 = arith.constant 0 : i32
      %dma_wait3A_123 = tpu.memref_slice %arg9[%dma_wait3A_121, %dma_wait3A_122] : memref<10000x128xf32, #tpu.memory_space<vmem_shared>> -> memref<10000x128xf32, #tpu.memory_space<vmem_shared>>
      tpu.wait_indirect_dma semaphore(%arg21 : memref<!tpu.dma_semaphore, #tpu.memory_space<semaphore_mem>>) src(%arg14 : memref<128x128xf32, #tpu.memory_space<vmem>>) dst(%dma_wait3A_123 : memref<10000x128xf32, #tpu.memory_space<vmem_shared>>)
    } else {
    }
    %sub3A_73 = arith.constant 1 : i32
    %sub3A_74 = arith.subi %add3A_5, %sub3A_73 : i32
    %jit3A_75 = arith.constant 3 : i32
    %eq3A_76 = arith.constant 0 : i32
    %eq3A_77 = arith.cmpi eq, %jit3A_75, %eq3A_76 : i32
    %jit3A_78 = arith.constant 1 : i32
    %select_n3A_79 = arith.select %eq3A_77, %jit3A_78, %jit3A_75 : i32
    %rem3A_80 = arith.remsi %sub3A_74, %select_n3A_79 : i32
    %ne3A_81 = arith.constant 0 : i32
    %ne3A_82 = arith.cmpi ne, %rem3A_80, %ne3A_81 : i32
    %lt3A_83 = arith.constant 0 : i32
    %lt3A_84 = arith.cmpi slt, %rem3A_80, %lt3A_83 : i32
    %lt3A_85 = arith.constant 0 : i32
    %lt3A_86 = arith.cmpi slt, %select_n3A_79, %lt3A_85 : i32
    %ne3A_87 = arith.xori %lt3A_84, %lt3A_86 : i1
    %and3A_88 = arith.andi %ne3A_87, %ne3A_82 : i1
    %add3A_89 = arith.addi %rem3A_80, %select_n3A_79 : i32
    %select_n3A_90 = arith.select %and3A_88, %add3A_89, %rem3A_80 : i32
    %eq3A_91 = arith.constant 2 : i32
    %eq3A_92 = arith.cmpi eq, %select_n3A_90, %eq3A_91 : i32
    %convert_element_type3A_93 = arith.extui %eq3A_92 : i1 to i32
    %cond3A_94 = arith.constant 0 : i32
    %cond3A_95 = arith.cmpi ne, %convert_element_type3A_93, %cond3A_94 : i32
    scf.if %cond3A_95 {
      %sub3A_101 = arith.constant 1 : i32
      %sub3A_102 = arith.subi %add3A_5, %sub3A_101 : i32
      %jit3A_103 = arith.constant 6 : i32
      %eq3A_104 = arith.constant 0 : i32
      %eq3A_105 = arith.cmpi eq, %jit3A_103, %eq3A_104 : i32
      %jit3A_106 = arith.constant 1 : i32
      %select_n3A_107 = arith.select %eq3A_105, %jit3A_106, %jit3A_103 : i32
      %rem3A_108 = arith.remsi %sub3A_102, %select_n3A_107 : i32
      %ne3A_109 = arith.constant 0 : i32
      %ne3A_110 = arith.cmpi ne, %rem3A_108, %ne3A_109 : i32
      %lt3A_111 = arith.constant 0 : i32
      %lt3A_112 = arith.cmpi slt, %rem3A_108, %lt3A_111 : i32
      %lt3A_113 = arith.constant 0 : i32
      %lt3A_114 = arith.cmpi slt, %select_n3A_107, %lt3A_113 : i32
      %ne3A_115 = arith.xori %lt3A_112, %lt3A_114 : i1
      %and3A_116 = arith.andi %ne3A_115, %ne3A_110 : i1
      %add3A_117 = arith.addi %rem3A_108, %select_n3A_107 : i32
      %select_n3A_118 = arith.select %and3A_116, %add3A_117, %rem3A_108 : i32
      %dma_wait3A = arith.constant 0 : i32
      %dma_wait3A_119 = tpu.memref_slice %arg12[%select_n3A_118, %dma_wait3A] : memref<6x128xi32, #tpu.memory_space<vmem>> -> memref<1x128xi32, #tpu.memory_space<vmem>>
      %dma_wait3A_120 = tpu.memref_squeeze %dma_wait3A_119 : memref<1x128xi32, #tpu.memory_space<vmem>> -> memref<128xi32, #tpu.memory_space<vmem>>
      %dma_wait3A_121 = arith.constant 0 : i32
      %dma_wait3A_122 = arith.constant 0 : i32
      %dma_wait3A_123 = tpu.memref_slice %arg9[%dma_wait3A_121, %dma_wait3A_122] : memref<10000x128xf32, #tpu.memory_space<vmem_shared>> -> memref<10000x128xf32, #tpu.memory_space<vmem_shared>>
      tpu.wait_indirect_dma semaphore(%arg22 : memref<!tpu.dma_semaphore, #tpu.memory_space<semaphore_mem>>) src(%arg15 : memref<128x128xf32, #tpu.memory_space<vmem>>) dst(%dma_wait3A_123 : memref<10000x128xf32, #tpu.memory_space<vmem_shared>>)
    } else {
    }
    %barrier3A_96 = arith.constant 0 : index
    tpu.barrier barrier_id(%barrier3A_96)
    %mul3A_97 = arith.constant 625 : i32
    %mul3A_98 = arith.muli %arg1, %mul3A_97 : i32
    %mul3A_99 = arith.constant 625 : i32
    %mul3A_100 = arith.muli %arg1, %mul3A_99 : i32
    "tpu.region"() ({
      %run_scoped3A = tpu.sem_alloc : memref<!tpu.dma_semaphore, #tpu.memory_space<semaphore_mem>>
      %dma_start3A_101 = arith.constant 0 : i32
      %dma_start3A_102 = arith.constant 0 : i32
      %dma_start3A_103 = tpu.memref_slice %arg8[%arg0, %dma_start3A_101, %dma_start3A_102] : memref<2x10000x128xf32, #tpu.memory_space<hbm>> -> memref<1x10000x128xf32, #tpu.memory_space<hbm>>
      %dma_start3A_104 = tpu.memref_squeeze %dma_start3A_103 : memref<1x10000x128xf32, #tpu.memory_space<hbm>> -> memref<10000x128xf32, #tpu.memory_space<hbm>>
      %dma_start3A_105 = arith.constant 0 : i32
      %dma_start3A_106 = tpu.memref_slice %dma_start3A_104[%mul3A_100, %dma_start3A_105] : memref<10000x128xf32, #tpu.memory_space<hbm>> -> memref<625x128xf32, #tpu.memory_space<hbm>>
      %dma_start3A_107 = arith.constant 0 : i32
      %dma_start3A_108 = tpu.memref_slice %arg9[%mul3A_98, %dma_start3A_107] : memref<10000x128xf32, #tpu.memory_space<vmem_shared>> -> memref<625x128xf32, #tpu.memory_space<vmem_shared>>
      tpu.enqueue_dma source(%dma_start3A_108 : memref<625x128xf32, #tpu.memory_space<vmem_shared>>) target(%dma_start3A_106 : memref<625x128xf32, #tpu.memory_space<hbm>>) target_semaphore(%run_scoped3A : memref<!tpu.dma_semaphore, #tpu.memory_space<semaphore_mem>>)
      %dma_wait3A = arith.constant 0 : i32
      %dma_wait3A_109 = arith.constant 0 : i32
      %dma_wait3A_110 = tpu.memref_slice %arg8[%arg0, %dma_wait3A, %dma_wait3A_109] : memref<2x10000x128xf32, #tpu.memory_space<hbm>> -> memref<1x10000x128xf32, #tpu.memory_space<hbm>>
      %dma_wait3A_111 = tpu.memref_squeeze %dma_wait3A_110 : memref<1x10000x128xf32, #tpu.memory_space<hbm>> -> memref<10000x128xf32, #tpu.memory_space<hbm>>
      %dma_wait3A_112 = arith.constant 0 : i32
      %dma_wait3A_113 = tpu.memref_slice %dma_wait3A_111[%mul3A_100, %dma_wait3A_112] : memref<10000x128xf32, #tpu.memory_space<hbm>> -> memref<625x128xf32, #tpu.memory_space<hbm>>
      %dma_wait3A_114 = arith.constant 0 : i32
      %dma_wait3A_115 = tpu.memref_slice %arg9[%mul3A_98, %dma_wait3A_114] : memref<10000x128xf32, #tpu.memory_space<vmem_shared>> -> memref<625x128xf32, #tpu.memory_space<vmem_shared>>
      tpu.wait_dma2 semaphore(%run_scoped3A : memref<!tpu.dma_semaphore, #tpu.memory_space<semaphore_mem>>) src(%dma_wait3A_115 : memref<625x128xf32, #tpu.memory_space<vmem_shared>>) dst(%dma_wait3A_113 : memref<625x128xf32, #tpu.memory_space<hbm>>)
      tpu.yield
    }) : () -> ()
    return
  }
}

module attributes {stable_mosaic.version = 14 : i64} {
  func.func @_layer0_body(%arg0: i32, %arg1: memref<2x1000x128xf32, #tpu.memory_space<vmem>>, %arg2: memref<2x1000x16xf32, #tpu.memory_space<vmem>>, %arg3: memref<1000x128xf32, #tpu.memory_space<vmem>>, %arg4: memref<128x256xf32, #tpu.memory_space<vmem>>, %arg5: memref<1x256xf32, #tpu.memory_space<vmem>>, %arg6: memref<128x256xf32, #tpu.memory_space<vmem>>, %arg7: memref<2x1000x128xf32, #tpu.memory_space<vmem>>) attributes {dimension_semantics = [#tpu.dimension_semantics<arbitrary>], iteration_bounds = array<i64: 10>, scalar_prefetch = 0 : i64, scratch_operands = 0 : i64, tpu.core_type = #tpu.core_type<tc>, window_params = [{transform_indices = @transform_0, window_bounds = array<i64: 2, 1000, 128>}, {transform_indices = @transform_1, window_bounds = array<i64: 2, 1000, 16>}, {transform_indices = @transform_2, window_bounds = array<i64: 1000, 128>}, {pipeline_mode = #tpu.pipeline_mode<synchronous>, transform_indices = @transform_3, window_bounds = array<i64: 128, 256>}, {pipeline_mode = #tpu.pipeline_mode<synchronous>, transform_indices = @transform_4, window_bounds = array<i64: 1, 256>}, {pipeline_mode = #tpu.pipeline_mode<synchronous>, transform_indices = @transform_5, window_bounds = array<i64: 128, 256>}, {transform_indices = @transform_6, window_bounds = array<i64: 2, 1000, 128>}]} {
    %get3A = arith.constant 0 : index
    %get3A_0 = arith.constant 0 : index
    %get3A_1 = arith.constant 0 : index
    %get3A_2 = vector.load %arg2[%get3A, %get3A_0, %get3A_1] : memref<2x1000x16xf32, #tpu.memory_space<vmem>>, vector<1x1000x16xf32>
    %get3A_3 = vector.shape_cast %get3A_2 : vector<1x1000x16xf32> to vector<1000x16xf32>
    %get3A_4 = arith.constant 1 : index
    %get3A_5 = arith.constant 0 : index
    %get3A_6 = arith.constant 0 : index
    %get3A_7 = vector.load %arg2[%get3A_4, %get3A_5, %get3A_6] : memref<2x1000x16xf32, #tpu.memory_space<vmem>>, vector<1x1000x16xf32>
    %get3A_8 = vector.shape_cast %get3A_7 : vector<1x1000x16xf32> to vector<1000x16xf32>
    %add3A = arith.addf %get3A_3, %get3A_8 : vector<1000x16xf32>
    %slice3A = vector.extract_strided_slice %add3A {offsets = [0, 0], sizes = [1000, 1], strides = [1, 1]} : vector<1000x16xf32> to vector<1000x1xf32>
    %jit3A = arith.constant 1.000000e+00 : f32
    %max3A = vector.broadcast %jit3A : f32 to vector<1000x1xf32>
    %max3A_9 = arith.maximumf %max3A, %slice3A : vector<1000x1xf32>
    %div3A = arith.constant 1.000000e+00 : f32
    %div3A_10 = vector.broadcast %div3A : f32 to vector<1000x1xf32>
    %div3A_11 = arith.divf %div3A_10, %max3A_9 : vector<1000x1xf32>
    %get3A_12 = arith.constant 0 : index
    %get3A_13 = arith.constant 0 : index
    %get3A_14 = arith.constant 0 : index
    %get3A_15 = vector.load %arg1[%get3A_12, %get3A_13, %get3A_14] : memref<2x1000x128xf32, #tpu.memory_space<vmem>>, vector<1x1000x128xf32>
    %get3A_16 = vector.shape_cast %get3A_15 : vector<1x1000x128xf32> to vector<1000x128xf32>
    %get3A_17 = arith.constant 1 : index
    %get3A_18 = arith.constant 0 : index
    %get3A_19 = arith.constant 0 : index
    %get3A_20 = vector.load %arg1[%get3A_17, %get3A_18, %get3A_19] : memref<2x1000x128xf32, #tpu.memory_space<vmem>>, vector<1x1000x128xf32>
    %get3A_21 = vector.shape_cast %get3A_20 : vector<1x1000x128xf32> to vector<1000x128xf32>
    %add3A_22 = arith.addf %get3A_16, %get3A_21 : vector<1000x128xf32>
    %mul3A = vector.broadcast %div3A_11 : vector<1000x1xf32> to vector<1000x128xf32>
    %mul3A_23 = arith.mulf %add3A_22, %mul3A : vector<1000x128xf32>
    %get3A_24 = arith.constant 0 : index
    %get3A_25 = arith.constant 0 : index
    %get3A_26 = vector.load %arg4[%get3A_24, %get3A_25] : memref<128x256xf32, #tpu.memory_space<vmem>>, vector<128x256xf32>
    %dot_general3A = arith.constant dense<0.000000e+00> : vector<1000x256xf32>
    %dot_general3A_27 = tpu.matmul %mul3A_23, %get3A_26, %dot_general3A {dimension_numbers = #tpu.dot_dimension_numbers<[1], [0], [0], [1], [0, 0, 1, 1], [], []>, transpose_lhs_hint = false} : vector<1000x128xf32>, vector<128x256xf32>, vector<1000x256xf32> -> vector<1000x256xf32>
    %get3A_28 = arith.constant 0 : index
    %get3A_29 = arith.constant 0 : index
    %get3A_30 = vector.load %arg3[%get3A_28, %get3A_29] : memref<1000x128xf32, #tpu.memory_space<vmem>>, vector<1000x128xf32>
    %get3A_31 = arith.constant 0 : index
    %get3A_32 = arith.constant 0 : index
    %get3A_33 = vector.load %arg6[%get3A_31, %get3A_32] : memref<128x256xf32, #tpu.memory_space<vmem>>, vector<128x256xf32>
    %dot_general3A_34 = arith.constant dense<0.000000e+00> : vector<1000x256xf32>
    %dot_general3A_35 = tpu.matmul %get3A_30, %get3A_33, %dot_general3A_34 {dimension_numbers = #tpu.dot_dimension_numbers<[1], [0], [0], [1], [0, 0, 1, 1], [], []>, transpose_lhs_hint = false} : vector<1000x128xf32>, vector<128x256xf32>, vector<1000x256xf32> -> vector<1000x256xf32>
    %add3A_36 = arith.addf %dot_general3A_27, %dot_general3A_35 : vector<1000x256xf32>
    %get3A_37 = arith.constant 0 : index
    %get3A_38 = arith.constant 0 : index
    %get3A_39 = vector.load %arg5[%get3A_37, %get3A_38] : memref<1x256xf32, #tpu.memory_space<vmem>>, vector<1x256xf32>
    %add3A_40 = vector.broadcast %get3A_39 : vector<1x256xf32> to vector<1000x256xf32>
    %add3A_41 = arith.addf %add3A_36, %add3A_40 : vector<1000x256xf32>
    %max3A_42 = arith.constant 0.000000e+00 : f32
    %max3A_43 = vector.broadcast %max3A_42 : f32 to vector<1000x256xf32>
    %max3A_44 = arith.maximumf %add3A_41, %max3A_43 : vector<1000x256xf32>
    %slice3A_45 = vector.extract_strided_slice %max3A_44 {offsets = [0, 0], sizes = [1000, 128], strides = [1, 1]} : vector<1000x256xf32> to vector<1000x128xf32>
    %swap3A = arith.constant 0 : index
    %swap3A_46 = arith.constant 0 : index
    %swap3A_47 = arith.constant 0 : index
    %swap3A_48 = vector.load %arg7[%swap3A, %swap3A_46, %swap3A_47] : memref<2x1000x128xf32, #tpu.memory_space<vmem>>, vector<1x1000x128xf32>
    %swap3A_49 = vector.shape_cast %swap3A_48 : vector<1x1000x128xf32> to vector<1000x128xf32>
    %swap3A_50 = vector.shape_cast %slice3A_45 : vector<1000x128xf32> to vector<1x1000x128xf32>
    tpu.vector_store %arg7[%swap3A, %swap3A_46, %swap3A_47], %swap3A_50 {strides = array<i32>} : memref<2x1000x128xf32, #tpu.memory_space<vmem>>, vector<1x1000x128xf32>,
    %slice3A_51 = vector.extract_strided_slice %max3A_44 {offsets = [0, 128], sizes = [1000, 128], strides = [1, 1]} : vector<1000x256xf32> to vector<1000x128xf32>
    %swap3A_52 = arith.constant 1 : index
    %swap3A_53 = arith.constant 0 : index
    %swap3A_54 = arith.constant 0 : index
    %swap3A_55 = vector.load %arg7[%swap3A_52, %swap3A_53, %swap3A_54] : memref<2x1000x128xf32, #tpu.memory_space<vmem>>, vector<1x1000x128xf32>
    %swap3A_56 = vector.shape_cast %swap3A_55 : vector<1x1000x128xf32> to vector<1000x128xf32>
    %swap3A_57 = vector.shape_cast %slice3A_51 : vector<1000x128xf32> to vector<1x1000x128xf32>
    tpu.vector_store %arg7[%swap3A_52, %swap3A_53, %swap3A_54], %swap3A_57 {strides = array<i32>} : memref<2x1000x128xf32, #tpu.memory_space<vmem>>, vector<1x1000x128xf32>,
    return
  }
  func.func @transform_0(%arg0: i32) -> (i32, i32, i32) {
    %c0_i32 = arith.constant 0 : i32
    %c0_i32_0 = arith.constant 0 : i32
    %c0_i32_1 = arith.constant 0 : i32
    return %c0_i32, %arg0, %c0_i32_0 : i32, i32, i32
  }
  func.func @transform_1(%arg0: i32) -> (i32, i32, i32) {
    %c0_i32 = arith.constant 0 : i32
    %c0_i32_0 = arith.constant 0 : i32
    %c0_i32_1 = arith.constant 0 : i32
    return %c0_i32, %arg0, %c0_i32_0 : i32, i32, i32
  }
  func.func @transform_2(%arg0: i32) -> (i32, i32) {
    %c0_i32 = arith.constant 0 : i32
    %c0_i32_0 = arith.constant 0 : i32
    return %arg0, %c0_i32 : i32, i32
  }
  func.func @transform_3(%arg0: i32) -> (i32, i32) {
    %c0_i32 = arith.constant 0 : i32
    %c0_i32_0 = arith.constant 0 : i32
    %c0_i32_1 = arith.constant 0 : i32
    return %c0_i32, %c0_i32_0 : i32, i32
  }
  func.func @transform_4(%arg0: i32) -> (i32, i32) {
    %c0_i32 = arith.constant 0 : i32
    %c0_i32_0 = arith.constant 0 : i32
    %c0_i32_1 = arith.constant 0 : i32
    return %c0_i32, %c0_i32_0 : i32, i32
  }
  func.func @transform_5(%arg0: i32) -> (i32, i32) {
    %c0_i32 = arith.constant 0 : i32
    %c0_i32_0 = arith.constant 0 : i32
    %c0_i32_1 = arith.constant 0 : i32
    return %c0_i32, %c0_i32_0 : i32, i32
  }
  func.func @transform_6(%arg0: i32) -> (i32, i32, i32) {
    %c0_i32 = arith.constant 0 : i32
    %c0_i32_0 = arith.constant 0 : i32
    %c0_i32_1 = arith.constant 0 : i32
    return %c0_i32, %arg0, %c0_i32_0 : i32, i32, i32
  }
}

module attributes {stable_mosaic.version = 14 : i64} {
  func.func @_layer1_body(%arg0: i32, %arg1: memref<2x1000x128xf32, #tpu.memory_space<vmem>>, %arg2: memref<2x1000x16xf32, #tpu.memory_space<vmem>>, %arg3: memref<2x1000x128xf32, #tpu.memory_space<vmem>>, %arg4: memref<256x256xf32, #tpu.memory_space<vmem>>, %arg5: memref<1x256xf32, #tpu.memory_space<vmem>>, %arg6: memref<256x256xf32, #tpu.memory_space<vmem>>, %arg7: memref<256x128xf32, #tpu.memory_space<vmem>>, %arg8: memref<256x128xf32, #tpu.memory_space<vmem>>, %arg9: memref<1x128xf32, #tpu.memory_space<vmem>>, %arg10: memref<1000x128xf32, #tpu.memory_space<vmem>>, %arg11: memref<1000x128xf32, #tpu.memory_space<vmem>>) attributes {dimension_semantics = [#tpu.dimension_semantics<arbitrary>], iteration_bounds = array<i64: 10>, scalar_prefetch = 0 : i64, scratch_operands = 0 : i64, tpu.core_type = #tpu.core_type<tc>, window_params = [{transform_indices = @transform_0, window_bounds = array<i64: 2, 1000, 128>}, {transform_indices = @transform_1, window_bounds = array<i64: 2, 1000, 16>}, {transform_indices = @transform_2, window_bounds = array<i64: 2, 1000, 128>}, {pipeline_mode = #tpu.pipeline_mode<synchronous>, transform_indices = @transform_3, window_bounds = array<i64: 256, 256>}, {pipeline_mode = #tpu.pipeline_mode<synchronous>, transform_indices = @transform_4, window_bounds = array<i64: 1, 256>}, {pipeline_mode = #tpu.pipeline_mode<synchronous>, transform_indices = @transform_5, window_bounds = array<i64: 256, 256>}, {pipeline_mode = #tpu.pipeline_mode<synchronous>, transform_indices = @transform_6, window_bounds = array<i64: 256, 128>}, {pipeline_mode = #tpu.pipeline_mode<synchronous>, transform_indices = @transform_7, window_bounds = array<i64: 256, 128>}, {pipeline_mode = #tpu.pipeline_mode<synchronous>, transform_indices = @transform_8, window_bounds = array<i64: 1, 128>}, {transform_indices = @transform_9, window_bounds = array<i64: 1000, 128>}, {transform_indices = @transform_10, window_bounds = array<i64: 1000, 128>}]} {
    %get3A = arith.constant 0 : index
    %get3A_0 = arith.constant 0 : index
    %get3A_1 = arith.constant 0 : index
    %get3A_2 = vector.load %arg2[%get3A, %get3A_0, %get3A_1] : memref<2x1000x16xf32, #tpu.memory_space<vmem>>, vector<1x1000x16xf32>
    %get3A_3 = vector.shape_cast %get3A_2 : vector<1x1000x16xf32> to vector<1000x16xf32>
    %get3A_4 = arith.constant 1 : index
    %get3A_5 = arith.constant 0 : index
    %get3A_6 = arith.constant 0 : index
    %get3A_7 = vector.load %arg2[%get3A_4, %get3A_5, %get3A_6] : memref<2x1000x16xf32, #tpu.memory_space<vmem>>, vector<1x1000x16xf32>
    %get3A_8 = vector.shape_cast %get3A_7 : vector<1x1000x16xf32> to vector<1000x16xf32>
    %add3A = arith.addf %get3A_3, %get3A_8 : vector<1000x16xf32>
    %slice3A = vector.extract_strided_slice %add3A {offsets = [0, 0], sizes = [1000, 1], strides = [1, 1]} : vector<1000x16xf32> to vector<1000x1xf32>
    %jit3A = arith.constant 1.000000e+00 : f32
    %max3A = vector.broadcast %jit3A : f32 to vector<1000x1xf32>
    %max3A_9 = arith.maximumf %max3A, %slice3A : vector<1000x1xf32>
    %div3A = arith.constant 1.000000e+00 : f32
    %div3A_10 = vector.broadcast %div3A : f32 to vector<1000x1xf32>
    %div3A_11 = arith.divf %div3A_10, %max3A_9 : vector<1000x1xf32>
    %get3A_12 = arith.constant 0 : index
    %get3A_13 = arith.constant 0 : index
    %get3A_14 = arith.constant 0 : index
    %get3A_15 = vector.load %arg1[%get3A_12, %get3A_13, %get3A_14] : memref<2x1000x128xf32, #tpu.memory_space<vmem>>, vector<1x1000x128xf32>
    %get3A_16 = vector.shape_cast %get3A_15 : vector<1x1000x128xf32> to vector<1000x128xf32>
    %mul3A = vector.broadcast %div3A_11 : vector<1000x1xf32> to vector<1000x128xf32>
    %mul3A_17 = arith.mulf %get3A_16, %mul3A : vector<1000x128xf32>
    %get3A_18 = arith.constant 0 : index
    %get3A_19 = arith.constant 0 : index
    %get3A_20 = vector.load %arg4[%get3A_18, %get3A_19] : memref<256x256xf32, #tpu.memory_space<vmem>>, vector<128x256xf32>
    %dot_general3A = arith.constant dense<0.000000e+00> : vector<1000x256xf32>
    %dot_general3A_21 = tpu.matmul %mul3A_17, %get3A_20, %dot_general3A {dimension_numbers = #tpu.dot_dimension_numbers<[1], [0], [0], [1], [0, 0, 1, 1], [], []>, transpose_lhs_hint = false} : vector<1000x128xf32>, vector<128x256xf32>, vector<1000x256xf32> -> vector<1000x256xf32>
    %get3A_22 = arith.constant 1 : index
    %get3A_23 = arith.constant 0 : index
    %get3A_24 = arith.constant 0 : index
    %get3A_25 = vector.load %arg1[%get3A_22, %get3A_23, %get3A_24] : memref<2x1000x128xf32, #tpu.memory_space<vmem>>, vector<1x1000x128xf32>
    %get3A_26 = vector.shape_cast %get3A_25 : vector<1x1000x128xf32> to vector<1000x128xf32>
    %mul3A_27 = vector.broadcast %div3A_11 : vector<1000x1xf32> to vector<1000x128xf32>
    %mul3A_28 = arith.mulf %get3A_26, %mul3A_27 : vector<1000x128xf32>
    %get3A_29 = arith.constant 128 : index
    %get3A_30 = arith.constant 0 : index
    %get3A_31 = vector.load %arg4[%get3A_29, %get3A_30] : memref<256x256xf32, #tpu.memory_space<vmem>>, vector<128x256xf32>
    %dot_general3A_32 = arith.constant dense<0.000000e+00> : vector<1000x256xf32>
    %dot_general3A_33 = tpu.matmul %mul3A_28, %get3A_31, %dot_general3A_32 {dimension_numbers = #tpu.dot_dimension_numbers<[1], [0], [0], [1], [0, 0, 1, 1], [], []>, transpose_lhs_hint = false} : vector<1000x128xf32>, vector<128x256xf32>, vector<1000x256xf32> -> vector<1000x256xf32>
    %add3A_34 = arith.addf %dot_general3A_21, %dot_general3A_33 : vector<1000x256xf32>
    %get3A_35 = arith.constant 0 : index
    %get3A_36 = arith.constant 0 : index
    %get3A_37 = arith.constant 0 : index
    %get3A_38 = vector.load %arg3[%get3A_35, %get3A_36, %get3A_37] : memref<2x1000x128xf32, #tpu.memory_space<vmem>>, vector<1x1000x128xf32>
    %get3A_39 = vector.shape_cast %get3A_38 : vector<1x1000x128xf32> to vector<1000x128xf32>
    %get3A_40 = arith.constant 0 : index
    %get3A_41 = arith.constant 0 : index
    %get3A_42 = vector.load %arg6[%get3A_40, %get3A_41] : memref<256x256xf32, #tpu.memory_space<vmem>>, vector<128x256xf32>
    %dot_general3A_43 = arith.constant dense<0.000000e+00> : vector<1000x256xf32>
    %dot_general3A_44 = tpu.matmul %get3A_39, %get3A_42, %dot_general3A_43 {dimension_numbers = #tpu.dot_dimension_numbers<[1], [0], [0], [1], [0, 0, 1, 1], [], []>, transpose_lhs_hint = false} : vector<1000x128xf32>, vector<128x256xf32>, vector<1000x256xf32> -> vector<1000x256xf32>
    %add3A_45 = arith.addf %add3A_34, %dot_general3A_44 : vector<1000x256xf32>
    %get3A_46 = arith.constant 1 : index
    %get3A_47 = arith.constant 0 : index
    %get3A_48 = arith.constant 0 : index
    %get3A_49 = vector.load %arg3[%get3A_46, %get3A_47, %get3A_48] : memref<2x1000x128xf32, #tpu.memory_space<vmem>>, vector<1x1000x128xf32>
    %get3A_50 = vector.shape_cast %get3A_49 : vector<1x1000x128xf32> to vector<1000x128xf32>
    %get3A_51 = arith.constant 128 : index
    %get3A_52 = arith.constant 0 : index
    %get3A_53 = vector.load %arg6[%get3A_51, %get3A_52] : memref<256x256xf32, #tpu.memory_space<vmem>>, vector<128x256xf32>
    %dot_general3A_54 = arith.constant dense<0.000000e+00> : vector<1000x256xf32>
    %dot_general3A_55 = tpu.matmul %get3A_50, %get3A_53, %dot_general3A_54 {dimension_numbers = #tpu.dot_dimension_numbers<[1], [0], [0], [1], [0, 0, 1, 1], [], []>, transpose_lhs_hint = false} : vector<1000x128xf32>, vector<128x256xf32>, vector<1000x256xf32> -> vector<1000x256xf32>
    %add3A_56 = arith.addf %add3A_45, %dot_general3A_55 : vector<1000x256xf32>
    %get3A_57 = arith.constant 0 : index
    %get3A_58 = arith.constant 0 : index
    %get3A_59 = vector.load %arg5[%get3A_57, %get3A_58] : memref<1x256xf32, #tpu.memory_space<vmem>>, vector<1x256xf32>
    %add3A_60 = vector.broadcast %get3A_59 : vector<1x256xf32> to vector<1000x256xf32>
    %add3A_61 = arith.addf %add3A_56, %add3A_60 : vector<1000x256xf32>
    %max3A_62 = arith.constant 0.000000e+00 : f32
    %max3A_63 = vector.broadcast %max3A_62 : f32 to vector<1000x256xf32>
    %max3A_64 = arith.maximumf %add3A_61, %max3A_63 : vector<1000x256xf32>
    %get3A_65 = arith.constant 0 : index
    %get3A_66 = arith.constant 0 : index
    %get3A_67 = vector.load %arg7[%get3A_65, %get3A_66] : memref<256x128xf32, #tpu.memory_space<vmem>>, vector<256x128xf32>
    %dot_general3A_68 = arith.constant dense<0.000000e+00> : vector<1000x128xf32>
    %dot_general3A_69 = tpu.matmul %max3A_64, %get3A_67, %dot_general3A_68 {dimension_numbers = #tpu.dot_dimension_numbers<[1], [0], [0], [1], [0, 0, 1, 1], [], []>, transpose_lhs_hint = false} : vector<1000x256xf32>, vector<256x128xf32>, vector<1000x128xf32> -> vector<1000x128xf32>
    %swap3A = arith.constant 0 : index
    %swap3A_70 = arith.constant 0 : index
    %swap3A_71 = vector.load %arg10[%swap3A, %swap3A_70] : memref<1000x128xf32, #tpu.memory_space<vmem>>, vector<1000x128xf32>
    tpu.vector_store %arg10[%swap3A, %swap3A_70], %dot_general3A_69 {strides = array<i32>} : memref<1000x128xf32, #tpu.memory_space<vmem>>, vector<1000x128xf32>,
    %get3A_72 = arith.constant 0 : index
    %get3A_73 = arith.constant 0 : index
    %get3A_74 = vector.load %arg8[%get3A_72, %get3A_73] : memref<256x128xf32, #tpu.memory_space<vmem>>, vector<256x128xf32>
    %dot_general3A_75 = arith.constant dense<0.000000e+00> : vector<1000x128xf32>
    %dot_general3A_76 = tpu.matmul %max3A_64, %get3A_74, %dot_general3A_75 {dimension_numbers = #tpu.dot_dimension_numbers<[1], [0], [0], [1], [0, 0, 1, 1], [], []>, transpose_lhs_hint = false} : vector<1000x256xf32>, vector<256x128xf32>, vector<1000x128xf32> -> vector<1000x128xf32>
    %get3A_77 = arith.constant 0 : index
    %get3A_78 = arith.constant 0 : index
    %get3A_79 = vector.load %arg9[%get3A_77, %get3A_78] : memref<1x128xf32, #tpu.memory_space<vmem>>, vector<1x128xf32>
    %add3A_80 = vector.broadcast %get3A_79 : vector<1x128xf32> to vector<1000x128xf32>
    %add3A_81 = arith.addf %dot_general3A_76, %add3A_80 : vector<1000x128xf32>
    %swap3A_82 = arith.constant 0 : index
    %swap3A_83 = arith.constant 0 : index
    %swap3A_84 = vector.load %arg11[%swap3A_82, %swap3A_83] : memref<1000x128xf32, #tpu.memory_space<vmem>>, vector<1000x128xf32>
    tpu.vector_store %arg11[%swap3A_82, %swap3A_83], %add3A_81 {strides = array<i32>} : memref<1000x128xf32, #tpu.memory_space<vmem>>, vector<1000x128xf32>,
    return
  }
  func.func @transform_0(%arg0: i32) -> (i32, i32, i32) {
    %c0_i32 = arith.constant 0 : i32
    %c0_i32_0 = arith.constant 0 : i32
    %c0_i32_1 = arith.constant 0 : i32
    return %c0_i32, %arg0, %c0_i32_0 : i32, i32, i32
  }
  func.func @transform_1(%arg0: i32) -> (i32, i32, i32) {
    %c0_i32 = arith.constant 0 : i32
    %c0_i32_0 = arith.constant 0 : i32
    %c0_i32_1 = arith.constant 0 : i32
    return %c0_i32, %arg0, %c0_i32_0 : i32, i32, i32
  }
  func.func @transform_2(%arg0: i32) -> (i32, i32, i32) {
    %c0_i32 = arith.constant 0 : i32
    %c0_i32_0 = arith.constant 0 : i32
    %c0_i32_1 = arith.constant 0 : i32
    return %c0_i32, %arg0, %c0_i32_0 : i32, i32, i32
  }
  func.func @transform_3(%arg0: i32) -> (i32, i32) {
    %c0_i32 = arith.constant 0 : i32
    %c0_i32_0 = arith.constant 0 : i32
    %c0_i32_1 = arith.constant 0 : i32
    return %c0_i32, %c0_i32_0 : i32, i32
  }
  func.func @transform_4(%arg0: i32) -> (i32, i32) {
    %c0_i32 = arith.constant 0 : i32
    %c0_i32_0 = arith.constant 0 : i32
    %c0_i32_1 = arith.constant 0 : i32
    return %c0_i32, %c0_i32_0 : i32, i32
  }
  func.func @transform_5(%arg0: i32) -> (i32, i32) {
    %c0_i32 = arith.constant 0 : i32
    %c0_i32_0 = arith.constant 0 : i32
    %c0_i32_1 = arith.constant 0 : i32
    return %c0_i32, %c0_i32_0 : i32, i32
  }
  func.func @transform_6(%arg0: i32) -> (i32, i32) {
    %c0_i32 = arith.constant 0 : i32
    %c0_i32_0 = arith.constant 0 : i32
    %c0_i32_1 = arith.constant 0 : i32
    return %c0_i32, %c0_i32_0 : i32, i32
  }
  func.func @transform_7(%arg0: i32) -> (i32, i32) {
    %c0_i32 = arith.constant 0 : i32
    %c0_i32_0 = arith.constant 0 : i32
    %c0_i32_1 = arith.constant 0 : i32
    return %c0_i32, %c0_i32_0 : i32, i32
  }
  func.func @transform_8(%arg0: i32) -> (i32, i32) {
    %c0_i32 = arith.constant 0 : i32
    %c0_i32_0 = arith.constant 0 : i32
    %c0_i32_1 = arith.constant 0 : i32
    return %c0_i32, %c0_i32_0 : i32, i32
  }
  func.func @transform_9(%arg0: i32) -> (i32, i32) {
    %c0_i32 = arith.constant 0 : i32
    %c0_i32_0 = arith.constant 0 : i32
    return %arg0, %c0_i32 : i32, i32
  }
  func.func @transform_10(%arg0: i32) -> (i32, i32) {
    %c0_i32 = arith.constant 0 : i32
    %c0_i32_0 = arith.constant 0 : i32
    return %arg0, %c0_i32 : i32, i32
  }
}

module attributes {stable_mosaic.version = 14 : i64} {
  func.func @_final_body(%arg0: i32, %arg1: memref<2x1000x128xf32, #tpu.memory_space<vmem>>, %arg2: memref<2x1000x16xf32, #tpu.memory_space<vmem>>, %arg3: memref<1000x128xf32, #tpu.memory_space<vmem>>, %arg4: memref<1000x128xf32, #tpu.memory_space<vmem>>) attributes {dimension_semantics = [#tpu.dimension_semantics<arbitrary>], iteration_bounds = array<i64: 10>, scalar_prefetch = 0 : i64, scratch_operands = 0 : i64, tpu.core_type = #tpu.core_type<tc>, window_params = [{transform_indices = @transform_0, window_bounds = array<i64: 2, 1000, 128>}, {transform_indices = @transform_1, window_bounds = array<i64: 2, 1000, 16>}, {transform_indices = @transform_2, window_bounds = array<i64: 1000, 128>}, {transform_indices = @transform_3, window_bounds = array<i64: 1000, 128>}]} {
    %get3A = arith.constant 0 : index
    %get3A_0 = arith.constant 0 : index
    %get3A_1 = arith.constant 0 : index
    %get3A_2 = vector.load %arg2[%get3A, %get3A_0, %get3A_1] : memref<2x1000x16xf32, #tpu.memory_space<vmem>>, vector<1x1000x16xf32>
    %get3A_3 = vector.shape_cast %get3A_2 : vector<1x1000x16xf32> to vector<1000x16xf32>
    %get3A_4 = arith.constant 1 : index
    %get3A_5 = arith.constant 0 : index
    %get3A_6 = arith.constant 0 : index
    %get3A_7 = vector.load %arg2[%get3A_4, %get3A_5, %get3A_6] : memref<2x1000x16xf32, #tpu.memory_space<vmem>>, vector<1x1000x16xf32>
    %get3A_8 = vector.shape_cast %get3A_7 : vector<1x1000x16xf32> to vector<1000x16xf32>
    %add3A = arith.addf %get3A_3, %get3A_8 : vector<1000x16xf32>
    %slice3A = vector.extract_strided_slice %add3A {offsets = [0, 0], sizes = [1000, 1], strides = [1, 1]} : vector<1000x16xf32> to vector<1000x1xf32>
    %jit3A = arith.constant 1.000000e+00 : f32
    %max3A = vector.broadcast %jit3A : f32 to vector<1000x1xf32>
    %max3A_9 = arith.maximumf %max3A, %slice3A : vector<1000x1xf32>
    %div3A = arith.constant 1.000000e+00 : f32
    %div3A_10 = vector.broadcast %div3A : f32 to vector<1000x1xf32>
    %div3A_11 = arith.divf %div3A_10, %max3A_9 : vector<1000x1xf32>
    %get3A_12 = arith.constant 0 : index
    %get3A_13 = arith.constant 0 : index
    %get3A_14 = arith.constant 0 : index
    %get3A_15 = vector.load %arg1[%get3A_12, %get3A_13, %get3A_14] : memref<2x1000x128xf32, #tpu.memory_space<vmem>>, vector<1x1000x128xf32>
    %get3A_16 = vector.shape_cast %get3A_15 : vector<1x1000x128xf32> to vector<1000x128xf32>
    %get3A_17 = arith.constant 1 : index
    %get3A_18 = arith.constant 0 : index
    %get3A_19 = arith.constant 0 : index
    %get3A_20 = vector.load %arg1[%get3A_17, %get3A_18, %get3A_19] : memref<2x1000x128xf32, #tpu.memory_space<vmem>>, vector<1x1000x128xf32>
    %get3A_21 = vector.shape_cast %get3A_20 : vector<1x1000x128xf32> to vector<1000x128xf32>
    %add3A_22 = arith.addf %get3A_16, %get3A_21 : vector<1000x128xf32>
    %mul3A = vector.broadcast %div3A_11 : vector<1000x1xf32> to vector<1000x128xf32>
    %mul3A_23 = arith.mulf %add3A_22, %mul3A : vector<1000x128xf32>
    %get3A_24 = arith.constant 0 : index
    %get3A_25 = arith.constant 0 : index
    %get3A_26 = vector.load %arg3[%get3A_24, %get3A_25] : memref<1000x128xf32, #tpu.memory_space<vmem>>, vector<1000x128xf32>
    %add3A_27 = arith.addf %mul3A_23, %get3A_26 : vector<1000x128xf32>
    %max3A_28 = arith.constant 0.000000e+00 : f32
    %max3A_29 = vector.broadcast %max3A_28 : f32 to vector<1000x128xf32>
    %max3A_30 = arith.maximumf %add3A_27, %max3A_29 : vector<1000x128xf32>
    %swap3A = arith.constant 0 : index
    %swap3A_31 = arith.constant 0 : index
    %swap3A_32 = vector.load %arg4[%swap3A, %swap3A_31] : memref<1000x128xf32, #tpu.memory_space<vmem>>, vector<1000x128xf32>
    tpu.vector_store %arg4[%swap3A, %swap3A_31], %max3A_30 {strides = array<i32>} : memref<1000x128xf32, #tpu.memory_space<vmem>>, vector<1000x128xf32>,
    return
  }
  func.func @transform_0(%arg0: i32) -> (i32, i32, i32) {
    %c0_i32 = arith.constant 0 : i32
    %c0_i32_0 = arith.constant 0 : i32
    %c0_i32_1 = arith.constant 0 : i32
    return %c0_i32, %arg0, %c0_i32_0 : i32, i32, i32
  }
  func.func @transform_1(%arg0: i32) -> (i32, i32, i32) {
    %c0_i32 = arith.constant 0 : i32
    %c0_i32_0 = arith.constant 0 : i32
    %c0_i32_1 = arith.constant 0 : i32
    return %c0_i32, %arg0, %c0_i32_0 : i32, i32, i32
  }
  func.func @transform_2(%arg0: i32) -> (i32, i32) {
    %c0_i32 = arith.constant 0 : i32
    %c0_i32_0 = arith.constant 0 : i32
    return %arg0, %c0_i32 : i32, i32
  }
  func.func @transform_3(%arg0: i32) -> (i32, i32) {
    %c0_i32 = arith.constant 0 : i32
    %c0_i32_0 = arith.constant 0 : i32
    return %arg0, %c0_i32 : i32, i32
  }
}

</mosaic_0001>

<sc_bundles>
// kernel: kernel.11.cloned.1.call-start
scs
__scs_entry_jumppad:
0x0: {  	(pc) =	sbr.rel $0x88, $3  }
0x1: {  	(tag) =	ssettag $0x0;
	lr =	simm.s32 $0x1  }
0x2: {  	[smem:$0x3F96] =	sst lr;
	_ =	strace $0xD0000000  }
0x3: {  	_ = 	snop  }
0x4: {  	_ = 	snop  }
0x5: {  	_ = 	snop  }
0x6: {  	_ = 	snop  }
0x7: {  	_ = 	snop  }
__scs_overlays_trampoline_lowered:
0x8: {  	[smem:$0x3FA5] =	sst s0  }
0x9: {  	[smem:$0x3FA6] =	sst s1  }
0xa: {  	[smem:$0x3FA7] =	sst s2  }
0xb: {  	[smem:$0x3FA8] =	sst s3  }
0xc: {  	[smem:$0x3FA9] =	sst s4  }
0xd: {  	[smem:$0x3FAA] =	sst s5  }
0xe: {  	[smem:$0x3FAB] =	sst s6  }
0xf: {  	[smem:$0x3FAC] =	sst s7  }
0x10: {  	[smem:$0x3FAD] =	sst s8  }
0x11: {  	[smem:$0x3FAE] =	sst s9;
	s0 =	simm.s32 @!p0 $0x0  }
0x12: {  	s1 =	sld [smem:$0x3F94];
	s0 =	simm.s32 @p0 $0x1  }
0x13: {  	[smem:$0x3FAF] =	sst s0;
	s0 =	simm.s32 @!p1 $0x0  }
0x14: {  	s2 =	sld [smem:$0x3F93];
	s0 =	simm.s32 @p1 $0x1  }
0x15: {  	[smem:$0x3FB0] =	sst s0;
	s0 =	simm.s32 @!p2 $0x0  }
0x16: {  	s3 =	sld [smem:$0x3FDB];
	s0 =	simm.s32 @p2 $0x1  }
0x17: {  	s4 =	simm.s32 $0x1BF5;
	[smem:$0x3FB2] =	sst s0  }
0x18: {  	s0 =	sld [smem:$0x3F95];
	_ =	swait.ge [sflag:s4], $0x0  }
0x19: {  	s7 =	sld [smem:$0x3F96]  }
0x1a: {  	s8 =	sadd.s32 $0xFFFFE003, lr  }
0x1b: {  	s9 =	sadd.s32 $0xFFFFFEF7, lr;
	s5 =	simm.s32 $0xFFFFFFFF;
	p2 =	slt.u32 s8, $0xFFFFF086  }
0x1c: {  	p1 =	slt.u32 s9, $0xF7A;
	s5 =	simm.s32 @!p2 $0x0  }
0x1d: {  	s5 =	simm.s32 @p1 $0x1;
	p0 =	seq.s32 s7, s2  }
0x1e: {  	s7 =	smul.u32 @!p0 $0xF7A, s2;
	p2 =	seq.s32 @!p0 s5, $0x0  }
0x1f: {  	s9 =	smul.u32 $0xF7A, s1;
	s8 =	simm.s32 @!p0 $0x1BF5;
	p2 =	por !p2, p0  }
0x20: {  	[sflag:s8] =	ssyncset.s32 @!p0 $0xFFFFF086;
	s6 =	sadd.s32 @!p0 s3, s7;
	s7 =	simm.s32 @!p0 $0x108  }
0x21: {  	s3 =	sadd.s32 s3, s9;
	s6 =	sadd.s32 @!p0 $0x88, s6;
	s7 =	simm.s32 @p2 $0x1082  }
0x22: {  	[simem:s7], [sflag:s8] =	dma.local @!p0 [hbm:s6], $0xF7A  }
0x23: {  	s9 =	sor.u32 $0xD0000000, s2;
	s6 =	simm.s32 $0x108;
	_ =	swait.ge @!p0 [sflag:s8], $0x0  }
0x24: {  	s3 =	sadd.s32 $0x88, s3;
	s6 =	simm.s32 @!p1 $0x1082;
	[sflag:s4] =	ssyncset.s32 $0xFFFFF086  }
0x25: {  	[simem:s6], [sflag:s4] =	dma.local [hbm:s3], $0xF7A  }
0x26: {  	[smem:$0x3F96] =	sst s1;
	(tag) =	ssettag s2;
	_ =	strace s9  }
0x27: {  	s1 =	sld [smem:$0x3FA6]  }
0x28: {  	s2 =	sld [smem:$0x3FA7]  }
0x29: {  	s4 =	sld [smem:$0x3FA9]  }
0x2a: {  	p0 =	seq.s32 s5, $0x0;
	s5 =	sld [smem:$0x3FAA]  }
0x2b: {  	s6 =	sld [smem:$0x3FAB]  }
0x2c: {  	s7 =	sld [smem:$0x3FAC]  }
0x2d: {  	s3 =	simm.s32 $0x108;
	s8 =	sld [smem:$0x3FAD]  }
0x2e: {  	s3 =	simm.s32 @!p0 $0x1082;
	s9 =	sld [smem:$0x3FAE]  }
0x2f: {  	lr =	sadd.s32 s0, s3;
	s0 =	sld [smem:$0x3FA5]  }
0x30: {  	s3 =	sld [smem:$0x3FA8]  }
0x31: {  	[smem:$0x3FB1] =	sst s10  }
0x32: {  	s10 =	sld [smem:$0x3FAF];
	_ =	sdelay $0x3  }
0x33: {  	p0 =	seq.s32 s10, $0x1;
	s10 =	sld [smem:$0x3FB1];
	_ =	sdelay $0x3  }
0x34: {  	[smem:$0x3FB1] =	sst s10  }
0x35: {  	s10 =	sld [smem:$0x3FB0];
	_ =	sdelay $0x3  }
0x36: {  	p1 =	seq.s32 s10, $0x1;
	s10 =	sld [smem:$0x3FB1];
	_ =	sdelay $0x3  }
0x37: {  	[smem:$0x3FB1] =	sst s10  }
0x38: {  	s10 =	sld [smem:$0x3FB2]  }
0x39: {  	_ = 	snop;
	(pc) =	sbr.ind lr, $3  }
0x3a: {  	_ = 	snop  }
0x3b: {  	_ = 	snop  }
0x3c: {  	p2 =	seq.s32 s10, $0x1;
	s10 =	sld [smem:$0x3FB1]  }
0x3d: {  	_ =	shalt  }
0x3e: {  	_ =	shalt  }
0x3f: {  	_ =	shalt  }
0x40: {  	_ =	shalt  }
0x41: {  	_ =	shalt  }
0x42: {  	_ =	shalt  }
0x43: {  	_ =	shalt  }
0x44: {  	_ =	shalt  }
0x45: {  	_ =	shalt  }
0x46: {  	_ =	shalt  }
0x47: {  	_ =	shalt  }
0x48: {  	_ =	shalt  }
0x49: {  	_ =	shalt  }
0x4a: {  	_ =	shalt  }
0x4b: {  	_ =	shalt  }
0x4c: {  	_ =	shalt  }
0x4d: {  	_ =	shalt  }
0x4e: {  	_ =	shalt  }
0x4f: {  	_ =	shalt  }
0x50: {  	_ =	shalt  }
0x51: {  	_ =	shalt  }
0x52: {  	_ =	shalt  }
0x53: {  	_ =	shalt  }
0x54: {  	_ =	shalt  }
0x55: {  	_ =	shalt  }
0x56: {  	_ =	shalt  }
0x57: {  	_ =	shalt  }
0x58: {  	_ =	shalt  }
0x59: {  	_ =	shalt  }
0x5a: {  	_ =	shalt  }
0x5b: {  	_ =	shalt  }
0x5c: {  	_ =	shalt  }
0x5d: {  	_ =	shalt  }
0x5e: {  	_ =	shalt  }
0x5f: {  	_ =	shalt  }
0x60: {  	_ =	shalt  }
0x61: {  	_ =	shalt  }
0x62: {  	_ =	shalt  }
0x63: {  	_ =	shalt  }
0x64: {  	_ =	shalt  }
0x65: {  	_ =	shalt  }
0x66: {  	_ =	shalt  }
0x67: {  	_ =	shalt  }
0x68: {  	_ =	shalt  }
0x69: {  	_ =	shalt  }
0x6a: {  	_ =	shalt  }
0x6b: {  	_ =	shalt  }
0x6c: {  	_ =	shalt  }
0x6d: {  	_ =	shalt  }
0x6e: {  	_ =	shalt  }
0x6f: {  	_ =	shalt  }
0x70: {  	_ =	shalt  }
0x71: {  	_ =	shalt  }
0x72: {  	_ =	shalt  }
0x73: {  	_ =	shalt  }
0x74: {  	_ =	shalt  }
0x75: {  	_ =	shalt  }
0x76: {  	_ =	shalt  }
0x77: {  	_ =	shalt  }
0x78: {  	_ =	shalt  }
0x79: {  	_ =	shalt  }
0x7a: {  	_ =	shalt  }
0x7b: {  	_ =	shalt  }
0x7c: {  	_ =	shalt  }
0x7d: {  	_ =	shalt  }
0x7e: {  	_ =	shalt  }
0x7f: {  	_ =	shalt  }
0x80: {  	_ =	shalt  }
0x81: {  	_ =	shalt  }
0x82: {  	_ =	shalt  }
0x83: {  	_ =	shalt  }
0x84: {  	_ =	shalt  }
0x85: {  	_ =	shalt  }
0x86: {  	_ =	shalt  }
0x87: {  	_ =	shalt  }
.Lfunc_end0:
.L_simem_size_0:
called_computation.1_lowered:
.L_overlay_start_0:
0x88: {  	s2 =	sld [smem:$0x3FD9]  }
0x89: {  	s3 =	sld [smem:$0x3FFE];
	_ =	sdelay $0x1  }
0x8a: {  	s1 =	srdreg.scid  }
0x8b: {  	s0 =	sand.u32 $0x1, s1  }
0x8c: {  	s16 =	sshll.u32 s0, $0xA;
	s2 =	sadd.s32 s3, s2  }
0x8d: {  	s2 =	sadd.s32 s2, s16  }
0x8e: {  	[smem:$0x3FBD] =	sst s2  }
0x8f: {  	_ = 	snop  }
0x90: {  	(tm) =	ssettm $0x1  }
0x91: {  	s17 =	sld [smem:$0x3FFB];
	_ =	sdelay $0x3  }
0x92: {  	_ =	strace s17  }
0x93: {  	s2 =	sld [smem:$0x3FFC];
	_ =	sdelay $0x3  }
0x94: {  	_ =	strace s2  }
0x95: {  	s2 =	sld [smem:$0x3FFD];
	_ =	sdelay $0x3  }
0x96: {  	_ =	strace s2  }
0x97: {  	_ =	strace $0x8FFFFFFF  }
0x98: {  	s18 =	sld [smem:$0x3FDB];
	_ =	sdelay $0x1  }
0x99: {  	s19 =	simm.s32 $_scs_section_size  }
0x9a: {  	s4 =	simm.s32 $_size__tile_overlayer_lowered;
	s5 =	simm.s32 $_tile_overlayer_lowered  }
0x9b: {  	s22 =	simm.s32 $0x1BFF;
	s21 =	sshll.u32 s5, $0x1;
	s2 =	sadd.s32 s19, s18  }
0x9c: {  	s6 =	simm.s32 $0x0;
	s20 =	sshll.u32 s4, $0x1;
	s4 =	sadd.s32 s21, s2  }
0x9d: {  	[timem:s6], [sflag:s22] =	dma.local [hbm:s4], s20  }
0x9e: {  	_ =	swait.ge [sflag:s22], s20  }
0x9f: {  	s3 =	ssub.s32 $0x0, s20;
	[sflag:s22] =	ssyncset.done $0x0  }
0xa0: {  	[sflag:s22] =	ssyncadd.s32 s3;
	_ =	sdelay $0x1  }
0xa1: {  	s23 =	simm.s32 $0x1B8B  }
0xa2: {  	_ =	swait.ge [sflag:s23], $0x1  }
0xa3: {  	[sflag:s23] =	ssyncset.done $0x0  }
0xa4: {  	s25 =	simm.s32 $0x1B8E;
	s24 =	sld [smem:$0x3FFE];
	[sflag:s23] =	ssyncadd.s32 $0xFFFFFFFF  }
0xa5: {  	s26 =	simm.s32 $execute0_lowered;
	[smem:$0x3FD2] =	sst s25  }
0xa6: {  	s4 =	sshll.u32 s26, $0x1;
	_ =	strace $0x80000049;
	[dreg:$0x1] =	wrdreg $0xFFFFFFFF  }
0xa7: {  	s28 =	simm.s32 $_size_execute0_lowered;
	s2 =	sadd.s32 s2, s4;
	[dreg:$0x0] =	wrdreg $0x0  }
0xa8: {  	s4 =	sshll.u32 s28, $0x1;
	[dreg:$0x2] =	wrdreg s2  }
0xa9: {  	[dreg:$0x3] =	wrdreg s4  }
0xaa: {  	[dreg:$0x4] =	wrdreg $0xC0  }
0xab: {  	_ =	task [dreg:s6], $0x5FFFF  }
0xac: {  	[dreg:$0x1] =	wrdreg $0xFFFFFFFF  }
0xad: {  	[dreg:$0x0] =	wrdreg $0x60  }
0xae: {  	[dreg:$0x2] =	wrdreg s24  }
0xaf: {  	[dreg:$0x3] =	wrdreg $0x0  }
0xb0: {  	[dreg:$0x4] =	wrdreg $0x9  }
0xb1: {  	_ =	task.clear_ibuf [dreg:s6], $0x5FFFF;
	_ =	strace $0x90000049  }
0xb2: {  	s29 =	simm.s32 $0x9;
	_ =	strace $0x8000004B  }
0xb3: {  	_ =	swait.ge [sflag:s29], $0x1  }
0xb4: {  	[sflag:s29] =	ssyncadd.s32 $0xFFFFFFFF  }
0xb5: {  	_ =	strace $0x9000004B  }
0xb6: {  	_ =	sfence  }
0xb7: {  	s30 =	sld [smem:$0x0];
	_ =	sdelay $0x2  }
0xb8: {  	s31 =	sshll.u32 s1, $0xD;
	s1 =	sshrl.u32 s1, $0x2  }
0xb9: {  	s3 =	sand.u32 $0x4000, s31;
	s1 =	sadd.s32 s1, s30  }
0xba: {  	s0 =	sor.u32 s3, s0;
	s1 =	sshll.u32 s1, $0x11  }
0xbb: {  	s0 =	sor.u32 s1, s0  }
0xbc: {  	s0 =	sadd.s32 $0x8F2B, s0  }
0xbd: {  	[sflag:s0] =	ssyncadd.remote.s32 $0x1  }
0xbe: {  	_ =	sfence.sel $0xFFFF  }
0xbf: {  	[dreg:$0x0] =	wrdreg $0xFFFFFFFF;
	(pc) =	sbr.abs _section_cstart, $3  }
0xc0: {  	[dreg:$0x1] =	wrdreg $0xFFFFFFFF  }
0xc1: {  	_ =	task.clear_ibuf [dreg:s6], $0x2FFFF;
	_ =	strace $0x9FFFFFFF  }
0xc2: {  	(tm) =	ssettm $0x7FFFFFFF  }
0xc3: {  	_ =	shalt  }
tec
execute0_lowered:
.L_overlay_start_1:
0x0: {  	(tag) =	ssettag $0x1  }
0x1: {  	s0 =	rddreg [dreg:$0x0]  }
0x2: {  	s1 =	rddreg [dreg:$0x1];
	s2 =	simm.s32 $0x0  }
0x3: {  	s21 =	srdreg.scid;
	s17 =	stileid.u32;
	s30 =	simm.s32 $0x0  }
0x4: {  	[smem:$0x7FF] =	sst s2;
	s2 =	sand.u32 $0x1, s21;
	s3 =	sadd.s32 $0xCA00, s0  }
0x5: {  	s6 =	sadd.s32 $0x2C00, s0;
	s5 =	smul.u32 $0x9C, s17;
	s7 =	sadd.s32 $0x17000, s0  }
0x6: {  	s8 =	smin.u32 s17, $0x4;
	p0 =	slt.u32 s17, $0x4;
	s24 =	smul.u32 $0x13880, s17  }
0x7: {  	s9 =	sshll.u32 s17, $0x6;
	s28 =	smul.u32 $0x9C0, s17;
	s17 =	simm.s32 $0x4  }
0x8: {  	s21 =	simm.s32 $0x9;
	_ =	strace $0x8000004A;
	s4 =	smul.u32 $0x27100, s2  }
0x9: {  	s2 =	ssub.s32 $0x2, s2;
	[dreg:$0x4] =	wrdreg s7;
	s9 =	sor.u32 $0x1C09, s9  }
0xa: {  	s31 =	sshll.u32 s8, $0x4;
	s17 =	simm.s32 @!p0 $0x6;
	s22 =	sshrl.u32 s2, $0x1  }
0xb: {  	s23 =	sadd.s32 s8, s5;
	s5 =	simm.s32 $0x9D;
	s10 =	sadd.s32 s24, s1  }
0xc: {  	s7 =	sshrl.u32 s24, $0x3;
	s29 =	sadd.s32 s28, s3;
	[dreg:$0xa] =	wrdreg s17  }
0xd: {  	[dreg:$0x6] =	wrdreg s9;
	s0 =	sadd.s32 s4, s0;
	s2 =	ssub.s32 s2, s22  }
0xe: {  	s5 =	simm.s32 @!p0 $0x9C;
	s4 =	sshll.u32 s23, $0x4;
	[dreg:$0x5] =	wrdreg s10  }
0xf: {  	s19 =	sadd.s32 s31, s29;
	s25 =	sadd.s32 s3, s4;
	s4 =	sadd.s32 s6, s4  }
0x10: {  	s10 =	sadd.s32 $0x19800, s0;
	s11 =	sadd.s32 $0xFFFFFFFE, s5;
	s12 =	sadd.s32 $0xFFFFFFFD, s5  }
0x11: {  	s13 =	sadd.s32 $0xFFFFFFFC, s5;
	s14 =	sadd.s32 $0xFFFFFFFB, s5;
	[dreg:$0x7] =	wrdreg s25  }
0x12: {  	s15 =	sadd.s32 $0xFFFFFFFA, s5;
	s26 =	sadd.s32 $0xFFFFFFF8, s5;
	[dreg:$0x8] =	wrdreg s4  }
0x13: {  	s0 =	sadd.s32 $0xB5C00, s0;
	s2 =	smax.u32 s2, $0x1;
	[dreg:$0x3] =	wrdreg s26  }
0x14: {  	[dreg:$0x9] =	wrdreg s2;
	s4 =	sadd.s32 s28, s6;
	s0 =	sadd.s32 s7, s0  }
0x15: {  	s16 =	sadd.s32 $0xFFFFFFF9, s5;
	s20 =	sadd.s32 s31, s4;
	[dreg:$0xb] =	wrdreg s0  }
.LBB2_1:
0x16: {  	s0 =	rddreg [dreg:$0x5]  }
0x17: {  	s8 =	rddreg [dreg:$0x4];
	s17 =	simm.s32 $0x0  }
0x18: {  	s3 =	simm.s32 $0x13880;
	s4 =	simm.s32 $0x13B80;
	s2 =	sshrl.u32 s0, $0x3  }
0x19: {  	s23 =	simm.s32 $0x80;
	s24 =	simm.s32 $0x13E80;
	[dreg:$0xc] =	wrdreg s2  }
0x1a: {  	[spmem:s2], [sflag:s9] =	dma.local [hbm:s8], $0x2710  }
0x1b: {  	s25 =	simm.s32 $0x13900;
	s26 =	simm.s32 $0x17E80;
	_ =	swait.ge [sflag:s21], $0x2710  }
0x1c: {  	p5 =	sle.u32 s5, $0x0;
	p1 =	sle.u32 s5, $0x5;
	[sflag:s21] =	ssyncset.done $0x0  }
0x1d: {  	s6 =	simm.s32 $0x1;
	s18 =	rddreg [dreg:$0x7];
	[sflag:s21] =	ssyncadd.s32 $0xFFFFD8F0  }
0x1e: {  	[tilespmem:s3], [sflag:$0x9] =	stream.linear.gather [hbm4b:s18+s17], $0x180, $0x38;
	[tilespmem:$0x1FE80] =	vst v63  }
0x1f: {  	s29 =	simm.s32 $0x9;
	s28 =	simm.s32 $0x0;
	_ =	swait.ge [sflag:s21], $0x180  }
0x20: {  	p0 =	por @!p5 $0x1, $0x1;
	s0 =	simm.s32 $0x60;
	[sflag:s21] =	ssyncset.done $0x0  }
0x21: {  	p6 =	por p0, p5;
	s22 =	rddreg [dreg:$0x8];
	[sflag:s21] =	ssyncadd.s32 $0xFFFFFE80  }
0x22: {  	[tilespmem:s4], [sflag:$0x9] =	stream.linear.gather [hbm4b:s22+s17], $0x180, $0x38;
	[tilespmem:$0x1FE80] =	vst v63  }
0x23: {  	s7 =	simm.s32 @!p5 $0x80;
	p2 =	sle.u32 @!p6 s11, $0x0;
	_ =	swait.ge [sflag:s21], $0x180  }
0x24: {  	p0 =	por @!p5 p2, p0;
	p2 =	sle.u32 @!p1 s16, $0x0;
	[sflag:s21] =	ssyncset.done $0x0  }
0x25: {  	p3 =	por p1, p1;
	p2 =	por p2, p2;
	[sflag:s21] =	ssyncadd.s32 $0xFFFFFE80  }
0x26: {  	[tilespmem:s24], [sflag:$0x1] =	stream.indirect.gather [hbm4b:s10+s23], $0x80, s3, s23, $0xb8;
	[tilespmem:$0x1FE80] =	vst v63  }
0x27: {  	s2 =	simm.s32 $0x4;
	s8 =	simm.s32 $0xC0;
	s3 =	simm.s32 @!p2 $0x0  }
0x28: {  	[tilespmem:s26], [sflag:$0x2] =	stream.indirect.gather [hbm4b:s10+s23], $0x80, s25, s23, $0xb8;
	[tilespmem:$0x1FE80] =	vst v63  }
0x29: {  	p0 =	por p0, p5;
	s3 =	simm.s32 @p2 $0x1;
	[bflag:$0x0] =	sbarrier.arrive $0xFFFF  }
0x2a: {  	s9 =	simm.s32 @!p5 $0x1;
	s18 =	simm.s32 @!p0 $0x8;
	[smem:$0x7FB] =	sst s3  }
0x2b: {  	s4 =	simm.s32 $0x3;
	s17 =	simm.s32 @!p5 $0x13E80;
	_ =	swait.ge @!p0 [sflag:s18], $0x80  }
0x2c: {  	s24 =	simm.s32 @!p6 $0x6;
	p2 =	sle.u32 @!p5 s12, $0x0;
	[sflag:s18] =	ssyncset.done @!p0 $0x0  }
0x2d: {  	s25 =	simm.s32 @!p5 $0x13B80;
	p1 =	por p2, p5;
	[sflag:s18] =	ssyncadd.s32 @!p0 $0xFFFFFF80  }
0x2e: {  	p2 =	sle.u32 s5, $0xB;
	s23 =	simm.s32 $0xA;
	_ =	swait.ge @!p0 [sflag:s18], $0x80  }
0x2f: {  	s22 =	sadd.s32 @!p1 $0x0, s19;
	s26 =	simm.s32 @!p2 $0x0;
	[sflag:s18] =	ssyncset.done @!p0 $0x0  }
0x30: {  	s3 =	simm.s32 $0x6;
	s31 =	sadd.s32 @!p1 $0x30, s22;
	[sflag:s18] =	ssyncadd.s32 @!p0 $0xFFFFFF80  }
0x31: {  	s26 =	simm.s32 @p2 $0x1;
	p0 =	sle.u32 @!p2 s16, $0x6;
	_ =	swait.ge @!p5 [sflag:s9], $0x4000  }
0x32: {  	s18 =	sadd.s32 @!p1 $0x0, s20;
	[smem:$0x7FC] =	sst s26;
	s26 =	simm.s32 @!p0 $0x0  }
0x33: {  	s22 =	simm.s32 $0x7;
	s18 =	sadd.s32 @!p1 $0x30, s18;
	s26 =	simm.s32 @p0 $0x1  }
0x34: {  	[sflag:s9] =	ssyncset.done @!p5 $0x0;
	[smem:$0x7FD] =	sst s26;
	s26 =	simm.s32 $0x0  }
.LBB2_2:
0x35: {  	[sflag:s9] =	ssyncadd.s32 @!p5 $0xFFFFC000  }
0x36: {  	p0 =	sge.u32 @!p5 s28, s11;
	p4 =	sge.u32 s6, s5;
	s9 =	smov.u32 s8  }
0x37: {  	[spmem:s1] =	stream.indirect.scatter.add.f32 @!p5 [tilespmem:s17], [sflag:$0x4], $0x80, s25, s7, $0xb8;
	[tilespmem:$0x1FE80] =	vst v63  }
0x38: {  	s6 =	smov.u32 s22;
	s8 =	sadd.s32 $0x60, s8;
	_ =	swait.ge @!p6 [sflag:s24], $0x4000  }
0x39: {  	s22 =	simm.s32 @!p1 $0x13A00;
	p0 =	por p0, p5;
	[sflag:s24] =	ssyncset.done @!p6 $0x0  }
0x3a: {  	s17 =	simm.s32 @!p1 $0x0;
	p5 =	sne.s32 s8, $0xA20;
	[sflag:s24] =	ssyncadd.s32 @!p6 $0xFFFFC000  }
0x3b: {  	[tilespmem:s22], [sflag:$0x7] =	stream.linear.gather @!p1 [hbm4b:s31+s17], $0x80, $0x38;
	[tilespmem:$0x1FE80] =	vst v63  }
0x3c: {  	s22 =	simm.s32 @!p5 $0x0  }
0x3d: {  	s7 =	simm.s32 @!p1 $0x13D00;
	p2 =	sge.u32 @!p4 s28, s12;
	s22 =	simm.s32 @p5 $0x1  }
0x3e: {  	p5 =	por p2, p4;
	[smem:$0x7FA] =	sst s22;
	s22 =	simm.s32 @!p0 $0x1BE80  }
0x3f: {  	[tilespmem:s7], [sflag:$0x7] =	stream.linear.gather @!p1 [hbm4b:s18+s17], $0x80, $0x38;
	[tilespmem:$0x1FE80] =	vst v63  }
0x40: {  	s7 =	simm.s32 @!p0 $0x80;
	s17 =	simm.s32 @!p0 $0x13980;
	s18 =	simm.s32 @!p5 $0x7  }
0x41: {  	[tilespmem:s22], [sflag:$0x3] =	stream.indirect.gather @!p0 [hbm4b:s10+s7], $0x80, s17, s7, $0xb8;
	[tilespmem:$0x1FE80] =	vst v63  }
0x42: {  	_ =	swait.ge @!p5 [sflag:s18], $0x80  }
0x43: {  	[sflag:s18] =	ssyncset.done @!p5 $0x0  }
0x44: {  	[sflag:s18] =	ssyncadd.s32 @!p5 $0xFFFFFF80  }
0x45: {  	_ =	swait.ge @!p5 [sflag:s18], $0x80  }
0x46: {  	[sflag:s18] =	ssyncset.done @!p5 $0x0  }
0x47: {  	s7 =	simm.s32 @!p4 $0x2;
	[sflag:s18] =	ssyncadd.s32 @!p5 $0xFFFFFF80  }
0x48: {  	s24 =	simm.s32 @!p4 $0x13C00;
	p0 =	sge.u32 @!p4 s28, s13;
	_ =	swait.ge @!p4 [sflag:s7], $0x4000  }
0x49: {  	s17 =	simm.s32 @!p4 $0x17E80;
	p1 =	por p0, p4;
	[sflag:s7] =	ssyncset.done @!p4 $0x0  }
0x4a: {  	s22 =	simm.s32 @!p4 $0x80;
	[sflag:s7] =	ssyncadd.s32 @!p4 $0xFFFFC000;
	s7 =	sadd.s32 @!p1 s26, s19  }
0x4b: {  	[spmem:s1] =	stream.indirect.scatter.add.f32 @!p4 [tilespmem:s17], [sflag:$0x5], $0x80, s24, s22, $0xb8;
	[tilespmem:$0x1FE80] =	vst v63  }
0x4c: {  	s25 =	simm.s32 @!p1 $0x13D80;
	s18 =	simm.s32 @!p4 $0x4;
	s7 =	sadd.s32 @!p1 $0x40, s7  }
0x4d: {  	s17 =	simm.s32 @!p1 $0x13A80;
	s24 =	sadd.s32 $0x2, s28;
	_ =	swait.ge @!p4 [sflag:s18], $0x4000  }
0x4e: {  	s22 =	sadd.s32 @!p1 s26, s20;
	p0 =	sge.u32 s24, s5;
	[sflag:s18] =	ssyncset.done @!p4 $0x0  }
0x4f: {  	p2 =	sge.u32 @!p0 s28, s13;
	[sflag:s18] =	ssyncadd.s32 @!p4 $0xFFFFC000;
	s18 =	simm.s32 @!p1 $0x0  }
0x50: {  	[tilespmem:s17], [sflag:$0x8] =	stream.linear.gather @!p1 [hbm4b:s7+s18], $0x80, $0x38;
	[tilespmem:$0x1FE80] =	vst v63  }
0x51: {  	s22 =	sadd.s32 @!p1 $0x40, s22;
	p4 =	por p2, p0;
	s7 =	simm.s32 @!p5 $0x80  }
0x52: {  	[tilespmem:s25], [sflag:$0x8] =	stream.linear.gather @!p1 [hbm4b:s22+s18], $0x80, $0x38;
	[tilespmem:$0x1FE80] =	vst v63  }
0x53: {  	s17 =	simm.s32 @!p5 $0x13A00;
	s18 =	simm.s32 @!p5 $0x13E80;
	s22 =	simm.s32 @!p4 $0x8  }
0x54: {  	[tilespmem:s18], [sflag:$0x1] =	stream.indirect.gather @!p5 [hbm4b:s10+s7], $0x80, s17, s7, $0xb8;
	[tilespmem:$0x1FE80] =	vst v63  }
0x55: {  	_ =	swait.ge @!p4 [sflag:s22], $0x80  }
0x56: {  	[sflag:s22] =	ssyncset.done @!p4 $0x0  }
0x57: {  	[sflag:s22] =	ssyncadd.s32 @!p4 $0xFFFFFF80  }
0x58: {  	_ =	swait.ge @!p4 [sflag:s22], $0x80  }
0x59: {  	p6 =	sge.u32 s4, s5;
	[sflag:s22] =	ssyncset.done @!p4 $0x0  }
0x5a: {  	p2 =	sge.u32 @!p0 s28, s14;
	s7 =	simm.s32 @!p0 $0x3;
	[sflag:s22] =	ssyncadd.s32 @!p4 $0xFFFFFF80  }
0x5b: {  	s4 =	simm.s32 @!p0 $0x1BE80;
	p2 =	por p2, p0;
	_ =	swait.ge @!p0 [sflag:s7], $0x4000  }
0x5c: {  	p1 =	sge.u32 @!p6 s28, s14;
	s17 =	simm.s32 @!p0 $0x13C80;
	[sflag:s7] =	ssyncset.done @!p0 $0x0  }
0x5d: {  	s18 =	simm.s32 @!p0 $0x80;
	[sflag:s7] =	ssyncadd.s32 @!p0 $0xFFFFC000;
	s7 =	simm.s32 @!p0 $0x5  }
0x5e: {  	[spmem:s1] =	stream.indirect.scatter.add.f32 @!p0 [tilespmem:s4], [sflag:$0x6], $0x80, s17, s18, $0xb8;
	[tilespmem:$0x1FE80] =	vst v63  }
0x5f: {  	p1 =	por p1, p6;
	s4 =	sadd.s32 @!p2 s26, s19;
	_ =	swait.ge @!p0 [sflag:s7], $0x4000  }
0x60: {  	s17 =	simm.s32 @!p2 $0x13B00;
	s18 =	simm.s32 @!p2 $0x0;
	[sflag:s7] =	ssyncset.done @!p0 $0x0  }
0x61: {  	s4 =	sadd.s32 @!p2 $0x50, s4;
	[sflag:s7] =	ssyncadd.s32 @!p0 $0xFFFFC000;
	s7 =	sadd.s32 @!p2 s26, s20  }
0x62: {  	[tilespmem:s17], [sflag:$0x7] =	stream.linear.gather @!p2 [hbm4b:s4+s18], $0x80, $0x38;
	[tilespmem:$0x1FE80] =	vst v63  }
0x63: {  	s22 =	simm.s32 @!p2 $0x13E00;
	s4 =	sadd.s32 @!p2 $0x50, s7;
	s7 =	simm.s32 @!p4 $0x80  }
0x64: {  	[tilespmem:s22], [sflag:$0x7] =	stream.linear.gather @!p2 [hbm4b:s4+s18], $0x80, $0x38;
	[tilespmem:$0x1FE80] =	vst v63  }
0x65: {  	s17 =	simm.s32 @!p4 $0x13A80;
	s4 =	simm.s32 @!p4 $0x17E80;
	s18 =	simm.s32 @!p1 $0x7  }
0x66: {  	[tilespmem:s4], [sflag:$0x2] =	stream.indirect.gather @!p4 [hbm4b:s10+s7], $0x80, s17, s7, $0xb8;
	[tilespmem:$0x1FE80] =	vst v63  }
0x67: {  	_ =	swait.ge @!p1 [sflag:s18], $0x80  }
0x68: {  	[sflag:s18] =	ssyncset.done @!p1 $0x0  }
0x69: {  	[sflag:s18] =	ssyncadd.s32 @!p1 $0xFFFFFF80  }
0x6a: {  	_ =	swait.ge @!p1 [sflag:s18], $0x80  }
0x6b: {  	p0 =	sge.u32 @!p6 s28, s15;
	[sflag:s18] =	ssyncset.done @!p1 $0x0  }
0x6c: {  	p0 =	por p0, p6;
	s7 =	simm.s32 @!p6 $0x1;
	[sflag:s18] =	ssyncadd.s32 @!p1 $0xFFFFFF80  }
0x6d: {  	s22 =	simm.s32 @!p0 $0x13B80;
	s17 =	simm.s32 @!p6 $0x13D00;
	_ =	swait.ge @!p6 [sflag:s7], $0x4000  }
0x6e: {  	p4 =	sge.u32 s2, s5;
	s2 =	simm.s32 @!p6 $0x13E80;
	[sflag:s7] =	ssyncset.done @!p6 $0x0  }
0x6f: {  	s18 =	simm.s32 @!p6 $0x80;
	[sflag:s7] =	ssyncadd.s32 @!p6 $0xFFFFC000;
	s7 =	simm.s32 @!p6 $0x6  }
0x70: {  	[spmem:s1] =	stream.indirect.scatter.add.f32 @!p6 [tilespmem:s2], [sflag:$0x4], $0x80, s17, s18, $0xb8;
	[tilespmem:$0x1FE80] =	vst v63  }
0x71: {  	p2 =	sge.u32 @!p4 s28, s15;
	s2 =	sadd.s32 @!p0 s26, s19;
	_ =	swait.ge @!p6 [sflag:s7], $0x4000  }
0x72: {  	s17 =	simm.s32 @!p0 $0x13880;
	s18 =	simm.s32 @!p0 $0x0;
	[sflag:s7] =	ssyncset.done @!p6 $0x0  }
0x73: {  	s2 =	sadd.s32 @!p0 $0x60, s2;
	[sflag:s7] =	ssyncadd.s32 @!p6 $0xFFFFC000;
	s7 =	sadd.s32 @!p0 s26, s20  }
0x74: {  	[tilespmem:s17], [sflag:$0x8] =	stream.linear.gather @!p0 [hbm4b:s2+s18], $0x80, $0x38;
	[tilespmem:$0x1FE80] =	vst v63  }
0x75: {  	p5 =	por p2, p4;
	s2 =	sadd.s32 @!p0 $0x60, s7;
	s7 =	simm.s32 @!p1 $0x80  }
0x76: {  	[tilespmem:s22], [sflag:$0x8] =	stream.linear.gather @!p0 [hbm4b:s2+s18], $0x80, $0x38;
	[tilespmem:$0x1FE80] =	vst v63  }
0x77: {  	s17 =	simm.s32 @!p1 $0x13B00;
	s2 =	simm.s32 @!p1 $0x1BE80;
	s18 =	simm.s32 @!p5 $0x8  }
0x78: {  	[tilespmem:s2], [sflag:$0x3] =	stream.indirect.gather @!p1 [hbm4b:s10+s7], $0x80, s17, s7, $0xb8;
	[tilespmem:$0x1FE80] =	vst v63  }
0x79: {  	_ =	swait.ge @!p5 [sflag:s18], $0x80  }
0x7a: {  	[sflag:s18] =	ssyncset.done @!p5 $0x0  }
0x7b: {  	[sflag:s18] =	ssyncadd.s32 @!p5 $0xFFFFFF80  }
0x7c: {  	_ =	swait.ge @!p5 [sflag:s18], $0x80  }
0x7d: {  	[sflag:s18] =	ssyncset.done @!p5 $0x0;
	s22 =	sld [smem:$0x7FD]  }
0x7e: {  	[sflag:s18] =	ssyncadd.s32 @!p5 $0xFFFFFF80;
	s18 =	sld [smem:$0x7FB];
	_ =	sdelay $0x2  }
0x7f: {  	p2 =	seq.s32 s22, $0x1;
	p6 =	seq.s32 s18, $0x1  }
0x80: {  	p1 =	por p6, p3;
	p6 =	por p2, p2  }
0x81: {  	s17 =	simm.s32 @!p6 $0x0  }
0x82: {  	s17 =	simm.s32 @p6 $0x1  }
0x83: {  	p0 =	sge.u32 @!p4 s28, s16;
	s7 =	simm.s32 @!p4 $0x2;
	[smem:$0x7FB] =	sst s17  }
0x84: {  	p0 =	por p0, p4;
	s2 =	smov.u32 s23;
	_ =	swait.ge @!p4 [sflag:s7], $0x4000  }
0x85: {  	s23 =	simm.s32 @!p4 $0x13D80;
	s22 =	simm.s32 @!p4 $0x80;
	[sflag:s7] =	ssyncset.done @!p4 $0x0  }
0x86: {  	s17 =	simm.s32 @!p4 $0x17E80;
	[sflag:s7] =	ssyncadd.s32 @!p4 $0xFFFFC000;
	s7 =	simm.s32 @!p4 $0x4  }
0x87: {  	[spmem:s1] =	stream.indirect.scatter.add.f32 @!p4 [tilespmem:s17], [sflag:$0x5], $0x80, s23, s22, $0xb8;
	[tilespmem:$0x1FE80] =	vst v63  }
0x88: {  	s17 =	sadd.s32 @!p0 s26, s19;
	_ =	swait.ge @!p4 [sflag:s7], $0x4000  }
0x89: {  	s22 =	simm.s32 @!p0 $0x13900;
	s23 =	simm.s32 @!p0 $0x0;
	[sflag:s7] =	ssyncset.done @!p4 $0x0  }
0x8a: {  	s17 =	sadd.s32 @!p0 $0x70, s17;
	[sflag:s7] =	ssyncadd.s32 @!p4 $0xFFFFC000;
	s7 =	sadd.s32 @!p0 s26, s20  }
0x8b: {  	[tilespmem:s22], [sflag:$0x7] =	stream.linear.gather @!p0 [hbm4b:s17+s23], $0x80, $0x38;
	[tilespmem:$0x1FE80] =	vst v63  }
0x8c: {  	s24 =	simm.s32 @!p0 $0x13C00;
	s18 =	simm.s32 @!p5 $0x13E80;
	s7 =	sadd.s32 @!p0 $0x70, s7  }
0x8d: {  	[tilespmem:s24], [sflag:$0x7] =	stream.linear.gather @!p0 [hbm4b:s7+s23], $0x80, $0x38;
	[tilespmem:$0x1FE80] =	vst v63  }
0x8e: {  	s17 =	simm.s32 @!p5 $0x80;
	s22 =	simm.s32 @!p5 $0x13880;
	s7 =	simm.s32 @!p1 $0x7  }
0x8f: {  	[tilespmem:s18], [sflag:$0x1] =	stream.indirect.gather @!p5 [hbm4b:s10+s17], $0x80, s22, s17, $0xb8;
	[tilespmem:$0x1FE80] =	vst v63  }
0x90: {  	_ =	swait.ge @!p1 [sflag:s7], $0x80  }
0x91: {  	[sflag:s7] =	ssyncset.done @!p1 $0x0  }
0x92: {  	[sflag:s7] =	ssyncadd.s32 @!p1 $0xFFFFFF80  }
0x93: {  	_ =	swait.ge @!p1 [sflag:s7], $0x80  }
0x94: {  	[sflag:s7] =	ssyncset.done @!p1 $0x0  }
0x95: {  	s18 =	simm.s32 @!p3 $0x3;
	[sflag:s7] =	ssyncadd.s32 @!p1 $0xFFFFFF80  }
0x96: {  	s23 =	simm.s32 @!p3 $0x80;
	p5 =	sge.u32 s3, s5;
	_ =	swait.ge @!p3 [sflag:s18], $0x4000  }
0x97: {  	s22 =	simm.s32 @!p3 $0x13E00;
	p0 =	seq.s32 @!p5 s0, $0x0;
	[sflag:s18] =	ssyncset.done @!p3 $0x0  }
0x98: {  	s7 =	simm.s32 @!p3 $0x1BE80;
	[sflag:s18] =	ssyncadd.s32 @!p3 $0xFFFFC000;
	s18 =	simm.s32 @!p3 $0x5  }
0x99: {  	[spmem:s1] =	stream.indirect.scatter.add.f32 @!p3 [tilespmem:s7], [sflag:$0x6], $0x80, s22, s23, $0xb8;
	[tilespmem:$0x1FE80] =	vst v63  }
0x9a: {  	p6 =	por p0, p5;
	_ =	swait.ge @!p3 [sflag:s18], $0x4000  }
0x9b: {  	p2 =	sge.u32 @!p6 s3, s11;
	s7 =	rddreg [dreg:$0x3]  }
0x9c: {  	s4 =	smov.u32 s29;
	p0 =	por @!p5 p2, p0;
	p2 =	sge.u32 @!p3 s28, s7  }
0x9d: {  	p0 =	por p0, p5;
	[sflag:s18] =	ssyncset.done @!p3 $0x0;
	p2 =	por p2, p3  }
0x9e: {  	[sflag:s18] =	ssyncadd.s32 @!p3 $0xFFFFC000;
	s23 =	sadd.s32 @!p2 s26, s19;
	s24 =	simm.s32 @!p2 $0x0  }
0x9f: {  	s29 =	simm.s32 @!p2 $0x13980;
	s18 =	sadd.s32 @!p2 $0x80, s23;
	s23 =	sadd.s32 @!p2 s26, s20  }
0xa0: {  	[tilespmem:s29], [sflag:$0x8] =	stream.linear.gather @!p2 [hbm4b:s18+s24], $0x80, $0x38;
	[tilespmem:$0x1FE80] =	vst v63  }
0xa1: {  	s22 =	simm.s32 @!p1 $0x13900;
	s18 =	sadd.s32 @!p2 $0x80, s23;
	s23 =	simm.s32 @!p2 $0x13C80  }
0xa2: {  	[tilespmem:s23], [sflag:$0x8] =	stream.linear.gather @!p2 [hbm4b:s18+s24], $0x80, $0x38;
	[tilespmem:$0x1FE80] =	vst v63  }
0xa3: {  	s7 =	simm.s32 @!p1 $0x17E80;
	s29 =	simm.s32 @!p1 $0x80;
	s18 =	simm.s32 @!p0 $0x8  }
0xa4: {  	[tilespmem:s7], [sflag:$0x2] =	stream.indirect.gather @!p1 [hbm4b:s10+s29], $0x80, s22, s29, $0xb8;
	[tilespmem:$0x1FE80] =	vst v63  }
0xa5: {  	_ =	swait.ge @!p0 [sflag:s18], $0x80  }
0xa6: {  	p4 =	sge.u32 @!p5 s3, s12;
	[sflag:s18] =	ssyncset.done @!p0 $0x0  }
0xa7: {  	s28 =	smov.u32 s3;
	s23 =	sld [smem:$0x7FC];
	[sflag:s18] =	ssyncadd.s32 @!p0 $0xFFFFFF80  }
0xa8: {  	s3 =	sadd.s32 $0x6, s3;
	s26 =	smov.u32 s0;
	_ =	swait.ge @!p0 [sflag:s18], $0x80  }
0xa9: {  	s0 =	smov.u32 s9;
	s9 =	simm.s32 @!p5 $0x1;
	[sflag:s18] =	ssyncset.done @!p0 $0x0  }
0xaa: {  	s22 =	sadd.s32 $0x5, s3;
	p2 =	seq.s32 s23, $0x1;
	[sflag:s18] =	ssyncadd.s32 @!p0 $0xFFFFFF80  }
0xab: {  	p3 =	por p2, p2;
	p2 =	sge.u32 s22, s5;
	_ =	swait.ge @!p5 [sflag:s9], $0x4000  }
0xac: {  	[smem:$0x7F9] =	sst s0;
	s0 =	simm.s32 @!p2 $0x0  }
0xad: {  	s0 =	simm.s32 @p2 $0x1  }
0xae: {  	[smem:$0x7FC] =	sst s0  }
0xaf: {  	s0 =	sld [smem:$0x7F9];
	_ =	sdelay $0x1  }
0xb0: {  	p0 =	sge.u32 @!p2 s3, s16  }
0xb1: {  	[smem:$0x7F9] =	sst s0;
	s0 =	simm.s32 @!p0 $0x0  }
0xb2: {  	s0 =	simm.s32 @p0 $0x1  }
0xb3: {  	[smem:$0x7FD] =	sst s0  }
0xb4: {  	s0 =	sld [smem:$0x7F9];
	_ =	sdelay $0x2  }
0xb5: {  	[sflag:s9] =	ssyncset.done @!p5 $0x0;
	[smem:$0x7F9] =	sst s0  }
0xb6: {  	s0 =	sld [smem:$0x7FA];
	_ =	sdelay $0x2  }
0xb7: {  	p0 =	seq.s32 s0, $0x1  }
.Ltmp0:
0xb8: {  	s25 =	simm.s32 @!p5 $0x13B80;
	(pc) =	sbr.rel @p0 .LBB2_2-.Ltmp0, $4  }
0xb9: {  	s17 =	simm.s32 @!p5 $0x13E80;
	s24 =	simm.s32 @!p6 $0x6;
	p1 =	por p4, p5  }
0xba: {  	s7 =	simm.s32 @!p5 $0x80;
	s29 =	sadd.s32 $0x3, s3;
	s23 =	sadd.s32 @!p1 s26, s19  }
0xbb: {  	s31 =	sadd.s32 @!p1 $0x30, s23;
	s22 =	sadd.s32 $0x1, s3;
	s18 =	sadd.s32 @!p1 s26, s20  }
0xbc: {  	s23 =	sadd.s32 $0x4, s3;
	s18 =	sadd.s32 @!p1 $0x30, s18;
	s0 =	sld [smem:$0x7F9]  }
0xbd: {  	[sflag:s9] =	ssyncadd.s32 @!p5 $0xFFFFC000  }
0xbe: {  	[spmem:s1] =	stream.indirect.scatter.add.f32 @!p5 [tilespmem:s17], [sflag:$0x4], $0x80, s25, s7, $0xb8;
	[tilespmem:$0x1FE80] =	vst v63  }
0xbf: {  	s8 =	simm.s32 @!p1 $0x13A00;
	p0 =	sge.u32 @!p5 s28, s11;
	_ =	swait.ge @!p6 [sflag:s24], $0x4000  }
0xc0: {  	p4 =	sge.u32 s6, s5;
	s7 =	simm.s32 @!p1 $0x0;
	[sflag:s24] =	ssyncset.done @!p6 $0x0  }
0xc1: {  	p2 =	por p0, p5;
	p0 =	sge.u32 @!p4 s28, s12;
	[sflag:s24] =	ssyncadd.s32 @!p6 $0xFFFFC000  }
0xc2: {  	[tilespmem:s8], [sflag:$0x7] =	stream.linear.gather @!p1 [hbm4b:s31+s7], $0x80, $0x38;
	[tilespmem:$0x1FE80] =	vst v63  }
0xc3: {  	s6 =	simm.s32 @!p1 $0x13D00;
	p0 =	por p0, p4  }
0xc4: {  	[tilespmem:s6], [sflag:$0x7] =	stream.linear.gather @!p1 [hbm4b:s18+s7], $0x80, $0x38;
	[tilespmem:$0x1FE80] =	vst v63  }
0xc5: {  	s8 =	simm.s32 @!p2 $0x13980;
	s6 =	simm.s32 @!p2 $0x1BE80;
	s7 =	simm.s32 @!p2 $0x80  }
0xc6: {  	[tilespmem:s6], [sflag:$0x3] =	stream.indirect.gather @!p2 [hbm4b:s10+s7], $0x80, s8, s7, $0xb8;
	[tilespmem:$0x1FE80] =	vst v63  }
0xc7: {  	s6 =	simm.s32 @!p0 $0x7  }
0xc8: {  	_ =	swait.ge @!p0 [sflag:s6], $0x80  }
0xc9: {  	[sflag:s6] =	ssyncset.done @!p0 $0x0  }
0xca: {  	[sflag:s6] =	ssyncadd.s32 @!p0 $0xFFFFFF80  }
0xcb: {  	_ =	swait.ge @!p0 [sflag:s6], $0x80  }
0xcc: {  	[sflag:s6] =	ssyncset.done @!p0 $0x0  }
0xcd: {  	s7 =	simm.s32 @!p4 $0x2;
	[sflag:s6] =	ssyncadd.s32 @!p0 $0xFFFFFF80  }
0xce: {  	_ =	swait.ge @!p4 [sflag:s7], $0x4000  }
0xcf: {  	s8 =	simm.s32 @!p4 $0x80;
	[sflag:s7] =	ssyncset.done @!p4 $0x0  }
0xd0: {  	s6 =	simm.s32 @!p4 $0x17E80;
	[sflag:s7] =	ssyncadd.s32 @!p4 $0xFFFFC000;
	s7 =	simm.s32 @!p4 $0x13C00  }
0xd1: {  	[spmem:s1] =	stream.indirect.scatter.add.f32 @!p4 [tilespmem:s6], [sflag:$0x5], $0x80, s7, s8, $0xb8;
	[tilespmem:$0x1FE80] =	vst v63  }
0xd2: {  	p1 =	sge.u32 @!p4 s28, s13;
	s6 =	simm.s32 @!p4 $0x4  }
0xd3: {  	p1 =	por p1, p4;
	_ =	swait.ge @!p4 [sflag:s6], $0x4000  }
0xd4: {  	s7 =	sadd.s32 @!p1 s26, s19;
	s8 =	simm.s32 @!p1 $0x13A80;
	[sflag:s6] =	ssyncset.done @!p4 $0x0  }
0xd5: {  	s7 =	sadd.s32 @!p1 $0x40, s7;
	[sflag:s6] =	ssyncadd.s32 @!p4 $0xFFFFC000;
	s6 =	simm.s32 @!p1 $0x0  }
0xd6: {  	[tilespmem:s8], [sflag:$0x8] =	stream.linear.gather @!p1 [hbm4b:s7+s6], $0x80, $0x38;
	[tilespmem:$0x1FE80] =	vst v63  }
0xd7: {  	s17 =	sadd.s32 $0x2, s28;
	s7 =	sadd.s32 @!p1 s26, s20  }
0xd8: {  	p4 =	sge.u32 s17, s5;
	s8 =	simm.s32 @!p1 $0x13D80;
	s7 =	sadd.s32 @!p1 $0x40, s7  }
0xd9: {  	[tilespmem:s8], [sflag:$0x8] =	stream.linear.gather @!p1 [hbm4b:s7+s6], $0x80, $0x38;
	[tilespmem:$0x1FE80] =	vst v63  }
0xda: {  	s6 =	simm.s32 @!p0 $0x80;
	p1 =	sge.u32 @!p4 s28, s13  }
0xdb: {  	s7 =	simm.s32 @!p0 $0x13A00;
	s8 =	simm.s32 @!p0 $0x13E80;
	p1 =	por p1, p4  }
0xdc: {  	[tilespmem:s8], [sflag:$0x1] =	stream.indirect.gather @!p0 [hbm4b:s10+s6], $0x80, s7, s6, $0xb8;
	[tilespmem:$0x1FE80] =	vst v63  }
0xdd: {  	s6 =	simm.s32 @!p1 $0x8  }
0xde: {  	_ =	swait.ge @!p1 [sflag:s6], $0x80  }
0xdf: {  	[sflag:s6] =	ssyncset.done @!p1 $0x0  }
0xe0: {  	[sflag:s6] =	ssyncadd.s32 @!p1 $0xFFFFFF80  }
0xe1: {  	_ =	swait.ge @!p1 [sflag:s6], $0x80  }
0xe2: {  	[sflag:s6] =	ssyncset.done @!p1 $0x0  }
0xe3: {  	s7 =	simm.s32 @!p4 $0x3;
	[sflag:s6] =	ssyncadd.s32 @!p1 $0xFFFFFF80  }
0xe4: {  	_ =	swait.ge @!p4 [sflag:s7], $0x4000  }
0xe5: {  	s8 =	simm.s32 @!p4 $0x1BE80;
	[sflag:s7] =	ssyncset.done @!p4 $0x0  }
0xe6: {  	s6 =	simm.s32 @!p4 $0x13C80;
	[sflag:s7] =	ssyncadd.s32 @!p4 $0xFFFFC000;
	s7 =	simm.s32 @!p4 $0x80  }
0xe7: {  	[spmem:s1] =	stream.indirect.scatter.add.f32 @!p4 [tilespmem:s8], [sflag:$0x6], $0x80, s6, s7, $0xb8;
	[tilespmem:$0x1FE80] =	vst v63  }
0xe8: {  	p0 =	sge.u32 @!p4 s28, s14;
	s6 =	simm.s32 @!p4 $0x5  }
0xe9: {  	p0 =	por p0, p4;
	_ =	swait.ge @!p4 [sflag:s6], $0x4000  }
0xea: {  	s7 =	sadd.s32 @!p0 s26, s19;
	s8 =	simm.s32 @!p0 $0x13B00;
	[sflag:s6] =	ssyncset.done @!p4 $0x0  }
0xeb: {  	s7 =	sadd.s32 @!p0 $0x50, s7;
	[sflag:s6] =	ssyncadd.s32 @!p4 $0xFFFFC000;
	s6 =	simm.s32 @!p0 $0x0  }
0xec: {  	[tilespmem:s8], [sflag:$0x7] =	stream.linear.gather @!p0 [hbm4b:s7+s6], $0x80, $0x38;
	[tilespmem:$0x1FE80] =	vst v63  }
0xed: {  	s7 =	sadd.s32 @!p0 s26, s20  }
0xee: {  	p4 =	sge.u32 s4, s5;
	s4 =	simm.s32 @!p0 $0x13E00;
	s7 =	sadd.s32 @!p0 $0x50, s7  }
0xef: {  	[tilespmem:s4], [sflag:$0x7] =	stream.linear.gather @!p0 [hbm4b:s7+s6], $0x80, $0x38;
	[tilespmem:$0x1FE80] =	vst v63  }
0xf0: {  	p0 =	sge.u32 @!p4 s28, s14;
	s4 =	simm.s32 @!p1 $0x80  }
0xf1: {  	s6 =	simm.s32 @!p1 $0x13A80;
	s7 =	simm.s32 @!p1 $0x17E80;
	p0 =	por p0, p4  }
0xf2: {  	[tilespmem:s7], [sflag:$0x2] =	stream.indirect.gather @!p1 [hbm4b:s10+s4], $0x80, s6, s4, $0xb8;
	[tilespmem:$0x1FE80] =	vst v63  }
0xf3: {  	s4 =	simm.s32 @!p0 $0x7  }
0xf4: {  	_ =	swait.ge @!p0 [sflag:s4], $0x80  }
0xf5: {  	[sflag:s4] =	ssyncset.done @!p0 $0x0  }
0xf6: {  	[sflag:s4] =	ssyncadd.s32 @!p0 $0xFFFFFF80  }
0xf7: {  	_ =	swait.ge @!p0 [sflag:s4], $0x80  }
0xf8: {  	[sflag:s4] =	ssyncset.done @!p0 $0x0  }
0xf9: {  	s6 =	simm.s32 @!p4 $0x1;
	[sflag:s4] =	ssyncadd.s32 @!p0 $0xFFFFFF80  }
0xfa: {  	_ =	swait.ge @!p4 [sflag:s6], $0x4000  }
0xfb: {  	s7 =	simm.s32 @!p4 $0x13E80;
	[sflag:s6] =	ssyncset.done @!p4 $0x0  }
0xfc: {  	s4 =	simm.s32 @!p4 $0x13D00;
	[sflag:s6] =	ssyncadd.s32 @!p4 $0xFFFFC000;
	s6 =	simm.s32 @!p4 $0x80  }
0xfd: {  	[spmem:s1] =	stream.indirect.scatter.add.f32 @!p4 [tilespmem:s7], [sflag:$0x4], $0x80, s4, s6, $0xb8;
	[tilespmem:$0x1FE80] =	vst v63  }
0xfe: {  	p1 =	sge.u32 @!p4 s28, s15;
	s4 =	simm.s32 @!p4 $0x6  }
0xff: {  	p1 =	por p1, p4;
	_ =	swait.ge @!p4 [sflag:s4], $0x4000  }
0x100: {  	s6 =	sadd.s32 @!p1 s26, s19;
	s7 =	simm.s32 @!p1 $0x13880;
	[sflag:s4] =	ssyncset.done @!p4 $0x0  }
0x101: {  	s6 =	sadd.s32 @!p1 $0x60, s6;
	[sflag:s4] =	ssyncadd.s32 @!p4 $0xFFFFC000;
	s4 =	simm.s32 @!p1 $0x0  }
0x102: {  	[tilespmem:s7], [sflag:$0x8] =	stream.linear.gather @!p1 [hbm4b:s6+s4], $0x80, $0x38;
	[tilespmem:$0x1FE80] =	vst v63  }
0x103: {  	s6 =	sadd.s32 @!p1 s26, s20  }
0x104: {  	p4 =	sge.u32 s2, s5;
	s2 =	simm.s32 @!p1 $0x13B80;
	s6 =	sadd.s32 @!p1 $0x60, s6  }
0x105: {  	[tilespmem:s2], [sflag:$0x8] =	stream.linear.gather @!p1 [hbm4b:s6+s4], $0x80, $0x38;
	[tilespmem:$0x1FE80] =	vst v63  }
0x106: {  	p1 =	sge.u32 @!p4 s28, s15;
	s2 =	simm.s32 @!p0 $0x80  }
0x107: {  	s4 =	simm.s32 @!p0 $0x13B00;
	s6 =	simm.s32 @!p0 $0x1BE80;
	p1 =	por p1, p4  }
0x108: {  	[tilespmem:s6], [sflag:$0x3] =	stream.indirect.gather @!p0 [hbm4b:s10+s2], $0x80, s4, s2, $0xb8;
	[tilespmem:$0x1FE80] =	vst v63  }
0x109: {  	s2 =	simm.s32 @!p1 $0x8  }
0x10a: {  	_ =	swait.ge @!p1 [sflag:s2], $0x80  }
0x10b: {  	[sflag:s2] =	ssyncset.done @!p1 $0x0  }
0x10c: {  	[sflag:s2] =	ssyncadd.s32 @!p1 $0xFFFFFF80  }
0x10d: {  	_ =	swait.ge @!p1 [sflag:s2], $0x80  }
0x10e: {  	[sflag:s2] =	ssyncset.done @!p1 $0x0  }
0x10f: {  	s4 =	simm.s32 @!p4 $0x2;
	[sflag:s2] =	ssyncadd.s32 @!p1 $0xFFFFFF80  }
0x110: {  	_ =	swait.ge @!p4 [sflag:s4], $0x4000  }
0x111: {  	s6 =	simm.s32 @!p4 $0x80;
	p0 =	sge.u32 @!p4 s28, s16;
	[sflag:s4] =	ssyncset.done @!p4 $0x0  }
0x112: {  	s2 =	simm.s32 @!p4 $0x17E80;
	[sflag:s4] =	ssyncadd.s32 @!p4 $0xFFFFC000;
	s4 =	simm.s32 @!p4 $0x13D80  }
0x113: {  	[spmem:s1] =	stream.indirect.scatter.add.f32 @!p4 [tilespmem:s2], [sflag:$0x5], $0x80, s4, s6, $0xb8;
	[tilespmem:$0x1FE80] =	vst v63  }
0x114: {  	p2 =	por p0, p4;
	s2 =	simm.s32 @!p4 $0x4  }
0x115: {  	s4 =	sadd.s32 @!p2 s26, s19;
	_ =	swait.ge @!p4 [sflag:s2], $0x4000  }
0x116: {  	s6 =	simm.s32 @!p2 $0x13900;
	[sflag:s2] =	ssyncset.done @!p4 $0x0;
	s18 =	sld [smem:$0x7FB]  }
0x117: {  	s4 =	sadd.s32 @!p2 $0x70, s4;
	[sflag:s2] =	ssyncadd.s32 @!p4 $0xFFFFC000;
	s2 =	simm.s32 @!p2 $0x0  }
0x118: {  	[tilespmem:s6], [sflag:$0x7] =	stream.linear.gather @!p2 [hbm4b:s4+s2], $0x80, $0x38;
	[tilespmem:$0x1FE80] =	vst v63  }
0x119: {  	s4 =	sadd.s32 @!p2 s26, s20;
	p4 =	seq.s32 s18, $0x1  }
0x11a: {  	s6 =	simm.s32 @!p2 $0x13C00;
	s4 =	sadd.s32 @!p2 $0x70, s4;
	p0 =	por p4, p3  }
0x11b: {  	[tilespmem:s6], [sflag:$0x7] =	stream.linear.gather @!p2 [hbm4b:s4+s2], $0x80, $0x38;
	[tilespmem:$0x1FE80] =	vst v63  }
0x11c: {  	s2 =	simm.s32 @!p1 $0x13E80;
	s4 =	simm.s32 @!p1 $0x80;
	s6 =	simm.s32 @!p1 $0x13880  }
0x11d: {  	[tilespmem:s2], [sflag:$0x1] =	stream.indirect.gather @!p1 [hbm4b:s10+s4], $0x80, s6, s4, $0xb8;
	[tilespmem:$0x1FE80] =	vst v63  }
0x11e: {  	s2 =	simm.s32 @!p0 $0x7  }
0x11f: {  	_ =	swait.ge @!p0 [sflag:s2], $0x80  }
0x120: {  	[sflag:s2] =	ssyncset.done @!p0 $0x0  }
0x121: {  	[sflag:s2] =	ssyncadd.s32 @!p0 $0xFFFFFF80  }
0x122: {  	_ =	swait.ge @!p0 [sflag:s2], $0x80  }
0x123: {  	[sflag:s2] =	ssyncset.done @!p0 $0x0  }
0x124: {  	s4 =	simm.s32 @!p3 $0x3;
	[sflag:s2] =	ssyncadd.s32 @!p0 $0xFFFFFF80  }
0x125: {  	_ =	swait.ge @!p3 [sflag:s4], $0x4000  }
0x126: {  	s6 =	simm.s32 @!p3 $0x13E00;
	[sflag:s4] =	ssyncset.done @!p3 $0x0  }
0x127: {  	s2 =	simm.s32 @!p3 $0x1BE80;
	[sflag:s4] =	ssyncadd.s32 @!p3 $0xFFFFC000;
	s4 =	simm.s32 @!p3 $0x80  }
0x128: {  	[spmem:s1] =	stream.indirect.scatter.add.f32 @!p3 [tilespmem:s2], [sflag:$0x6], $0x80, s6, s4, $0xb8;
	[tilespmem:$0x1FE80] =	vst v63  }
0x129: {  	s2 =	simm.s32 @!p3 $0x5  }
0x12a: {  	_ =	swait.ge @!p3 [sflag:s2], $0x4000  }
0x12b: {  	s4 =	rddreg [dreg:$0x3]  }
0x12c: {  	[sflag:s2] =	ssyncset.done @!p3 $0x0;
	p1 =	sge.u32 @!p3 s28, s4  }
0x12d: {  	[sflag:s2] =	ssyncadd.s32 @!p3 $0xFFFFC000;
	p4 =	por p1, p3;
	p1 =	sge.u32 s3, s5  }
0x12e: {  	s4 =	sadd.s32 @!p4 s26, s19;
	s6 =	simm.s32 @!p4 $0x0;
	p3 =	seq.s32 @!p1 s0, $0x0  }
0x12f: {  	s2 =	simm.s32 @!p4 $0x13980;
	s4 =	sadd.s32 @!p4 $0x80, s4;
	p2 =	por p3, p1  }
0x130: {  	[tilespmem:s2], [sflag:$0x8] =	stream.linear.gather @!p4 [hbm4b:s4+s6], $0x80, $0x38;
	[tilespmem:$0x1FE80] =	vst v63  }
0x131: {  	s2 =	sadd.s32 @!p4 s26, s20;
	p5 =	sge.u32 @!p2 s3, s11  }
0x132: {  	s4 =	simm.s32 @!p4 $0x13C80;
	p3 =	por @!p1 p5, p3;
	s2 =	sadd.s32 @!p4 $0x80, s2  }
0x133: {  	[tilespmem:s4], [sflag:$0x8] =	stream.linear.gather @!p4 [hbm4b:s2+s6], $0x80, $0x38;
	[tilespmem:$0x1FE80] =	vst v63  }
0x134: {  	s2 =	simm.s32 @!p0 $0x17E80;
	s4 =	simm.s32 @!p0 $0x13900;
	s6 =	simm.s32 @!p0 $0x80  }
0x135: {  	[tilespmem:s2], [sflag:$0x2] =	stream.indirect.gather @!p0 [hbm4b:s10+s6], $0x80, s4, s6, $0xb8;
	[tilespmem:$0x1FE80] =	vst v63  }
0x136: {  	p0 =	por p3, p1  }
0x137: {  	s2 =	simm.s32 @!p0 $0x8  }
0x138: {  	_ =	swait.ge @!p0 [sflag:s2], $0x80  }
0x139: {  	[sflag:s2] =	ssyncset.done @!p0 $0x0  }
0x13a: {  	[sflag:s2] =	ssyncadd.s32 @!p0 $0xFFFFFF80  }
0x13b: {  	_ =	swait.ge @!p0 [sflag:s2], $0x80  }
0x13c: {  	[sflag:s2] =	ssyncset.done @!p0 $0x0  }
0x13d: {  	s4 =	simm.s32 @!p1 $0x1;
	[sflag:s2] =	ssyncadd.s32 @!p0 $0xFFFFFF80  }
0x13e: {  	_ =	swait.ge @!p1 [sflag:s4], $0x4000  }
0x13f: {  	s6 =	simm.s32 @!p1 $0x13E80;
	s2 =	simm.s32 @!p1 $0x13B80;
	[sflag:s4] =	ssyncset.done @!p1 $0x0  }
0x140: {  	p0 =	sge.u32 @!p1 s3, s12;
	[sflag:s4] =	ssyncadd.s32 @!p1 $0xFFFFC000;
	s4 =	simm.s32 @!p1 $0x80  }
0x141: {  	[spmem:s1] =	stream.indirect.scatter.add.f32 @!p1 [tilespmem:s6], [sflag:$0x4], $0x80, s2, s4, $0xb8;
	[tilespmem:$0x1FE80] =	vst v63  }
0x142: {  	p0 =	por p0, p1;
	s2 =	simm.s32 @!p2 $0x6  }
0x143: {  	s4 =	sadd.s32 @!p0 s0, s19;
	_ =	swait.ge @!p2 [sflag:s2], $0x4000  }
0x144: {  	s6 =	simm.s32 @!p0 $0x13A00;
	s4 =	sadd.s32 @!p0 $0x30, s4;
	[sflag:s2] =	ssyncset.done @!p2 $0x0  }
0x145: {  	[sflag:s2] =	ssyncadd.s32 @!p2 $0xFFFFC000;
	s2 =	simm.s32 @!p0 $0x0;
	p2 =	sge.u32 @!p1 s3, s11  }
0x146: {  	[tilespmem:s6], [sflag:$0x7] =	stream.linear.gather @!p0 [hbm4b:s4+s2], $0x80, $0x38;
	[tilespmem:$0x1FE80] =	vst v63  }
0x147: {  	s4 =	sadd.s32 @!p0 s0, s20;
	p2 =	por p2, p1  }
0x148: {  	p1 =	sge.u32 s22, s5;
	s6 =	simm.s32 @!p0 $0x13D00;
	s4 =	sadd.s32 @!p0 $0x30, s4  }
0x149: {  	[tilespmem:s6], [sflag:$0x7] =	stream.linear.gather @!p0 [hbm4b:s4+s2], $0x80, $0x38;
	[tilespmem:$0x1FE80] =	vst v63  }
0x14a: {  	p0 =	sge.u32 @!p1 s3, s12;
	s2 =	simm.s32 @!p2 $0x1BE80  }
0x14b: {  	s4 =	simm.s32 @!p2 $0x80;
	s6 =	simm.s32 @!p2 $0x13980;
	p0 =	por p0, p1  }
0x14c: {  	[tilespmem:s2], [sflag:$0x3] =	stream.indirect.gather @!p2 [hbm4b:s10+s4], $0x80, s6, s4, $0xb8;
	[tilespmem:$0x1FE80] =	vst v63  }
0x14d: {  	s2 =	simm.s32 @!p0 $0x7  }
0x14e: {  	_ =	swait.ge @!p0 [sflag:s2], $0x80  }
0x14f: {  	[sflag:s2] =	ssyncset.done @!p0 $0x0  }
0x150: {  	[sflag:s2] =	ssyncadd.s32 @!p0 $0xFFFFFF80  }
0x151: {  	_ =	swait.ge @!p0 [sflag:s2], $0x80  }
0x152: {  	[sflag:s2] =	ssyncset.done @!p0 $0x0  }
0x153: {  	s4 =	simm.s32 @!p1 $0x2;
	[sflag:s2] =	ssyncadd.s32 @!p0 $0xFFFFFF80  }
0x154: {  	_ =	swait.ge @!p1 [sflag:s4], $0x4000  }
0x155: {  	s6 =	simm.s32 @!p1 $0x80;
	[sflag:s4] =	ssyncset.done @!p1 $0x0  }
0x156: {  	s2 =	simm.s32 @!p1 $0x17E80;
	[sflag:s4] =	ssyncadd.s32 @!p1 $0xFFFFC000;
	s4 =	simm.s32 @!p1 $0x13C00  }
0x157: {  	[spmem:s1] =	stream.indirect.scatter.add.f32 @!p1 [tilespmem:s2], [sflag:$0x5], $0x80, s4, s6, $0xb8;
	[tilespmem:$0x1FE80] =	vst v63  }
0x158: {  	s22 =	sadd.s32 $0x2, s3;
	p2 =	sge.u32 @!p1 s3, s13;
	s2 =	simm.s32 @!p1 $0x4  }
0x159: {  	p3 =	por p2, p1;
	p2 =	sge.u32 s22, s5;
	_ =	swait.ge @!p1 [sflag:s2], $0x4000  }
0x15a: {  	s4 =	sadd.s32 @!p3 s0, s19;
	s6 =	simm.s32 @!p3 $0x13A80;
	[sflag:s2] =	ssyncset.done @!p1 $0x0  }
0x15b: {  	s4 =	sadd.s32 @!p3 $0x40, s4;
	[sflag:s2] =	ssyncadd.s32 @!p1 $0xFFFFC000;
	s2 =	simm.s32 @!p3 $0x0  }
0x15c: {  	[tilespmem:s6], [sflag:$0x8] =	stream.linear.gather @!p3 [hbm4b:s4+s2], $0x80, $0x38;
	[tilespmem:$0x1FE80] =	vst v63  }
0x15d: {  	p1 =	sge.u32 @!p2 s3, s13;
	s4 =	sadd.s32 @!p3 s0, s20  }
0x15e: {  	s6 =	simm.s32 @!p3 $0x13D80;
	p1 =	por p1, p2;
	s4 =	sadd.s32 @!p3 $0x40, s4  }
0x15f: {  	[tilespmem:s6], [sflag:$0x8] =	stream.linear.gather @!p3 [hbm4b:s4+s2], $0x80, $0x38;
	[tilespmem:$0x1FE80] =	vst v63  }
0x160: {  	s2 =	simm.s32 @!p0 $0x80;
	s4 =	simm.s32 @!p0 $0x13A00;
	s6 =	simm.s32 @!p0 $0x13E80  }
0x161: {  	[tilespmem:s6], [sflag:$0x1] =	stream.indirect.gather @!p0 [hbm4b:s10+s2], $0x80, s4, s2, $0xb8;
	[tilespmem:$0x1FE80] =	vst v63  }
0x162: {  	s2 =	simm.s32 @!p1 $0x8  }
0x163: {  	_ =	swait.ge @!p1 [sflag:s2], $0x80  }
0x164: {  	[sflag:s2] =	ssyncset.done @!p1 $0x0  }
0x165: {  	[sflag:s2] =	ssyncadd.s32 @!p1 $0xFFFFFF80  }
0x166: {  	_ =	swait.ge @!p1 [sflag:s2], $0x80  }
0x167: {  	[sflag:s2] =	ssyncset.done @!p1 $0x0  }
0x168: {  	s4 =	simm.s32 @!p2 $0x3;
	[sflag:s2] =	ssyncadd.s32 @!p1 $0xFFFFFF80  }
0x169: {  	_ =	swait.ge @!p2 [sflag:s4], $0x4000  }
0x16a: {  	s6 =	simm.s32 @!p2 $0x1BE80;
	[sflag:s4] =	ssyncset.done @!p2 $0x0  }
0x16b: {  	s2 =	simm.s32 @!p2 $0x13C80;
	[sflag:s4] =	ssyncadd.s32 @!p2 $0xFFFFC000;
	s4 =	simm.s32 @!p2 $0x80  }
0x16c: {  	[spmem:s1] =	stream.indirect.scatter.add.f32 @!p2 [tilespmem:s6], [sflag:$0x6], $0x80, s2, s4, $0xb8;
	[tilespmem:$0x1FE80] =	vst v63  }
0x16d: {  	p0 =	sge.u32 @!p2 s3, s14;
	s2 =	simm.s32 @!p2 $0x5  }
0x16e: {  	p0 =	por p0, p2;
	_ =	swait.ge @!p2 [sflag:s2], $0x4000  }
0x16f: {  	s4 =	sadd.s32 @!p0 s0, s19;
	s6 =	simm.s32 @!p0 $0x13B00;
	[sflag:s2] =	ssyncset.done @!p2 $0x0  }
0x170: {  	s4 =	sadd.s32 @!p0 $0x50, s4;
	[sflag:s2] =	ssyncadd.s32 @!p2 $0xFFFFC000;
	s2 =	simm.s32 @!p0 $0x0  }
0x171: {  	[tilespmem:s6], [sflag:$0x7] =	stream.linear.gather @!p0 [hbm4b:s4+s2], $0x80, $0x38;
	[tilespmem:$0x1FE80] =	vst v63  }
0x172: {  	s4 =	sadd.s32 @!p0 s0, s20  }
0x173: {  	p2 =	sge.u32 s29, s5;
	s6 =	simm.s32 @!p0 $0x13E00;
	s4 =	sadd.s32 @!p0 $0x50, s4  }
0x174: {  	[tilespmem:s6], [sflag:$0x7] =	stream.linear.gather @!p0 [hbm4b:s4+s2], $0x80, $0x38;
	[tilespmem:$0x1FE80] =	vst v63  }
0x175: {  	p0 =	sge.u32 @!p2 s3, s14;
	s2 =	simm.s32 @!p1 $0x80  }
0x176: {  	s4 =	simm.s32 @!p1 $0x13A80;
	s6 =	simm.s32 @!p1 $0x17E80;
	p0 =	por p0, p2  }
0x177: {  	[tilespmem:s6], [sflag:$0x2] =	stream.indirect.gather @!p1 [hbm4b:s10+s2], $0x80, s4, s2, $0xb8;
	[tilespmem:$0x1FE80] =	vst v63  }
0x178: {  	s2 =	simm.s32 @!p0 $0x7  }
0x179: {  	_ =	swait.ge @!p0 [sflag:s2], $0x80  }
0x17a: {  	[sflag:s2] =	ssyncset.done @!p0 $0x0  }
0x17b: {  	[sflag:s2] =	ssyncadd.s32 @!p0 $0xFFFFFF80  }
0x17c: {  	_ =	swait.ge @!p0 [sflag:s2], $0x80  }
0x17d: {  	[sflag:s2] =	ssyncset.done @!p0 $0x0  }
0x17e: {  	s4 =	simm.s32 @!p2 $0x1;
	[sflag:s2] =	ssyncadd.s32 @!p0 $0xFFFFFF80  }
0x17f: {  	_ =	swait.ge @!p2 [sflag:s4], $0x4000  }
0x180: {  	s6 =	simm.s32 @!p2 $0x13E80;
	[sflag:s4] =	ssyncset.done @!p2 $0x0  }
0x181: {  	s2 =	simm.s32 @!p2 $0x13D00;
	[sflag:s4] =	ssyncadd.s32 @!p2 $0xFFFFC000;
	s4 =	simm.s32 @!p2 $0x80  }
0x182: {  	[spmem:s1] =	stream.indirect.scatter.add.f32 @!p2 [tilespmem:s6], [sflag:$0x4], $0x80, s2, s4, $0xb8;
	[tilespmem:$0x1FE80] =	vst v63  }
0x183: {  	p1 =	sge.u32 @!p2 s3, s15;
	s2 =	simm.s32 @!p2 $0x6  }
0x184: {  	p1 =	por p1, p2;
	_ =	swait.ge @!p2 [sflag:s2], $0x4000  }
0x185: {  	s4 =	sadd.s32 @!p1 s0, s19;
	s6 =	simm.s32 @!p1 $0x13880;
	[sflag:s2] =	ssyncset.done @!p2 $0x0  }
0x186: {  	s4 =	sadd.s32 @!p1 $0x60, s4;
	[sflag:s2] =	ssyncadd.s32 @!p2 $0xFFFFC000;
	s2 =	simm.s32 @!p1 $0x0  }
0x187: {  	[tilespmem:s6], [sflag:$0x8] =	stream.linear.gather @!p1 [hbm4b:s4+s2], $0x80, $0x38;
	[tilespmem:$0x1FE80] =	vst v63  }
0x188: {  	s4 =	sadd.s32 @!p1 s0, s20  }
0x189: {  	p2 =	sge.u32 s23, s5;
	s6 =	simm.s32 @!p1 $0x13B80;
	s4 =	sadd.s32 @!p1 $0x60, s4  }
0x18a: {  	[tilespmem:s6], [sflag:$0x8] =	stream.linear.gather @!p1 [hbm4b:s4+s2], $0x80, $0x38;
	[tilespmem:$0x1FE80] =	vst v63  }
0x18b: {  	p1 =	sge.u32 @!p2 s3, s15;
	s2 =	simm.s32 @!p0 $0x80  }
0x18c: {  	s4 =	simm.s32 @!p0 $0x13B00;
	s6 =	simm.s32 @!p0 $0x1BE80;
	p1 =	por p1, p2  }
0x18d: {  	[tilespmem:s6], [sflag:$0x3] =	stream.indirect.gather @!p0 [hbm4b:s10+s2], $0x80, s4, s2, $0xb8;
	[tilespmem:$0x1FE80] =	vst v63  }
0x18e: {  	s2 =	simm.s32 @!p1 $0x8  }
0x18f: {  	_ =	swait.ge @!p1 [sflag:s2], $0x80  }
0x190: {  	[sflag:s2] =	ssyncset.done @!p1 $0x0  }
0x191: {  	[sflag:s2] =	ssyncadd.s32 @!p1 $0xFFFFFF80  }
0x192: {  	_ =	swait.ge @!p1 [sflag:s2], $0x80  }
0x193: {  	[sflag:s2] =	ssyncset.done @!p1 $0x0  }
0x194: {  	s4 =	simm.s32 @!p2 $0x2;
	[sflag:s2] =	ssyncadd.s32 @!p1 $0xFFFFFF80  }
0x195: {  	_ =	swait.ge @!p2 [sflag:s4], $0x4000  }
0x196: {  	s6 =	simm.s32 @!p2 $0x80;
	[sflag:s4] =	ssyncset.done @!p2 $0x0  }
0x197: {  	s2 =	simm.s32 @!p2 $0x17E80;
	[sflag:s4] =	ssyncadd.s32 @!p2 $0xFFFFC000;
	s4 =	simm.s32 @!p2 $0x13D80  }
0x198: {  	[spmem:s1] =	stream.indirect.scatter.add.f32 @!p2 [tilespmem:s2], [sflag:$0x5], $0x80, s4, s6, $0xb8;
	[tilespmem:$0x1FE80] =	vst v63  }
0x199: {  	p0 =	sge.u32 @!p2 s3, s16;
	s2 =	simm.s32 @!p2 $0x4  }
0x19a: {  	p0 =	por p0, p2;
	_ =	swait.ge @!p2 [sflag:s2], $0x4000  }
0x19b: {  	s4 =	simm.s32 @!p0 $0x13900;
	[sflag:s2] =	ssyncset.done @!p2 $0x0  }
0x19c: {  	s24 =	sld [smem:$0x7FD];
	[sflag:s2] =	ssyncadd.s32 @!p2 $0xFFFFC000;
	s2 =	sadd.s32 @!p0 s0, s19  }
0x19d: {  	s6 =	simm.s32 @!p0 $0x0;
	s25 =	sld [smem:$0x7FC];
	s2 =	sadd.s32 @!p0 $0x70, s2  }
0x19e: {  	[tilespmem:s4], [sflag:$0x7] =	stream.linear.gather @!p0 [hbm4b:s2+s6], $0x80, $0x38;
	[tilespmem:$0x1FE80] =	vst v63  }
0x19f: {  	s2 =	sadd.s32 @!p0 s0, s20;
	s4 =	simm.s32 @!p0 $0x13C00  }
0x1a0: {  	p5 =	seq.s32 s24, $0x1;
	p6 =	seq.s32 s25, $0x1;
	s2 =	sadd.s32 @!p0 $0x70, s2  }
0x1a1: {  	[tilespmem:s4], [sflag:$0x7] =	stream.linear.gather @!p0 [hbm4b:s2+s6], $0x80, $0x38;
	[tilespmem:$0x1FE80] =	vst v63  }
0x1a2: {  	p2 =	por p6, p6;
	p0 =	por p5, p5;
	s2 =	simm.s32 @!p1 $0x13E80  }
0x1a3: {  	s4 =	simm.s32 @!p1 $0x80;
	s6 =	simm.s32 @!p1 $0x13880;
	p0 =	por p0, p2  }
0x1a4: {  	[tilespmem:s2], [sflag:$0x1] =	stream.indirect.gather @!p1 [hbm4b:s10+s4], $0x80, s6, s4, $0xb8;
	[tilespmem:$0x1FE80] =	vst v63  }
0x1a5: {  	s2 =	simm.s32 @!p0 $0x7  }
0x1a6: {  	_ =	swait.ge @!p0 [sflag:s2], $0x80  }
0x1a7: {  	[sflag:s2] =	ssyncset.done @!p0 $0x0  }
0x1a8: {  	[sflag:s2] =	ssyncadd.s32 @!p0 $0xFFFFFF80  }
0x1a9: {  	_ =	swait.ge @!p0 [sflag:s2], $0x80  }
0x1aa: {  	[sflag:s2] =	ssyncset.done @!p0 $0x0  }
0x1ab: {  	s4 =	simm.s32 @!p2 $0x3;
	[sflag:s2] =	ssyncadd.s32 @!p0 $0xFFFFFF80  }
0x1ac: {  	_ =	swait.ge @!p2 [sflag:s4], $0x4000  }
0x1ad: {  	s6 =	simm.s32 @!p2 $0x13E00;
	[sflag:s4] =	ssyncset.done @!p2 $0x0  }
0x1ae: {  	s2 =	simm.s32 @!p2 $0x1BE80;
	[sflag:s4] =	ssyncadd.s32 @!p2 $0xFFFFC000;
	s4 =	simm.s32 @!p2 $0x80  }
0x1af: {  	[spmem:s1] =	stream.indirect.scatter.add.f32 @!p2 [tilespmem:s2], [sflag:$0x6], $0x80, s6, s4, $0xb8;
	[tilespmem:$0x1FE80] =	vst v63  }
0x1b0: {  	s2 =	simm.s32 @!p2 $0x5  }
0x1b1: {  	_ =	swait.ge @!p2 [sflag:s2], $0x4000  }
0x1b2: {  	s4 =	rddreg [dreg:$0x3]  }
0x1b3: {  	p1 =	sge.u32 @!p2 s3, s4  }
0x1b4: {  	[sflag:s2] =	ssyncset.done @!p2 $0x0;
	p1 =	por p1, p2  }
0x1b5: {  	[sflag:s2] =	ssyncadd.s32 @!p2 $0xFFFFC000;
	s2 =	sadd.s32 @!p1 s0, s19;
	s3 =	simm.s32 @!p1 $0x0  }
0x1b6: {  	s4 =	simm.s32 @!p1 $0x13980;
	s0 =	sadd.s32 @!p1 s0, s20;
	s2 =	sadd.s32 @!p1 $0x80, s2  }
0x1b7: {  	[tilespmem:s4], [sflag:$0x8] =	stream.linear.gather @!p1 [hbm4b:s2+s3], $0x80, $0x38;
	[tilespmem:$0x1FE80] =	vst v63  }
0x1b8: {  	s26 =	rddreg [dreg:$0xa];
	s0 =	sadd.s32 @!p1 $0x80, s0;
	s2 =	simm.s32 @!p1 $0x13C80  }
0x1b9: {  	[tilespmem:s2], [sflag:$0x8] =	stream.linear.gather @!p1 [hbm4b:s0+s3], $0x80, $0x38;
	[tilespmem:$0x1FE80] =	vst v63  }
0x1ba: {  	s0 =	simm.s32 @!p0 $0x17E80;
	s2 =	simm.s32 @!p0 $0x13900;
	s3 =	simm.s32 @!p0 $0x80  }
0x1bb: {  	[tilespmem:s0], [sflag:$0x2] =	stream.indirect.gather @!p0 [hbm4b:s10+s3], $0x80, s2, s3, $0xb8;
	[tilespmem:$0x1FE80] =	vst v63  }
0x1bc: {  	_ =	swait.ge [sflag:s26], $0x4000  }
0x1bd: {  	[sflag:s26] =	ssyncset.done $0x0  }
0x1be: {  	[sflag:s26] =	ssyncadd.s32 $0xFFFFC000  }
0x1bf: {  	[bflag:$0x0] =	sbarrier.arrive $0xFFFF  }
0x1c0: {  	s9 =	rddreg [dreg:$0x6]  }
0x1c1: {  	s28 =	rddreg [dreg:$0xb]  }
0x1c2: {  	s29 =	rddreg [dreg:$0xc]  }
0x1c3: {  	[hbm:s28], [sflag:s9] =	dma.local [spmem:s29], $0x2710  }
0x1c4: {  	_ =	swait.ge [sflag:s21], $0x2710  }
0x1c5: {  	s30 =	sadd.s32 $0x1, s30;
	s31 =	rddreg [dreg:$0x9]  }
0x1c6: {  	p0 =	sne.s32 s30, s31  }
.Ltmp1:
0x1c7: {  	_ = 	snop;
	(pc) =	sbr.rel @p0 .LBB2_1-.Ltmp1, $3  }
0x1c8: {  	_ =	sdelay $0x1  }
0x1c9: {  	[sflag:s21] =	ssyncset.done $0x0  }
0x1ca: {  	[sflag:s21] =	ssyncadd.s32 $0xFFFFD8F0  }
0x1cb: {  	_ =	sfence.sel $0x180000  }
0x1cc: {  	[bflag:$0x0] =	sbarrier.arrive $0xFFFF  }
0x1cd: {  	_ =	strace $0x9000004A  }
0x1ce: {  	s0 =	stileid.u32;
	[bflag:$0x2] =	sbarrier.arrive $0xFFFF  }
0x1cf: {  	p0 =	sne.s32 s0, $0x0;
	s0 =	rddreg [dreg:$0x2]  }
0x1d0: {  	s0 =	sadd.s32 @!p0 $0x100000, s0  }
0x1d1: {  	[sflag:s0] =	ssyncadd.tile.s32 @!p0 $0x1;
	_ =	shalt  }
.Lfunc_end2:
_tile_overlayer_lowered:
.L_overlay_start_2:
0x1d2: {  	(tag) =	ssettag $0x2  }
0x1d3: {  	s0 =	rddreg [dreg:$0x0];
	s2 =	stileid.u32  }
0x1d4: {  	s1 =	rddreg [dreg:$0x1];
	p0 =	sne.s32 s2, $0x0  }
0x1d5: {  	s3 =	rddreg [dreg:$0x2];
	[bflag:$0x3] =	sbarrier.arrive $0xFFFF;
	s2 =	simm.s32 @!p0 $0x1C09  }
0x1d6: {  	[timem:s3], [sflag:s2] =	dma.local @!p0 [hbm:s0], s1  }
0x1d7: {  	s0 =	simm.s32 @!p0 $0x9  }
0x1d8: {  	_ =	swait.ge @!p0 [sflag:s0], s1  }
0x1d9: {  	s1 =	ssub.s32 @!p0 $0x0, s1;
	[sflag:s0] =	ssyncset.done @!p0 $0x0  }
0x1da: {  	[sflag:s0] =	ssyncadd.s32 @!p0 s1  }
0x1db: {  	[bflag:$0x3] =	sbarrier.arrive $0xFFFF  }
0x1dc: {  	_ =	shalt  }

// kernel: kernel.14.cloned.1.call-start
scs
__scs_entry_jumppad:
0x0: {  	(pc) =	sbr.rel $0x88, $3  }
0x1: {  	(tag) =	ssettag $0x0;
	lr =	simm.s32 $0x1  }
0x2: {  	[smem:$0x3F96] =	sst lr;
	_ =	strace $0xD0000000  }
0x3: {  	_ = 	snop  }
0x4: {  	_ = 	snop  }
0x5: {  	_ = 	snop  }
0x6: {  	_ = 	snop  }
0x7: {  	_ = 	snop  }
__scs_overlays_trampoline_lowered:
0x8: {  	[smem:$0x3FA5] =	sst s0  }
0x9: {  	[smem:$0x3FA6] =	sst s1  }
0xa: {  	[smem:$0x3FA7] =	sst s2  }
0xb: {  	[smem:$0x3FA8] =	sst s3  }
0xc: {  	[smem:$0x3FA9] =	sst s4  }
0xd: {  	[smem:$0x3FAA] =	sst s5  }
0xe: {  	[smem:$0x3FAB] =	sst s6  }
0xf: {  	[smem:$0x3FAC] =	sst s7  }
0x10: {  	[smem:$0x3FAD] =	sst s8  }
0x11: {  	[smem:$0x3FAE] =	sst s9;
	s0 =	simm.s32 @!p0 $0x0  }
0x12: {  	s1 =	sld [smem:$0x3F94];
	s0 =	simm.s32 @p0 $0x1  }
0x13: {  	[smem:$0x3FAF] =	sst s0;
	s0 =	simm.s32 @!p1 $0x0  }
0x14: {  	s2 =	sld [smem:$0x3F93];
	s0 =	simm.s32 @p1 $0x1  }
0x15: {  	[smem:$0x3FB0] =	sst s0;
	s0 =	simm.s32 @!p2 $0x0  }
0x16: {  	s3 =	sld [smem:$0x3FDB];
	s0 =	simm.s32 @p2 $0x1  }
0x17: {  	s4 =	simm.s32 $0x1BF5;
	[smem:$0x3FB2] =	sst s0  }
0x18: {  	s0 =	sld [smem:$0x3F95];
	_ =	swait.ge [sflag:s4], $0x0  }
0x19: {  	s7 =	sld [smem:$0x3F96]  }
0x1a: {  	s8 =	sadd.s32 $0xFFFFE003, lr  }
0x1b: {  	s9 =	sadd.s32 $0xFFFFFEF7, lr;
	s5 =	simm.s32 $0xFFFFFFFF;
	p2 =	slt.u32 s8, $0xFFFFF086  }
0x1c: {  	p1 =	slt.u32 s9, $0xF7A;
	s5 =	simm.s32 @!p2 $0x0  }
0x1d: {  	s5 =	simm.s32 @p1 $0x1;
	p0 =	seq.s32 s7, s2  }
0x1e: {  	s7 =	smul.u32 @!p0 $0xF7A, s2;
	p2 =	seq.s32 @!p0 s5, $0x0  }
0x1f: {  	s9 =	smul.u32 $0xF7A, s1;
	s8 =	simm.s32 @!p0 $0x1BF5;
	p2 =	por !p2, p0  }
0x20: {  	[sflag:s8] =	ssyncset.s32 @!p0 $0xFFFFF086;
	s6 =	sadd.s32 @!p0 s3, s7;
	s7 =	simm.s32 @!p0 $0x108  }
0x21: {  	s3 =	sadd.s32 s3, s9;
	s6 =	sadd.s32 @!p0 $0x88, s6;
	s7 =	simm.s32 @p2 $0x1082  }
0x22: {  	[simem:s7], [sflag:s8] =	dma.local @!p0 [hbm:s6], $0xF7A  }
0x23: {  	s9 =	sor.u32 $0xD0000000, s2;
	s6 =	simm.s32 $0x108;
	_ =	swait.ge @!p0 [sflag:s8], $0x0  }
0x24: {  	s3 =	sadd.s32 $0x88, s3;
	s6 =	simm.s32 @!p1 $0x1082;
	[sflag:s4] =	ssyncset.s32 $0xFFFFF086  }
0x25: {  	[simem:s6], [sflag:s4] =	dma.local [hbm:s3], $0xF7A  }
0x26: {  	[smem:$0x3F96] =	sst s1;
	(tag) =	ssettag s2;
	_ =	strace s9  }
0x27: {  	s1 =	sld [smem:$0x3FA6]  }
0x28: {  	s2 =	sld [smem:$0x3FA7]  }
0x29: {  	s4 =	sld [smem:$0x3FA9]  }
0x2a: {  	p0 =	seq.s32 s5, $0x0;
	s5 =	sld [smem:$0x3FAA]  }
0x2b: {  	s6 =	sld [smem:$0x3FAB]  }
0x2c: {  	s7 =	sld [smem:$0x3FAC]  }
0x2d: {  	s3 =	simm.s32 $0x108;
	s8 =	sld [smem:$0x3FAD]  }
0x2e: {  	s3 =	simm.s32 @!p0 $0x1082;
	s9 =	sld [smem:$0x3FAE]  }
0x2f: {  	lr =	sadd.s32 s0, s3;
	s0 =	sld [smem:$0x3FA5]  }
0x30: {  	s3 =	sld [smem:$0x3FA8]  }
0x31: {  	[smem:$0x3FB1] =	sst s10  }
0x32: {  	s10 =	sld [smem:$0x3FAF];
	_ =	sdelay $0x3  }
0x33: {  	p0 =	seq.s32 s10, $0x1;
	s10 =	sld [smem:$0x3FB1];
	_ =	sdelay $0x3  }
0x34: {  	[smem:$0x3FB1] =	sst s10  }
0x35: {  	s10 =	sld [smem:$0x3FB0];
	_ =	sdelay $0x3  }
0x36: {  	p1 =	seq.s32 s10, $0x1;
	s10 =	sld [smem:$0x3FB1];
	_ =	sdelay $0x3  }
0x37: {  	[smem:$0x3FB1] =	sst s10  }
0x38: {  	s10 =	sld [smem:$0x3FB2]  }
0x39: {  	_ = 	snop;
	(pc) =	sbr.ind lr, $3  }
0x3a: {  	_ = 	snop  }
0x3b: {  	_ = 	snop  }
0x3c: {  	p2 =	seq.s32 s10, $0x1;
	s10 =	sld [smem:$0x3FB1]  }
0x3d: {  	_ =	shalt  }
0x3e: {  	_ =	shalt  }
0x3f: {  	_ =	shalt  }
0x40: {  	_ =	shalt  }
0x41: {  	_ =	shalt  }
0x42: {  	_ =	shalt  }
0x43: {  	_ =	shalt  }
0x44: {  	_ =	shalt  }
0x45: {  	_ =	shalt  }
0x46: {  	_ =	shalt  }
0x47: {  	_ =	shalt  }
0x48: {  	_ =	shalt  }
0x49: {  	_ =	shalt  }
0x4a: {  	_ =	shalt  }
0x4b: {  	_ =	shalt  }
0x4c: {  	_ =	shalt  }
0x4d: {  	_ =	shalt  }
0x4e: {  	_ =	shalt  }
0x4f: {  	_ =	shalt  }
0x50: {  	_ =	shalt  }
0x51: {  	_ =	shalt  }
0x52: {  	_ =	shalt  }
0x53: {  	_ =	shalt  }
0x54: {  	_ =	shalt  }
0x55: {  	_ =	shalt  }
0x56: {  	_ =	shalt  }
0x57: {  	_ =	shalt  }
0x58: {  	_ =	shalt  }
0x59: {  	_ =	shalt  }
0x5a: {  	_ =	shalt  }
0x5b: {  	_ =	shalt  }
0x5c: {  	_ =	shalt  }
0x5d: {  	_ =	shalt  }
0x5e: {  	_ =	shalt  }
0x5f: {  	_ =	shalt  }
0x60: {  	_ =	shalt  }
0x61: {  	_ =	shalt  }
0x62: {  	_ =	shalt  }
0x63: {  	_ =	shalt  }
0x64: {  	_ =	shalt  }
0x65: {  	_ =	shalt  }
0x66: {  	_ =	shalt  }
0x67: {  	_ =	shalt  }
0x68: {  	_ =	shalt  }
0x69: {  	_ =	shalt  }
0x6a: {  	_ =	shalt  }
0x6b: {  	_ =	shalt  }
0x6c: {  	_ =	shalt  }
0x6d: {  	_ =	shalt  }
0x6e: {  	_ =	shalt  }
0x6f: {  	_ =	shalt  }
0x70: {  	_ =	shalt  }
0x71: {  	_ =	shalt  }
0x72: {  	_ =	shalt  }
0x73: {  	_ =	shalt  }
0x74: {  	_ =	shalt  }
0x75: {  	_ =	shalt  }
0x76: {  	_ =	shalt  }
0x77: {  	_ =	shalt  }
0x78: {  	_ =	shalt  }
0x79: {  	_ =	shalt  }
0x7a: {  	_ =	shalt  }
0x7b: {  	_ =	shalt  }
0x7c: {  	_ =	shalt  }
0x7d: {  	_ =	shalt  }
0x7e: {  	_ =	shalt  }
0x7f: {  	_ =	shalt  }
0x80: {  	_ =	shalt  }
0x81: {  	_ =	shalt  }
0x82: {  	_ =	shalt  }
0x83: {  	_ =	shalt  }
0x84: {  	_ =	shalt  }
0x85: {  	_ =	shalt  }
0x86: {  	_ =	shalt  }
0x87: {  	_ =	shalt  }
.Lfunc_end0:
.L_simem_size_0:
called_computation.2_lowered:
.L_overlay_start_0:
0x88: {  	s2 =	sld [smem:$0x3FD9]  }
0x89: {  	s3 =	sld [smem:$0x3FFE];
	_ =	sdelay $0x1  }
0x8a: {  	s1 =	srdreg.scid  }
0x8b: {  	s0 =	sand.u32 $0x1, s1  }
0x8c: {  	s17 =	sshll.u32 s0, $0xA;
	s2 =	sadd.s32 s3, s2  }
0x8d: {  	s2 =	sadd.s32 s2, s17  }
0x8e: {  	[smem:$0x3FBD] =	sst s2  }
0x8f: {  	_ = 	snop  }
0x90: {  	s2 =	sld [smem:$0x3FD0];
	(tm) =	ssettm $0x1  }
0x91: {  	s18 =	sld [smem:$0x3FFB];
	_ =	sdelay $0x3  }
0x92: {  	_ =	strace s18  }
0x93: {  	s3 =	sld [smem:$0x3FFC];
	_ =	sdelay $0x3  }
0x94: {  	_ =	strace s3  }
0x95: {  	s3 =	sld [smem:$0x3FFD];
	_ =	sdelay $0x3  }
0x96: {  	_ =	strace s3  }
0x97: {  	_ =	strace $0x8FFFFFFF  }
0x98: {  	s19 =	sld [smem:$0x3FDB];
	_ =	sdelay $0x1  }
0x99: {  	s4 =	simm.s32 $_scs_section_size  }
0x9a: {  	s5 =	simm.s32 $_size__tile_overlayer_lowered;
	s6 =	simm.s32 $_tile_overlayer_lowered  }
0x9b: {  	s22 =	simm.s32 $0x1BFF;
	s21 =	sshll.u32 s6, $0x1;
	s3 =	sadd.s32 s4, s19  }
0x9c: {  	s7 =	simm.s32 $0x0;
	s20 =	sshll.u32 s5, $0x1;
	s5 =	sadd.s32 s21, s3  }
0x9d: {  	[timem:s7], [sflag:s22] =	dma.local [hbm:s5], s20  }
0x9e: {  	_ =	swait.ge [sflag:s22], s20  }
0x9f: {  	s4 =	ssub.s32 $0x0, s20;
	[sflag:s22] =	ssyncset.done $0x0  }
0xa0: {  	[sflag:s22] =	ssyncadd.s32 s4;
	_ =	sdelay $0x1  }
0xa1: {  	s23 =	simm.s32 $0x1B8B  }
0xa2: {  	_ =	swait.ge [sflag:s23], $0x1  }
0xa3: {  	[sflag:s23] =	ssyncset.done $0x0  }
0xa4: {  	s25 =	simm.s32 $0x1B8E;
	s24 =	sld [smem:$0x3FFE];
	[sflag:s23] =	ssyncadd.s32 $0xFFFFFFFF  }
0xa5: {  	s26 =	simm.s32 $execute0_lowered;
	[smem:$0x3FD2] =	sst s25  }
0xa6: {  	s5 =	sshll.u32 s26, $0x1;
	_ =	strace $0x8000004C;
	[dreg:$0x1] =	wrdreg $0xFFFFFFFF  }
0xa7: {  	s28 =	simm.s32 $_size_execute0_lowered;
	s3 =	sadd.s32 s3, s5;
	[dreg:$0x0] =	wrdreg $0x0  }
0xa8: {  	s5 =	sshll.u32 s28, $0x1;
	[dreg:$0x2] =	wrdreg s3  }
0xa9: {  	[dreg:$0x3] =	wrdreg s5  }
0xaa: {  	[dreg:$0x4] =	wrdreg $0xC0  }
0xab: {  	_ =	task [dreg:s7], $0x5FFFF  }
0xac: {  	[dreg:$0x1] =	wrdreg $0xFFFFFFFF  }
0xad: {  	[dreg:$0x0] =	wrdreg $0x60  }
0xae: {  	[dreg:$0x2] =	wrdreg s2  }
0xaf: {  	[dreg:$0x3] =	wrdreg s24  }
0xb0: {  	[dreg:$0x4] =	wrdreg $0x0  }
0xb1: {  	[dreg:$0x5] =	wrdreg $0x9  }
0xb2: {  	_ =	task.clear_ibuf [dreg:s7], $0x6FFFF;
	_ =	strace $0x9000004C  }
0xb3: {  	s29 =	simm.s32 $0x9;
	_ =	strace $0x8000004E  }
0xb4: {  	_ =	swait.ge [sflag:s29], $0x1  }
0xb5: {  	[sflag:s29] =	ssyncadd.s32 $0xFFFFFFFF  }
0xb6: {  	_ =	strace $0x9000004E  }
0xb7: {  	_ =	sfence  }
0xb8: {  	s30 =	sld [smem:$0x0];
	_ =	sdelay $0x2  }
0xb9: {  	s31 =	sshll.u32 s1, $0xD;
	s1 =	sshrl.u32 s1, $0x2  }
0xba: {  	s3 =	sand.u32 $0x4000, s31;
	s1 =	sadd.s32 s1, s30  }
0xbb: {  	s0 =	sor.u32 s3, s0;
	s1 =	sshll.u32 s1, $0x11  }
0xbc: {  	s0 =	sor.u32 s1, s0  }
0xbd: {  	s0 =	sadd.s32 $0x8F2B, s0  }
0xbe: {  	[sflag:s0] =	ssyncadd.remote.s32 $0x1  }
0xbf: {  	_ =	sfence.sel $0xFFFF  }
0xc0: {  	[dreg:$0x0] =	wrdreg $0xFFFFFFFF;
	(pc) =	sbr.abs _section_cstart, $3  }
0xc1: {  	[dreg:$0x1] =	wrdreg $0xFFFFFFFF  }
0xc2: {  	_ =	task.clear_ibuf [dreg:s7], $0x2FFFF;
	_ =	strace $0x9FFFFFFF  }
0xc3: {  	(tm) =	ssettm $0x7FFFFFFF  }
tec
execute0_lowered:
.L_overlay_start_1:
0x0: {  	(tag) =	ssettag $0x1  }
0x1: {  	s1 =	rddreg [dreg:$0x0]  }
0x2: {  	s0 =	rddreg [dreg:$0x1]  }
0x3: {  	s2 =	rddreg [dreg:$0x2];
	s3 =	simm.s32 $0x0;
	s23 =	srdreg.scid  }
0x4: {  	s17 =	stileid.u32;
	s21 =	simm.s32 $0x9;
	s30 =	simm.s32 $0x0  }
0x5: {  	[smem:$0x7FF] =	sst s3;
	s4 =	sadd.s32 $0xCA00, s0;
	s3 =	sand.u32 $0x1, s23  }
0x6: {  	s5 =	sadd.s32 $0x2C00, s0;
	s7 =	sadd.s32 $0x17000, s0;
	s8 =	sshll.u32 s17, $0x1  }
0x7: {  	p0 =	slt.u32 s17, $0x2;
	s10 =	smul.u32 $0x13880, s17;
	s11 =	sshll.u32 s17, $0x6  }
0x8: {  	s29 =	smul.u32 $0x9C0, s17;
	s17 =	simm.s32 $0x4;
	_ =	strace $0x8000004D  }
0x9: {  	s6 =	smul.u32 $0x27100, s3;
	[dreg:$0x5] =	wrdreg s7;
	s24 =	ssub.s32 $0x2, s3  }
0xa: {  	s8 =	sor.u32 s3, s8;
	s18 =	sor.u32 $0x1C09, s11;
	s3 =	smul.u32 $0x4E0, s3  }
0xb: {  	s17 =	simm.s32 @!p0 $0x6;
	s25 =	sshrl.u32 s24, $0x1;
	s9 =	smul.u32 $0x4E, s8  }
0xc: {  	s8 =	smin.u32 s8, $0x4;
	s12 =	sadd.s32 s10, s2;
	[dreg:$0xb] =	wrdreg s17  }
0xd: {  	s10 =	sshrl.u32 s10, $0x3;
	[dreg:$0x7] =	wrdreg s18;
	s0 =	sadd.s32 s6, s0  }
0xe: {  	s7 =	ssub.s32 s24, s25;
	s6 =	simm.s32 $0x4F;
	[dreg:$0x6] =	wrdreg s12  }
0xf: {  	s31 =	sshll.u32 s8, $0x4;
	s9 =	sadd.s32 s8, s9;
	s6 =	simm.s32 @!p0 $0x4E  }
0x10: {  	s0 =	sadd.s32 $0x19800, s0;
	s7 =	smax.u32 s7, $0x1;
	s9 =	sshll.u32 s9, $0x4  }
0x11: {  	s11 =	sadd.s32 $0xFFFFFFFE, s6;
	s12 =	sadd.s32 $0xFFFFFFFD, s6;
	s13 =	sadd.s32 $0xFFFFFFFC, s6  }
0x12: {  	s14 =	sadd.s32 $0xFFFFFFFB, s6;
	s15 =	sadd.s32 $0xFFFFFFFA, s6;
	s16 =	sadd.s32 $0xFFFFFFF9, s6  }
0x13: {  	s28 =	sadd.s32 $0xFFFFFFF8, s6;
	[dreg:$0xa] =	wrdreg s7;
	s0 =	sadd.s32 s10, s0  }
0x14: {  	s26 =	sadd.s32 s4, s9;
	s9 =	sadd.s32 s5, s9;
	[dreg:$0x4] =	wrdreg s28  }
0x15: {  	s4 =	sadd.s32 s29, s4;
	s5 =	sadd.s32 s29, s5;
	[dreg:$0xc] =	wrdreg s0  }
0x16: {  	[dreg:$0x8] =	wrdreg s26;
	s4 =	sadd.s32 s3, s4;
	s3 =	sadd.s32 s3, s5  }
0x17: {  	[dreg:$0x9] =	wrdreg s9;
	s19 =	sadd.s32 s31, s4;
	s20 =	sadd.s32 s31, s3  }
.LBB2_1:
0x18: {  	s0 =	rddreg [dreg:$0x6]  }
0x19: {  	s10 =	rddreg [dreg:$0x5];
	s17 =	simm.s32 $0x0  }
0x1a: {  	s4 =	simm.s32 $0x13880;
	s5 =	simm.s32 $0x13B80;
	s3 =	sshrl.u32 s0, $0x3  }
0x1b: {  	s23 =	simm.s32 $0x80;
	s24 =	simm.s32 $0x13E80;
	[dreg:$0xd] =	wrdreg s3  }
0x1c: {  	[spmem:s3], [sflag:s18] =	dma.local [hbm:s10], $0x2710  }
0x1d: {  	s25 =	simm.s32 $0x13900;
	s26 =	simm.s32 $0x17E80;
	_ =	swait.ge [sflag:s21], $0x2710  }
0x1e: {  	p5 =	sle.u32 s6, $0x0;
	p1 =	sle.u32 s6, $0x5;
	[sflag:s21] =	ssyncset.done $0x0  }
0x1f: {  	s7 =	simm.s32 $0x1;
	s18 =	rddreg [dreg:$0x8];
	[sflag:s21] =	ssyncadd.s32 $0xFFFFD8F0  }
0x20: {  	[tilespmem:s4], [sflag:$0x9] =	stream.linear.gather [hbm4b:s18+s17], $0x180, $0x38;
	[tilespmem:$0x1FE80] =	vst v63  }
0x21: {  	s9 =	simm.s32 $0xC0;
	s29 =	simm.s32 $0x9;
	_ =	swait.ge [sflag:s21], $0x180  }
0x22: {  	s28 =	simm.s32 $0x0;
	p0 =	por @!p5 $0x1, $0x1;
	[sflag:s21] =	ssyncset.done $0x0  }
0x23: {  	p6 =	por p0, p5;
	s22 =	rddreg [dreg:$0x9];
	[sflag:s21] =	ssyncadd.s32 $0xFFFFFE80  }
0x24: {  	[tilespmem:s5], [sflag:$0x9] =	stream.linear.gather [hbm4b:s22+s17], $0x180, $0x38;
	[tilespmem:$0x1FE80] =	vst v63  }
0x25: {  	s0 =	simm.s32 $0x60;
	p2 =	sle.u32 @!p6 s11, $0x0;
	_ =	swait.ge [sflag:s21], $0x180  }
0x26: {  	p0 =	por @!p5 p2, p0;
	p2 =	sle.u32 @!p1 s16, $0x0;
	[sflag:s21] =	ssyncset.done $0x0  }
0x27: {  	s8 =	simm.s32 @!p5 $0x80;
	p2 =	por p2, p2;
	[sflag:s21] =	ssyncadd.s32 $0xFFFFFE80  }
0x28: {  	[tilespmem:s24], [sflag:$0x1] =	stream.indirect.gather [hbm4b:s1+s23], $0x80, s4, s23, $0xb8;
	[tilespmem:$0x1FE80] =	vst v63  }
0x29: {  	p3 =	por p1, p1;
	s3 =	simm.s32 $0x4;
	s4 =	simm.s32 @!p2 $0x0  }
0x2a: {  	[tilespmem:s26], [sflag:$0x2] =	stream.indirect.gather [hbm4b:s1+s23], $0x80, s25, s23, $0xb8;
	[tilespmem:$0x1FE80] =	vst v63  }
0x2b: {  	p0 =	por p0, p5;
	s4 =	simm.s32 @p2 $0x1;
	[bflag:$0x0] =	sbarrier.arrive $0xFFFF  }
0x2c: {  	s10 =	simm.s32 @!p5 $0x1;
	s18 =	simm.s32 @!p0 $0x8;
	[smem:$0x7FB] =	sst s4  }
0x2d: {  	s5 =	simm.s32 $0x3;
	s17 =	simm.s32 @!p5 $0x13B80;
	_ =	swait.ge @!p0 [sflag:s18], $0x80  }
0x2e: {  	s24 =	simm.s32 @!p6 $0x6;
	p2 =	sle.u32 @!p5 s12, $0x0;
	[sflag:s18] =	ssyncset.done @!p0 $0x0  }
0x2f: {  	s25 =	simm.s32 @!p5 $0x13E80;
	p1 =	por p2, p5;
	[sflag:s18] =	ssyncadd.s32 @!p0 $0xFFFFFF80  }
0x30: {  	p2 =	sle.u32 s6, $0xB;
	s23 =	simm.s32 $0xA;
	_ =	swait.ge @!p0 [sflag:s18], $0x80  }
0x31: {  	s22 =	sadd.s32 @!p1 $0x0, s19;
	s26 =	simm.s32 @!p2 $0x0;
	[sflag:s18] =	ssyncset.done @!p0 $0x0  }
0x32: {  	s4 =	simm.s32 $0x6;
	s31 =	sadd.s32 @!p1 $0x30, s22;
	[sflag:s18] =	ssyncadd.s32 @!p0 $0xFFFFFF80  }
0x33: {  	s26 =	simm.s32 @p2 $0x1;
	p0 =	sle.u32 @!p2 s16, $0x6;
	_ =	swait.ge @!p5 [sflag:s10], $0x4000  }
0x34: {  	s18 =	sadd.s32 @!p1 $0x0, s20;
	[smem:$0x7FC] =	sst s26;
	s26 =	simm.s32 @!p0 $0x0  }
0x35: {  	s22 =	simm.s32 $0x7;
	s18 =	sadd.s32 @!p1 $0x30, s18;
	s26 =	simm.s32 @p0 $0x1  }
0x36: {  	[sflag:s10] =	ssyncset.done @!p5 $0x0;
	[smem:$0x7FD] =	sst s26;
	s26 =	simm.s32 $0x0  }
.LBB2_2:
0x37: {  	[sflag:s10] =	ssyncadd.s32 @!p5 $0xFFFFC000  }
0x38: {  	p0 =	sge.u32 @!p5 s28, s11;
	p4 =	sge.u32 s7, s6;
	s10 =	smov.u32 s9  }
0x39: {  	[spmem:s2] =	stream.indirect.scatter.add.f32 @!p5 [tilespmem:s25], [sflag:$0x4], $0x80, s17, s8, $0xb8;
	[tilespmem:$0x1FE80] =	vst v63  }
0x3a: {  	s7 =	smov.u32 s22;
	s9 =	sadd.s32 $0x60, s9;
	_ =	swait.ge @!p6 [sflag:s24], $0x4000  }
0x3b: {  	s22 =	simm.s32 @!p1 $0x13A00;
	p0 =	por p0, p5;
	[sflag:s24] =	ssyncset.done @!p6 $0x0  }
0x3c: {  	s17 =	simm.s32 @!p1 $0x0;
	p5 =	sne.s32 s9, $0x540;
	[sflag:s24] =	ssyncadd.s32 @!p6 $0xFFFFC000  }
0x3d: {  	[tilespmem:s22], [sflag:$0x7] =	stream.linear.gather @!p1 [hbm4b:s31+s17], $0x80, $0x38;
	[tilespmem:$0x1FE80] =	vst v63  }
0x3e: {  	s22 =	simm.s32 @!p5 $0x0  }
0x3f: {  	s8 =	simm.s32 @!p1 $0x13D00;
	p2 =	sge.u32 @!p4 s28, s12;
	s22 =	simm.s32 @p5 $0x1  }
0x40: {  	p5 =	por p2, p4;
	[smem:$0x7FA] =	sst s22;
	s22 =	simm.s32 @!p0 $0x1BE80  }
0x41: {  	[tilespmem:s8], [sflag:$0x7] =	stream.linear.gather @!p1 [hbm4b:s18+s17], $0x80, $0x38;
	[tilespmem:$0x1FE80] =	vst v63  }
0x42: {  	s8 =	simm.s32 @!p0 $0x80;
	s17 =	simm.s32 @!p0 $0x13980;
	s18 =	simm.s32 @!p5 $0x7  }
0x43: {  	[tilespmem:s22], [sflag:$0x3] =	stream.indirect.gather @!p0 [hbm4b:s1+s8], $0x80, s17, s8, $0xb8;
	[tilespmem:$0x1FE80] =	vst v63  }
0x44: {  	_ =	swait.ge @!p5 [sflag:s18], $0x80  }
0x45: {  	[sflag:s18] =	ssyncset.done @!p5 $0x0  }
0x46: {  	[sflag:s18] =	ssyncadd.s32 @!p5 $0xFFFFFF80  }
0x47: {  	_ =	swait.ge @!p5 [sflag:s18], $0x80  }
0x48: {  	[sflag:s18] =	ssyncset.done @!p5 $0x0  }
0x49: {  	s8 =	simm.s32 @!p4 $0x2;
	[sflag:s18] =	ssyncadd.s32 @!p5 $0xFFFFFF80  }
0x4a: {  	s24 =	simm.s32 @!p4 $0x13C00;
	p0 =	sge.u32 @!p4 s28, s13;
	_ =	swait.ge @!p4 [sflag:s8], $0x4000  }
0x4b: {  	s17 =	simm.s32 @!p4 $0x17E80;
	p1 =	por p0, p4;
	[sflag:s8] =	ssyncset.done @!p4 $0x0  }
0x4c: {  	s22 =	simm.s32 @!p4 $0x80;
	[sflag:s8] =	ssyncadd.s32 @!p4 $0xFFFFC000;
	s8 =	sadd.s32 @!p1 s26, s19  }
0x4d: {  	[spmem:s2] =	stream.indirect.scatter.add.f32 @!p4 [tilespmem:s17], [sflag:$0x5], $0x80, s24, s22, $0xb8;
	[tilespmem:$0x1FE80] =	vst v63  }
0x4e: {  	s25 =	simm.s32 @!p1 $0x13D80;
	s18 =	simm.s32 @!p4 $0x4;
	s8 =	sadd.s32 @!p1 $0x40, s8  }
0x4f: {  	s17 =	simm.s32 @!p1 $0x13A80;
	s24 =	sadd.s32 $0x2, s28;
	_ =	swait.ge @!p4 [sflag:s18], $0x4000  }
0x50: {  	s22 =	sadd.s32 @!p1 s26, s20;
	p0 =	sge.u32 s24, s6;
	[sflag:s18] =	ssyncset.done @!p4 $0x0  }
0x51: {  	p2 =	sge.u32 @!p0 s28, s13;
	[sflag:s18] =	ssyncadd.s32 @!p4 $0xFFFFC000;
	s18 =	simm.s32 @!p1 $0x0  }
0x52: {  	[tilespmem:s17], [sflag:$0x8] =	stream.linear.gather @!p1 [hbm4b:s8+s18], $0x80, $0x38;
	[tilespmem:$0x1FE80] =	vst v63  }
0x53: {  	s22 =	sadd.s32 @!p1 $0x40, s22;
	p4 =	por p2, p0;
	s8 =	simm.s32 @!p5 $0x80  }
0x54: {  	[tilespmem:s25], [sflag:$0x8] =	stream.linear.gather @!p1 [hbm4b:s22+s18], $0x80, $0x38;
	[tilespmem:$0x1FE80] =	vst v63  }
0x55: {  	s17 =	simm.s32 @!p5 $0x13A00;
	s18 =	simm.s32 @!p5 $0x13E80;
	s22 =	simm.s32 @!p4 $0x8  }
0x56: {  	[tilespmem:s18], [sflag:$0x1] =	stream.indirect.gather @!p5 [hbm4b:s1+s8], $0x80, s17, s8, $0xb8;
	[tilespmem:$0x1FE80] =	vst v63  }
0x57: {  	_ =	swait.ge @!p4 [sflag:s22], $0x80  }
0x58: {  	[sflag:s22] =	ssyncset.done @!p4 $0x0  }
0x59: {  	[sflag:s22] =	ssyncadd.s32 @!p4 $0xFFFFFF80  }
0x5a: {  	_ =	swait.ge @!p4 [sflag:s22], $0x80  }
0x5b: {  	p6 =	sge.u32 s5, s6;
	[sflag:s22] =	ssyncset.done @!p4 $0x0  }
0x5c: {  	p2 =	sge.u32 @!p0 s28, s14;
	s8 =	simm.s32 @!p0 $0x3;
	[sflag:s22] =	ssyncadd.s32 @!p4 $0xFFFFFF80  }
0x5d: {  	s5 =	simm.s32 @!p0 $0x1BE80;
	p2 =	por p2, p0;
	_ =	swait.ge @!p0 [sflag:s8], $0x4000  }
0x5e: {  	p1 =	sge.u32 @!p6 s28, s14;
	s17 =	simm.s32 @!p0 $0x13C80;
	[sflag:s8] =	ssyncset.done @!p0 $0x0  }
0x5f: {  	s18 =	simm.s32 @!p0 $0x80;
	[sflag:s8] =	ssyncadd.s32 @!p0 $0xFFFFC000;
	s8 =	simm.s32 @!p0 $0x5  }
0x60: {  	[spmem:s2] =	stream.indirect.scatter.add.f32 @!p0 [tilespmem:s5], [sflag:$0x6], $0x80, s17, s18, $0xb8;
	[tilespmem:$0x1FE80] =	vst v63  }
0x61: {  	p1 =	por p1, p6;
	s5 =	sadd.s32 @!p2 s26, s19;
	_ =	swait.ge @!p0 [sflag:s8], $0x4000  }
0x62: {  	s17 =	simm.s32 @!p2 $0x13B00;
	s18 =	simm.s32 @!p2 $0x0;
	[sflag:s8] =	ssyncset.done @!p0 $0x0  }
0x63: {  	s5 =	sadd.s32 @!p2 $0x50, s5;
	[sflag:s8] =	ssyncadd.s32 @!p0 $0xFFFFC000;
	s8 =	sadd.s32 @!p2 s26, s20  }
0x64: {  	[tilespmem:s17], [sflag:$0x7] =	stream.linear.gather @!p2 [hbm4b:s5+s18], $0x80, $0x38;
	[tilespmem:$0x1FE80] =	vst v63  }
0x65: {  	s22 =	simm.s32 @!p2 $0x13E00;
	s5 =	sadd.s32 @!p2 $0x50, s8;
	s8 =	simm.s32 @!p4 $0x80  }
0x66: {  	[tilespmem:s22], [sflag:$0x7] =	stream.linear.gather @!p2 [hbm4b:s5+s18], $0x80, $0x38;
	[tilespmem:$0x1FE80] =	vst v63  }
0x67: {  	s17 =	simm.s32 @!p4 $0x13A80;
	s5 =	simm.s32 @!p4 $0x17E80;
	s18 =	simm.s32 @!p1 $0x7  }
0x68: {  	[tilespmem:s5], [sflag:$0x2] =	stream.indirect.gather @!p4 [hbm4b:s1+s8], $0x80, s17, s8, $0xb8;
	[tilespmem:$0x1FE80] =	vst v63  }
0x69: {  	_ =	swait.ge @!p1 [sflag:s18], $0x80  }
0x6a: {  	[sflag:s18] =	ssyncset.done @!p1 $0x0  }
0x6b: {  	[sflag:s18] =	ssyncadd.s32 @!p1 $0xFFFFFF80  }
0x6c: {  	_ =	swait.ge @!p1 [sflag:s18], $0x80  }
0x6d: {  	p0 =	sge.u32 @!p6 s28, s15;
	[sflag:s18] =	ssyncset.done @!p1 $0x0  }
0x6e: {  	p0 =	por p0, p6;
	s8 =	simm.s32 @!p6 $0x1;
	[sflag:s18] =	ssyncadd.s32 @!p1 $0xFFFFFF80  }
0x6f: {  	s22 =	simm.s32 @!p0 $0x13B80;
	s17 =	simm.s32 @!p6 $0x13D00;
	_ =	swait.ge @!p6 [sflag:s8], $0x4000  }
0x70: {  	p4 =	sge.u32 s3, s6;
	s3 =	simm.s32 @!p6 $0x13E80;
	[sflag:s8] =	ssyncset.done @!p6 $0x0  }
0x71: {  	s18 =	simm.s32 @!p6 $0x80;
	[sflag:s8] =	ssyncadd.s32 @!p6 $0xFFFFC000;
	s8 =	simm.s32 @!p6 $0x6  }
0x72: {  	[spmem:s2] =	stream.indirect.scatter.add.f32 @!p6 [tilespmem:s3], [sflag:$0x4], $0x80, s17, s18, $0xb8;
	[tilespmem:$0x1FE80] =	vst v63  }
0x73: {  	p2 =	sge.u32 @!p4 s28, s15;
	s3 =	sadd.s32 @!p0 s26, s19;
	_ =	swait.ge @!p6 [sflag:s8], $0x4000  }
0x74: {  	s17 =	simm.s32 @!p0 $0x13880;
	s18 =	simm.s32 @!p0 $0x0;
	[sflag:s8] =	ssyncset.done @!p6 $0x0  }
0x75: {  	s3 =	sadd.s32 @!p0 $0x60, s3;
	[sflag:s8] =	ssyncadd.s32 @!p6 $0xFFFFC000;
	s8 =	sadd.s32 @!p0 s26, s20  }
0x76: {  	[tilespmem:s17], [sflag:$0x8] =	stream.linear.gather @!p0 [hbm4b:s3+s18], $0x80, $0x38;
	[tilespmem:$0x1FE80] =	vst v63  }
0x77: {  	p5 =	por p2, p4;
	s3 =	sadd.s32 @!p0 $0x60, s8;
	s8 =	simm.s32 @!p1 $0x80  }
0x78: {  	[tilespmem:s22], [sflag:$0x8] =	stream.linear.gather @!p0 [hbm4b:s3+s18], $0x80, $0x38;
	[tilespmem:$0x1FE80] =	vst v63  }
0x79: {  	s17 =	simm.s32 @!p1 $0x13B00;
	s3 =	simm.s32 @!p1 $0x1BE80;
	s18 =	simm.s32 @!p5 $0x8  }
0x7a: {  	[tilespmem:s3], [sflag:$0x3] =	stream.indirect.gather @!p1 [hbm4b:s1+s8], $0x80, s17, s8, $0xb8;
	[tilespmem:$0x1FE80] =	vst v63  }
0x7b: {  	_ =	swait.ge @!p5 [sflag:s18], $0x80  }
0x7c: {  	[sflag:s18] =	ssyncset.done @!p5 $0x0  }
0x7d: {  	[sflag:s18] =	ssyncadd.s32 @!p5 $0xFFFFFF80  }
0x7e: {  	_ =	swait.ge @!p5 [sflag:s18], $0x80  }
0x7f: {  	[sflag:s18] =	ssyncset.done @!p5 $0x0;
	s22 =	sld [smem:$0x7FD]  }
0x80: {  	[sflag:s18] =	ssyncadd.s32 @!p5 $0xFFFFFF80;
	s18 =	sld [smem:$0x7FB];
	_ =	sdelay $0x2  }
0x81: {  	p2 =	seq.s32 s22, $0x1;
	p6 =	seq.s32 s18, $0x1  }
0x82: {  	p1 =	por p6, p3;
	p6 =	por p2, p2  }
0x83: {  	s17 =	simm.s32 @!p6 $0x0  }
0x84: {  	s17 =	simm.s32 @p6 $0x1  }
0x85: {  	p0 =	sge.u32 @!p4 s28, s16;
	s8 =	simm.s32 @!p4 $0x2;
	[smem:$0x7FB] =	sst s17  }
0x86: {  	p0 =	por p0, p4;
	s3 =	smov.u32 s23;
	_ =	swait.ge @!p4 [sflag:s8], $0x4000  }
0x87: {  	s23 =	simm.s32 @!p4 $0x13D80;
	s22 =	simm.s32 @!p4 $0x80;
	[sflag:s8] =	ssyncset.done @!p4 $0x0  }
0x88: {  	s17 =	simm.s32 @!p4 $0x17E80;
	[sflag:s8] =	ssyncadd.s32 @!p4 $0xFFFFC000;
	s8 =	simm.s32 @!p4 $0x4  }
0x89: {  	[spmem:s2] =	stream.indirect.scatter.add.f32 @!p4 [tilespmem:s17], [sflag:$0x5], $0x80, s23, s22, $0xb8;
	[tilespmem:$0x1FE80] =	vst v63  }
0x8a: {  	s17 =	sadd.s32 @!p0 s26, s19;
	_ =	swait.ge @!p4 [sflag:s8], $0x4000  }
0x8b: {  	s22 =	simm.s32 @!p0 $0x13900;
	s23 =	simm.s32 @!p0 $0x0;
	[sflag:s8] =	ssyncset.done @!p4 $0x0  }
0x8c: {  	s17 =	sadd.s32 @!p0 $0x70, s17;
	[sflag:s8] =	ssyncadd.s32 @!p4 $0xFFFFC000;
	s8 =	sadd.s32 @!p0 s26, s20  }
0x8d: {  	[tilespmem:s22], [sflag:$0x7] =	stream.linear.gather @!p0 [hbm4b:s17+s23], $0x80, $0x38;
	[tilespmem:$0x1FE80] =	vst v63  }
0x8e: {  	s24 =	simm.s32 @!p0 $0x13C00;
	s18 =	simm.s32 @!p5 $0x13E80;
	s8 =	sadd.s32 @!p0 $0x70, s8  }
0x8f: {  	[tilespmem:s24], [sflag:$0x7] =	stream.linear.gather @!p0 [hbm4b:s8+s23], $0x80, $0x38;
	[tilespmem:$0x1FE80] =	vst v63  }
0x90: {  	s17 =	simm.s32 @!p5 $0x80;
	s22 =	simm.s32 @!p5 $0x13880;
	s8 =	simm.s32 @!p1 $0x7  }
0x91: {  	[tilespmem:s18], [sflag:$0x1] =	stream.indirect.gather @!p5 [hbm4b:s1+s17], $0x80, s22, s17, $0xb8;
	[tilespmem:$0x1FE80] =	vst v63  }
0x92: {  	_ =	swait.ge @!p1 [sflag:s8], $0x80  }
0x93: {  	[sflag:s8] =	ssyncset.done @!p1 $0x0  }
0x94: {  	[sflag:s8] =	ssyncadd.s32 @!p1 $0xFFFFFF80  }
0x95: {  	_ =	swait.ge @!p1 [sflag:s8], $0x80  }
0x96: {  	[sflag:s8] =	ssyncset.done @!p1 $0x0  }
0x97: {  	s18 =	simm.s32 @!p3 $0x3;
	[sflag:s8] =	ssyncadd.s32 @!p1 $0xFFFFFF80  }
0x98: {  	s23 =	simm.s32 @!p3 $0x80;
	p5 =	sge.u32 s4, s6;
	_ =	swait.ge @!p3 [sflag:s18], $0x4000  }
0x99: {  	s22 =	simm.s32 @!p3 $0x13E00;
	p0 =	seq.s32 @!p5 s0, $0x0;
	[sflag:s18] =	ssyncset.done @!p3 $0x0  }
0x9a: {  	s8 =	simm.s32 @!p3 $0x1BE80;
	[sflag:s18] =	ssyncadd.s32 @!p3 $0xFFFFC000;
	s18 =	simm.s32 @!p3 $0x5  }
0x9b: {  	[spmem:s2] =	stream.indirect.scatter.add.f32 @!p3 [tilespmem:s8], [sflag:$0x6], $0x80, s22, s23, $0xb8;
	[tilespmem:$0x1FE80] =	vst v63  }
0x9c: {  	p6 =	por p0, p5;
	_ =	swait.ge @!p3 [sflag:s18], $0x4000  }
0x9d: {  	p2 =	sge.u32 @!p6 s4, s11;
	s8 =	rddreg [dreg:$0x4]  }
0x9e: {  	s5 =	smov.u32 s29;
	p0 =	por @!p5 p2, p0;
	p2 =	sge.u32 @!p3 s28, s8  }
0x9f: {  	p0 =	por p0, p5;
	[sflag:s18] =	ssyncset.done @!p3 $0x0;
	p2 =	por p2, p3  }
0xa0: {  	[sflag:s18] =	ssyncadd.s32 @!p3 $0xFFFFC000;
	s23 =	sadd.s32 @!p2 s26, s19;
	s24 =	simm.s32 @!p2 $0x0  }
0xa1: {  	s29 =	simm.s32 @!p2 $0x13980;
	s18 =	sadd.s32 @!p2 $0x80, s23;
	s23 =	sadd.s32 @!p2 s26, s20  }
0xa2: {  	[tilespmem:s29], [sflag:$0x8] =	stream.linear.gather @!p2 [hbm4b:s18+s24], $0x80, $0x38;
	[tilespmem:$0x1FE80] =	vst v63  }
0xa3: {  	s22 =	simm.s32 @!p1 $0x13900;
	s18 =	sadd.s32 @!p2 $0x80, s23;
	s23 =	simm.s32 @!p2 $0x13C80  }
0xa4: {  	[tilespmem:s23], [sflag:$0x8] =	stream.linear.gather @!p2 [hbm4b:s18+s24], $0x80, $0x38;
	[tilespmem:$0x1FE80] =	vst v63  }
0xa5: {  	s8 =	simm.s32 @!p1 $0x17E80;
	s29 =	simm.s32 @!p1 $0x80;
	s18 =	simm.s32 @!p0 $0x8  }
0xa6: {  	[tilespmem:s8], [sflag:$0x2] =	stream.indirect.gather @!p1 [hbm4b:s1+s29], $0x80, s22, s29, $0xb8;
	[tilespmem:$0x1FE80] =	vst v63  }
0xa7: {  	_ =	swait.ge @!p0 [sflag:s18], $0x80  }
0xa8: {  	p4 =	sge.u32 @!p5 s4, s12;
	[sflag:s18] =	ssyncset.done @!p0 $0x0  }
0xa9: {  	s28 =	smov.u32 s4;
	s23 =	sld [smem:$0x7FC];
	[sflag:s18] =	ssyncadd.s32 @!p0 $0xFFFFFF80  }
0xaa: {  	s4 =	sadd.s32 $0x6, s4;
	s26 =	smov.u32 s0;
	_ =	swait.ge @!p0 [sflag:s18], $0x80  }
0xab: {  	s0 =	smov.u32 s10;
	s10 =	simm.s32 @!p5 $0x1;
	[sflag:s18] =	ssyncset.done @!p0 $0x0  }
0xac: {  	s22 =	sadd.s32 $0x5, s4;
	p2 =	seq.s32 s23, $0x1;
	[sflag:s18] =	ssyncadd.s32 @!p0 $0xFFFFFF80  }
0xad: {  	p3 =	por p2, p2;
	p2 =	sge.u32 s22, s6;
	_ =	swait.ge @!p5 [sflag:s10], $0x4000  }
0xae: {  	[smem:$0x7F9] =	sst s0;
	s0 =	simm.s32 @!p2 $0x0  }
0xaf: {  	s0 =	simm.s32 @p2 $0x1  }
0xb0: {  	[smem:$0x7FC] =	sst s0  }
0xb1: {  	s0 =	sld [smem:$0x7F9];
	_ =	sdelay $0x1  }
0xb2: {  	p0 =	sge.u32 @!p2 s4, s16  }
0xb3: {  	[smem:$0x7F9] =	sst s0;
	s0 =	simm.s32 @!p0 $0x0  }
0xb4: {  	s0 =	simm.s32 @p0 $0x1  }
0xb5: {  	[smem:$0x7FD] =	sst s0  }
0xb6: {  	s0 =	sld [smem:$0x7F9];
	_ =	sdelay $0x2  }
0xb7: {  	[sflag:s10] =	ssyncset.done @!p5 $0x0;
	[smem:$0x7F9] =	sst s0  }
0xb8: {  	s0 =	sld [smem:$0x7FA];
	_ =	sdelay $0x2  }
0xb9: {  	p0 =	seq.s32 s0, $0x1  }
.Ltmp0:
0xba: {  	s17 =	simm.s32 @!p5 $0x13B80;
	(pc) =	sbr.rel @p0 .LBB2_2-.Ltmp0, $4  }
0xbb: {  	s25 =	simm.s32 @!p5 $0x13E80;
	s24 =	simm.s32 @!p6 $0x6;
	p1 =	por p4, p5  }
0xbc: {  	s8 =	simm.s32 @!p5 $0x80;
	s29 =	sadd.s32 $0x3, s4;
	s23 =	sadd.s32 @!p1 s26, s19  }
0xbd: {  	s31 =	sadd.s32 @!p1 $0x30, s23;
	s22 =	sadd.s32 $0x1, s4;
	s18 =	sadd.s32 @!p1 s26, s20  }
0xbe: {  	s23 =	sadd.s32 $0x4, s4;
	s18 =	sadd.s32 @!p1 $0x30, s18;
	s0 =	sld [smem:$0x7F9]  }
0xbf: {  	[sflag:s10] =	ssyncadd.s32 @!p5 $0xFFFFC000  }
0xc0: {  	[spmem:s2] =	stream.indirect.scatter.add.f32 @!p5 [tilespmem:s25], [sflag:$0x4], $0x80, s17, s8, $0xb8;
	[tilespmem:$0x1FE80] =	vst v63  }
0xc1: {  	s9 =	simm.s32 @!p1 $0x13A00;
	p0 =	sge.u32 @!p5 s28, s11;
	_ =	swait.ge @!p6 [sflag:s24], $0x4000  }
0xc2: {  	p4 =	sge.u32 s7, s6;
	s8 =	simm.s32 @!p1 $0x0;
	[sflag:s24] =	ssyncset.done @!p6 $0x0  }
0xc3: {  	p2 =	por p0, p5;
	p0 =	sge.u32 @!p4 s28, s12;
	[sflag:s24] =	ssyncadd.s32 @!p6 $0xFFFFC000  }
0xc4: {  	[tilespmem:s9], [sflag:$0x7] =	stream.linear.gather @!p1 [hbm4b:s31+s8], $0x80, $0x38;
	[tilespmem:$0x1FE80] =	vst v63  }
0xc5: {  	s7 =	simm.s32 @!p1 $0x13D00;
	p0 =	por p0, p4  }
0xc6: {  	[tilespmem:s7], [sflag:$0x7] =	stream.linear.gather @!p1 [hbm4b:s18+s8], $0x80, $0x38;
	[tilespmem:$0x1FE80] =	vst v63  }
0xc7: {  	s9 =	simm.s32 @!p2 $0x13980;
	s7 =	simm.s32 @!p2 $0x1BE80;
	s8 =	simm.s32 @!p2 $0x80  }
0xc8: {  	[tilespmem:s7], [sflag:$0x3] =	stream.indirect.gather @!p2 [hbm4b:s1+s8], $0x80, s9, s8, $0xb8;
	[tilespmem:$0x1FE80] =	vst v63  }
0xc9: {  	s7 =	simm.s32 @!p0 $0x7  }
0xca: {  	_ =	swait.ge @!p0 [sflag:s7], $0x80  }
0xcb: {  	[sflag:s7] =	ssyncset.done @!p0 $0x0  }
0xcc: {  	[sflag:s7] =	ssyncadd.s32 @!p0 $0xFFFFFF80  }
0xcd: {  	_ =	swait.ge @!p0 [sflag:s7], $0x80  }
0xce: {  	[sflag:s7] =	ssyncset.done @!p0 $0x0  }
0xcf: {  	s8 =	simm.s32 @!p4 $0x2;
	[sflag:s7] =	ssyncadd.s32 @!p0 $0xFFFFFF80  }
0xd0: {  	_ =	swait.ge @!p4 [sflag:s8], $0x4000  }
0xd1: {  	s9 =	simm.s32 @!p4 $0x80;
	[sflag:s8] =	ssyncset.done @!p4 $0x0  }
0xd2: {  	s7 =	simm.s32 @!p4 $0x17E80;
	[sflag:s8] =	ssyncadd.s32 @!p4 $0xFFFFC000;
	s8 =	simm.s32 @!p4 $0x13C00  }
0xd3: {  	[spmem:s2] =	stream.indirect.scatter.add.f32 @!p4 [tilespmem:s7], [sflag:$0x5], $0x80, s8, s9, $0xb8;
	[tilespmem:$0x1FE80] =	vst v63  }
0xd4: {  	p1 =	sge.u32 @!p4 s28, s13;
	s7 =	simm.s32 @!p4 $0x4  }
0xd5: {  	p1 =	por p1, p4;
	_ =	swait.ge @!p4 [sflag:s7], $0x4000  }
0xd6: {  	s8 =	sadd.s32 @!p1 s26, s19;
	s9 =	simm.s32 @!p1 $0x13A80;
	[sflag:s7] =	ssyncset.done @!p4 $0x0  }
0xd7: {  	s8 =	sadd.s32 @!p1 $0x40, s8;
	[sflag:s7] =	ssyncadd.s32 @!p4 $0xFFFFC000;
	s7 =	simm.s32 @!p1 $0x0  }
0xd8: {  	[tilespmem:s9], [sflag:$0x8] =	stream.linear.gather @!p1 [hbm4b:s8+s7], $0x80, $0x38;
	[tilespmem:$0x1FE80] =	vst v63  }
0xd9: {  	s17 =	sadd.s32 $0x2, s28;
	s8 =	sadd.s32 @!p1 s26, s20  }
0xda: {  	p4 =	sge.u32 s17, s6;
	s9 =	simm.s32 @!p1 $0x13D80;
	s8 =	sadd.s32 @!p1 $0x40, s8  }
0xdb: {  	[tilespmem:s9], [sflag:$0x8] =	stream.linear.gather @!p1 [hbm4b:s8+s7], $0x80, $0x38;
	[tilespmem:$0x1FE80] =	vst v63  }
0xdc: {  	s7 =	simm.s32 @!p0 $0x80;
	p1 =	sge.u32 @!p4 s28, s13  }
0xdd: {  	s8 =	simm.s32 @!p0 $0x13A00;
	s9 =	simm.s32 @!p0 $0x13E80;
	p1 =	por p1, p4  }
0xde: {  	[tilespmem:s9], [sflag:$0x1] =	stream.indirect.gather @!p0 [hbm4b:s1+s7], $0x80, s8, s7, $0xb8;
	[tilespmem:$0x1FE80] =	vst v63  }
0xdf: {  	s7 =	simm.s32 @!p1 $0x8  }
0xe0: {  	_ =	swait.ge @!p1 [sflag:s7], $0x80  }
0xe1: {  	[sflag:s7] =	ssyncset.done @!p1 $0x0  }
0xe2: {  	[sflag:s7] =	ssyncadd.s32 @!p1 $0xFFFFFF80  }
0xe3: {  	_ =	swait.ge @!p1 [sflag:s7], $0x80  }
0xe4: {  	[sflag:s7] =	ssyncset.done @!p1 $0x0  }
0xe5: {  	s8 =	simm.s32 @!p4 $0x3;
	[sflag:s7] =	ssyncadd.s32 @!p1 $0xFFFFFF80  }
0xe6: {  	_ =	swait.ge @!p4 [sflag:s8], $0x4000  }
0xe7: {  	s9 =	simm.s32 @!p4 $0x1BE80;
	[sflag:s8] =	ssyncset.done @!p4 $0x0  }
0xe8: {  	s7 =	simm.s32 @!p4 $0x13C80;
	[sflag:s8] =	ssyncadd.s32 @!p4 $0xFFFFC000;
	s8 =	simm.s32 @!p4 $0x80  }
0xe9: {  	[spmem:s2] =	stream.indirect.scatter.add.f32 @!p4 [tilespmem:s9], [sflag:$0x6], $0x80, s7, s8, $0xb8;
	[tilespmem:$0x1FE80] =	vst v63  }
0xea: {  	p0 =	sge.u32 @!p4 s28, s14;
	s7 =	simm.s32 @!p4 $0x5  }
0xeb: {  	p0 =	por p0, p4;
	_ =	swait.ge @!p4 [sflag:s7], $0x4000  }
0xec: {  	s8 =	sadd.s32 @!p0 s26, s19;
	s9 =	simm.s32 @!p0 $0x13B00;
	[sflag:s7] =	ssyncset.done @!p4 $0x0  }
0xed: {  	s8 =	sadd.s32 @!p0 $0x50, s8;
	[sflag:s7] =	ssyncadd.s32 @!p4 $0xFFFFC000;
	s7 =	simm.s32 @!p0 $0x0  }
0xee: {  	[tilespmem:s9], [sflag:$0x7] =	stream.linear.gather @!p0 [hbm4b:s8+s7], $0x80, $0x38;
	[tilespmem:$0x1FE80] =	vst v63  }
0xef: {  	s8 =	sadd.s32 @!p0 s26, s20  }
0xf0: {  	p4 =	sge.u32 s5, s6;
	s5 =	simm.s32 @!p0 $0x13E00;
	s8 =	sadd.s32 @!p0 $0x50, s8  }
0xf1: {  	[tilespmem:s5], [sflag:$0x7] =	stream.linear.gather @!p0 [hbm4b:s8+s7], $0x80, $0x38;
	[tilespmem:$0x1FE80] =	vst v63  }
0xf2: {  	p0 =	sge.u32 @!p4 s28, s14;
	s5 =	simm.s32 @!p1 $0x80  }
0xf3: {  	s7 =	simm.s32 @!p1 $0x13A80;
	s8 =	simm.s32 @!p1 $0x17E80;
	p0 =	por p0, p4  }
0xf4: {  	[tilespmem:s8], [sflag:$0x2] =	stream.indirect.gather @!p1 [hbm4b:s1+s5], $0x80, s7, s5, $0xb8;
	[tilespmem:$0x1FE80] =	vst v63  }
0xf5: {  	s5 =	simm.s32 @!p0 $0x7  }
0xf6: {  	_ =	swait.ge @!p0 [sflag:s5], $0x80  }
0xf7: {  	[sflag:s5] =	ssyncset.done @!p0 $0x0  }
0xf8: {  	[sflag:s5] =	ssyncadd.s32 @!p0 $0xFFFFFF80  }
0xf9: {  	_ =	swait.ge @!p0 [sflag:s5], $0x80  }
0xfa: {  	[sflag:s5] =	ssyncset.done @!p0 $0x0  }
0xfb: {  	s7 =	simm.s32 @!p4 $0x1;
	[sflag:s5] =	ssyncadd.s32 @!p0 $0xFFFFFF80  }
0xfc: {  	_ =	swait.ge @!p4 [sflag:s7], $0x4000  }
0xfd: {  	s8 =	simm.s32 @!p4 $0x13E80;
	[sflag:s7] =	ssyncset.done @!p4 $0x0  }
0xfe: {  	s5 =	simm.s32 @!p4 $0x13D00;
	[sflag:s7] =	ssyncadd.s32 @!p4 $0xFFFFC000;
	s7 =	simm.s32 @!p4 $0x80  }
0xff: {  	[spmem:s2] =	stream.indirect.scatter.add.f32 @!p4 [tilespmem:s8], [sflag:$0x4], $0x80, s5, s7, $0xb8;
	[tilespmem:$0x1FE80] =	vst v63  }
0x100: {  	p1 =	sge.u32 @!p4 s28, s15;
	s5 =	simm.s32 @!p4 $0x6  }
0x101: {  	p1 =	por p1, p4;
	_ =	swait.ge @!p4 [sflag:s5], $0x4000  }
0x102: {  	s7 =	sadd.s32 @!p1 s26, s19;
	s8 =	simm.s32 @!p1 $0x13880;
	[sflag:s5] =	ssyncset.done @!p4 $0x0  }
0x103: {  	s7 =	sadd.s32 @!p1 $0x60, s7;
	[sflag:s5] =	ssyncadd.s32 @!p4 $0xFFFFC000;
	s5 =	simm.s32 @!p1 $0x0  }
0x104: {  	[tilespmem:s8], [sflag:$0x8] =	stream.linear.gather @!p1 [hbm4b:s7+s5], $0x80, $0x38;
	[tilespmem:$0x1FE80] =	vst v63  }
0x105: {  	s7 =	sadd.s32 @!p1 s26, s20  }
0x106: {  	p4 =	sge.u32 s3, s6;
	s3 =	simm.s32 @!p1 $0x13B80;
	s7 =	sadd.s32 @!p1 $0x60, s7  }
0x107: {  	[tilespmem:s3], [sflag:$0x8] =	stream.linear.gather @!p1 [hbm4b:s7+s5], $0x80, $0x38;
	[tilespmem:$0x1FE80] =	vst v63  }
0x108: {  	p1 =	sge.u32 @!p4 s28, s15;
	s3 =	simm.s32 @!p0 $0x80  }
0x109: {  	s5 =	simm.s32 @!p0 $0x13B00;
	s7 =	simm.s32 @!p0 $0x1BE80;
	p1 =	por p1, p4  }
0x10a: {  	[tilespmem:s7], [sflag:$0x3] =	stream.indirect.gather @!p0 [hbm4b:s1+s3], $0x80, s5, s3, $0xb8;
	[tilespmem:$0x1FE80] =	vst v63  }
0x10b: {  	s3 =	simm.s32 @!p1 $0x8  }
0x10c: {  	_ =	swait.ge @!p1 [sflag:s3], $0x80  }
0x10d: {  	[sflag:s3] =	ssyncset.done @!p1 $0x0  }
0x10e: {  	[sflag:s3] =	ssyncadd.s32 @!p1 $0xFFFFFF80  }
0x10f: {  	_ =	swait.ge @!p1 [sflag:s3], $0x80  }
0x110: {  	[sflag:s3] =	ssyncset.done @!p1 $0x0  }
0x111: {  	s5 =	simm.s32 @!p4 $0x2;
	[sflag:s3] =	ssyncadd.s32 @!p1 $0xFFFFFF80  }
0x112: {  	_ =	swait.ge @!p4 [sflag:s5], $0x4000  }
0x113: {  	s7 =	simm.s32 @!p4 $0x80;
	p0 =	sge.u32 @!p4 s28, s16;
	[sflag:s5] =	ssyncset.done @!p4 $0x0  }
0x114: {  	s3 =	simm.s32 @!p4 $0x17E80;
	[sflag:s5] =	ssyncadd.s32 @!p4 $0xFFFFC000;
	s5 =	simm.s32 @!p4 $0x13D80  }
0x115: {  	[spmem:s2] =	stream.indirect.scatter.add.f32 @!p4 [tilespmem:s3], [sflag:$0x5], $0x80, s5, s7, $0xb8;
	[tilespmem:$0x1FE80] =	vst v63  }
0x116: {  	p2 =	por p0, p4;
	s3 =	simm.s32 @!p4 $0x4  }
0x117: {  	s5 =	sadd.s32 @!p2 s26, s19;
	_ =	swait.ge @!p4 [sflag:s3], $0x4000  }
0x118: {  	s7 =	simm.s32 @!p2 $0x13900;
	[sflag:s3] =	ssyncset.done @!p4 $0x0;
	s18 =	sld [smem:$0x7FB]  }
0x119: {  	s5 =	sadd.s32 @!p2 $0x70, s5;
	[sflag:s3] =	ssyncadd.s32 @!p4 $0xFFFFC000;
	s3 =	simm.s32 @!p2 $0x0  }
0x11a: {  	[tilespmem:s7], [sflag:$0x7] =	stream.linear.gather @!p2 [hbm4b:s5+s3], $0x80, $0x38;
	[tilespmem:$0x1FE80] =	vst v63  }
0x11b: {  	s5 =	sadd.s32 @!p2 s26, s20;
	p4 =	seq.s32 s18, $0x1  }
0x11c: {  	s7 =	simm.s32 @!p2 $0x13C00;
	s5 =	sadd.s32 @!p2 $0x70, s5;
	p0 =	por p4, p3  }
0x11d: {  	[tilespmem:s7], [sflag:$0x7] =	stream.linear.gather @!p2 [hbm4b:s5+s3], $0x80, $0x38;
	[tilespmem:$0x1FE80] =	vst v63  }
0x11e: {  	s3 =	simm.s32 @!p1 $0x13E80;
	s5 =	simm.s32 @!p1 $0x80;
	s7 =	simm.s32 @!p1 $0x13880  }
0x11f: {  	[tilespmem:s3], [sflag:$0x1] =	stream.indirect.gather @!p1 [hbm4b:s1+s5], $0x80, s7, s5, $0xb8;
	[tilespmem:$0x1FE80] =	vst v63  }
0x120: {  	s3 =	simm.s32 @!p0 $0x7  }
0x121: {  	_ =	swait.ge @!p0 [sflag:s3], $0x80  }
0x122: {  	[sflag:s3] =	ssyncset.done @!p0 $0x0  }
0x123: {  	[sflag:s3] =	ssyncadd.s32 @!p0 $0xFFFFFF80  }
0x124: {  	_ =	swait.ge @!p0 [sflag:s3], $0x80  }
0x125: {  	[sflag:s3] =	ssyncset.done @!p0 $0x0  }
0x126: {  	s5 =	simm.s32 @!p3 $0x3;
	[sflag:s3] =	ssyncadd.s32 @!p0 $0xFFFFFF80  }
0x127: {  	_ =	swait.ge @!p3 [sflag:s5], $0x4000  }
0x128: {  	s7 =	simm.s32 @!p3 $0x13E00;
	[sflag:s5] =	ssyncset.done @!p3 $0x0  }
0x129: {  	s3 =	simm.s32 @!p3 $0x1BE80;
	[sflag:s5] =	ssyncadd.s32 @!p3 $0xFFFFC000;
	s5 =	simm.s32 @!p3 $0x80  }
0x12a: {  	[spmem:s2] =	stream.indirect.scatter.add.f32 @!p3 [tilespmem:s3], [sflag:$0x6], $0x80, s7, s5, $0xb8;
	[tilespmem:$0x1FE80] =	vst v63  }
0x12b: {  	s3 =	simm.s32 @!p3 $0x5  }
0x12c: {  	_ =	swait.ge @!p3 [sflag:s3], $0x4000  }
0x12d: {  	s5 =	rddreg [dreg:$0x4]  }
0x12e: {  	[sflag:s3] =	ssyncset.done @!p3 $0x0;
	p1 =	sge.u32 @!p3 s28, s5  }
0x12f: {  	[sflag:s3] =	ssyncadd.s32 @!p3 $0xFFFFC000;
	p4 =	por p1, p3;
	p1 =	sge.u32 s4, s6  }
0x130: {  	s5 =	sadd.s32 @!p4 s26, s19;
	s7 =	simm.s32 @!p4 $0x0;
	p3 =	seq.s32 @!p1 s0, $0x0  }
0x131: {  	s3 =	simm.s32 @!p4 $0x13980;
	s5 =	sadd.s32 @!p4 $0x80, s5;
	p2 =	por p3, p1  }
0x132: {  	[tilespmem:s3], [sflag:$0x8] =	stream.linear.gather @!p4 [hbm4b:s5+s7], $0x80, $0x38;
	[tilespmem:$0x1FE80] =	vst v63  }
0x133: {  	s3 =	sadd.s32 @!p4 s26, s20;
	p5 =	sge.u32 @!p2 s4, s11  }
0x134: {  	s5 =	simm.s32 @!p4 $0x13C80;
	p3 =	por @!p1 p5, p3;
	s3 =	sadd.s32 @!p4 $0x80, s3  }
0x135: {  	[tilespmem:s5], [sflag:$0x8] =	stream.linear.gather @!p4 [hbm4b:s3+s7], $0x80, $0x38;
	[tilespmem:$0x1FE80] =	vst v63  }
0x136: {  	s3 =	simm.s32 @!p0 $0x17E80;
	s5 =	simm.s32 @!p0 $0x13900;
	s7 =	simm.s32 @!p0 $0x80  }
0x137: {  	[tilespmem:s3], [sflag:$0x2] =	stream.indirect.gather @!p0 [hbm4b:s1+s7], $0x80, s5, s7, $0xb8;
	[tilespmem:$0x1FE80] =	vst v63  }
0x138: {  	p0 =	por p3, p1  }
0x139: {  	s3 =	simm.s32 @!p0 $0x8  }
0x13a: {  	_ =	swait.ge @!p0 [sflag:s3], $0x80  }
0x13b: {  	[sflag:s3] =	ssyncset.done @!p0 $0x0  }
0x13c: {  	[sflag:s3] =	ssyncadd.s32 @!p0 $0xFFFFFF80  }
0x13d: {  	_ =	swait.ge @!p0 [sflag:s3], $0x80  }
0x13e: {  	[sflag:s3] =	ssyncset.done @!p0 $0x0  }
0x13f: {  	s5 =	simm.s32 @!p1 $0x1;
	[sflag:s3] =	ssyncadd.s32 @!p0 $0xFFFFFF80  }
0x140: {  	_ =	swait.ge @!p1 [sflag:s5], $0x4000  }
0x141: {  	s7 =	simm.s32 @!p1 $0x13E80;
	s3 =	simm.s32 @!p1 $0x13B80;
	[sflag:s5] =	ssyncset.done @!p1 $0x0  }
0x142: {  	p0 =	sge.u32 @!p1 s4, s12;
	[sflag:s5] =	ssyncadd.s32 @!p1 $0xFFFFC000;
	s5 =	simm.s32 @!p1 $0x80  }
0x143: {  	[spmem:s2] =	stream.indirect.scatter.add.f32 @!p1 [tilespmem:s7], [sflag:$0x4], $0x80, s3, s5, $0xb8;
	[tilespmem:$0x1FE80] =	vst v63  }
0x144: {  	p0 =	por p0, p1;
	s3 =	simm.s32 @!p2 $0x6  }
0x145: {  	s5 =	sadd.s32 @!p0 s0, s19;
	_ =	swait.ge @!p2 [sflag:s3], $0x4000  }
0x146: {  	s7 =	simm.s32 @!p0 $0x13A00;
	s5 =	sadd.s32 @!p0 $0x30, s5;
	[sflag:s3] =	ssyncset.done @!p2 $0x0  }
0x147: {  	[sflag:s3] =	ssyncadd.s32 @!p2 $0xFFFFC000;
	s3 =	simm.s32 @!p0 $0x0;
	p2 =	sge.u32 @!p1 s4, s11  }
0x148: {  	[tilespmem:s7], [sflag:$0x7] =	stream.linear.gather @!p0 [hbm4b:s5+s3], $0x80, $0x38;
	[tilespmem:$0x1FE80] =	vst v63  }
0x149: {  	s5 =	sadd.s32 @!p0 s0, s20;
	p2 =	por p2, p1  }
0x14a: {  	p1 =	sge.u32 s22, s6;
	s7 =	simm.s32 @!p0 $0x13D00;
	s5 =	sadd.s32 @!p0 $0x30, s5  }
0x14b: {  	[tilespmem:s7], [sflag:$0x7] =	stream.linear.gather @!p0 [hbm4b:s5+s3], $0x80, $0x38;
	[tilespmem:$0x1FE80] =	vst v63  }
0x14c: {  	p0 =	sge.u32 @!p1 s4, s12;
	s3 =	simm.s32 @!p2 $0x1BE80  }
0x14d: {  	s5 =	simm.s32 @!p2 $0x80;
	s7 =	simm.s32 @!p2 $0x13980;
	p0 =	por p0, p1  }
0x14e: {  	[tilespmem:s3], [sflag:$0x3] =	stream.indirect.gather @!p2 [hbm4b:s1+s5], $0x80, s7, s5, $0xb8;
	[tilespmem:$0x1FE80] =	vst v63  }
0x14f: {  	s3 =	simm.s32 @!p0 $0x7  }
0x150: {  	_ =	swait.ge @!p0 [sflag:s3], $0x80  }
0x151: {  	[sflag:s3] =	ssyncset.done @!p0 $0x0  }
0x152: {  	[sflag:s3] =	ssyncadd.s32 @!p0 $0xFFFFFF80  }
0x153: {  	_ =	swait.ge @!p0 [sflag:s3], $0x80  }
0x154: {  	[sflag:s3] =	ssyncset.done @!p0 $0x0  }
0x155: {  	s5 =	simm.s32 @!p1 $0x2;
	[sflag:s3] =	ssyncadd.s32 @!p0 $0xFFFFFF80  }
0x156: {  	_ =	swait.ge @!p1 [sflag:s5], $0x4000  }
0x157: {  	s7 =	simm.s32 @!p1 $0x80;
	[sflag:s5] =	ssyncset.done @!p1 $0x0  }
0x158: {  	s3 =	simm.s32 @!p1 $0x17E80;
	[sflag:s5] =	ssyncadd.s32 @!p1 $0xFFFFC000;
	s5 =	simm.s32 @!p1 $0x13C00  }
0x159: {  	[spmem:s2] =	stream.indirect.scatter.add.f32 @!p1 [tilespmem:s3], [sflag:$0x5], $0x80, s5, s7, $0xb8;
	[tilespmem:$0x1FE80] =	vst v63  }
0x15a: {  	s22 =	sadd.s32 $0x2, s4;
	p2 =	sge.u32 @!p1 s4, s13;
	s3 =	simm.s32 @!p1 $0x4  }
0x15b: {  	p3 =	por p2, p1;
	p2 =	sge.u32 s22, s6;
	_ =	swait.ge @!p1 [sflag:s3], $0x4000  }
0x15c: {  	s5 =	sadd.s32 @!p3 s0, s19;
	s7 =	simm.s32 @!p3 $0x13A80;
	[sflag:s3] =	ssyncset.done @!p1 $0x0  }
0x15d: {  	s5 =	sadd.s32 @!p3 $0x40, s5;
	[sflag:s3] =	ssyncadd.s32 @!p1 $0xFFFFC000;
	s3 =	simm.s32 @!p3 $0x0  }
0x15e: {  	[tilespmem:s7], [sflag:$0x8] =	stream.linear.gather @!p3 [hbm4b:s5+s3], $0x80, $0x38;
	[tilespmem:$0x1FE80] =	vst v63  }
0x15f: {  	p1 =	sge.u32 @!p2 s4, s13;
	s5 =	sadd.s32 @!p3 s0, s20  }
0x160: {  	s7 =	simm.s32 @!p3 $0x13D80;
	p1 =	por p1, p2;
	s5 =	sadd.s32 @!p3 $0x40, s5  }
0x161: {  	[tilespmem:s7], [sflag:$0x8] =	stream.linear.gather @!p3 [hbm4b:s5+s3], $0x80, $0x38;
	[tilespmem:$0x1FE80] =	vst v63  }
0x162: {  	s3 =	simm.s32 @!p0 $0x80;
	s5 =	simm.s32 @!p0 $0x13A00;
	s7 =	simm.s32 @!p0 $0x13E80  }
0x163: {  	[tilespmem:s7], [sflag:$0x1] =	stream.indirect.gather @!p0 [hbm4b:s1+s3], $0x80, s5, s3, $0xb8;
	[tilespmem:$0x1FE80] =	vst v63  }
0x164: {  	s3 =	simm.s32 @!p1 $0x8  }
0x165: {  	_ =	swait.ge @!p1 [sflag:s3], $0x80  }
0x166: {  	[sflag:s3] =	ssyncset.done @!p1 $0x0  }
0x167: {  	[sflag:s3] =	ssyncadd.s32 @!p1 $0xFFFFFF80  }
0x168: {  	_ =	swait.ge @!p1 [sflag:s3], $0x80  }
0x169: {  	[sflag:s3] =	ssyncset.done @!p1 $0x0  }
0x16a: {  	s5 =	simm.s32 @!p2 $0x3;
	[sflag:s3] =	ssyncadd.s32 @!p1 $0xFFFFFF80  }
0x16b: {  	_ =	swait.ge @!p2 [sflag:s5], $0x4000  }
0x16c: {  	s7 =	simm.s32 @!p2 $0x1BE80;
	[sflag:s5] =	ssyncset.done @!p2 $0x0  }
0x16d: {  	s3 =	simm.s32 @!p2 $0x13C80;
	[sflag:s5] =	ssyncadd.s32 @!p2 $0xFFFFC000;
	s5 =	simm.s32 @!p2 $0x80  }
0x16e: {  	[spmem:s2] =	stream.indirect.scatter.add.f32 @!p2 [tilespmem:s7], [sflag:$0x6], $0x80, s3, s5, $0xb8;
	[tilespmem:$0x1FE80] =	vst v63  }
0x16f: {  	p0 =	sge.u32 @!p2 s4, s14;
	s3 =	simm.s32 @!p2 $0x5  }
0x170: {  	p0 =	por p0, p2;
	_ =	swait.ge @!p2 [sflag:s3], $0x4000  }
0x171: {  	s5 =	sadd.s32 @!p0 s0, s19;
	s7 =	simm.s32 @!p0 $0x13B00;
	[sflag:s3] =	ssyncset.done @!p2 $0x0  }
0x172: {  	s5 =	sadd.s32 @!p0 $0x50, s5;
	[sflag:s3] =	ssyncadd.s32 @!p2 $0xFFFFC000;
	s3 =	simm.s32 @!p0 $0x0  }
0x173: {  	[tilespmem:s7], [sflag:$0x7] =	stream.linear.gather @!p0 [hbm4b:s5+s3], $0x80, $0x38;
	[tilespmem:$0x1FE80] =	vst v63  }
0x174: {  	s5 =	sadd.s32 @!p0 s0, s20  }
0x175: {  	p2 =	sge.u32 s29, s6;
	s7 =	simm.s32 @!p0 $0x13E00;
	s5 =	sadd.s32 @!p0 $0x50, s5  }
0x176: {  	[tilespmem:s7], [sflag:$0x7] =	stream.linear.gather @!p0 [hbm4b:s5+s3], $0x80, $0x38;
	[tilespmem:$0x1FE80] =	vst v63  }
0x177: {  	p0 =	sge.u32 @!p2 s4, s14;
	s3 =	simm.s32 @!p1 $0x80  }
0x178: {  	s5 =	simm.s32 @!p1 $0x13A80;
	s7 =	simm.s32 @!p1 $0x17E80;
	p0 =	por p0, p2  }
0x179: {  	[tilespmem:s7], [sflag:$0x2] =	stream.indirect.gather @!p1 [hbm4b:s1+s3], $0x80, s5, s3, $0xb8;
	[tilespmem:$0x1FE80] =	vst v63  }
0x17a: {  	s3 =	simm.s32 @!p0 $0x7  }
0x17b: {  	_ =	swait.ge @!p0 [sflag:s3], $0x80  }
0x17c: {  	[sflag:s3] =	ssyncset.done @!p0 $0x0  }
0x17d: {  	[sflag:s3] =	ssyncadd.s32 @!p0 $0xFFFFFF80  }
0x17e: {  	_ =	swait.ge @!p0 [sflag:s3], $0x80  }
0x17f: {  	[sflag:s3] =	ssyncset.done @!p0 $0x0  }
0x180: {  	s5 =	simm.s32 @!p2 $0x1;
	[sflag:s3] =	ssyncadd.s32 @!p0 $0xFFFFFF80  }
0x181: {  	_ =	swait.ge @!p2 [sflag:s5], $0x4000  }
0x182: {  	s7 =	simm.s32 @!p2 $0x13E80;
	[sflag:s5] =	ssyncset.done @!p2 $0x0  }
0x183: {  	s3 =	simm.s32 @!p2 $0x13D00;
	[sflag:s5] =	ssyncadd.s32 @!p2 $0xFFFFC000;
	s5 =	simm.s32 @!p2 $0x80  }
0x184: {  	[spmem:s2] =	stream.indirect.scatter.add.f32 @!p2 [tilespmem:s7], [sflag:$0x4], $0x80, s3, s5, $0xb8;
	[tilespmem:$0x1FE80] =	vst v63  }
0x185: {  	p1 =	sge.u32 @!p2 s4, s15;
	s3 =	simm.s32 @!p2 $0x6  }
0x186: {  	p1 =	por p1, p2;
	_ =	swait.ge @!p2 [sflag:s3], $0x4000  }
0x187: {  	s5 =	sadd.s32 @!p1 s0, s19;
	s7 =	simm.s32 @!p1 $0x13880;
	[sflag:s3] =	ssyncset.done @!p2 $0x0  }
0x188: {  	s5 =	sadd.s32 @!p1 $0x60, s5;
	[sflag:s3] =	ssyncadd.s32 @!p2 $0xFFFFC000;
	s3 =	simm.s32 @!p1 $0x0  }
0x189: {  	[tilespmem:s7], [sflag:$0x8] =	stream.linear.gather @!p1 [hbm4b:s5+s3], $0x80, $0x38;
	[tilespmem:$0x1FE80] =	vst v63  }
0x18a: {  	s5 =	sadd.s32 @!p1 s0, s20  }
0x18b: {  	p2 =	sge.u32 s23, s6;
	s7 =	simm.s32 @!p1 $0x13B80;
	s5 =	sadd.s32 @!p1 $0x60, s5  }
0x18c: {  	[tilespmem:s7], [sflag:$0x8] =	stream.linear.gather @!p1 [hbm4b:s5+s3], $0x80, $0x38;
	[tilespmem:$0x1FE80] =	vst v63  }
0x18d: {  	p1 =	sge.u32 @!p2 s4, s15;
	s3 =	simm.s32 @!p0 $0x80  }
0x18e: {  	s5 =	simm.s32 @!p0 $0x13B00;
	s7 =	simm.s32 @!p0 $0x1BE80;
	p1 =	por p1, p2  }
0x18f: {  	[tilespmem:s7], [sflag:$0x3] =	stream.indirect.gather @!p0 [hbm4b:s1+s3], $0x80, s5, s3, $0xb8;
	[tilespmem:$0x1FE80] =	vst v63  }
0x190: {  	s3 =	simm.s32 @!p1 $0x8  }
0x191: {  	_ =	swait.ge @!p1 [sflag:s3], $0x80  }
0x192: {  	[sflag:s3] =	ssyncset.done @!p1 $0x0  }
0x193: {  	[sflag:s3] =	ssyncadd.s32 @!p1 $0xFFFFFF80  }
0x194: {  	_ =	swait.ge @!p1 [sflag:s3], $0x80  }
0x195: {  	[sflag:s3] =	ssyncset.done @!p1 $0x0  }
0x196: {  	s5 =	simm.s32 @!p2 $0x2;
	[sflag:s3] =	ssyncadd.s32 @!p1 $0xFFFFFF80  }
0x197: {  	_ =	swait.ge @!p2 [sflag:s5], $0x4000  }
0x198: {  	s7 =	simm.s32 @!p2 $0x80;
	[sflag:s5] =	ssyncset.done @!p2 $0x0  }
0x199: {  	s3 =	simm.s32 @!p2 $0x17E80;
	[sflag:s5] =	ssyncadd.s32 @!p2 $0xFFFFC000;
	s5 =	simm.s32 @!p2 $0x13D80  }
0x19a: {  	[spmem:s2] =	stream.indirect.scatter.add.f32 @!p2 [tilespmem:s3], [sflag:$0x5], $0x80, s5, s7, $0xb8;
	[tilespmem:$0x1FE80] =	vst v63  }
0x19b: {  	p0 =	sge.u32 @!p2 s4, s16;
	s3 =	simm.s32 @!p2 $0x4  }
0x19c: {  	p0 =	por p0, p2;
	_ =	swait.ge @!p2 [sflag:s3], $0x4000  }
0x19d: {  	s5 =	simm.s32 @!p0 $0x13900;
	[sflag:s3] =	ssyncset.done @!p2 $0x0  }
0x19e: {  	s24 =	sld [smem:$0x7FD];
	[sflag:s3] =	ssyncadd.s32 @!p2 $0xFFFFC000;
	s3 =	sadd.s32 @!p0 s0, s19  }
0x19f: {  	s7 =	simm.s32 @!p0 $0x0;
	s25 =	sld [smem:$0x7FC];
	s3 =	sadd.s32 @!p0 $0x70, s3  }
0x1a0: {  	[tilespmem:s5], [sflag:$0x7] =	stream.linear.gather @!p0 [hbm4b:s3+s7], $0x80, $0x38;
	[tilespmem:$0x1FE80] =	vst v63  }
0x1a1: {  	s3 =	sadd.s32 @!p0 s0, s20;
	s5 =	simm.s32 @!p0 $0x13C00  }
0x1a2: {  	p5 =	seq.s32 s24, $0x1;
	p6 =	seq.s32 s25, $0x1;
	s3 =	sadd.s32 @!p0 $0x70, s3  }
0x1a3: {  	[tilespmem:s5], [sflag:$0x7] =	stream.linear.gather @!p0 [hbm4b:s3+s7], $0x80, $0x38;
	[tilespmem:$0x1FE80] =	vst v63  }
0x1a4: {  	p2 =	por p6, p6;
	p0 =	por p5, p5;
	s3 =	simm.s32 @!p1 $0x13E80  }
0x1a5: {  	s5 =	simm.s32 @!p1 $0x80;
	s7 =	simm.s32 @!p1 $0x13880;
	p0 =	por p0, p2  }
0x1a6: {  	[tilespmem:s3], [sflag:$0x1] =	stream.indirect.gather @!p1 [hbm4b:s1+s5], $0x80, s7, s5, $0xb8;
	[tilespmem:$0x1FE80] =	vst v63  }
0x1a7: {  	s3 =	simm.s32 @!p0 $0x7  }
0x1a8: {  	_ =	swait.ge @!p0 [sflag:s3], $0x80  }
0x1a9: {  	[sflag:s3] =	ssyncset.done @!p0 $0x0  }
0x1aa: {  	[sflag:s3] =	ssyncadd.s32 @!p0 $0xFFFFFF80  }
0x1ab: {  	_ =	swait.ge @!p0 [sflag:s3], $0x80  }
0x1ac: {  	[sflag:s3] =	ssyncset.done @!p0 $0x0  }
0x1ad: {  	s5 =	simm.s32 @!p2 $0x3;
	[sflag:s3] =	ssyncadd.s32 @!p0 $0xFFFFFF80  }
0x1ae: {  	_ =	swait.ge @!p2 [sflag:s5], $0x4000  }
0x1af: {  	s7 =	simm.s32 @!p2 $0x13E00;
	[sflag:s5] =	ssyncset.done @!p2 $0x0  }
0x1b0: {  	s3 =	simm.s32 @!p2 $0x1BE80;
	[sflag:s5] =	ssyncadd.s32 @!p2 $0xFFFFC000;
	s5 =	simm.s32 @!p2 $0x80  }
0x1b1: {  	[spmem:s2] =	stream.indirect.scatter.add.f32 @!p2 [tilespmem:s3], [sflag:$0x6], $0x80, s7, s5, $0xb8;
	[tilespmem:$0x1FE80] =	vst v63  }
0x1b2: {  	s3 =	simm.s32 @!p2 $0x5  }
0x1b3: {  	_ =	swait.ge @!p2 [sflag:s3], $0x4000  }
0x1b4: {  	s5 =	rddreg [dreg:$0x4]  }
0x1b5: {  	p1 =	sge.u32 @!p2 s4, s5  }
0x1b6: {  	[sflag:s3] =	ssyncset.done @!p2 $0x0;
	p1 =	por p1, p2  }
0x1b7: {  	[sflag:s3] =	ssyncadd.s32 @!p2 $0xFFFFC000;
	s3 =	sadd.s32 @!p1 s0, s19;
	s4 =	simm.s32 @!p1 $0x0  }
0x1b8: {  	s5 =	simm.s32 @!p1 $0x13980;
	s0 =	sadd.s32 @!p1 s0, s20;
	s3 =	sadd.s32 @!p1 $0x80, s3  }
0x1b9: {  	[tilespmem:s5], [sflag:$0x8] =	stream.linear.gather @!p1 [hbm4b:s3+s4], $0x80, $0x38;
	[tilespmem:$0x1FE80] =	vst v63  }
0x1ba: {  	s26 =	rddreg [dreg:$0xb];
	s0 =	sadd.s32 @!p1 $0x80, s0;
	s3 =	simm.s32 @!p1 $0x13C80  }
0x1bb: {  	[tilespmem:s3], [sflag:$0x8] =	stream.linear.gather @!p1 [hbm4b:s0+s4], $0x80, $0x38;
	[tilespmem:$0x1FE80] =	vst v63  }
0x1bc: {  	s0 =	simm.s32 @!p0 $0x17E80;
	s3 =	simm.s32 @!p0 $0x13900;
	s4 =	simm.s32 @!p0 $0x80  }
0x1bd: {  	[tilespmem:s0], [sflag:$0x2] =	stream.indirect.gather @!p0 [hbm4b:s1+s4], $0x80, s3, s4, $0xb8;
	[tilespmem:$0x1FE80] =	vst v63  }
0x1be: {  	_ =	swait.ge [sflag:s26], $0x4000  }
0x1bf: {  	[sflag:s26] =	ssyncset.done $0x0  }
0x1c0: {  	[sflag:s26] =	ssyncadd.s32 $0xFFFFC000  }
0x1c1: {  	[bflag:$0x0] =	sbarrier.arrive $0xFFFF  }
0x1c2: {  	s18 =	rddreg [dreg:$0x7]  }
0x1c3: {  	s28 =	rddreg [dreg:$0xc]  }
0x1c4: {  	s29 =	rddreg [dreg:$0xd]  }
0x1c5: {  	[hbm:s28], [sflag:s18] =	dma.local [spmem:s29], $0x2710  }
0x1c6: {  	_ =	swait.ge [sflag:s21], $0x2710  }
0x1c7: {  	s30 =	sadd.s32 $0x1, s30;
	s31 =	rddreg [dreg:$0xa]  }
0x1c8: {  	p0 =	sne.s32 s30, s31  }
.Ltmp1:
0x1c9: {  	_ = 	snop;
	(pc) =	sbr.rel @p0 .LBB2_1-.Ltmp1, $3  }
0x1ca: {  	_ =	sdelay $0x1  }
0x1cb: {  	[sflag:s21] =	ssyncset.done $0x0  }
0x1cc: {  	[sflag:s21] =	ssyncadd.s32 $0xFFFFD8F0  }
0x1cd: {  	_ =	sfence.sel $0x180000  }
0x1ce: {  	[bflag:$0x0] =	sbarrier.arrive $0xFFFF  }
0x1cf: {  	_ =	strace $0x9000004D  }
0x1d0: {  	s0 =	stileid.u32;
	[bflag:$0x2] =	sbarrier.arrive $0xFFFF  }
0x1d1: {  	p0 =	sne.s32 s0, $0x0;
	s0 =	rddreg [dreg:$0x3]  }
0x1d2: {  	s0 =	sadd.s32 @!p0 $0x100000, s0  }
0x1d3: {  	[sflag:s0] =	ssyncadd.tile.s32 @!p0 $0x1;
	_ =	shalt  }
.Lfunc_end2:
_tile_overlayer_lowered:
.L_overlay_start_2:
0x1d4: {  	(tag) =	ssettag $0x2  }
0x1d5: {  	s0 =	rddreg [dreg:$0x0];
	s2 =	stileid.u32  }
0x1d6: {  	s1 =	rddreg [dreg:$0x1];
	p0 =	sne.s32 s2, $0x0  }
0x1d7: {  	s3 =	rddreg [dreg:$0x2];
	[bflag:$0x3] =	sbarrier.arrive $0xFFFF;
	s2 =	simm.s32 @!p0 $0x1C09  }
0x1d8: {  	[timem:s3], [sflag:s2] =	dma.local @!p0 [hbm:s0], s1  }
0x1d9: {  	s0 =	simm.s32 @!p0 $0x9  }
0x1da: {  	_ =	swait.ge @!p0 [sflag:s0], s1  }
0x1db: {  	s1 =	ssub.s32 @!p0 $0x0, s1;
	[sflag:s0] =	ssyncset.done @!p0 $0x0  }
0x1dc: {  	[sflag:s0] =	ssyncadd.s32 @!p0 s1  }
0x1dd: {  	[bflag:$0x3] =	sbarrier.arrive $0xFFFF  }
0x1de: {  	_ =	shalt  }

// kernel: kernel.8.cloned.1.call-start
scs
__scs_entry_jumppad:
0x0: {  	(pc) =	sbr.rel $0x88, $3  }
0x1: {  	(tag) =	ssettag $0x0;
	lr =	simm.s32 $0x1  }
0x2: {  	[smem:$0x3F96] =	sst lr;
	_ =	strace $0xD0000000  }
0x3: {  	_ = 	snop  }
0x4: {  	_ = 	snop  }
0x5: {  	_ = 	snop  }
0x6: {  	_ = 	snop  }
0x7: {  	_ = 	snop  }
__scs_overlays_trampoline_lowered:
0x8: {  	[smem:$0x3FA5] =	sst s0  }
0x9: {  	[smem:$0x3FA6] =	sst s1  }
0xa: {  	[smem:$0x3FA7] =	sst s2  }
0xb: {  	[smem:$0x3FA8] =	sst s3  }
0xc: {  	[smem:$0x3FA9] =	sst s4  }
0xd: {  	[smem:$0x3FAA] =	sst s5  }
0xe: {  	[smem:$0x3FAB] =	sst s6  }
0xf: {  	[smem:$0x3FAC] =	sst s7  }
0x10: {  	[smem:$0x3FAD] =	sst s8  }
0x11: {  	[smem:$0x3FAE] =	sst s9;
	s0 =	simm.s32 @!p0 $0x0  }
0x12: {  	s1 =	sld [smem:$0x3F94];
	s0 =	simm.s32 @p0 $0x1  }
0x13: {  	[smem:$0x3FAF] =	sst s0;
	s0 =	simm.s32 @!p1 $0x0  }
0x14: {  	s2 =	sld [smem:$0x3F93];
	s0 =	simm.s32 @p1 $0x1  }
0x15: {  	[smem:$0x3FB0] =	sst s0;
	s0 =	simm.s32 @!p2 $0x0  }
0x16: {  	s3 =	sld [smem:$0x3FDB];
	s0 =	simm.s32 @p2 $0x1  }
0x17: {  	s4 =	simm.s32 $0x1BF5;
	[smem:$0x3FB2] =	sst s0  }
0x18: {  	s0 =	sld [smem:$0x3F95];
	_ =	swait.ge [sflag:s4], $0x0  }
0x19: {  	s7 =	sld [smem:$0x3F96]  }
0x1a: {  	s8 =	sadd.s32 $0xFFFFE003, lr  }
0x1b: {  	s9 =	sadd.s32 $0xFFFFFEF7, lr;
	s5 =	simm.s32 $0xFFFFFFFF;
	p2 =	slt.u32 s8, $0xFFFFF086  }
0x1c: {  	p1 =	slt.u32 s9, $0xF7A;
	s5 =	simm.s32 @!p2 $0x0  }
0x1d: {  	s5 =	simm.s32 @p1 $0x1;
	p0 =	seq.s32 s7, s2  }
0x1e: {  	s7 =	smul.u32 @!p0 $0xF7A, s2;
	p2 =	seq.s32 @!p0 s5, $0x0  }
0x1f: {  	s9 =	smul.u32 $0xF7A, s1;
	s8 =	simm.s32 @!p0 $0x1BF5;
	p2 =	por !p2, p0  }
0x20: {  	[sflag:s8] =	ssyncset.s32 @!p0 $0xFFFFF086;
	s6 =	sadd.s32 @!p0 s3, s7;
	s7 =	simm.s32 @!p0 $0x108  }
0x21: {  	s3 =	sadd.s32 s3, s9;
	s6 =	sadd.s32 @!p0 $0x88, s6;
	s7 =	simm.s32 @p2 $0x1082  }
0x22: {  	[simem:s7], [sflag:s8] =	dma.local @!p0 [hbm:s6], $0xF7A  }
0x23: {  	s9 =	sor.u32 $0xD0000000, s2;
	s6 =	simm.s32 $0x108;
	_ =	swait.ge @!p0 [sflag:s8], $0x0  }
0x24: {  	s3 =	sadd.s32 $0x88, s3;
	s6 =	simm.s32 @!p1 $0x1082;
	[sflag:s4] =	ssyncset.s32 $0xFFFFF086  }
0x25: {  	[simem:s6], [sflag:s4] =	dma.local [hbm:s3], $0xF7A  }
0x26: {  	[smem:$0x3F96] =	sst s1;
	(tag) =	ssettag s2;
	_ =	strace s9  }
0x27: {  	s1 =	sld [smem:$0x3FA6]  }
0x28: {  	s2 =	sld [smem:$0x3FA7]  }
0x29: {  	s4 =	sld [smem:$0x3FA9]  }
0x2a: {  	p0 =	seq.s32 s5, $0x0;
	s5 =	sld [smem:$0x3FAA]  }
0x2b: {  	s6 =	sld [smem:$0x3FAB]  }
0x2c: {  	s7 =	sld [smem:$0x3FAC]  }
0x2d: {  	s3 =	simm.s32 $0x108;
	s8 =	sld [smem:$0x3FAD]  }
0x2e: {  	s3 =	simm.s32 @!p0 $0x1082;
	s9 =	sld [smem:$0x3FAE]  }
0x2f: {  	lr =	sadd.s32 s0, s3;
	s0 =	sld [smem:$0x3FA5]  }
0x30: {  	s3 =	sld [smem:$0x3FA8]  }
0x31: {  	[smem:$0x3FB1] =	sst s10  }
0x32: {  	s10 =	sld [smem:$0x3FAF];
	_ =	sdelay $0x3  }
0x33: {  	p0 =	seq.s32 s10, $0x1;
	s10 =	sld [smem:$0x3FB1];
	_ =	sdelay $0x3  }
0x34: {  	[smem:$0x3FB1] =	sst s10  }
0x35: {  	s10 =	sld [smem:$0x3FB0];
	_ =	sdelay $0x3  }
0x36: {  	p1 =	seq.s32 s10, $0x1;
	s10 =	sld [smem:$0x3FB1];
	_ =	sdelay $0x3  }
0x37: {  	[smem:$0x3FB1] =	sst s10  }
0x38: {  	s10 =	sld [smem:$0x3FB2]  }
0x39: {  	_ = 	snop;
	(pc) =	sbr.ind lr, $3  }
0x3a: {  	_ = 	snop  }
0x3b: {  	_ = 	snop  }
0x3c: {  	p2 =	seq.s32 s10, $0x1;
	s10 =	sld [smem:$0x3FB1]  }
0x3d: {  	_ =	shalt  }
0x3e: {  	_ =	shalt  }
0x3f: {  	_ =	shalt  }
0x40: {  	_ =	shalt  }
0x41: {  	_ =	shalt  }
0x42: {  	_ =	shalt  }
0x43: {  	_ =	shalt  }
0x44: {  	_ =	shalt  }
0x45: {  	_ =	shalt  }
0x46: {  	_ =	shalt  }
0x47: {  	_ =	shalt  }
0x48: {  	_ =	shalt  }
0x49: {  	_ =	shalt  }
0x4a: {  	_ =	shalt  }
0x4b: {  	_ =	shalt  }
0x4c: {  	_ =	shalt  }
0x4d: {  	_ =	shalt  }
0x4e: {  	_ =	shalt  }
0x4f: {  	_ =	shalt  }
0x50: {  	_ =	shalt  }
0x51: {  	_ =	shalt  }
0x52: {  	_ =	shalt  }
0x53: {  	_ =	shalt  }
0x54: {  	_ =	shalt  }
0x55: {  	_ =	shalt  }
0x56: {  	_ =	shalt  }
0x57: {  	_ =	shalt  }
0x58: {  	_ =	shalt  }
0x59: {  	_ =	shalt  }
0x5a: {  	_ =	shalt  }
0x5b: {  	_ =	shalt  }
0x5c: {  	_ =	shalt  }
0x5d: {  	_ =	shalt  }
0x5e: {  	_ =	shalt  }
0x5f: {  	_ =	shalt  }
0x60: {  	_ =	shalt  }
0x61: {  	_ =	shalt  }
0x62: {  	_ =	shalt  }
0x63: {  	_ =	shalt  }
0x64: {  	_ =	shalt  }
0x65: {  	_ =	shalt  }
0x66: {  	_ =	shalt  }
0x67: {  	_ =	shalt  }
0x68: {  	_ =	shalt  }
0x69: {  	_ =	shalt  }
0x6a: {  	_ =	shalt  }
0x6b: {  	_ =	shalt  }
0x6c: {  	_ =	shalt  }
0x6d: {  	_ =	shalt  }
0x6e: {  	_ =	shalt  }
0x6f: {  	_ =	shalt  }
0x70: {  	_ =	shalt  }
0x71: {  	_ =	shalt  }
0x72: {  	_ =	shalt  }
0x73: {  	_ =	shalt  }
0x74: {  	_ =	shalt  }
0x75: {  	_ =	shalt  }
0x76: {  	_ =	shalt  }
0x77: {  	_ =	shalt  }
0x78: {  	_ =	shalt  }
0x79: {  	_ =	shalt  }
0x7a: {  	_ =	shalt  }
0x7b: {  	_ =	shalt  }
0x7c: {  	_ =	shalt  }
0x7d: {  	_ =	shalt  }
0x7e: {  	_ =	shalt  }
0x7f: {  	_ =	shalt  }
0x80: {  	_ =	shalt  }
0x81: {  	_ =	shalt  }
0x82: {  	_ =	shalt  }
0x83: {  	_ =	shalt  }
0x84: {  	_ =	shalt  }
0x85: {  	_ =	shalt  }
0x86: {  	_ =	shalt  }
0x87: {  	_ =	shalt  }
.Lfunc_end0:
.L_simem_size_0:
called_computation_lowered:
.L_overlay_start_0:
0x88: {  	s2 =	sld [smem:$0x3FD9]  }
0x89: {  	s3 =	sld [smem:$0x3FFE];
	_ =	sdelay $0x1  }
0x8a: {  	s1 =	srdreg.scid  }
0x8b: {  	s0 =	sand.u32 $0x1, s1  }
0x8c: {  	s17 =	sshll.u32 s0, $0xA;
	s2 =	sadd.s32 s3, s2  }
0x8d: {  	s2 =	sadd.s32 s2, s17  }
0x8e: {  	[smem:$0x3FBD] =	sst s2  }
0x8f: {  	_ = 	snop  }
0x90: {  	s2 =	sld [smem:$0x3FC9]  }
0x91: {  	s18 =	sld [smem:$0x3FD0];
	(tm) =	ssettm $0x1  }
0x92: {  	s4 =	sld [smem:$0x3FFB];
	_ =	sdelay $0x3  }
0x93: {  	_ =	strace s4  }
0x94: {  	s4 =	sld [smem:$0x3FFC];
	_ =	sdelay $0x3  }
0x95: {  	_ =	strace s4  }
0x96: {  	s4 =	sld [smem:$0x3FFD];
	_ =	sdelay $0x3  }
0x97: {  	_ =	strace s4  }
0x98: {  	_ =	strace $0x8FFFFFFF  }
0x99: {  	s19 =	sld [smem:$0x3FDB];
	_ =	sdelay $0x1  }
0x9a: {  	s5 =	simm.s32 $_scs_section_size  }
0x9b: {  	s6 =	simm.s32 $_size__tile_overlayer_lowered;
	s7 =	simm.s32 $_tile_overlayer_lowered  }
0x9c: {  	s22 =	simm.s32 $0x1BFF;
	s21 =	sshll.u32 s7, $0x1;
	s4 =	sadd.s32 s5, s19  }
0x9d: {  	s8 =	simm.s32 $0x0;
	s20 =	sshll.u32 s6, $0x1;
	s6 =	sadd.s32 s21, s4  }
0x9e: {  	[timem:s8], [sflag:s22] =	dma.local [hbm:s6], s20  }
0x9f: {  	_ =	swait.ge [sflag:s22], s20  }
0xa0: {  	s5 =	ssub.s32 $0x0, s20;
	[sflag:s22] =	ssyncset.done $0x0  }
0xa1: {  	[sflag:s22] =	ssyncadd.s32 s5;
	_ =	sdelay $0x1  }
0xa2: {  	s23 =	simm.s32 $0x1B8B  }
0xa3: {  	_ =	swait.ge [sflag:s23], $0x1  }
0xa4: {  	[sflag:s23] =	ssyncset.done $0x0  }
0xa5: {  	s25 =	simm.s32 $0x1B8E;
	s24 =	sld [smem:$0x3FFE];
	[sflag:s23] =	ssyncadd.s32 $0xFFFFFFFF  }
0xa6: {  	s26 =	simm.s32 $execute0_lowered;
	[smem:$0x3FD2] =	sst s25  }
0xa7: {  	s6 =	sshll.u32 s26, $0x1;
	_ =	strace $0x80000046;
	[dreg:$0x1] =	wrdreg $0xFFFFFFFF  }
0xa8: {  	s28 =	simm.s32 $_size_execute0_lowered;
	s4 =	sadd.s32 s4, s6;
	[dreg:$0x0] =	wrdreg $0x0  }
0xa9: {  	s6 =	sshll.u32 s28, $0x1;
	[dreg:$0x2] =	wrdreg s4  }
0xaa: {  	[dreg:$0x3] =	wrdreg s6  }
0xab: {  	[dreg:$0x4] =	wrdreg $0xC0  }
0xac: {  	_ =	task [dreg:s8], $0x5FFFF  }
0xad: {  	[dreg:$0x1] =	wrdreg $0xFFFFFFFF  }
0xae: {  	[dreg:$0x0] =	wrdreg $0x60  }
0xaf: {  	[dreg:$0x2] =	wrdreg s2  }
0xb0: {  	[dreg:$0x3] =	wrdreg s24  }
0xb1: {  	[dreg:$0x4] =	wrdreg s18  }
0xb2: {  	[dreg:$0x5] =	wrdreg $0x0  }
0xb3: {  	[dreg:$0x6] =	wrdreg $0x138800  }
0xb4: {  	[dreg:$0x7] =	wrdreg $0x9  }
0xb5: {  	_ =	task.clear_ibuf [dreg:s8], $0x8FFFF;
	_ =	strace $0x90000046  }
0xb6: {  	s29 =	simm.s32 $0x9;
	_ =	strace $0x80000048  }
0xb7: {  	_ =	swait.ge [sflag:s29], $0x1  }
0xb8: {  	[sflag:s29] =	ssyncadd.s32 $0xFFFFFFFF  }
0xb9: {  	_ =	strace $0x90000048  }
0xba: {  	_ =	sfence  }
0xbb: {  	s30 =	sld [smem:$0x0];
	_ =	sdelay $0x2  }
0xbc: {  	s31 =	sshll.u32 s1, $0xD;
	s1 =	sshrl.u32 s1, $0x2  }
0xbd: {  	s3 =	sand.u32 $0x4000, s31;
	s1 =	sadd.s32 s1, s30  }
0xbe: {  	s0 =	sor.u32 s3, s0;
	s1 =	sshll.u32 s1, $0x11  }
0xbf: {  	s0 =	sor.u32 s1, s0  }
0xc0: {  	s0 =	sadd.s32 $0x8F2B, s0  }
0xc1: {  	[sflag:s0] =	ssyncadd.remote.s32 $0x1  }
0xc2: {  	_ =	sfence.sel $0xFFFF  }
0xc3: {  	[dreg:$0x0] =	wrdreg $0xFFFFFFFF;
	(pc) =	sbr.abs _section_cstart, $3  }
0xc4: {  	[dreg:$0x1] =	wrdreg $0xFFFFFFFF  }
0xc5: {  	_ =	task.clear_ibuf [dreg:s8], $0x2FFFF;
	_ =	strace $0x9FFFFFFF  }
0xc6: {  	(tm) =	ssettm $0x7FFFFFFF  }
0xc7: {  	_ =	shalt  }
tec
execute0_lowered:
.L_overlay_start_1:
0x0: {  	(tag) =	ssettag $0x1  }
0x1: {  	s1 =	rddreg [dreg:$0x0]  }
0x2: {  	s0 =	rddreg [dreg:$0x1]  }
0x3: {  	s5 =	rddreg [dreg:$0x2]  }
0x4: {  	s2 =	rddreg [dreg:$0x3]  }
0x5: {  	s3 =	rddreg [dreg:$0x4];
	s4 =	simm.s32 $0x0;
	s8 =	srdreg.scid  }
0x6: {  	s30 =	stileid.u32;
	s29 =	simm.s32 $0x80;
	s31 =	simm.s32 $0x1A390  }
0x7: {  	s28 =	simm.s32 $0x0;
	[smem:$0x7FF] =	sst s4;
	s6 =	sadd.s32 $0xCA00, s0  }
0x8: {  	s7 =	sadd.s32 $0x2C00, s0;
	s26 =	sadd.s32 $0x17000, s0;
	s9 =	sadd.s32 $0x16A00, s0  }
0x9: {  	s8 =	sand.u32 $0x1, s8;
	s18 =	sshll.u32 s30, $0x1;
	s14 =	smul.u32 $0x13880, s30  }
0xa: {  	s12 =	sadd.s32 $0x16800, s0;
	p0 =	slt.u32 s30, $0x2;
	s17 =	smul.u32 $0x2710, s30  }
0xb: {  	s23 =	sshll.u32 s30, $0x6;
	s30 =	smul.u32 $0x9C0, s30;
	s4 =	simm.s32 $0x3  }
0xc: {  	_ =	strace $0x80000047;
	[dreg:$0x9] =	wrdreg s26;
	s10 =	smul.u32 $0x27100, s8  }
0xd: {  	[dreg:$0xa] =	wrdreg s9;
	s11 =	ssub.s32 $0x2, s8;
	s16 =	smul.u32 $0x4E20, s8  }
0xe: {  	s9 =	sor.u32 s8, s18;
	[dreg:$0xb] =	wrdreg s12;
	s8 =	smul.u32 $0x4E0, s8  }
0xf: {  	s4 =	simm.s32 @!p0 $0x4;
	s19 =	sshrl.u32 s11, $0x1;
	s13 =	smul.u32 $0x4E, s9  }
0x10: {  	s21 =	smin.u32 s9, $0x4;
	s9 =	simm.s32 $0x4F;
	s15 =	sadd.s32 s14, s2  }
0x11: {  	s24 =	sadd.s32 s17, s3;
	s22 =	sshrl.u32 s17, $0x3;
	[dreg:$0x12] =	wrdreg s4  }
0x12: {  	s0 =	sadd.s32 s10, s0;
	s20 =	ssub.s32 s11, s19;
	[dreg:$0xc] =	wrdreg s15  }
0x13: {  	s9 =	simm.s32 @!p0 $0x4E;
	s11 =	sor.u32 $0x1C07, s23;
	[dreg:$0xe] =	wrdreg s24  }
0x14: {  	s5 =	sadd.s32 s5, s16;
	s23 =	simm.s32 $0x7;
	s13 =	sadd.s32 s21, s13  }
0x15: {  	s25 =	sadd.s32 $0xFFFFFFFE, s9;
	s26 =	sadd.s32 $0xFFFFFFFB, s9;
	[dreg:$0xd] =	wrdreg s11  }
0x16: {  	s16 =	sadd.s32 $0xFFFFFFFC, s9;
	s0 =	sadd.s32 $0x19800, s0;
	[dreg:$0x6] =	wrdreg s25  }
0x17: {  	s24 =	smax.u32 s20, $0x1;
	s13 =	sshll.u32 s13, $0x4;
	[dreg:$0x7] =	wrdreg s26  }
0x18: {  	[dreg:$0x11] =	wrdreg s24;
	s25 =	sshll.u32 s21, $0x4;
	s26 =	simm.s32 $0x16010  }
0x19: {  	s21 =	simm.s32 $0x3;
	s18 =	sadd.s32 s6, s13;
	s15 =	sadd.s32 s7, s13  }
0x1a: {  	s6 =	sadd.s32 s30, s6;
	s7 =	sadd.s32 s30, s7;
	[dreg:$0x8] =	wrdreg s26  }
0x1b: {  	s30 =	sadd.s32 s22, s5;
	s5 =	simm.s32 $0x16210;
	[dreg:$0xf] =	wrdreg s18  }
0x1c: {  	[dreg:$0x10] =	wrdreg s15;
	s15 =	sadd.s32 $0xFFFFFFFD, s9;
	s18 =	sshrl.u32 s14, $0x3  }
0x1d: {  	s6 =	sadd.s32 s8, s6;
	s7 =	sadd.s32 s8, s7;
	[dreg:$0x14] =	wrdreg s30  }
0x1e: {  	s19 =	sadd.s32 s25, s6;
	s20 =	sadd.s32 s25, s7;
	s0 =	sadd.s32 s18, s0  }
0x1f: {  	s25 =	simm.s32 $0x1E390;
	[dreg:$0x13] =	wrdreg s0;
	s0 =	simm.s32 $0x2  }
.LBB2_1:
0x20: {  	s4 =	rddreg [dreg:$0xc]  }
0x21: {  	s10 =	rddreg [dreg:$0x9];
	s6 =	sshrl.u32 s4, $0x3  }
0x22: {  	[dreg:$0x15] =	wrdreg s6  }
0x23: {  	[spmem:s6], [sflag:s11] =	dma.local [hbm:s10], $0x2710  }
0x24: {  	_ =	swait.ge [sflag:s23], $0x2710  }
0x25: {  	s12 =	rddreg [dreg:$0xe]  }
0x26: {  	[sflag:s23] =	ssyncset.done $0x0;
	s14 =	rddreg [dreg:$0xa];
	s13 =	sshrl.u32 s12, $0x3  }
0x27: {  	[sflag:s23] =	ssyncadd.s32 $0xFFFFD8F0;
	[dreg:$0x16] =	wrdreg s13  }
0x28: {  	[spmem:s13], [sflag:s11] =	dma.local [hbm:s14], $0x4E2  }
0x29: {  	_ =	swait.ge [sflag:s23], $0x4E2  }
0x2a: {  	[sflag:s23] =	ssyncset.done $0x0  }
0x2b: {  	s17 =	simm.s32 $0x0;
	s18 =	rddreg [dreg:$0xb];
	[sflag:s23] =	ssyncadd.s32 $0xFFFFFB1E  }
0x2c: {  	[tilespmem:s25], [sflag:$0x7] =	stream.linear.gather [hbm4b:s18+s17], $0x800, $0x38;
	[tilespmem:$0x1EB90] =	vst v63  }
0x2d: {  	_ =	swait.ge [sflag:s23], $0x800  }
0x2e: {  	[sflag:s23] =	ssyncset.done $0x0  }
0x2f: {  	s7 =	simm.s32 $0x15F90;
	s22 =	rddreg [dreg:$0xf];
	[sflag:s23] =	ssyncadd.s32 $0xFFFFF800  }
0x30: {  	[tilespmem:s7], [sflag:$0x7] =	stream.linear.gather [hbm4b:s22+s17], $0x100, $0x38;
	[tilespmem:$0x1EB90] =	vst v63  }
0x31: {  	_ =	swait.ge [sflag:s23], $0x100  }
0x32: {  	[sflag:s23] =	ssyncset.done $0x0  }
0x33: {  	s8 =	simm.s32 $0x16190;
	s24 =	rddreg [dreg:$0x10];
	[sflag:s23] =	ssyncadd.s32 $0xFFFFFF00  }
0x34: {  	[tilespmem:s8], [sflag:$0x7] =	stream.linear.gather [hbm4b:s24+s17], $0x100, $0x38;
	[tilespmem:$0x1EB90] =	vst v63  }
0x35: {  	_ =	swait.ge [sflag:s23], $0x100  }
0x36: {  	[sflag:s23] =	ssyncset.done $0x0  }
0x37: {  	s26 =	simm.s32 $0x16390;
	p0 =	por $0x1, $0x1;
	[sflag:s23] =	ssyncadd.s32 $0xFFFFFF00  }
0x38: {  	[tilespmem:s26], [sflag:$0x1] =	stream.indirect.gather [hbm4b:s1+s29], $0x80, s7, s29, $0xb8;
	[tilespmem:$0x1EB90] =	vst v63  }
0x39: {  	s7 =	simm.s32 @p0 $0x1;
	[bflag:$0x0] =	sbarrier.arrive $0xFFFF  }
0x3a: {  	_ =	swait.ge @p0 [sflag:s7], $0x4000  }
0x3b: {  	s10 =	simm.s32 @p0 $0x16190;
	[sflag:s7] =	ssyncset.done @p0 $0x0  }
0x3c: {  	s8 =	simm.s32 @p0 $0x16390;
	[sflag:s7] =	ssyncadd.s32 @p0 $0xFFFFC000;
	s7 =	simm.s32 @p0 $0x80  }
0x3d: {  	[spmem:s2] =	stream.indirect.scatter.add.f32 @p0 [tilespmem:s8], [sflag:$0x3], $0x80, s10, s7, $0xb8;
	[tilespmem:$0x1EB90] =	vst v63  }
0x3e: {  	s12 =	simm.s32 @!p0 $0x6;
	s8 =	simm.s32 @p0 $0x1E390  }
0x3f: {  	[spmem:s3] =	stream.indirect.scatter.add.f32 @p0 [tilespmem:s8], [sflag:$0x3], $0x10, s10, s7, $0xb8;
	[tilespmem:$0x1EB90] =	vst v63  }
0x40: {  	_ =	swait.ge @!p0 [sflag:s12], $0x80  }
0x41: {  	[sflag:s12] =	ssyncset.done @!p0 $0x0  }
0x42: {  	[sflag:s12] =	ssyncadd.s32 @!p0 $0xFFFFFF80  }
0x43: {  	_ =	swait.ge @!p0 [sflag:s12], $0x80  }
0x44: {  	[sflag:s12] =	ssyncset.done @!p0 $0x0  }
0x45: {  	s7 =	simm.s32 @!p0 $0x1;
	[sflag:s12] =	ssyncadd.s32 @!p0 $0xFFFFFF80  }
0x46: {  	_ =	swait.ge @!p0 [sflag:s7], $0x4000  }
0x47: {  	s8 =	simm.s32 @!p0 $0x16390;
	[sflag:s7] =	ssyncset.done @!p0 $0x0  }
0x48: {  	s10 =	simm.s32 @!p0 $0x16190;
	[sflag:s7] =	ssyncadd.s32 @!p0 $0xFFFFC000;
	s7 =	simm.s32 @!p0 $0x80  }
0x49: {  	[spmem:s2] =	stream.indirect.scatter.add.f32 @!p0 [tilespmem:s8], [sflag:$0x3], $0x80, s10, s7, $0xb8;
	[tilespmem:$0x1EB90] =	vst v63  }
0x4a: {  	s12 =	simm.s32 @!p0 $0x4;
	s8 =	simm.s32 @!p0 $0x1E390  }
0x4b: {  	[spmem:s3] =	stream.indirect.scatter.add.f32 @!p0 [tilespmem:s8], [sflag:$0x3], $0x10, s10, s7, $0xb8;
	[tilespmem:$0x1EB90] =	vst v63  }
0x4c: {  	_ =	swait.ge @!p0 [sflag:s12], $0x4000  }
0x4d: {  	[sflag:s12] =	ssyncset.done @!p0 $0x0  }
0x4e: {  	[sflag:s12] =	ssyncadd.s32 @!p0 $0xFFFFC000  }
0x4f: {  	_ =	swait.ge @!p0 [sflag:s12], $0x800  }
0x50: {  	s30 =	rddreg [dreg:$0x6]  }
0x51: {  	[sflag:s12] =	ssyncset.done @!p0 $0x0;
	p1 =	sle.u32 s30, $0x0  }
0x52: {  	[sflag:s12] =	ssyncadd.s32 @!p0 $0xFFFFF800;
	s7 =	sadd.s32 @!p1 $0x0, s19;
	s8 =	simm.s32 @!p1 $0x0  }
0x53: {  	s10 =	sadd.s32 @!p1 $0x0, s20;
	s12 =	simm.s32 @!p1 $0x16090;
	s7 =	sadd.s32 @!p1 $0x20, s7  }
0x54: {  	[tilespmem:s12], [sflag:$0x5] =	stream.linear.gather @!p1 [hbm4b:s7+s8], $0x80, $0x38;
	[tilespmem:$0x1EB90] =	vst v63  }
0x55: {  	s7 =	sadd.s32 @!p1 $0x20, s10;
	s10 =	simm.s32 @!p1 $0x16290  }
0x56: {  	[tilespmem:s10], [sflag:$0x5] =	stream.linear.gather @!p1 [hbm4b:s7+s8], $0x80, $0x38;
	[tilespmem:$0x1EB90] =	vst v63  }
0x57: {  	s13 =	rddreg [dreg:$0x8];
	s7 =	simm.s32 @!p1 $0x5  }
0x58: {  	[tilespmem:s31], [sflag:$0x2] =	stream.indirect.gather [hbm4b:s1+s29], $0x80, s13, s29, $0xb8;
	[tilespmem:$0x1EB90] =	vst v63  }
0x59: {  	_ =	swait.ge @!p1 [sflag:s7], $0x80  }
0x5a: {  	[sflag:s7] =	ssyncset.done @!p1 $0x0  }
0x5b: {  	[sflag:s7] =	ssyncadd.s32 @!p1 $0xFFFFFF80  }
0x5c: {  	_ =	swait.ge @!p1 [sflag:s7], $0x80  }
0x5d: {  	[sflag:s7] =	ssyncset.done @!p1 $0x0  }
0x5e: {  	[sflag:s7] =	ssyncadd.s32 @!p1 $0xFFFFFF80  }
0x5f: {  	_ =	swait.ge [sflag:s0], $0x4000  }
0x60: {  	[sflag:s0] =	ssyncset.done $0x0  }
0x61: {  	[sflag:s0] =	ssyncadd.s32 $0xFFFFC000  }
0x62: {  	[spmem:s2] =	stream.indirect.scatter.add.f32 [tilespmem:s31], [sflag:$0x4], $0x80, s5, s29, $0xb8;
	[tilespmem:$0x1EB90] =	vst v63  }
0x63: {  	_ = 	snop  }
0x64: {  	[spmem:s3] =	stream.indirect.scatter.add.f32 [tilespmem:s25], [sflag:$0x4], $0x10, s5, s29, $0xb8;
	[tilespmem:$0x1EB90] =	vst v63  }
0x65: {  	_ =	swait.ge [sflag:s21], $0x4000  }
0x66: {  	[sflag:s21] =	ssyncset.done $0x0  }
0x67: {  	p3 =	sle.u32 s15, $0x0;
	p2 =	sle.u32 s9, $0x2;
	[sflag:s21] =	ssyncadd.s32 $0xFFFFC000  }
0x68: {  	p0 =	sle.u32 @!p2 s15, $0x0;
	s8 =	simm.s32 @!p3 $0x0;
	_ =	swait.ge [sflag:s21], $0x800  }
0x69: {  	s10 =	simm.s32 @!p3 $0x16110;
	s7 =	sadd.s32 @!p3 $0x0, s19;
	[sflag:s21] =	ssyncset.done $0x0  }
0x6a: {  	s13 =	sadd.s32 @!p3 $0x0, s20;
	s7 =	sadd.s32 @!p3 $0x30, s7;
	[sflag:s21] =	ssyncadd.s32 $0xFFFFF800  }
0x6b: {  	[tilespmem:s10], [sflag:$0x6] =	stream.linear.gather @!p3 [hbm4b:s7+s8], $0x80, $0x38;
	[tilespmem:$0x1EB90] =	vst v63  }
0x6c: {  	p0 =	por p0, p2;
	s7 =	sadd.s32 @!p3 $0x30, s13;
	s10 =	simm.s32 @!p3 $0x16310  }
0x6d: {  	[tilespmem:s10], [sflag:$0x6] =	stream.linear.gather @!p3 [hbm4b:s7+s8], $0x80, $0x38;
	[tilespmem:$0x1EB90] =	vst v63  }
0x6e: {  	s7 =	simm.s32 @!p1 $0x80;
	s8 =	simm.s32 @!p1 $0x16390;
	s10 =	simm.s32 @!p0 $0x6  }
0x6f: {  	[tilespmem:s8], [sflag:$0x1] =	stream.indirect.gather @!p1 [hbm4b:s1+s7], $0x80, s12, s7, $0xb8;
	[tilespmem:$0x1EB90] =	vst v63  }
0x70: {  	_ =	swait.ge @!p0 [sflag:s10], $0x80  }
0x71: {  	[sflag:s10] =	ssyncset.done @!p0 $0x0  }
0x72: {  	[sflag:s10] =	ssyncadd.s32 @!p0 $0xFFFFFF80  }
0x73: {  	_ =	swait.ge @!p0 [sflag:s10], $0x80  }
0x74: {  	[sflag:s10] =	ssyncset.done @!p0 $0x0  }
0x75: {  	s7 =	simm.s32 @!p2 $0x1;
	[sflag:s10] =	ssyncadd.s32 @!p0 $0xFFFFFF80  }
0x76: {  	_ =	swait.ge @!p2 [sflag:s7], $0x4000  }
0x77: {  	s8 =	simm.s32 @!p2 $0x16390;
	[sflag:s7] =	ssyncset.done @!p2 $0x0  }
0x78: {  	s12 =	simm.s32 @!p2 $0x16290;
	s10 =	simm.s32 @!p2 $0x80;
	[sflag:s7] =	ssyncadd.s32 @!p2 $0xFFFFC000  }
0x79: {  	[spmem:s2] =	stream.indirect.scatter.add.f32 @!p2 [tilespmem:s8], [sflag:$0x3], $0x80, s12, s10, $0xb8;
	[tilespmem:$0x1EB90] =	vst v63  }
0x7a: {  	p1 =	sle.u32 s9, $0x3;
	s7 =	simm.s32 @!p2 $0x1E390;
	s8 =	simm.s32 @!p2 $0x4  }
0x7b: {  	[spmem:s3] =	stream.indirect.scatter.add.f32 @!p2 [tilespmem:s7], [sflag:$0x3], $0x10, s12, s10, $0xb8;
	[tilespmem:$0x1EB90] =	vst v63  }
0x7c: {  	p4 =	sle.u32 @!p2 s16, $0x0;
	p3 =	sle.u32 @!p1 s16, $0x0;
	_ =	swait.ge @!p2 [sflag:s8], $0x4000  }
0x7d: {  	p5 =	por p1, p1;
	p1 =	por p4, p2;
	[sflag:s8] =	ssyncset.done @!p2 $0x0  }
0x7e: {  	p3 =	por p3, p3;
	s7 =	sadd.s32 @!p1 $0x0, s19;
	[sflag:s8] =	ssyncadd.s32 @!p2 $0xFFFFC000  }
0x7f: {  	s10 =	simm.s32 @!p1 $0x0;
	s12 =	sadd.s32 @!p1 $0x0, s20;
	_ =	swait.ge @!p2 [sflag:s8], $0x800  }
0x80: {  	s7 =	sadd.s32 @!p1 $0x40, s7;
	s12 =	sadd.s32 @!p1 $0x40, s12;
	[sflag:s8] =	ssyncset.done @!p2 $0x0  }
0x81: {  	[sflag:s8] =	ssyncadd.s32 @!p2 $0xFFFFF800;
	p2 =	por p5, p5;
	s8 =	simm.s32 @!p1 $0x15F90  }
0x82: {  	[tilespmem:s8], [sflag:$0x5] =	stream.linear.gather @!p1 [hbm4b:s7+s10], $0x80, $0x38;
	[tilespmem:$0x1EB90] =	vst v63  }
0x83: {  	p5 =	por p3, p2;
	s7 =	simm.s32 @!p0 $0x1A390;
	s8 =	simm.s32 @!p1 $0x16190  }
0x84: {  	[tilespmem:s8], [sflag:$0x5] =	stream.linear.gather @!p1 [hbm4b:s12+s10], $0x80, $0x38;
	[tilespmem:$0x1EB90] =	vst v63  }
0x85: {  	s8 =	simm.s32 @!p0 $0x80;
	s10 =	simm.s32 @!p0 $0x16110;
	s12 =	simm.s32 @!p5 $0x5  }
0x86: {  	[tilespmem:s7], [sflag:$0x2] =	stream.indirect.gather @!p0 [hbm4b:s1+s8], $0x80, s10, s8, $0xb8;
	[tilespmem:$0x1EB90] =	vst v63  }
0x87: {  	_ =	swait.ge @!p5 [sflag:s12], $0x80  }
0x88: {  	[sflag:s12] =	ssyncset.done @!p5 $0x0  }
0x89: {  	s14 =	simm.s32 $0xC0;
	[sflag:s12] =	ssyncadd.s32 @!p5 $0xFFFFFF80  }
0x8a: {  	s13 =	simm.s32 $0x6;
	s17 =	simm.s32 @!p2 $0x2;
	_ =	swait.ge @!p5 [sflag:s12], $0x80  }
0x8b: {  	s22 =	simm.s32 @!p2 $0x80;
	s26 =	simm.s32 @!p2 $0x16310;
	[sflag:s12] =	ssyncset.done @!p5 $0x0  }
0x8c: {  	s24 =	simm.s32 @!p2 $0x3;
	s10 =	simm.s32 $0x40;
	[sflag:s12] =	ssyncadd.s32 @!p5 $0xFFFFFF80  }
0x8d: {  	s7 =	simm.s32 $0x80;
	p0 =	sle.u32 s9, $0x7;
	_ =	swait.ge @!p2 [sflag:s17], $0x4000  }
0x8e: {  	s8 =	simm.s32 $0x4;
	p1 =	sle.u32 @!p0 s16, $0x4;
	[sflag:s17] =	ssyncset.done @!p2 $0x0  }
0x8f: {  	p4 =	por p0, p0;
	s12 =	simm.s32 @!p2 $0x1A390;
	[sflag:s17] =	ssyncadd.s32 @!p2 $0xFFFFC000  }
0x90: {  	[spmem:s2] =	stream.indirect.scatter.add.f32 @!p2 [tilespmem:s12], [sflag:$0x4], $0x80, s26, s22, $0xb8;
	[tilespmem:$0x1EB90] =	vst v63  }
0x91: {  	p1 =	por p1, p1;
	s17 =	simm.s32 $0x0;
	s12 =	simm.s32 @!p2 $0x1E390  }
0x92: {  	[spmem:s3] =	stream.indirect.scatter.add.f32 @!p2 [tilespmem:s12], [sflag:$0x4], $0x10, s26, s22, $0xb8;
	[tilespmem:$0x1EB90] =	vst v63  }
0x93: {  	s12 =	simm.s32 $0x4;
	s26 =	simm.s32 $0x0;
	_ =	swait.ge @!p2 [sflag:s24], $0x4000  }
.LBB2_2:
0x94: {  	s4 =	smov.u32 s14;
	s14 =	sadd.s32 $0x40, s14  }
0x95: {  	p0 =	sne.s32 s14, $0x500  }
0x96: {  	s8 =	sadd.s32 $0x4, s8;
	s6 =	simm.s32 @!p0 $0x0  }
0x97: {  	[sflag:s24] =	ssyncset.done @!p2 $0x0;
	s30 =	sadd.s32 $0x3, s8;
	s6 =	simm.s32 @p0 $0x1  }
0x98: {  	[sflag:s24] =	ssyncadd.s32 @!p2 $0xFFFFC000;
	p0 =	sge.u32 s30, s9;
	[smem:$0x7FD] =	sst s6  }
0x99: {  	p3 =	sge.u32 @!p0 s8, s16;
	_ =	swait.ge @!p2 [sflag:s24], $0x800  }
0x9a: {  	p6 =	seq.s32 s10, $0x0;
	s11 =	simm.s32 @!p3 $0x0;
	s6 =	rddreg [dreg:$0x7]  }
0x9b: {  	s11 =	simm.s32 @p3 $0x1;
	[sflag:s24] =	ssyncset.done @!p2 $0x0;
	p3 =	sge.u32 @!p2 s17, s6  }
0x9c: {  	[smem:$0x7FC] =	sst s11;
	s17 =	smov.u32 s12;
	p3 =	por p3, p2  }
0x9d: {  	[sflag:s24] =	ssyncadd.s32 @!p2 $0xFFFFF800;
	s12 =	sadd.s32 @!p3 s26, s19;
	s11 =	simm.s32 @!p3 $0x0  }
0x9e: {  	s18 =	simm.s32 @!p3 $0x16010;
	s24 =	sadd.s32 @!p3 s26, s20;
	s12 =	sadd.s32 @!p3 $0x50, s12  }
0x9f: {  	[tilespmem:s18], [sflag:$0x6] =	stream.linear.gather @!p3 [hbm4b:s12+s11], $0x80, $0x38;
	[tilespmem:$0x1EB90] =	vst v63  }
0xa0: {  	s30 =	simm.s32 @!p5 $0x16390;
	s12 =	sadd.s32 @!p3 $0x50, s24;
	s18 =	simm.s32 @!p3 $0x16210  }
0xa1: {  	[tilespmem:s18], [sflag:$0x6] =	stream.linear.gather @!p3 [hbm4b:s12+s11], $0x80, $0x38;
	[tilespmem:$0x1EB90] =	vst v63  }
0xa2: {  	s6 =	simm.s32 @!p5 $0x80;
	s24 =	simm.s32 @!p5 $0x15F90;
	s11 =	simm.s32 @p6 $0x1  }
0xa3: {  	[tilespmem:s30], [sflag:$0x1] =	stream.indirect.gather @!p5 [hbm4b:s1+s6], $0x80, s24, s6, $0xb8;
	[tilespmem:$0x1EB90] =	vst v63  }
0xa4: {  	s26 =	smov.u32 s10;
	s10 =	smov.u32 s7;
	_ =	swait.ge @p6 [sflag:s11], $0x4000  }
0xa5: {  	s7 =	smov.u32 s4;
	s4 =	simm.s32 @p6 $0x16390;
	[sflag:s11] =	ssyncset.done @p6 $0x0  }
0xa6: {  	s6 =	simm.s32 @p6 $0x80;
	[sflag:s11] =	ssyncadd.s32 @p6 $0xFFFFC000;
	s11 =	simm.s32 @p6 $0x16190  }
0xa7: {  	[spmem:s2] =	stream.indirect.scatter.add.f32 @p6 [tilespmem:s4], [sflag:$0x3], $0x80, s11, s6, $0xb8;
	[tilespmem:$0x1EB90] =	vst v63  }
0xa8: {  	s18 =	simm.s32 @!p6 $0x6;
	s4 =	simm.s32 @p6 $0x1E390  }
0xa9: {  	[spmem:s3] =	stream.indirect.scatter.add.f32 @p6 [tilespmem:s4], [sflag:$0x3], $0x10, s11, s6, $0xb8;
	[tilespmem:$0x1EB90] =	vst v63  }
0xaa: {  	_ =	swait.ge @!p6 [sflag:s18], $0x80  }
0xab: {  	[sflag:s18] =	ssyncset.done @!p6 $0x0  }
0xac: {  	[sflag:s18] =	ssyncadd.s32 @!p6 $0xFFFFFF80  }
0xad: {  	_ =	swait.ge @!p6 [sflag:s18], $0x80  }
0xae: {  	[sflag:s18] =	ssyncset.done @!p6 $0x0  }
0xaf: {  	s4 =	simm.s32 @!p6 $0x1;
	[sflag:s18] =	ssyncadd.s32 @!p6 $0xFFFFFF80  }
0xb0: {  	_ =	swait.ge @!p6 [sflag:s4], $0x4000  }
0xb1: {  	s6 =	simm.s32 @!p6 $0x16390;
	[sflag:s4] =	ssyncset.done @!p6 $0x0  }
0xb2: {  	s11 =	simm.s32 @!p6 $0x16190;
	[sflag:s4] =	ssyncadd.s32 @!p6 $0xFFFFC000;
	s4 =	simm.s32 @!p6 $0x80  }
0xb3: {  	[spmem:s2] =	stream.indirect.scatter.add.f32 @!p6 [tilespmem:s6], [sflag:$0x3], $0x80, s11, s4, $0xb8;
	[tilespmem:$0x1EB90] =	vst v63  }
0xb4: {  	s18 =	simm.s32 @!p6 $0x4;
	s6 =	simm.s32 @!p6 $0x1E390  }
0xb5: {  	[spmem:s3] =	stream.indirect.scatter.add.f32 @!p6 [tilespmem:s6], [sflag:$0x3], $0x10, s11, s4, $0xb8;
	[tilespmem:$0x1EB90] =	vst v63  }
0xb6: {  	_ =	swait.ge @!p6 [sflag:s18], $0x4000  }
0xb7: {  	[sflag:s18] =	ssyncset.done @!p6 $0x0  }
0xb8: {  	[sflag:s18] =	ssyncadd.s32 @!p6 $0xFFFFC000  }
0xb9: {  	_ =	swait.ge @!p6 [sflag:s18], $0x800  }
0xba: {  	s24 =	rddreg [dreg:$0x6]  }
0xbb: {  	[sflag:s18] =	ssyncset.done @!p6 $0x0;
	p5 =	sge.u32 s17, s24  }
0xbc: {  	[sflag:s18] =	ssyncadd.s32 @!p6 $0xFFFFF800;
	s4 =	sadd.s32 @!p5 s26, s19;
	s6 =	simm.s32 @!p5 $0x0  }
0xbd: {  	s11 =	sadd.s32 @!p5 s26, s20;
	s24 =	simm.s32 @!p5 $0x16090;
	s4 =	sadd.s32 @!p5 $0x20, s4  }
0xbe: {  	[tilespmem:s24], [sflag:$0x5] =	stream.linear.gather @!p5 [hbm4b:s4+s6], $0x80, $0x38;
	[tilespmem:$0x1EB90] =	vst v63  }
0xbf: {  	s11 =	sadd.s32 @!p5 $0x20, s11;
	s4 =	simm.s32 @!p5 $0x16290  }
0xc0: {  	[tilespmem:s4], [sflag:$0x5] =	stream.linear.gather @!p5 [hbm4b:s11+s6], $0x80, $0x38;
	[tilespmem:$0x1EB90] =	vst v63  }
0xc1: {  	s30 =	rddreg [dreg:$0x8];
	s4 =	simm.s32 @!p5 $0x5  }
0xc2: {  	[tilespmem:s31], [sflag:$0x2] =	stream.indirect.gather [hbm4b:s1+s29], $0x80, s30, s29, $0xb8;
	[tilespmem:$0x1EB90] =	vst v63  }
0xc3: {  	_ =	swait.ge @!p5 [sflag:s4], $0x80  }
0xc4: {  	[sflag:s4] =	ssyncset.done @!p5 $0x0  }
0xc5: {  	[sflag:s4] =	ssyncadd.s32 @!p5 $0xFFFFFF80  }
0xc6: {  	_ =	swait.ge @!p5 [sflag:s4], $0x80  }
0xc7: {  	[sflag:s4] =	ssyncset.done @!p5 $0x0  }
0xc8: {  	[sflag:s4] =	ssyncadd.s32 @!p5 $0xFFFFFF80  }
0xc9: {  	_ =	swait.ge [sflag:s0], $0x4000  }
0xca: {  	[sflag:s0] =	ssyncset.done $0x0  }
0xcb: {  	[sflag:s0] =	ssyncadd.s32 $0xFFFFC000  }
0xcc: {  	[spmem:s2] =	stream.indirect.scatter.add.f32 [tilespmem:s31], [sflag:$0x4], $0x80, s5, s29, $0xb8;
	[tilespmem:$0x1EB90] =	vst v63  }
0xcd: {  	_ = 	snop  }
0xce: {  	[spmem:s3] =	stream.indirect.scatter.add.f32 [tilespmem:s25], [sflag:$0x4], $0x10, s5, s29, $0xb8;
	[tilespmem:$0x1EB90] =	vst v63  }
0xcf: {  	_ =	swait.ge [sflag:s21], $0x4000  }
0xd0: {  	p2 =	por p4, p4;
	p4 =	por p0, p0;
	[sflag:s21] =	ssyncset.done $0x0  }
0xd1: {  	p0 =	sge.u32 s13, s9;
	p3 =	sge.u32 s17, s15;
	[sflag:s21] =	ssyncadd.s32 $0xFFFFC000  }
0xd2: {  	s18 =	sadd.s32 @!p3 s26, s20;
	p6 =	sge.u32 @!p0 s17, s15;
	_ =	swait.ge [sflag:s21], $0x800  }
0xd3: {  	s6 =	simm.s32 @!p3 $0x0;
	s4 =	sadd.s32 @!p3 s26, s19;
	[sflag:s21] =	ssyncset.done $0x0  }
0xd4: {  	s11 =	simm.s32 @!p3 $0x16110;
	s4 =	sadd.s32 @!p3 $0x30, s4;
	[sflag:s21] =	ssyncadd.s32 $0xFFFFF800  }
0xd5: {  	[tilespmem:s11], [sflag:$0x6] =	stream.linear.gather @!p3 [hbm4b:s4+s6], $0x80, $0x38;
	[tilespmem:$0x1EB90] =	vst v63  }
0xd6: {  	s18 =	sadd.s32 @!p3 $0x30, s18;
	p6 =	por p6, p0;
	s30 =	simm.s32 @!p3 $0x16310  }
0xd7: {  	[tilespmem:s30], [sflag:$0x6] =	stream.linear.gather @!p3 [hbm4b:s18+s6], $0x80, $0x38;
	[tilespmem:$0x1EB90] =	vst v63  }
0xd8: {  	s4 =	simm.s32 @!p5 $0x80;
	s11 =	simm.s32 @!p6 $0x6;
	s6 =	simm.s32 @!p5 $0x16390  }
0xd9: {  	[tilespmem:s6], [sflag:$0x1] =	stream.indirect.gather @!p5 [hbm4b:s1+s4], $0x80, s24, s4, $0xb8;
	[tilespmem:$0x1EB90] =	vst v63  }
0xda: {  	_ =	swait.ge @!p6 [sflag:s11], $0x80  }
0xdb: {  	[sflag:s11] =	ssyncset.done @!p6 $0x0  }
0xdc: {  	[sflag:s11] =	ssyncadd.s32 @!p6 $0xFFFFFF80  }
0xdd: {  	_ =	swait.ge @!p6 [sflag:s11], $0x80  }
0xde: {  	[sflag:s11] =	ssyncset.done @!p6 $0x0  }
0xdf: {  	s4 =	simm.s32 @!p0 $0x1;
	[sflag:s11] =	ssyncadd.s32 @!p6 $0xFFFFFF80  }
0xe0: {  	_ =	swait.ge @!p0 [sflag:s4], $0x4000  }
0xe1: {  	s18 =	simm.s32 @!p0 $0x16290;
	[sflag:s4] =	ssyncset.done @!p0 $0x0  }
0xe2: {  	s6 =	simm.s32 @!p0 $0x16390;
	s11 =	simm.s32 @!p0 $0x80;
	[sflag:s4] =	ssyncadd.s32 @!p0 $0xFFFFC000  }
0xe3: {  	[spmem:s2] =	stream.indirect.scatter.add.f32 @!p0 [tilespmem:s6], [sflag:$0x3], $0x80, s18, s11, $0xb8;
	[tilespmem:$0x1EB90] =	vst v63  }
0xe4: {  	s4 =	simm.s32 @!p0 $0x1E390;
	s6 =	simm.s32 @!p0 $0x4  }
0xe5: {  	[spmem:s3] =	stream.indirect.scatter.add.f32 @!p0 [tilespmem:s4], [sflag:$0x3], $0x10, s18, s11, $0xb8;
	[tilespmem:$0x1EB90] =	vst v63  }
0xe6: {  	_ =	swait.ge @!p0 [sflag:s6], $0x4000  }
0xe7: {  	s22 =	sadd.s32 $0x2, s8;
	p3 =	sge.u32 @!p0 s17, s16;
	[sflag:s6] =	ssyncset.done @!p0 $0x0  }
0xe8: {  	p5 =	por p1, p2;
	p1 =	por p3, p0;
	[sflag:s6] =	ssyncadd.s32 @!p0 $0xFFFFC000  }
0xe9: {  	s13 =	smov.u32 s22;
	s22 =	simm.s32 @!p1 $0x0;
	_ =	swait.ge @!p0 [sflag:s6], $0x800  }
0xea: {  	s11 =	sadd.s32 @!p1 s26, s19;
	s18 =	simm.s32 @!p1 $0x15F90;
	[sflag:s6] =	ssyncset.done @!p0 $0x0  }
0xeb: {  	s11 =	sadd.s32 @!p1 $0x40, s11;
	[sflag:s6] =	ssyncadd.s32 @!p0 $0xFFFFF800;
	s6 =	sadd.s32 @!p1 s26, s20  }
0xec: {  	[tilespmem:s18], [sflag:$0x5] =	stream.linear.gather @!p1 [hbm4b:s11+s22], $0x80, $0x38;
	[tilespmem:$0x1EB90] =	vst v63  }
0xed: {  	s24 =	simm.s32 @!p1 $0x16190;
	s4 =	simm.s32 @!p6 $0x1A390;
	s6 =	sadd.s32 @!p1 $0x40, s6  }
0xee: {  	[tilespmem:s24], [sflag:$0x5] =	stream.linear.gather @!p1 [hbm4b:s6+s22], $0x80, $0x38;
	[tilespmem:$0x1EB90] =	vst v63  }
0xef: {  	s11 =	simm.s32 @!p6 $0x80;
	s18 =	simm.s32 @!p6 $0x16110;
	s6 =	simm.s32 @!p5 $0x5  }
0xf0: {  	[tilespmem:s4], [sflag:$0x2] =	stream.indirect.gather @!p6 [hbm4b:s1+s11], $0x80, s18, s11, $0xb8;
	[tilespmem:$0x1EB90] =	vst v63  }
0xf1: {  	s24 =	sld [smem:$0x7FC];
	_ =	swait.ge @!p5 [sflag:s6], $0x80  }
0xf2: {  	[sflag:s6] =	ssyncset.done @!p5 $0x0  }
0xf3: {  	[sflag:s6] =	ssyncadd.s32 @!p5 $0xFFFFFF80  }
0xf4: {  	_ =	swait.ge @!p5 [sflag:s6], $0x80  }
0xf5: {  	[sflag:s6] =	ssyncset.done @!p5 $0x0  }
0xf6: {  	s4 =	simm.s32 @!p2 $0x2;
	[sflag:s6] =	ssyncadd.s32 @!p5 $0xFFFFFF80  }
0xf7: {  	_ =	swait.ge @!p2 [sflag:s4], $0x4000  }
0xf8: {  	s11 =	simm.s32 @!p2 $0x80;
	[sflag:s4] =	ssyncset.done @!p2 $0x0  }
0xf9: {  	s18 =	simm.s32 @!p2 $0x16310;
	s6 =	simm.s32 @!p2 $0x1A390;
	[sflag:s4] =	ssyncadd.s32 @!p2 $0xFFFFC000  }
0xfa: {  	[spmem:s2] =	stream.indirect.scatter.add.f32 @!p2 [tilespmem:s6], [sflag:$0x4], $0x80, s18, s11, $0xb8;
	[tilespmem:$0x1EB90] =	vst v63  }
0xfb: {  	p3 =	seq.s32 s24, $0x1;
	s24 =	simm.s32 @!p2 $0x3;
	s4 =	simm.s32 @!p2 $0x1E390  }
0xfc: {  	[spmem:s3] =	stream.indirect.scatter.add.f32 @!p2 [tilespmem:s4], [sflag:$0x4], $0x10, s18, s11, $0xb8;
	[tilespmem:$0x1EB90] =	vst v63  }
0xfd: {  	_ =	swait.ge @!p2 [sflag:s24], $0x4000  }
0xfe: {  	s30 =	sld [smem:$0x7FD];
	_ =	sdelay $0x2  }
0xff: {  	p0 =	seq.s32 s30, $0x1  }
.Ltmp0:
0x100: {  	_ = 	snop;
	(pc) =	sbr.rel @p0 .LBB2_2-.Ltmp0, $2  }
0x101: {  	_ =	sdelay $0x2  }
0x102: {  	s12 =	smov.u32 s8;
	p1 =	por p3, p3  }
0x103: {  	[sflag:s24] =	ssyncset.done @!p2 $0x0  }
0x104: {  	[sflag:s24] =	ssyncadd.s32 @!p2 $0xFFFFC000  }
0x105: {  	_ =	swait.ge @!p2 [sflag:s24], $0x800  }
0x106: {  	s4 =	rddreg [dreg:$0x7]  }
0x107: {  	[sflag:s24] =	ssyncset.done @!p2 $0x0;
	p0 =	sge.u32 @!p2 s17, s4  }
0x108: {  	[sflag:s24] =	ssyncadd.s32 @!p2 $0xFFFFF800;
	p0 =	por p0, p2  }
0x109: {  	p2 =	seq.s32 s10, $0x0;
	s4 =	sadd.s32 @!p0 s26, s19;
	s6 =	simm.s32 @!p0 $0x0  }
0x10a: {  	s11 =	simm.s32 @!p0 $0x16010;
	s14 =	sadd.s32 @!p0 s26, s20;
	s4 =	sadd.s32 @!p0 $0x50, s4  }
0x10b: {  	[tilespmem:s11], [sflag:$0x6] =	stream.linear.gather @!p0 [hbm4b:s4+s6], $0x80, $0x38;
	[tilespmem:$0x1EB90] =	vst v63  }
0x10c: {  	s4 =	sadd.s32 @!p0 $0x50, s14;
	s11 =	simm.s32 @!p0 $0x16210;
	s14 =	simm.s32 @p2 $0x1  }
0x10d: {  	[tilespmem:s11], [sflag:$0x6] =	stream.linear.gather @!p0 [hbm4b:s4+s6], $0x80, $0x38;
	[tilespmem:$0x1EB90] =	vst v63  }
0x10e: {  	s4 =	simm.s32 @!p5 $0x80;
	s6 =	simm.s32 @!p5 $0x16390;
	s11 =	simm.s32 @!p5 $0x15F90  }
0x10f: {  	[tilespmem:s6], [sflag:$0x1] =	stream.indirect.gather @!p5 [hbm4b:s1+s4], $0x80, s11, s4, $0xb8;
	[tilespmem:$0x1EB90] =	vst v63  }
0x110: {  	_ =	swait.ge @p2 [sflag:s14], $0x4000  }
0x111: {  	s4 =	simm.s32 @p2 $0x16390;
	[sflag:s14] =	ssyncset.done @p2 $0x0  }
0x112: {  	s6 =	simm.s32 @p2 $0x80;
	s11 =	simm.s32 @p2 $0x16190;
	[sflag:s14] =	ssyncadd.s32 @p2 $0xFFFFC000  }
0x113: {  	[spmem:s2] =	stream.indirect.scatter.add.f32 @p2 [tilespmem:s4], [sflag:$0x3], $0x80, s11, s6, $0xb8;
	[tilespmem:$0x1EB90] =	vst v63  }
0x114: {  	s14 =	simm.s32 @!p2 $0x6;
	s4 =	simm.s32 @p2 $0x1E390  }
0x115: {  	[spmem:s3] =	stream.indirect.scatter.add.f32 @p2 [tilespmem:s4], [sflag:$0x3], $0x10, s11, s6, $0xb8;
	[tilespmem:$0x1EB90] =	vst v63  }
0x116: {  	_ =	swait.ge @!p2 [sflag:s14], $0x80  }
0x117: {  	[sflag:s14] =	ssyncset.done @!p2 $0x0  }
0x118: {  	[sflag:s14] =	ssyncadd.s32 @!p2 $0xFFFFFF80  }
0x119: {  	_ =	swait.ge @!p2 [sflag:s14], $0x80  }
0x11a: {  	[sflag:s14] =	ssyncset.done @!p2 $0x0  }
0x11b: {  	s4 =	simm.s32 @!p2 $0x1;
	[sflag:s14] =	ssyncadd.s32 @!p2 $0xFFFFFF80  }
0x11c: {  	_ =	swait.ge @!p2 [sflag:s4], $0x4000  }
0x11d: {  	s6 =	simm.s32 @!p2 $0x16390;
	[sflag:s4] =	ssyncset.done @!p2 $0x0  }
0x11e: {  	s11 =	simm.s32 @!p2 $0x16190;
	[sflag:s4] =	ssyncadd.s32 @!p2 $0xFFFFC000;
	s4 =	simm.s32 @!p2 $0x80  }
0x11f: {  	[spmem:s2] =	stream.indirect.scatter.add.f32 @!p2 [tilespmem:s6], [sflag:$0x3], $0x80, s11, s4, $0xb8;
	[tilespmem:$0x1EB90] =	vst v63  }
0x120: {  	s14 =	simm.s32 @!p2 $0x4;
	s6 =	simm.s32 @!p2 $0x1E390  }
0x121: {  	[spmem:s3] =	stream.indirect.scatter.add.f32 @!p2 [tilespmem:s6], [sflag:$0x3], $0x10, s11, s4, $0xb8;
	[tilespmem:$0x1EB90] =	vst v63  }
0x122: {  	_ =	swait.ge @!p2 [sflag:s14], $0x4000  }
0x123: {  	[sflag:s14] =	ssyncset.done @!p2 $0x0  }
0x124: {  	[sflag:s14] =	ssyncadd.s32 @!p2 $0xFFFFC000  }
0x125: {  	_ =	swait.ge @!p2 [sflag:s14], $0x800  }
0x126: {  	s22 =	rddreg [dreg:$0x6]  }
0x127: {  	[sflag:s14] =	ssyncset.done @!p2 $0x0;
	p0 =	sge.u32 s12, s22  }
0x128: {  	[sflag:s14] =	ssyncadd.s32 @!p2 $0xFFFFF800;
	s4 =	sadd.s32 @!p0 s10, s19;
	s6 =	simm.s32 @!p0 $0x0  }
0x129: {  	s11 =	sadd.s32 @!p0 s10, s20;
	s14 =	simm.s32 @!p0 $0x16090;
	s4 =	sadd.s32 @!p0 $0x20, s4  }
0x12a: {  	[tilespmem:s14], [sflag:$0x5] =	stream.linear.gather @!p0 [hbm4b:s4+s6], $0x80, $0x38;
	[tilespmem:$0x1EB90] =	vst v63  }
0x12b: {  	s4 =	sadd.s32 @!p0 $0x20, s11;
	s11 =	simm.s32 @!p0 $0x16290  }
0x12c: {  	[tilespmem:s11], [sflag:$0x5] =	stream.linear.gather @!p0 [hbm4b:s4+s6], $0x80, $0x38;
	[tilespmem:$0x1EB90] =	vst v63  }
0x12d: {  	s24 =	rddreg [dreg:$0x8];
	s4 =	simm.s32 @!p0 $0x5  }
0x12e: {  	[tilespmem:s31], [sflag:$0x2] =	stream.indirect.gather [hbm4b:s1+s29], $0x80, s24, s29, $0xb8;
	[tilespmem:$0x1EB90] =	vst v63  }
0x12f: {  	_ =	swait.ge @!p0 [sflag:s4], $0x80  }
0x130: {  	[sflag:s4] =	ssyncset.done @!p0 $0x0  }
0x131: {  	[sflag:s4] =	ssyncadd.s32 @!p0 $0xFFFFFF80  }
0x132: {  	_ =	swait.ge @!p0 [sflag:s4], $0x80  }
0x133: {  	[sflag:s4] =	ssyncset.done @!p0 $0x0  }
0x134: {  	[sflag:s4] =	ssyncadd.s32 @!p0 $0xFFFFFF80  }
0x135: {  	_ =	swait.ge [sflag:s0], $0x4000  }
0x136: {  	[sflag:s0] =	ssyncset.done $0x0  }
0x137: {  	[sflag:s0] =	ssyncadd.s32 $0xFFFFC000  }
0x138: {  	[spmem:s2] =	stream.indirect.scatter.add.f32 [tilespmem:s31], [sflag:$0x4], $0x80, s5, s29, $0xb8;
	[tilespmem:$0x1EB90] =	vst v63  }
0x139: {  	_ = 	snop  }
0x13a: {  	[spmem:s3] =	stream.indirect.scatter.add.f32 [tilespmem:s25], [sflag:$0x4], $0x10, s5, s29, $0xb8;
	[tilespmem:$0x1EB90] =	vst v63  }
0x13b: {  	_ =	swait.ge [sflag:s21], $0x4000  }
0x13c: {  	[sflag:s21] =	ssyncset.done $0x0  }
0x13d: {  	[sflag:s21] =	ssyncadd.s32 $0xFFFFC000  }
0x13e: {  	p2 =	sge.u32 s12, s15;
	_ =	swait.ge [sflag:s21], $0x800  }
0x13f: {  	s6 =	simm.s32 @!p2 $0x0;
	s4 =	sadd.s32 @!p2 s10, s19;
	[sflag:s21] =	ssyncset.done $0x0  }
0x140: {  	s11 =	simm.s32 @!p2 $0x16110;
	s4 =	sadd.s32 @!p2 $0x30, s4;
	[sflag:s21] =	ssyncadd.s32 $0xFFFFF800  }
0x141: {  	[tilespmem:s11], [sflag:$0x6] =	stream.linear.gather @!p2 [hbm4b:s4+s6], $0x80, $0x38;
	[tilespmem:$0x1EB90] =	vst v63  }
0x142: {  	s4 =	sadd.s32 @!p2 s10, s20  }
0x143: {  	p3 =	sge.u32 s13, s9;
	s11 =	simm.s32 @!p2 $0x16310;
	s4 =	sadd.s32 @!p2 $0x30, s4  }
0x144: {  	[tilespmem:s11], [sflag:$0x6] =	stream.linear.gather @!p2 [hbm4b:s4+s6], $0x80, $0x38;
	[tilespmem:$0x1EB90] =	vst v63  }
0x145: {  	p2 =	sge.u32 @!p3 s12, s15  }
0x146: {  	s4 =	simm.s32 @!p0 $0x80;
	s6 =	simm.s32 @!p0 $0x16390;
	p2 =	por p2, p3  }
0x147: {  	[tilespmem:s6], [sflag:$0x1] =	stream.indirect.gather @!p0 [hbm4b:s1+s4], $0x80, s14, s4, $0xb8;
	[tilespmem:$0x1EB90] =	vst v63  }
0x148: {  	s4 =	simm.s32 @!p2 $0x6  }
0x149: {  	_ =	swait.ge @!p2 [sflag:s4], $0x80  }
0x14a: {  	[sflag:s4] =	ssyncset.done @!p2 $0x0  }
0x14b: {  	[sflag:s4] =	ssyncadd.s32 @!p2 $0xFFFFFF80  }
0x14c: {  	_ =	swait.ge @!p2 [sflag:s4], $0x80  }
0x14d: {  	[sflag:s4] =	ssyncset.done @!p2 $0x0  }
0x14e: {  	s6 =	simm.s32 @!p3 $0x1;
	[sflag:s4] =	ssyncadd.s32 @!p2 $0xFFFFFF80  }
0x14f: {  	_ =	swait.ge @!p3 [sflag:s6], $0x4000  }
0x150: {  	s11 =	simm.s32 @!p3 $0x80;
	[sflag:s6] =	ssyncset.done @!p3 $0x0  }
0x151: {  	s4 =	simm.s32 @!p3 $0x16390;
	[sflag:s6] =	ssyncadd.s32 @!p3 $0xFFFFC000;
	s6 =	simm.s32 @!p3 $0x16290  }
0x152: {  	[spmem:s2] =	stream.indirect.scatter.add.f32 @!p3 [tilespmem:s4], [sflag:$0x3], $0x80, s6, s11, $0xb8;
	[tilespmem:$0x1EB90] =	vst v63  }
0x153: {  	s4 =	simm.s32 @!p3 $0x1E390  }
0x154: {  	[spmem:s3] =	stream.indirect.scatter.add.f32 @!p3 [tilespmem:s4], [sflag:$0x3], $0x10, s6, s11, $0xb8;
	[tilespmem:$0x1EB90] =	vst v63  }
0x155: {  	s4 =	simm.s32 @!p3 $0x4  }
0x156: {  	_ =	swait.ge @!p3 [sflag:s4], $0x4000  }
0x157: {  	[sflag:s4] =	ssyncset.done @!p3 $0x0  }
0x158: {  	[sflag:s4] =	ssyncadd.s32 @!p3 $0xFFFFC000  }
0x159: {  	p0 =	sge.u32 @!p3 s12, s16;
	_ =	swait.ge @!p3 [sflag:s4], $0x800  }
0x15a: {  	p0 =	por p0, p3;
	[sflag:s4] =	ssyncset.done @!p3 $0x0  }
0x15b: {  	[sflag:s4] =	ssyncadd.s32 @!p3 $0xFFFFF800;
	s4 =	sadd.s32 @!p0 s10, s19  }
0x15c: {  	s6 =	simm.s32 @!p0 $0x15F90;
	s11 =	simm.s32 @!p0 $0x0;
	s4 =	sadd.s32 @!p0 $0x40, s4  }
0x15d: {  	[tilespmem:s6], [sflag:$0x5] =	stream.linear.gather @!p0 [hbm4b:s4+s11], $0x80, $0x38;
	[tilespmem:$0x1EB90] =	vst v63  }
0x15e: {  	s4 =	sadd.s32 @!p0 s10, s20  }
0x15f: {  	p3 =	por p4, p4;
	s6 =	simm.s32 @!p0 $0x16190;
	s4 =	sadd.s32 @!p0 $0x40, s4  }
0x160: {  	[tilespmem:s6], [sflag:$0x5] =	stream.linear.gather @!p0 [hbm4b:s4+s11], $0x80, $0x38;
	[tilespmem:$0x1EB90] =	vst v63  }
0x161: {  	p0 =	por p1, p3  }
0x162: {  	s4 =	simm.s32 @!p2 $0x1A390;
	s6 =	simm.s32 @!p2 $0x80;
	s11 =	simm.s32 @!p2 $0x16110  }
0x163: {  	[tilespmem:s4], [sflag:$0x2] =	stream.indirect.gather @!p2 [hbm4b:s1+s6], $0x80, s11, s6, $0xb8;
	[tilespmem:$0x1EB90] =	vst v63  }
0x164: {  	s4 =	simm.s32 @!p0 $0x5  }
0x165: {  	_ =	swait.ge @!p0 [sflag:s4], $0x80  }
0x166: {  	[sflag:s4] =	ssyncset.done @!p0 $0x0  }
0x167: {  	[sflag:s4] =	ssyncadd.s32 @!p0 $0xFFFFFF80  }
0x168: {  	_ =	swait.ge @!p0 [sflag:s4], $0x80  }
0x169: {  	[sflag:s4] =	ssyncset.done @!p0 $0x0  }
0x16a: {  	s6 =	simm.s32 @!p3 $0x2;
	[sflag:s4] =	ssyncadd.s32 @!p0 $0xFFFFFF80  }
0x16b: {  	_ =	swait.ge @!p3 [sflag:s6], $0x4000  }
0x16c: {  	s11 =	simm.s32 @!p3 $0x80;
	[sflag:s6] =	ssyncset.done @!p3 $0x0  }
0x16d: {  	s4 =	simm.s32 @!p3 $0x1A390;
	[sflag:s6] =	ssyncadd.s32 @!p3 $0xFFFFC000;
	s6 =	simm.s32 @!p3 $0x16310  }
0x16e: {  	[spmem:s2] =	stream.indirect.scatter.add.f32 @!p3 [tilespmem:s4], [sflag:$0x4], $0x80, s6, s11, $0xb8;
	[tilespmem:$0x1EB90] =	vst v63  }
0x16f: {  	s4 =	simm.s32 @!p3 $0x1E390  }
0x170: {  	[spmem:s3] =	stream.indirect.scatter.add.f32 @!p3 [tilespmem:s4], [sflag:$0x4], $0x10, s6, s11, $0xb8;
	[tilespmem:$0x1EB90] =	vst v63  }
0x171: {  	s4 =	simm.s32 @!p3 $0x3  }
0x172: {  	_ =	swait.ge @!p3 [sflag:s4], $0x4000  }
0x173: {  	[sflag:s4] =	ssyncset.done @!p3 $0x0  }
0x174: {  	[sflag:s4] =	ssyncadd.s32 @!p3 $0xFFFFC000  }
0x175: {  	_ =	swait.ge @!p3 [sflag:s4], $0x800  }
0x176: {  	s6 =	rddreg [dreg:$0x7]  }
0x177: {  	p1 =	sge.u32 @!p3 s12, s6  }
0x178: {  	p2 =	seq.s32 s7, $0x0;
	[sflag:s4] =	ssyncset.done @!p3 $0x0;
	p1 =	por p1, p3  }
0x179: {  	[sflag:s4] =	ssyncadd.s32 @!p3 $0xFFFFF800;
	s6 =	sadd.s32 @!p1 s10, s19;
	s11 =	simm.s32 @!p1 $0x0  }
0x17a: {  	s12 =	simm.s32 @!p1 $0x16010;
	s4 =	sadd.s32 @!p1 $0x50, s6;
	s6 =	sadd.s32 @!p1 s10, s20  }
0x17b: {  	[tilespmem:s12], [sflag:$0x6] =	stream.linear.gather @!p1 [hbm4b:s4+s11], $0x80, $0x38;
	[tilespmem:$0x1EB90] =	vst v63  }
0x17c: {  	s10 =	simm.s32 @!p0 $0x15F90;
	s4 =	sadd.s32 @!p1 $0x50, s6;
	s6 =	simm.s32 @!p1 $0x16210  }
0x17d: {  	[tilespmem:s6], [sflag:$0x6] =	stream.linear.gather @!p1 [hbm4b:s4+s11], $0x80, $0x38;
	[tilespmem:$0x1EB90] =	vst v63  }
0x17e: {  	s4 =	simm.s32 @!p0 $0x80;
	s6 =	simm.s32 @!p0 $0x16390;
	s11 =	simm.s32 @p2 $0x1  }
0x17f: {  	[tilespmem:s6], [sflag:$0x1] =	stream.indirect.gather @!p0 [hbm4b:s1+s4], $0x80, s10, s4, $0xb8;
	[tilespmem:$0x1EB90] =	vst v63  }
0x180: {  	_ =	swait.ge @p2 [sflag:s11], $0x4000  }
0x181: {  	s4 =	simm.s32 @p2 $0x16390;
	[sflag:s11] =	ssyncset.done @p2 $0x0  }
0x182: {  	s6 =	simm.s32 @p2 $0x80;
	s10 =	simm.s32 @p2 $0x16190;
	[sflag:s11] =	ssyncadd.s32 @p2 $0xFFFFC000  }
0x183: {  	[spmem:s2] =	stream.indirect.scatter.add.f32 @p2 [tilespmem:s4], [sflag:$0x3], $0x80, s10, s6, $0xb8;
	[tilespmem:$0x1EB90] =	vst v63  }
0x184: {  	s11 =	simm.s32 @!p2 $0x6;
	s4 =	simm.s32 @p2 $0x1E390  }
0x185: {  	[spmem:s3] =	stream.indirect.scatter.add.f32 @p2 [tilespmem:s4], [sflag:$0x3], $0x10, s10, s6, $0xb8;
	[tilespmem:$0x1EB90] =	vst v63  }
0x186: {  	_ =	swait.ge @!p2 [sflag:s11], $0x80  }
0x187: {  	[sflag:s11] =	ssyncset.done @!p2 $0x0  }
0x188: {  	[sflag:s11] =	ssyncadd.s32 @!p2 $0xFFFFFF80  }
0x189: {  	_ =	swait.ge @!p2 [sflag:s11], $0x80  }
0x18a: {  	[sflag:s11] =	ssyncset.done @!p2 $0x0  }
0x18b: {  	s4 =	simm.s32 @!p2 $0x1;
	[sflag:s11] =	ssyncadd.s32 @!p2 $0xFFFFFF80  }
0x18c: {  	_ =	swait.ge @!p2 [sflag:s4], $0x4000  }
0x18d: {  	s6 =	simm.s32 @!p2 $0x16390;
	[sflag:s4] =	ssyncset.done @!p2 $0x0  }
0x18e: {  	s10 =	simm.s32 @!p2 $0x16190;
	[sflag:s4] =	ssyncadd.s32 @!p2 $0xFFFFC000;
	s4 =	simm.s32 @!p2 $0x80  }
0x18f: {  	[spmem:s2] =	stream.indirect.scatter.add.f32 @!p2 [tilespmem:s6], [sflag:$0x3], $0x80, s10, s4, $0xb8;
	[tilespmem:$0x1EB90] =	vst v63  }
0x190: {  	s11 =	simm.s32 @!p2 $0x4;
	s6 =	simm.s32 @!p2 $0x1E390  }
0x191: {  	[spmem:s3] =	stream.indirect.scatter.add.f32 @!p2 [tilespmem:s6], [sflag:$0x3], $0x10, s10, s4, $0xb8;
	[tilespmem:$0x1EB90] =	vst v63  }
0x192: {  	_ =	swait.ge @!p2 [sflag:s11], $0x4000  }
0x193: {  	[sflag:s11] =	ssyncset.done @!p2 $0x0  }
0x194: {  	[sflag:s11] =	ssyncadd.s32 @!p2 $0xFFFFC000  }
0x195: {  	_ =	swait.ge @!p2 [sflag:s11], $0x800  }
0x196: {  	s8 =	sadd.s32 $0x4, s8;
	s26 =	rddreg [dreg:$0x6]  }
0x197: {  	[sflag:s11] =	ssyncset.done @!p2 $0x0;
	p1 =	sge.u32 s8, s26  }
0x198: {  	[sflag:s11] =	ssyncadd.s32 @!p2 $0xFFFFF800;
	s4 =	sadd.s32 @!p1 s7, s19;
	s6 =	simm.s32 @!p1 $0x0  }
0x199: {  	s10 =	sadd.s32 @!p1 s7, s20;
	s11 =	simm.s32 @!p1 $0x16090;
	s4 =	sadd.s32 @!p1 $0x20, s4  }
0x19a: {  	[tilespmem:s11], [sflag:$0x5] =	stream.linear.gather @!p1 [hbm4b:s4+s6], $0x80, $0x38;
	[tilespmem:$0x1EB90] =	vst v63  }
0x19b: {  	s4 =	sadd.s32 @!p1 $0x20, s10;
	s10 =	simm.s32 @!p1 $0x16290  }
0x19c: {  	[tilespmem:s10], [sflag:$0x5] =	stream.linear.gather @!p1 [hbm4b:s4+s6], $0x80, $0x38;
	[tilespmem:$0x1EB90] =	vst v63  }
0x19d: {  	s30 =	rddreg [dreg:$0x8];
	s4 =	simm.s32 @!p1 $0x5  }
0x19e: {  	[tilespmem:s31], [sflag:$0x2] =	stream.indirect.gather [hbm4b:s1+s29], $0x80, s30, s29, $0xb8;
	[tilespmem:$0x1EB90] =	vst v63  }
0x19f: {  	_ =	swait.ge @!p1 [sflag:s4], $0x80  }
0x1a0: {  	[sflag:s4] =	ssyncset.done @!p1 $0x0  }
0x1a1: {  	[sflag:s4] =	ssyncadd.s32 @!p1 $0xFFFFFF80  }
0x1a2: {  	_ =	swait.ge @!p1 [sflag:s4], $0x80  }
0x1a3: {  	[sflag:s4] =	ssyncset.done @!p1 $0x0  }
0x1a4: {  	[sflag:s4] =	ssyncadd.s32 @!p1 $0xFFFFFF80  }
0x1a5: {  	_ =	swait.ge [sflag:s0], $0x4000  }
0x1a6: {  	[sflag:s0] =	ssyncset.done $0x0  }
0x1a7: {  	[sflag:s0] =	ssyncadd.s32 $0xFFFFC000  }
0x1a8: {  	[spmem:s2] =	stream.indirect.scatter.add.f32 [tilespmem:s31], [sflag:$0x4], $0x80, s5, s29, $0xb8;
	[tilespmem:$0x1EB90] =	vst v63  }
0x1a9: {  	_ = 	snop  }
0x1aa: {  	[spmem:s3] =	stream.indirect.scatter.add.f32 [tilespmem:s25], [sflag:$0x4], $0x10, s5, s29, $0xb8;
	[tilespmem:$0x1EB90] =	vst v63  }
0x1ab: {  	_ =	swait.ge [sflag:s21], $0x4000  }
0x1ac: {  	[sflag:s21] =	ssyncset.done $0x0  }
0x1ad: {  	[sflag:s21] =	ssyncadd.s32 $0xFFFFC000  }
0x1ae: {  	p0 =	sge.u32 s8, s15;
	_ =	swait.ge [sflag:s21], $0x800  }
0x1af: {  	s6 =	simm.s32 @!p0 $0x0;
	s4 =	sadd.s32 @!p0 s7, s19;
	[sflag:s21] =	ssyncset.done $0x0  }
0x1b0: {  	s10 =	simm.s32 @!p0 $0x16110;
	s4 =	sadd.s32 @!p0 $0x30, s4;
	[sflag:s21] =	ssyncadd.s32 $0xFFFFF800  }
0x1b1: {  	[tilespmem:s10], [sflag:$0x6] =	stream.linear.gather @!p0 [hbm4b:s4+s6], $0x80, $0x38;
	[tilespmem:$0x1EB90] =	vst v63  }
0x1b2: {  	s13 =	sadd.s32 $0x2, s8;
	s4 =	sadd.s32 @!p0 s7, s20  }
0x1b3: {  	p2 =	sge.u32 s13, s9;
	s10 =	simm.s32 @!p0 $0x16310;
	s4 =	sadd.s32 @!p0 $0x30, s4  }
0x1b4: {  	[tilespmem:s10], [sflag:$0x6] =	stream.linear.gather @!p0 [hbm4b:s4+s6], $0x80, $0x38;
	[tilespmem:$0x1EB90] =	vst v63  }
0x1b5: {  	p0 =	sge.u32 @!p2 s8, s15  }
0x1b6: {  	s4 =	simm.s32 @!p1 $0x80;
	s6 =	simm.s32 @!p1 $0x16390;
	p0 =	por p0, p2  }
0x1b7: {  	[tilespmem:s6], [sflag:$0x1] =	stream.indirect.gather @!p1 [hbm4b:s1+s4], $0x80, s11, s4, $0xb8;
	[tilespmem:$0x1EB90] =	vst v63  }
0x1b8: {  	s4 =	simm.s32 @!p0 $0x6  }
0x1b9: {  	_ =	swait.ge @!p0 [sflag:s4], $0x80  }
0x1ba: {  	[sflag:s4] =	ssyncset.done @!p0 $0x0  }
0x1bb: {  	[sflag:s4] =	ssyncadd.s32 @!p0 $0xFFFFFF80  }
0x1bc: {  	_ =	swait.ge @!p0 [sflag:s4], $0x80  }
0x1bd: {  	[sflag:s4] =	ssyncset.done @!p0 $0x0  }
0x1be: {  	s6 =	simm.s32 @!p2 $0x1;
	[sflag:s4] =	ssyncadd.s32 @!p0 $0xFFFFFF80  }
0x1bf: {  	_ =	swait.ge @!p2 [sflag:s6], $0x4000  }
0x1c0: {  	s10 =	simm.s32 @!p2 $0x80;
	[sflag:s6] =	ssyncset.done @!p2 $0x0  }
0x1c1: {  	s4 =	simm.s32 @!p2 $0x16390;
	[sflag:s6] =	ssyncadd.s32 @!p2 $0xFFFFC000;
	s6 =	simm.s32 @!p2 $0x16290  }
0x1c2: {  	[spmem:s2] =	stream.indirect.scatter.add.f32 @!p2 [tilespmem:s4], [sflag:$0x3], $0x80, s6, s10, $0xb8;
	[tilespmem:$0x1EB90] =	vst v63  }
0x1c3: {  	s4 =	simm.s32 @!p2 $0x1E390  }
0x1c4: {  	[spmem:s3] =	stream.indirect.scatter.add.f32 @!p2 [tilespmem:s4], [sflag:$0x3], $0x10, s6, s10, $0xb8;
	[tilespmem:$0x1EB90] =	vst v63  }
0x1c5: {  	s4 =	simm.s32 @!p2 $0x4  }
0x1c6: {  	_ =	swait.ge @!p2 [sflag:s4], $0x4000  }
0x1c7: {  	[sflag:s4] =	ssyncset.done @!p2 $0x0  }
0x1c8: {  	p1 =	sge.u32 @!p2 s8, s16;
	[sflag:s4] =	ssyncadd.s32 @!p2 $0xFFFFC000  }
0x1c9: {  	p1 =	por p1, p2;
	_ =	swait.ge @!p2 [sflag:s4], $0x800  }
0x1ca: {  	s6 =	sadd.s32 @!p1 s7, s19;
	s10 =	simm.s32 @!p1 $0x15F90;
	[sflag:s4] =	ssyncset.done @!p2 $0x0  }
0x1cb: {  	s6 =	sadd.s32 @!p1 $0x40, s6;
	[sflag:s4] =	ssyncadd.s32 @!p2 $0xFFFFF800;
	s4 =	simm.s32 @!p1 $0x0  }
0x1cc: {  	[tilespmem:s10], [sflag:$0x5] =	stream.linear.gather @!p1 [hbm4b:s6+s4], $0x80, $0x38;
	[tilespmem:$0x1EB90] =	vst v63  }
0x1cd: {  	s14 =	sadd.s32 $0x3, s8;
	s10 =	sadd.s32 @!p1 s7, s20  }
0x1ce: {  	p2 =	sge.u32 s14, s9;
	s6 =	simm.s32 @!p1 $0x16190;
	s10 =	sadd.s32 @!p1 $0x40, s10  }
0x1cf: {  	[tilespmem:s6], [sflag:$0x5] =	stream.linear.gather @!p1 [hbm4b:s10+s4], $0x80, $0x38;
	[tilespmem:$0x1EB90] =	vst v63  }
0x1d0: {  	p1 =	sge.u32 @!p2 s8, s16;
	p2 =	por p2, p2  }
0x1d1: {  	s4 =	simm.s32 @!p0 $0x1A390;
	p1 =	por p1, p1;
	p2 =	por p2, p2  }
0x1d2: {  	s6 =	simm.s32 @!p0 $0x80;
	s10 =	simm.s32 @!p0 $0x16110;
	p1 =	por p1, p2  }
0x1d3: {  	[tilespmem:s4], [sflag:$0x2] =	stream.indirect.gather @!p0 [hbm4b:s1+s6], $0x80, s10, s6, $0xb8;
	[tilespmem:$0x1EB90] =	vst v63  }
0x1d4: {  	s4 =	simm.s32 @!p1 $0x5  }
0x1d5: {  	_ =	swait.ge @!p1 [sflag:s4], $0x80  }
0x1d6: {  	[sflag:s4] =	ssyncset.done @!p1 $0x0  }
0x1d7: {  	[sflag:s4] =	ssyncadd.s32 @!p1 $0xFFFFFF80  }
0x1d8: {  	_ =	swait.ge @!p1 [sflag:s4], $0x80  }
0x1d9: {  	[sflag:s4] =	ssyncset.done @!p1 $0x0  }
0x1da: {  	s6 =	simm.s32 @!p2 $0x2;
	[sflag:s4] =	ssyncadd.s32 @!p1 $0xFFFFFF80  }
0x1db: {  	_ =	swait.ge @!p2 [sflag:s6], $0x4000  }
0x1dc: {  	s10 =	simm.s32 @!p2 $0x80;
	[sflag:s6] =	ssyncset.done @!p2 $0x0  }
0x1dd: {  	s4 =	simm.s32 @!p2 $0x1A390;
	[sflag:s6] =	ssyncadd.s32 @!p2 $0xFFFFC000;
	s6 =	simm.s32 @!p2 $0x16310  }
0x1de: {  	[spmem:s2] =	stream.indirect.scatter.add.f32 @!p2 [tilespmem:s4], [sflag:$0x4], $0x80, s6, s10, $0xb8;
	[tilespmem:$0x1EB90] =	vst v63  }
0x1df: {  	s4 =	simm.s32 @!p2 $0x1E390  }
0x1e0: {  	[spmem:s3] =	stream.indirect.scatter.add.f32 @!p2 [tilespmem:s4], [sflag:$0x4], $0x10, s6, s10, $0xb8;
	[tilespmem:$0x1EB90] =	vst v63  }
0x1e1: {  	s4 =	simm.s32 @!p2 $0x3  }
0x1e2: {  	_ =	swait.ge @!p2 [sflag:s4], $0x4000  }
0x1e3: {  	[sflag:s4] =	ssyncset.done @!p2 $0x0  }
0x1e4: {  	[sflag:s4] =	ssyncadd.s32 @!p2 $0xFFFFC000  }
0x1e5: {  	_ =	swait.ge @!p2 [sflag:s4], $0x800  }
0x1e6: {  	s6 =	rddreg [dreg:$0x7]  }
0x1e7: {  	p0 =	sge.u32 @!p2 s8, s6  }
0x1e8: {  	[sflag:s4] =	ssyncset.done @!p2 $0x0;
	p0 =	por p0, p2  }
0x1e9: {  	[sflag:s4] =	ssyncadd.s32 @!p2 $0xFFFFF800;
	s4 =	sadd.s32 @!p0 s7, s19  }
0x1ea: {  	s6 =	simm.s32 @!p0 $0x0;
	s8 =	simm.s32 @!p0 $0x16010;
	s4 =	sadd.s32 @!p0 $0x50, s4  }
0x1eb: {  	[tilespmem:s8], [sflag:$0x6] =	stream.linear.gather @!p0 [hbm4b:s4+s6], $0x80, $0x38;
	[tilespmem:$0x1EB90] =	vst v63  }
0x1ec: {  	s4 =	sadd.s32 @!p0 s7, s20  }
0x1ed: {  	s17 =	rddreg [dreg:$0x12];
	s7 =	simm.s32 @!p0 $0x16210;
	s4 =	sadd.s32 @!p0 $0x50, s4  }
0x1ee: {  	[tilespmem:s7], [sflag:$0x6] =	stream.linear.gather @!p0 [hbm4b:s4+s6], $0x80, $0x38;
	[tilespmem:$0x1EB90] =	vst v63  }
0x1ef: {  	s4 =	simm.s32 @!p1 $0x80;
	s6 =	simm.s32 @!p1 $0x16390;
	s7 =	simm.s32 @!p1 $0x15F90  }
0x1f0: {  	[tilespmem:s6], [sflag:$0x1] =	stream.indirect.gather @!p1 [hbm4b:s1+s4], $0x80, s7, s4, $0xb8;
	[tilespmem:$0x1EB90] =	vst v63  }
0x1f1: {  	_ =	swait.ge [sflag:s17], $0x4000  }
0x1f2: {  	[sflag:s17] =	ssyncset.done $0x0  }
0x1f3: {  	[sflag:s17] =	ssyncadd.s32 $0xFFFFC000  }
0x1f4: {  	_ =	swait.ge [sflag:s17], $0x800  }
0x1f5: {  	[sflag:s17] =	ssyncset.done $0x0  }
0x1f6: {  	[sflag:s17] =	ssyncadd.s32 $0xFFFFF800  }
0x1f7: {  	[bflag:$0x0] =	sbarrier.arrive $0xFFFF  }
0x1f8: {  	s11 =	rddreg [dreg:$0xd]  }
0x1f9: {  	s18 =	rddreg [dreg:$0x13]  }
0x1fa: {  	s22 =	rddreg [dreg:$0x15]  }
0x1fb: {  	[hbm:s18], [sflag:s11] =	dma.local [spmem:s22], $0x2710  }
0x1fc: {  	_ =	swait.ge [sflag:s23], $0x2710  }
0x1fd: {  	[sflag:s23] =	ssyncset.done $0x0;
	s24 =	rddreg [dreg:$0x14]  }
0x1fe: {  	s26 =	rddreg [dreg:$0x16];
	[sflag:s23] =	ssyncadd.s32 $0xFFFFD8F0  }
0x1ff: {  	[hbm:s24], [sflag:s11] =	dma.local [spmem:s26], $0x4E2  }
0x200: {  	_ =	swait.ge [sflag:s23], $0x4E2  }
0x201: {  	s28 =	sadd.s32 $0x1, s28;
	s30 =	rddreg [dreg:$0x11]  }
0x202: {  	p0 =	sne.s32 s28, s30  }
.Ltmp1:
0x203: {  	_ = 	snop;
	(pc) =	sbr.rel @p0 .LBB2_1-.Ltmp1, $3  }
0x204: {  	_ =	sdelay $0x1  }
0x205: {  	[sflag:s23] =	ssyncset.done $0x0  }
0x206: {  	[sflag:s23] =	ssyncadd.s32 $0xFFFFFB1E  }
0x207: {  	_ =	sfence.sel $0x180000  }
0x208: {  	[bflag:$0x0] =	sbarrier.arrive $0xFFFF  }
0x209: {  	_ =	strace $0x90000047  }
0x20a: {  	s0 =	stileid.u32;
	[bflag:$0x2] =	sbarrier.arrive $0xFFFF  }
0x20b: {  	p0 =	sne.s32 s0, $0x0;
	s0 =	rddreg [dreg:$0x5]  }
0x20c: {  	s0 =	sadd.s32 @!p0 $0x100000, s0  }
0x20d: {  	[sflag:s0] =	ssyncadd.tile.s32 @!p0 $0x1;
	_ =	shalt  }
.Lfunc_end2:
_tile_overlayer_lowered:
.L_overlay_start_2:
0x20e: {  	(tag) =	ssettag $0x2  }
0x20f: {  	s0 =	rddreg [dreg:$0x0];
	s2 =	stileid.u32  }
0x210: {  	s1 =	rddreg [dreg:$0x1];
	p0 =	sne.s32 s2, $0x0  }
0x211: {  	s3 =	rddreg [dreg:$0x2];
	[bflag:$0x3] =	sbarrier.arrive $0xFFFF;
	s2 =	simm.s32 @!p0 $0x1C07  }
0x212: {  	[timem:s3], [sflag:s2] =	dma.local @!p0 [hbm:s0], s1  }
0x213: {  	s0 =	simm.s32 @!p0 $0x7  }
0x214: {  	_ =	swait.ge @!p0 [sflag:s0], s1  }
0x215: {  	s1 =	ssub.s32 @!p0 $0x0, s1;
	[sflag:s0] =	ssyncset.done @!p0 $0x0  }
0x216: {  	[sflag:s0] =	ssyncadd.s32 @!p0 s1  }
0x217: {  	[bflag:$0x3] =	sbarrier.arrive $0xFFFF  }
0x218: {  	_ =	shalt  }

</sc_bundles>
